<compile_context>
chip_gen: v7x
topology: tpu7x:2x2x1
jax: 0.10.2.dev20260603
libtpu: 0.0.44.dev20260713+nightly
codegen_flags: <defaults>
</compile_context>

<pallas_src>
import functools

import jax
import jax.numpy as jnp
from jax import lax
from jax.experimental import pallas as pl
from jax.experimental.pallas import tpu as pltpu
from jax.experimental.pallas import tpu_sc as plsc

_N = 10000
_E = 320000
_F = 128
_FH = 64
_NC, _NS = 2, 16
_EW = _E // _NS
_C = 80
_NCHUNK = _EW // _C
_ZR = 208
_NROWS = 624
_TAIL = _N - _NS * _NROWS


def _sc_agg(phases, src_rs, dst_rs):
    nph = len(phases)
    mesh = plsc.VectorSubcoreMesh(core_axis_name="c", subcore_axis_name="s")

    @functools.partial(
        pl.kernel,
        out_type=jax.ShapeDtypeStruct((2 * nph * _N, _FH), jnp.float32),
        mesh=mesh,
        scratch_types=[
            pltpu.VMEM((_NCHUNK, _C), jnp.int32),
            pltpu.VMEM((_NCHUNK, _C), jnp.int32),
            pltpu.VMEM((_C, _FH), jnp.float32),
            pltpu.VMEM((_C, _FH), jnp.float32),
            pltpu.VMEM((_C, _FH), jnp.float32),
            pltpu.VMEM((_C, _FH), jnp.float32),
            pltpu.VMEM((_C, _FH), jnp.float32),
            pltpu.VMEM((_ZR, _FH), jnp.float32),
            pltpu.VMEM_SHARED((_N, _FH), jnp.float32),
            pltpu.SemaphoreType.DMA,
            pltpu.SemaphoreType.DMA,
            pltpu.SemaphoreType.DMA,
            pltpu.SemaphoreType.DMA,
        ],
        compiler_params=pltpu.CompilerParams(use_tc_tiling_on_sc=False),
    )
    def k(*refs):
        tabs = refs[:3 * nph]
        src_hbm, dst_hbm, out_hbm = refs[3 * nph:3 * nph + 3]
        (sidx, didx, xg0, xg1, ev0, ev1, msg, zbuf, acc,
         gsem0, gsem1, esem0, esem1) = refs[3 * nph + 3:]
        cid = lax.axis_index("c")
        sid = lax.axis_index("s")
        col0 = cid * _FH
        row0 = sid * _NROWS

        def zrow(r, c):
            for j in range(_FH // 16):
                zbuf[r, pl.ds(j * 16, 16)] = jnp.zeros((16,), jnp.float32)
            return c
        lax.fori_loop(0, _ZR, zrow, 0)

        def zero_acc():
            for kk in range(_NROWS // _ZR):
                pltpu.sync_copy(zbuf, acc.at[pl.ds(row0 + kk * _ZR, _ZR)])

            @pl.when(sid == 0)
            def _():
                pltpu.sync_copy(zbuf.at[pl.ds(0, _TAIL)],
                                acc.at[pl.ds(_NS * _NROWS, _TAIL)])

        pltpu.sync_copy(src_hbm.at[sid], sidx)
        pltpu.sync_copy(dst_hbm.at[sid], didx)

        ebase = sid * _EW
        bufs = ((xg0, ev0, gsem0, esem0), (xg1, ev1, gsem1, esem1))

        def run(t_hbm, e_hbm):
            def eslc(i):
                return e_hbm.at[pl.ds(ebase + i * _C, _C), pl.ds(col0, _FH)]

            def start(i, xg, ev, gsem, esem):
                pltpu.async_copy(t_hbm.at[sidx.at[i]], xg, gsem)
                pltpu.async_copy(eslc(i), ev, esem)

            start(0, *bufs[0])
            start(1, *bufs[1])

            def pair(kk, c):
                i0 = kk * 2
                for p, (xg, ev, gsem, esem) in enumerate(bufs):
                    i = i0 + p
                    pltpu.make_async_copy(t_hbm.at[sidx.at[i]], xg, gsem).wait()
                    pltpu.make_async_copy(eslc(i), ev, esem).wait()

                    def crow(r, c2, xg=xg, ev=ev):
                        for j in range(_FH // 16):
                            sl = pl.ds(j * 16, 16)
                            msg[r, sl] = jnp.maximum(xg[r, sl] + ev[r, sl], 0.0)
                        return c2
                    lax.fori_loop(0, _C, crow, 0)

                    @pl.when(i + 2 < _NCHUNK)
                    def _(i=i, xg=xg, ev=ev, gsem=gsem, esem=esem):
                        start(i + 2, xg, ev, gsem, esem)

                    pltpu.sync_copy(msg, acc.at[didx.at[i]], add=True)
                return c
            lax.fori_loop(0, _NCHUNK // 2, pair, 0)

        for ph in range(nph):
            ta_hbm, tb_hbm, e_hbm = tabs[3 * ph:3 * ph + 3]
            zero_acc()
            plsc.subcore_barrier()

            @pl.when(cid == 0)
            def _(ta_hbm=ta_hbm, e_hbm=e_hbm):
                run(ta_hbm, e_hbm)

            @pl.when(cid == 1)
            def _(tb_hbm=tb_hbm, e_hbm=e_hbm):
                run(tb_hbm, e_hbm)

            plsc.subcore_barrier()

            obase = (2 * ph + cid) * _N
            pltpu.sync_copy(acc.at[pl.ds(row0, _NROWS)],
                            out_hbm.at[pl.ds(obase + row0, _NROWS)])

            @pl.when(sid == 0)
            def _(obase=obase):
                pltpu.sync_copy(acc.at[pl.ds(_NS * _NROWS, _TAIL)],
                                out_hbm.at[pl.ds(obase + _NS * _NROWS, _TAIL)])

    flat = []
    for ta, tb, e in phases:
        flat += [ta, tb, e]
    return k(*flat, src_rs, dst_rs)


def _split(t128):
    return t128[:, :_FH], t128[:, _FH:]


def _agg128(t128, e, src_rs, dst_rs):
    ta, tb = _split(t128)
    out = _sc_agg([(ta, tb, e)], src_rs, dst_rs)
    return jnp.concatenate([out[:_N], out[_N:]], axis=1)


_BE = 1280
_BN = 400


def _edge1_body(eat, w1, b1, o1):
    dn = (((0,), (0,)), ((), ()))
    o1[...] = lax.dot_general(
        eat[...], w1[...], dn, preferred_element_type=jnp.float32) + b1[...]


def _edge2_body(eat, w2, b2, o2a, o2b):
    dn = (((0,), (0,)), ((), ()))
    e2 = lax.dot_general(
        eat[...], w2[...], dn, preferred_element_type=jnp.float32) + b2[...]
    o2a[...] = e2[:, :_F]
    o2b[...] = e2[:, _F:]


def _edge_transform1(edge_attr_t, We1, be1):
    ed = edge_attr_t.shape[0]
    fblk = pl.BlockSpec((_BE, _F), lambda i: (i, 0))
    return pl.pallas_call(
        _edge1_body,
        grid=(_E // _BE,),
        in_specs=[
            pl.BlockSpec((ed, _BE), lambda i: (0, i)),
            pl.BlockSpec((ed, _F), lambda i: (0, 0)),
            pl.BlockSpec((1, _F), lambda i: (0, 0)),
        ],
        out_specs=fblk,
        out_shape=jax.ShapeDtypeStruct((_E, _F), jnp.float32),
    )(edge_attr_t, We1, be1)


def _edge_transform2(edge_attr_t, We2, be2):
    ed = edge_attr_t.shape[0]
    fblk = pl.BlockSpec((_BE, _F), lambda i: (i, 0))
    return pl.pallas_call(
        _edge2_body,
        grid=(_E // _BE,),
        in_specs=[
            pl.BlockSpec((ed, _BE), lambda i: (0, i)),
            pl.BlockSpec((ed, 2 * _F), lambda i: (0, 0)),
            pl.BlockSpec((1, 2 * _F), lambda i: (0, 0)),
        ],
        out_specs=[fblk] * 2,
        out_shape=[jax.ShapeDtypeStruct((_E, _F), jnp.float32)] * 2,
    )(edge_attr_t, We2, be2)


def _mlp1_body(x, p, w11, b11, w12, b12, s1, t1, oa, ob):
    h = x[...] + p[...]
    a = jnp.maximum(
        jnp.dot(h, w11[...], preferred_element_type=jnp.float32) + b11[...], 0.0)
    z = jnp.dot(a, w12[...], preferred_element_type=jnp.float32) + b12[...]
    hb = jnp.maximum(z, 0.0) * s1[...] + t1[...]
    oa[...] = hb[:, :_F]
    ob[...] = hb[:, _F:]


def _mlp1(x, p, W11, b11, W12, b12, s1, t1):
    grid = _N // _BN
    return pl.pallas_call(
        _mlp1_body,
        grid=(grid,),
        in_specs=[
            pl.BlockSpec((_BN, _F), lambda i: (i, 0)),
            pl.BlockSpec((_BN, _F), lambda i: (i, 0)),
            pl.BlockSpec((_F, 2 * _F), lambda i: (0, 0)),
            pl.BlockSpec((1, 2 * _F), lambda i: (0, 0)),
            pl.BlockSpec((2 * _F, 2 * _F), lambda i: (0, 0)),
            pl.BlockSpec((1, 2 * _F), lambda i: (0, 0)),
            pl.BlockSpec((1, 2 * _F), lambda i: (0, 0)),
            pl.BlockSpec((1, 2 * _F), lambda i: (0, 0)),
        ],
        out_specs=[
            pl.BlockSpec((_BN, _F), lambda i: (i, 0)),
            pl.BlockSpec((_BN, _F), lambda i: (i, 0)),
        ],
        out_shape=[
            jax.ShapeDtypeStruct((_N, _F), jnp.float32),
            jax.ShapeDtypeStruct((_N, _F), jnp.float32),
        ],
    )(x, p, W11, b11, W12, b12, s1, t1)


def _mlp2_body(ha, hb, qa, qb, w21a, w21b, b21, w22, b22, s2, t2, wl, bl, o):
    h2a = ha[...] + qa[...]
    h2b = hb[...] + qb[...]
    a = jnp.maximum(
        jnp.dot(h2a, w21a[...], preferred_element_type=jnp.float32)
        + jnp.dot(h2b, w21b[...], preferred_element_type=jnp.float32)
        + b21[...], 0.0)
    z = jnp.dot(a, w22[...], preferred_element_type=jnp.float32) + b22[...]
    hc = jnp.maximum(z, 0.0) * s2[...] + t2[...]
    o[...] = jnp.dot(hc, wl[...], preferred_element_type=jnp.float32) + bl[...]


def _mlp2(ha, hb, qa, qb, W21a, W21b, b21, W22, b22, s2, t2, Wl, bl):
    grid = _N // _BN
    blk = pl.BlockSpec((_BN, _F), lambda i: (i, 0))
    full = lambda shape: pl.BlockSpec(shape, lambda i: (0, 0))
    return pl.pallas_call(
        _mlp2_body,
        grid=(grid,),
        in_specs=[
            blk, blk, blk, blk,
            full((_F, 2 * _F)),
            full((_F, 2 * _F)),
            full((1, 2 * _F)),
            full((2 * _F, 2 * _F)),
            full((1, 2 * _F)),
            full((1, 2 * _F)),
            full((1, 2 * _F)),
            full((2 * _F, _F)),
            full((1, _F)),
        ],
        out_specs=blk,
        out_shape=jax.ShapeDtypeStruct((_N, _F), jnp.float32),
    )(ha, hb, qa, qb, W21a, W21b, b21, W22, b22, s2, t2, Wl, bl)


def kernel(x, edge_index, edge_attr, We1, be1, W11, b11, W12, b12,
           We2, be2, W21, b21, W22, b22, g1, bb1, g2, bb2, Wl, bl):
    src = edge_index[0].reshape(_NS, _NCHUNK, _C)
    dst = edge_index[1].reshape(_NS, _NCHUNK, _C)
    inv = 1.0 / jnp.sqrt(jnp.float32(1.0 + 1e-5))
    s1 = (g1 * inv).reshape(1, -1)
    s2 = (g2 * inv).reshape(1, -1)

    eat = edge_attr.T
    e1 = _edge_transform1(eat, We1, be1.reshape(1, -1))
    e2a, e2b = _edge_transform2(eat, We2, be2.reshape(1, -1))

    p = _agg128(x, e1, src, dst)
    h1a, h1b = _mlp1(x, p, W11, b11.reshape(1, -1), W12, b12.reshape(1, -1),
                     s1, bb1.reshape(1, -1))

    q = _sc_agg([_split(h1a) + (e2a,), _split(h1b) + (e2b,)], src, dst)
    qa = jnp.concatenate([q[:_N], q[_N:2 * _N]], axis=1)
    qb = jnp.concatenate([q[2 * _N:3 * _N], q[3 * _N:]], axis=1)

    return _mlp2(h1a, h1b, qa, qb, W21[:_F], W21[_F:], b21.reshape(1, -1),
                 W22, b22.reshape(1, -1), s2, bb2.reshape(1, -1),
                 Wl, bl.reshape(1, -1))

# --- scband reference (transcript-rebuilt; emitter-appended) ---
"""Pipeline reference for scband-gine-11785390260552 (READ-ONLY COPY).

The authoritative reference and input builder live on the scoring server;
editing this copy changes nothing except your own understanding.
"""

import jax, jax.numpy as jnp
import numpy as np

N, E = 10000, 320000
IN_F, HL1, CL1, HL2, CL2, OUT_F, ED = 128, 256, 256, 256, 256, 128, 16

def setup_inputs(seed: int = 0):
    key = jax.random.key(seed)
    ks = jax.random.split(key, 16)
    s = 0.05
    inp = {}
    inp["x"] = jax.random.normal(ks[0], (N, IN_F), jnp.float32)
    inp["edge_index"] = jax.random.randint(ks[1], (2, E), 0, N, dtype=jnp.int32)
    inp["edge_attr"] = jax.random.normal(ks[2], (E, ED), jnp.float32)
    inp["We1"] = jax.random.normal(ks[3], (ED, IN_F), jnp.float32) * s
    inp["be1"] = jnp.zeros((IN_F,), jnp.float32)
    inp["W11"] = jax.random.normal(ks[4], (IN_F, HL1), jnp.float32) * s
    inp["b11"] = jnp.zeros((HL1,), jnp.float32)
    inp["W12"] = jax.random.normal(ks[5], (HL1, CL1), jnp.float32) * s
    inp["b12"] = jnp.zeros((CL1,), jnp.float32)
    inp["We2"] = jax.random.normal(ks[6], (ED, CL1), jnp.float32) * s
    inp["be2"] = jnp.zeros((CL1,), jnp.float32)
    inp["W21"] = jax.random.normal(ks[7], (CL1, HL2), jnp.float32) * s
    inp["b21"] = jnp.zeros((HL2,), jnp.float32)
    inp["W22"] = jax.random.normal(ks[8], (HL2, CL2), jnp.float32) * s
    inp["b22"] = jnp.zeros((CL2,), jnp.float32)
    inp["g1"] = jnp.ones((CL1,), jnp.float32)
    inp["bb1"] = jnp.zeros((CL1,), jnp.float32)
    inp["g2"] = jnp.ones((CL2,), jnp.float32)
    inp["bb2"] = jnp.zeros((CL2,), jnp.float32)
    inp["Wl"] = jax.random.normal(ks[9], (CL2, OUT_F), jnp.float32) * s
    inp["bl"] = jnp.zeros((OUT_F,), jnp.float32)
    return inp

def _gine_conv(x, src, dst, edge_attr, We, be, W1, b1, W2, b2):
    # GINEConv: out_i = nn((1+eps)*x_i + sum_j ReLU(x_j + lin(e_ij))), eps=0
    e = edge_attr @ We + be
    msg = jax.nn.relu(x[src] + e)
    agg = jax.ops.segment_sum(msg, dst, num_segments=x.shape[0])
    h = x + agg
    return jax.nn.relu(h @ W1 + b1) @ W2 + b2

def _bn_eval(x, g, b, eps=1e-5):
    # eval-mode BatchNorm1d with running_mean=0, running_var=1
    return x / jnp.sqrt(1.0 + eps) * g + b

def reference(x, edge_index, edge_attr, We1, be1, W11, b11, W12, b12, We2, be2, W21, b21, W22, b22, g1, bb1, g2, bb2, Wl, bl):
    src, dst = edge_index[0], edge_index[1]
    h = jax.nn.relu(_gine_conv(x, src, dst, edge_attr, We1, be1, W11, b11, W12, b12))
    h = _bn_eval(h, g1, bb1)
    # dropout is identity in eval mode
    h = jax.nn.relu(_gine_conv(h, src, dst, edge_attr, We2, be2, W21, b21, W22, b22))
    h = _bn_eval(h, g2, bb2)
    return h @ Wl + bl

if __name__ == "__main__":
    import jax
    _d = setup_inputs()
    print(jax.jit(kernel)(*tuple(_d.values())))

</pallas_src>

<mosaic_0001>
#map = affine_map<(d0, d1) -> (0, 0)>
#map1 = affine_map<(d0, d1) -> (0, 0, 0)>
module attributes {stable_mosaic.version = 14 : i64} {
  func.func @k(%arg0: i32, %arg1: i32, %arg2: memref<10000x64xf32, #tpu.memory_space<hbm>>, %arg3: memref<10000x64xf32, #tpu.memory_space<hbm>>, %arg4: memref<320000x128xf32, #tpu.memory_space<hbm>>, %arg5: memref<16x250x80xi32, #tpu.memory_space<hbm>>, %arg6: memref<16x250x80xi32, #tpu.memory_space<hbm>>, %arg7: memref<20000x64xf32, #tpu.memory_space<hbm>>, %arg8: memref<250x80xi32, #tpu.memory_space<vmem>>, %arg9: memref<250x80xi32, #tpu.memory_space<vmem>>, %arg10: memref<80x64xf32, #tpu.memory_space<vmem>>, %arg11: memref<80x64xf32, #tpu.memory_space<vmem>>, %arg12: memref<80x64xf32, #tpu.memory_space<vmem>>, %arg13: memref<80x64xf32, #tpu.memory_space<vmem>>, %arg14: memref<80x64xf32, #tpu.memory_space<vmem>>, %arg15: memref<208x64xf32, #tpu.memory_space<vmem>>, %arg16: memref<10000x64xf32, #tpu.memory_space<vmem_shared>>, %arg17: memref<!tpu.dma_semaphore, #tpu.memory_space<semaphore_mem>>, %arg18: memref<!tpu.dma_semaphore, #tpu.memory_space<semaphore_mem>>, %arg19: memref<!tpu.dma_semaphore, #tpu.memory_space<semaphore_mem>>, %arg20: memref<!tpu.dma_semaphore, #tpu.memory_space<semaphore_mem>>) attributes {dimension_semantics = [#tpu.dimension_semantics<core_parallel>, #tpu.dimension_semantics<subcore_parallel>], iteration_bounds = array<i64: 2, 16>, scalar_prefetch = 0 : i64, scratch_operands = 13 : i64, tpu.core_type = #tpu.core_type<sc_vector_subcore>, window_params = [{transform_indices = #map}, {transform_indices = #map}, {transform_indices = #map}, {transform_indices = #map1}, {transform_indices = #map1}, {transform_indices = #map}]} {
    %mul3A = arith.constant 64 : i32
    %mul3A_0 = arith.muli %arg0, %mul3A : i32
    %mul3A_1 = arith.constant 624 : i32
    %mul3A_2 = arith.muli %arg1, %mul3A_1 : i32
    %scan3A = arith.constant 0 : i32
    %scan3A_3 = arith.constant 0 : i32
    %scan3A_4 = arith.constant 208 : i32
    %scan3A_5 = arith.addi %scan3A_3, %scan3A_4 : i32
    %scan3A_6 = arith.constant 1 : i32
    scf.for %scan3A_38 = %scan3A_3 to %scan3A_5 step %scan3A_6  : i32 {
      %broadcast_in_dim3A = arith.constant 0.000000e+00 : f32
      %broadcast_in_dim3A_39 = vector.broadcast %broadcast_in_dim3A : f32 to vector<16xf32>
      %swap3A = arith.index_cast %scan3A_38 : i32 to index
      %swap3A_40 = arith.constant 0 : index
      %swap3A_41 = tpu.vector_load %arg15[%swap3A, %swap3A_40] {strides = array<i32>} : memref<208x64xf32, #tpu.memory_space<vmem>>, vector<1x16xf32>,
      %swap3A_42 = vector.shape_cast %swap3A_41 : vector<1x16xf32> to vector<16xf32>
      %swap3A_43 = vector.shape_cast %broadcast_in_dim3A_39 : vector<16xf32> to vector<1x16xf32>
      tpu.vector_store %arg15[%swap3A, %swap3A_40], %swap3A_43 {strides = array<i32>} : memref<208x64xf32, #tpu.memory_space<vmem>>, vector<1x16xf32>,
      %broadcast_in_dim3A_44 = arith.constant 0.000000e+00 : f32
      %broadcast_in_dim3A_45 = vector.broadcast %broadcast_in_dim3A_44 : f32 to vector<16xf32>
      %swap3A_46 = arith.index_cast %scan3A_38 : i32 to index
      %swap3A_47 = arith.constant 16 : index
      %swap3A_48 = tpu.vector_load %arg15[%swap3A_46, %swap3A_47] {strides = array<i32>} : memref<208x64xf32, #tpu.memory_space<vmem>>, vector<1x16xf32>,
      %swap3A_49 = vector.shape_cast %swap3A_48 : vector<1x16xf32> to vector<16xf32>
      %swap3A_50 = vector.shape_cast %broadcast_in_dim3A_45 : vector<16xf32> to vector<1x16xf32>
      tpu.vector_store %arg15[%swap3A_46, %swap3A_47], %swap3A_50 {strides = array<i32>} : memref<208x64xf32, #tpu.memory_space<vmem>>, vector<1x16xf32>,
      %broadcast_in_dim3A_51 = arith.constant 0.000000e+00 : f32
      %broadcast_in_dim3A_52 = vector.broadcast %broadcast_in_dim3A_51 : f32 to vector<16xf32>
      %swap3A_53 = arith.index_cast %scan3A_38 : i32 to index
      %swap3A_54 = arith.constant 32 : index
      %swap3A_55 = tpu.vector_load %arg15[%swap3A_53, %swap3A_54] {strides = array<i32>} : memref<208x64xf32, #tpu.memory_space<vmem>>, vector<1x16xf32>,
      %swap3A_56 = vector.shape_cast %swap3A_55 : vector<1x16xf32> to vector<16xf32>
      %swap3A_57 = vector.shape_cast %broadcast_in_dim3A_52 : vector<16xf32> to vector<1x16xf32>
      tpu.vector_store %arg15[%swap3A_53, %swap3A_54], %swap3A_57 {strides = array<i32>} : memref<208x64xf32, #tpu.memory_space<vmem>>, vector<1x16xf32>,
      %broadcast_in_dim3A_58 = arith.constant 0.000000e+00 : f32
      %broadcast_in_dim3A_59 = vector.broadcast %broadcast_in_dim3A_58 : f32 to vector<16xf32>
      %swap3A_60 = arith.index_cast %scan3A_38 : i32 to index
      %swap3A_61 = arith.constant 48 : index
      %swap3A_62 = tpu.vector_load %arg15[%swap3A_60, %swap3A_61] {strides = array<i32>} : memref<208x64xf32, #tpu.memory_space<vmem>>, vector<1x16xf32>,
      %swap3A_63 = vector.shape_cast %swap3A_62 : vector<1x16xf32> to vector<16xf32>
      %swap3A_64 = vector.shape_cast %broadcast_in_dim3A_59 : vector<16xf32> to vector<1x16xf32>
      tpu.vector_store %arg15[%swap3A_60, %swap3A_61], %swap3A_64 {strides = array<i32>} : memref<208x64xf32, #tpu.memory_space<vmem>>, vector<1x16xf32>,
    }
    %scan3A_7 = arith.constant 208 : i32
    "tpu.region"() ({
      %run_scoped3A = tpu.sem_alloc : memref<!tpu.dma_semaphore, #tpu.memory_space<semaphore_mem>>
      %dma_start3A = arith.constant 0 : i32
      %dma_start3A_38 = arith.constant 0 : i32
      %dma_start3A_39 = tpu.memref_slice %arg5[%arg1, %dma_start3A, %dma_start3A_38] : memref<16x250x80xi32, #tpu.memory_space<hbm>> -> memref<1x250x80xi32, #tpu.memory_space<hbm>>
      %dma_start3A_40 = tpu.memref_squeeze %dma_start3A_39 : memref<1x250x80xi32, #tpu.memory_space<hbm>> -> memref<250x80xi32, #tpu.memory_space<hbm>>
      %dma_start3A_41 = arith.constant 0 : i32
      %dma_start3A_42 = arith.constant 0 : i32
      %dma_start3A_43 = tpu.memref_slice %arg5[%arg1, %dma_start3A_41, %dma_start3A_42] : memref<16x250x80xi32, #tpu.memory_space<hbm>> -> memref<1x250x80xi32, #tpu.memory_space<hbm>>
      %dma_start3A_44 = tpu.memref_squeeze %dma_start3A_43 : memref<1x250x80xi32, #tpu.memory_space<hbm>> -> memref<250x80xi32, #tpu.memory_space<hbm>>
      tpu.enqueue_dma source(%dma_start3A_44 : memref<250x80xi32, #tpu.memory_space<hbm>>) target(%arg8 : memref<250x80xi32, #tpu.memory_space<vmem>>) target_semaphore(%run_scoped3A : memref<!tpu.dma_semaphore, #tpu.memory_space<semaphore_mem>>)
      %dma_wait3A = arith.constant 0 : i32
      %dma_wait3A_45 = arith.constant 0 : i32
      %dma_wait3A_46 = tpu.memref_slice %arg5[%arg1, %dma_wait3A, %dma_wait3A_45] : memref<16x250x80xi32, #tpu.memory_space<hbm>> -> memref<1x250x80xi32, #tpu.memory_space<hbm>>
      %dma_wait3A_47 = tpu.memref_squeeze %dma_wait3A_46 : memref<1x250x80xi32, #tpu.memory_space<hbm>> -> memref<250x80xi32, #tpu.memory_space<hbm>>
      %dma_wait3A_48 = arith.constant 0 : i32
      %dma_wait3A_49 = arith.constant 0 : i32
      %dma_wait3A_50 = tpu.memref_slice %arg5[%arg1, %dma_wait3A_48, %dma_wait3A_49] : memref<16x250x80xi32, #tpu.memory_space<hbm>> -> memref<1x250x80xi32, #tpu.memory_space<hbm>>
      %dma_wait3A_51 = tpu.memref_squeeze %dma_wait3A_50 : memref<1x250x80xi32, #tpu.memory_space<hbm>> -> memref<250x80xi32, #tpu.memory_space<hbm>>
      tpu.wait_dma2 semaphore(%run_scoped3A : memref<!tpu.dma_semaphore, #tpu.memory_space<semaphore_mem>>) src(%dma_wait3A_51 : memref<250x80xi32, #tpu.memory_space<hbm>>) dst(%arg8 : memref<250x80xi32, #tpu.memory_space<vmem>>)
      tpu.yield
    }) : () -> ()
    "tpu.region"() ({
      %run_scoped3A = tpu.sem_alloc : memref<!tpu.dma_semaphore, #tpu.memory_space<semaphore_mem>>
      %dma_start3A = arith.constant 0 : i32
      %dma_start3A_38 = arith.constant 0 : i32
      %dma_start3A_39 = tpu.memref_slice %arg6[%arg1, %dma_start3A, %dma_start3A_38] : memref<16x250x80xi32, #tpu.memory_space<hbm>> -> memref<1x250x80xi32, #tpu.memory_space<hbm>>
      %dma_start3A_40 = tpu.memref_squeeze %dma_start3A_39 : memref<1x250x80xi32, #tpu.memory_space<hbm>> -> memref<250x80xi32, #tpu.memory_space<hbm>>
      %dma_start3A_41 = arith.constant 0 : i32
      %dma_start3A_42 = arith.constant 0 : i32
      %dma_start3A_43 = tpu.memref_slice %arg6[%arg1, %dma_start3A_41, %dma_start3A_42] : memref<16x250x80xi32, #tpu.memory_space<hbm>> -> memref<1x250x80xi32, #tpu.memory_space<hbm>>
      %dma_start3A_44 = tpu.memref_squeeze %dma_start3A_43 : memref<1x250x80xi32, #tpu.memory_space<hbm>> -> memref<250x80xi32, #tpu.memory_space<hbm>>
      tpu.enqueue_dma source(%dma_start3A_44 : memref<250x80xi32, #tpu.memory_space<hbm>>) target(%arg9 : memref<250x80xi32, #tpu.memory_space<vmem>>) target_semaphore(%run_scoped3A : memref<!tpu.dma_semaphore, #tpu.memory_space<semaphore_mem>>)
      %dma_wait3A = arith.constant 0 : i32
      %dma_wait3A_45 = arith.constant 0 : i32
      %dma_wait3A_46 = tpu.memref_slice %arg6[%arg1, %dma_wait3A, %dma_wait3A_45] : memref<16x250x80xi32, #tpu.memory_space<hbm>> -> memref<1x250x80xi32, #tpu.memory_space<hbm>>
      %dma_wait3A_47 = tpu.memref_squeeze %dma_wait3A_46 : memref<1x250x80xi32, #tpu.memory_space<hbm>> -> memref<250x80xi32, #tpu.memory_space<hbm>>
      %dma_wait3A_48 = arith.constant 0 : i32
      %dma_wait3A_49 = arith.constant 0 : i32
      %dma_wait3A_50 = tpu.memref_slice %arg6[%arg1, %dma_wait3A_48, %dma_wait3A_49] : memref<16x250x80xi32, #tpu.memory_space<hbm>> -> memref<1x250x80xi32, #tpu.memory_space<hbm>>
      %dma_wait3A_51 = tpu.memref_squeeze %dma_wait3A_50 : memref<1x250x80xi32, #tpu.memory_space<hbm>> -> memref<250x80xi32, #tpu.memory_space<hbm>>
      tpu.wait_dma2 semaphore(%run_scoped3A : memref<!tpu.dma_semaphore, #tpu.memory_space<semaphore_mem>>) src(%dma_wait3A_51 : memref<250x80xi32, #tpu.memory_space<hbm>>) dst(%arg9 : memref<250x80xi32, #tpu.memory_space<vmem>>)
      tpu.yield
    }) : () -> ()
    %mul3A_8 = arith.constant 20000 : i32
    %mul3A_9 = arith.muli %arg1, %mul3A_8 : i32
    %add3A = arith.constant 0 : i32
    %add3A_10 = arith.addi %mul3A_2, %add3A : i32
    "tpu.region"() ({
      %run_scoped3A = tpu.sem_alloc : memref<!tpu.dma_semaphore, #tpu.memory_space<semaphore_mem>>
      %dma_start3A = arith.constant 0 : i32
      %dma_start3A_38 = tpu.memref_slice %arg16[%add3A_10, %dma_start3A] : memref<10000x64xf32, #tpu.memory_space<vmem_shared>> -> memref<208x64xf32, #tpu.memory_space<vmem_shared>>
      %dma_start3A_39 = arith.constant 0 : i32
      %dma_start3A_40 = tpu.memref_slice %arg16[%add3A_10, %dma_start3A_39] : memref<10000x64xf32, #tpu.memory_space<vmem_shared>> -> memref<208x64xf32, #tpu.memory_space<vmem_shared>>
      tpu.enqueue_dma source(%arg15 : memref<208x64xf32, #tpu.memory_space<vmem>>) target(%dma_start3A_40 : memref<208x64xf32, #tpu.memory_space<vmem_shared>>) target_semaphore(%run_scoped3A : memref<!tpu.dma_semaphore, #tpu.memory_space<semaphore_mem>>)
      %dma_wait3A = arith.constant 0 : i32
      %dma_wait3A_41 = tpu.memref_slice %arg16[%add3A_10, %dma_wait3A] : memref<10000x64xf32, #tpu.memory_space<vmem_shared>> -> memref<208x64xf32, #tpu.memory_space<vmem_shared>>
      %dma_wait3A_42 = arith.constant 0 : i32
      %dma_wait3A_43 = tpu.memref_slice %arg16[%add3A_10, %dma_wait3A_42] : memref<10000x64xf32, #tpu.memory_space<vmem_shared>> -> memref<208x64xf32, #tpu.memory_space<vmem_shared>>
      tpu.wait_dma2 semaphore(%run_scoped3A : memref<!tpu.dma_semaphore, #tpu.memory_space<semaphore_mem>>) src(%arg15 : memref<208x64xf32, #tpu.memory_space<vmem>>) dst(%dma_wait3A_43 : memref<208x64xf32, #tpu.memory_space<vmem_shared>>)
      tpu.yield
    }) : () -> ()
    %add3A_11 = arith.constant 208 : i32
    %add3A_12 = arith.addi %mul3A_2, %add3A_11 : i32
    "tpu.region"() ({
      %run_scoped3A = tpu.sem_alloc : memref<!tpu.dma_semaphore, #tpu.memory_space<semaphore_mem>>
      %dma_start3A = arith.constant 0 : i32
      %dma_start3A_38 = tpu.memref_slice %arg16[%add3A_12, %dma_start3A] : memref<10000x64xf32, #tpu.memory_space<vmem_shared>> -> memref<208x64xf32, #tpu.memory_space<vmem_shared>>
      %dma_start3A_39 = arith.constant 0 : i32
      %dma_start3A_40 = tpu.memref_slice %arg16[%add3A_12, %dma_start3A_39] : memref<10000x64xf32, #tpu.memory_space<vmem_shared>> -> memref<208x64xf32, #tpu.memory_space<vmem_shared>>
      tpu.enqueue_dma source(%arg15 : memref<208x64xf32, #tpu.memory_space<vmem>>) target(%dma_start3A_40 : memref<208x64xf32, #tpu.memory_space<vmem_shared>>) target_semaphore(%run_scoped3A : memref<!tpu.dma_semaphore, #tpu.memory_space<semaphore_mem>>)
      %dma_wait3A = arith.constant 0 : i32
      %dma_wait3A_41 = tpu.memref_slice %arg16[%add3A_12, %dma_wait3A] : memref<10000x64xf32, #tpu.memory_space<vmem_shared>> -> memref<208x64xf32, #tpu.memory_space<vmem_shared>>
      %dma_wait3A_42 = arith.constant 0 : i32
      %dma_wait3A_43 = tpu.memref_slice %arg16[%add3A_12, %dma_wait3A_42] : memref<10000x64xf32, #tpu.memory_space<vmem_shared>> -> memref<208x64xf32, #tpu.memory_space<vmem_shared>>
      tpu.wait_dma2 semaphore(%run_scoped3A : memref<!tpu.dma_semaphore, #tpu.memory_space<semaphore_mem>>) src(%arg15 : memref<208x64xf32, #tpu.memory_space<vmem>>) dst(%dma_wait3A_43 : memref<208x64xf32, #tpu.memory_space<vmem_shared>>)
      tpu.yield
    }) : () -> ()
    %add3A_13 = arith.constant 416 : i32
    %add3A_14 = arith.addi %mul3A_2, %add3A_13 : i32
    "tpu.region"() ({
      %run_scoped3A = tpu.sem_alloc : memref<!tpu.dma_semaphore, #tpu.memory_space<semaphore_mem>>
      %dma_start3A = arith.constant 0 : i32
      %dma_start3A_38 = tpu.memref_slice %arg16[%add3A_14, %dma_start3A] : memref<10000x64xf32, #tpu.memory_space<vmem_shared>> -> memref<208x64xf32, #tpu.memory_space<vmem_shared>>
      %dma_start3A_39 = arith.constant 0 : i32
      %dma_start3A_40 = tpu.memref_slice %arg16[%add3A_14, %dma_start3A_39] : memref<10000x64xf32, #tpu.memory_space<vmem_shared>> -> memref<208x64xf32, #tpu.memory_space<vmem_shared>>
      tpu.enqueue_dma source(%arg15 : memref<208x64xf32, #tpu.memory_space<vmem>>) target(%dma_start3A_40 : memref<208x64xf32, #tpu.memory_space<vmem_shared>>) target_semaphore(%run_scoped3A : memref<!tpu.dma_semaphore, #tpu.memory_space<semaphore_mem>>)
      %dma_wait3A = arith.constant 0 : i32
      %dma_wait3A_41 = tpu.memref_slice %arg16[%add3A_14, %dma_wait3A] : memref<10000x64xf32, #tpu.memory_space<vmem_shared>> -> memref<208x64xf32, #tpu.memory_space<vmem_shared>>
      %dma_wait3A_42 = arith.constant 0 : i32
      %dma_wait3A_43 = tpu.memref_slice %arg16[%add3A_14, %dma_wait3A_42] : memref<10000x64xf32, #tpu.memory_space<vmem_shared>> -> memref<208x64xf32, #tpu.memory_space<vmem_shared>>
      tpu.wait_dma2 semaphore(%run_scoped3A : memref<!tpu.dma_semaphore, #tpu.memory_space<semaphore_mem>>) src(%arg15 : memref<208x64xf32, #tpu.memory_space<vmem>>) dst(%dma_wait3A_43 : memref<208x64xf32, #tpu.memory_space<vmem_shared>>)
      tpu.yield
    }) : () -> ()
    %eq3A = arith.constant 0 : i32
    %eq3A_15 = arith.cmpi eq, %arg1, %eq3A : i32
    %convert_element_type3A = arith.extui %eq3A_15 : i1 to i32
    %cond3A = arith.constant 0 : i32
    %cond3A_16 = arith.cmpi ne, %convert_element_type3A, %cond3A : i32
    scf.if %cond3A_16 {
      "tpu.region"() ({
        %run_scoped3A = tpu.sem_alloc : memref<!tpu.dma_semaphore, #tpu.memory_space<semaphore_mem>>
        %dma_start3A = arith.constant 0 : i32
        %dma_start3A_38 = arith.constant 0 : i32
        %dma_start3A_39 = tpu.memref_slice %arg15[%dma_start3A, %dma_start3A_38] : memref<208x64xf32, #tpu.memory_space<vmem>> -> memref<16x64xf32, #tpu.memory_space<vmem>>
        %dma_start3A_40 = arith.constant 9984 : i32
        %dma_start3A_41 = arith.constant 0 : i32
        %dma_start3A_42 = tpu.memref_slice %arg16[%dma_start3A_40, %dma_start3A_41] : memref<10000x64xf32, #tpu.memory_space<vmem_shared>> -> memref<16x64xf32, #tpu.memory_space<vmem_shared>>
        %dma_start3A_43 = arith.constant 9984 : i32
        %dma_start3A_44 = arith.constant 0 : i32
        %dma_start3A_45 = tpu.memref_slice %arg16[%dma_start3A_43, %dma_start3A_44] : memref<10000x64xf32, #tpu.memory_space<vmem_shared>> -> memref<16x64xf32, #tpu.memory_space<vmem_shared>>
        %dma_start3A_46 = arith.constant 0 : i32
        %dma_start3A_47 = arith.constant 0 : i32
        %dma_start3A_48 = tpu.memref_slice %arg15[%dma_start3A_46, %dma_start3A_47] : memref<208x64xf32, #tpu.memory_space<vmem>> -> memref<16x64xf32, #tpu.memory_space<vmem>>
        tpu.enqueue_dma source(%dma_start3A_48 : memref<16x64xf32, #tpu.memory_space<vmem>>) target(%dma_start3A_45 : memref<16x64xf32, #tpu.memory_space<vmem_shared>>) target_semaphore(%run_scoped3A : memref<!tpu.dma_semaphore, #tpu.memory_space<semaphore_mem>>)
        %dma_wait3A = arith.constant 0 : i32
        %dma_wait3A_49 = arith.constant 0 : i32
        %dma_wait3A_50 = tpu.memref_slice %arg15[%dma_wait3A, %dma_wait3A_49] : memref<208x64xf32, #tpu.memory_space<vmem>> -> memref<16x64xf32, #tpu.memory_space<vmem>>
        %dma_wait3A_51 = arith.constant 9984 : i32
        %dma_wait3A_52 = arith.constant 0 : i32
        %dma_wait3A_53 = tpu.memref_slice %arg16[%dma_wait3A_51, %dma_wait3A_52] : memref<10000x64xf32, #tpu.memory_space<vmem_shared>> -> memref<16x64xf32, #tpu.memory_space<vmem_shared>>
        %dma_wait3A_54 = arith.constant 9984 : i32
        %dma_wait3A_55 = arith.constant 0 : i32
        %dma_wait3A_56 = tpu.memref_slice %arg16[%dma_wait3A_54, %dma_wait3A_55] : memref<10000x64xf32, #tpu.memory_space<vmem_shared>> -> memref<16x64xf32, #tpu.memory_space<vmem_shared>>
        %dma_wait3A_57 = arith.constant 0 : i32
        %dma_wait3A_58 = arith.constant 0 : i32
        %dma_wait3A_59 = tpu.memref_slice %arg15[%dma_wait3A_57, %dma_wait3A_58] : memref<208x64xf32, #tpu.memory_space<vmem>> -> memref<16x64xf32, #tpu.memory_space<vmem>>
        tpu.wait_dma2 semaphore(%run_scoped3A : memref<!tpu.dma_semaphore, #tpu.memory_space<semaphore_mem>>) src(%dma_wait3A_59 : memref<16x64xf32, #tpu.memory_space<vmem>>) dst(%dma_wait3A_56 : memref<16x64xf32, #tpu.memory_space<vmem_shared>>)
        tpu.yield
      }) : () -> ()
    } else {
    }
    %barrier3A = arith.constant 0 : index
    tpu.barrier barrier_id(%barrier3A)
    %eq3A_17 = arith.constant 0 : i32
    %eq3A_18 = arith.cmpi eq, %arg0, %eq3A_17 : i32
    %convert_element_type3A_19 = arith.extui %eq3A_18 : i1 to i32
    %cond3A_20 = arith.constant 0 : i32
    %cond3A_21 = arith.cmpi ne, %convert_element_type3A_19, %cond3A_20 : i32
    scf.if %cond3A_21 {
      %dma_start3A = arith.constant 0 : i32
      %dma_start3A_38 = arith.constant 0 : i32
      %dma_start3A_39 = tpu.memref_slice %arg8[%dma_start3A, %dma_start3A_38] : memref<250x80xi32, #tpu.memory_space<vmem>> -> memref<1x80xi32, #tpu.memory_space<vmem>>
      %dma_start3A_40 = tpu.memref_squeeze %dma_start3A_39 : memref<1x80xi32, #tpu.memory_space<vmem>> -> memref<80xi32, #tpu.memory_space<vmem>>
      %dma_start3A_41 = arith.constant 0 : i32
      %dma_start3A_42 = arith.constant 0 : i32
      %dma_start3A_43 = tpu.memref_slice %arg2[%dma_start3A_41, %dma_start3A_42] : memref<10000x64xf32, #tpu.memory_space<hbm>> -> memref<10000x64xf32, #tpu.memory_space<hbm>>
      tpu.enqueue_indirect_dma source(%dma_start3A_43 : memref<10000x64xf32, #tpu.memory_space<hbm>>) target(%arg10 : memref<80x64xf32, #tpu.memory_space<vmem>>) offsets(%dma_start3A_40 : memref<80xi32, #tpu.memory_space<vmem>>) semaphore(%arg17 : memref<!tpu.dma_semaphore, #tpu.memory_space<semaphore_mem>>)
      %add3A_44 = arith.constant 0 : i32
      %add3A_45 = arith.addi %mul3A_9, %add3A_44 : i32
      %dma_start3A_46 = tpu.memref_slice %arg4[%add3A_45, %mul3A_0] : memref<320000x128xf32, #tpu.memory_space<hbm>> -> memref<80x64xf32, #tpu.memory_space<hbm>>
      %dma_start3A_47 = tpu.memref_slice %arg4[%add3A_45, %mul3A_0] : memref<320000x128xf32, #tpu.memory_space<hbm>> -> memref<80x64xf32, #tpu.memory_space<hbm>>
      tpu.enqueue_dma source(%dma_start3A_47 : memref<80x64xf32, #tpu.memory_space<hbm>>) target(%arg12 : memref<80x64xf32, #tpu.memory_space<vmem>>) target_semaphore(%arg19 : memref<!tpu.dma_semaphore, #tpu.memory_space<semaphore_mem>>)
      %dma_start3A_48 = arith.constant 1 : i32
      %dma_start3A_49 = arith.constant 0 : i32
      %dma_start3A_50 = tpu.memref_slice %arg8[%dma_start3A_48, %dma_start3A_49] : memref<250x80xi32, #tpu.memory_space<vmem>> -> memref<1x80xi32, #tpu.memory_space<vmem>>
      %dma_start3A_51 = tpu.memref_squeeze %dma_start3A_50 : memref<1x80xi32, #tpu.memory_space<vmem>> -> memref<80xi32, #tpu.memory_space<vmem>>
      %dma_start3A_52 = arith.constant 0 : i32
      %dma_start3A_53 = arith.constant 0 : i32
      %dma_start3A_54 = tpu.memref_slice %arg2[%dma_start3A_52, %dma_start3A_53] : memref<10000x64xf32, #tpu.memory_space<hbm>> -> memref<10000x64xf32, #tpu.memory_space<hbm>>
      tpu.enqueue_indirect_dma source(%dma_start3A_54 : memref<10000x64xf32, #tpu.memory_space<hbm>>) target(%arg11 : memref<80x64xf32, #tpu.memory_space<vmem>>) offsets(%dma_start3A_51 : memref<80xi32, #tpu.memory_space<vmem>>) semaphore(%arg18 : memref<!tpu.dma_semaphore, #tpu.memory_space<semaphore_mem>>)
      %add3A_55 = arith.constant 80 : i32
      %add3A_56 = arith.addi %mul3A_9, %add3A_55 : i32
      %dma_start3A_57 = tpu.memref_slice %arg4[%add3A_56, %mul3A_0] : memref<320000x128xf32, #tpu.memory_space<hbm>> -> memref<80x64xf32, #tpu.memory_space<hbm>>
      %dma_start3A_58 = tpu.memref_slice %arg4[%add3A_56, %mul3A_0] : memref<320000x128xf32, #tpu.memory_space<hbm>> -> memref<80x64xf32, #tpu.memory_space<hbm>>
      tpu.enqueue_dma source(%dma_start3A_58 : memref<80x64xf32, #tpu.memory_space<hbm>>) target(%arg13 : memref<80x64xf32, #tpu.memory_space<vmem>>) target_semaphore(%arg20 : memref<!tpu.dma_semaphore, #tpu.memory_space<semaphore_mem>>)
      %scan3A_59 = arith.constant 0 : i32
      %scan3A_60 = arith.constant 0 : i32
      %scan3A_61 = arith.constant 125 : i32
      %scan3A_62 = arith.addi %scan3A_60, %scan3A_61 : i32
      %scan3A_63 = arith.constant 1 : i32
      scf.for %scan3A_65 = %scan3A_60 to %scan3A_62 step %scan3A_63  : i32 {
        %mul3A_66 = arith.constant 2 : i32
        %mul3A_67 = arith.muli %scan3A_65, %mul3A_66 : i32
        %add3A_68 = arith.constant 0 : i32
        %add3A_69 = arith.addi %mul3A_67, %add3A_68 : i32
        %dma_wait3A = arith.constant 0 : i32
        %dma_wait3A_70 = tpu.memref_slice %arg8[%add3A_69, %dma_wait3A] : memref<250x80xi32, #tpu.memory_space<vmem>> -> memref<1x80xi32, #tpu.memory_space<vmem>>
        %dma_wait3A_71 = tpu.memref_squeeze %dma_wait3A_70 : memref<1x80xi32, #tpu.memory_space<vmem>> -> memref<80xi32, #tpu.memory_space<vmem>>
        %dma_wait3A_72 = arith.constant 0 : i32
        %dma_wait3A_73 = arith.constant 0 : i32
        %dma_wait3A_74 = tpu.memref_slice %arg2[%dma_wait3A_72, %dma_wait3A_73] : memref<10000x64xf32, #tpu.memory_space<hbm>> -> memref<10000x64xf32, #tpu.memory_space<hbm>>
        tpu.wait_indirect_dma semaphore(%arg17 : memref<!tpu.dma_semaphore, #tpu.memory_space<semaphore_mem>>) src(%dma_wait3A_74 : memref<10000x64xf32, #tpu.memory_space<hbm>>) dst(%arg10 : memref<80x64xf32, #tpu.memory_space<vmem>>)
        %mul3A_75 = arith.constant 80 : i32
        %mul3A_76 = arith.muli %add3A_69, %mul3A_75 : i32
        %add3A_77 = arith.addi %mul3A_9, %mul3A_76 : i32
        %dma_wait3A_78 = tpu.memref_slice %arg4[%add3A_77, %mul3A_0] : memref<320000x128xf32, #tpu.memory_space<hbm>> -> memref<80x64xf32, #tpu.memory_space<hbm>>
        %dma_wait3A_79 = tpu.memref_slice %arg4[%add3A_77, %mul3A_0] : memref<320000x128xf32, #tpu.memory_space<hbm>> -> memref<80x64xf32, #tpu.memory_space<hbm>>
        tpu.wait_dma2 semaphore(%arg19 : memref<!tpu.dma_semaphore, #tpu.memory_space<semaphore_mem>>) src(%dma_wait3A_79 : memref<80x64xf32, #tpu.memory_space<hbm>>) dst(%arg12 : memref<80x64xf32, #tpu.memory_space<vmem>>)
        %scan3A_80 = arith.constant 0 : i32
        %scan3A_81 = arith.constant 0 : i32
        %scan3A_82 = arith.constant 80 : i32
        %scan3A_83 = arith.addi %scan3A_81, %scan3A_82 : i32
        %scan3A_84 = arith.constant 1 : i32
        scf.for %scan3A_118 = %scan3A_81 to %scan3A_83 step %scan3A_84  : i32 {
          %get3A = arith.index_cast %scan3A_118 : i32 to index
          %get3A_119 = arith.constant 0 : index
          %get3A_120 = tpu.vector_load %arg10[%get3A, %get3A_119] {strides = array<i32>} : memref<80x64xf32, #tpu.memory_space<vmem>>, vector<1x16xf32>,
          %get3A_121 = vector.shape_cast %get3A_120 : vector<1x16xf32> to vector<16xf32>
          %get3A_122 = arith.index_cast %scan3A_118 : i32 to index
          %get3A_123 = arith.constant 0 : index
          %get3A_124 = tpu.vector_load %arg12[%get3A_122, %get3A_123] {strides = array<i32>} : memref<80x64xf32, #tpu.memory_space<vmem>>, vector<1x16xf32>,
          %get3A_125 = vector.shape_cast %get3A_124 : vector<1x16xf32> to vector<16xf32>
          %add3A_126 = arith.addf %get3A_121, %get3A_125 : vector<16xf32>
          %max3A = arith.constant 0.000000e+00 : f32
          %max3A_127 = vector.broadcast %max3A : f32 to vector<16xf32>
          %max3A_128 = arith.maximumf %add3A_126, %max3A_127 : vector<16xf32>
          %swap3A = arith.index_cast %scan3A_118 : i32 to index
          %swap3A_129 = arith.constant 0 : index
          %swap3A_130 = tpu.vector_load %arg14[%swap3A, %swap3A_129] {strides = array<i32>} : memref<80x64xf32, #tpu.memory_space<vmem>>, vector<1x16xf32>,
          %swap3A_131 = vector.shape_cast %swap3A_130 : vector<1x16xf32> to vector<16xf32>
          %swap3A_132 = vector.shape_cast %max3A_128 : vector<16xf32> to vector<1x16xf32>
          tpu.vector_store %arg14[%swap3A, %swap3A_129], %swap3A_132 {strides = array<i32>} : memref<80x64xf32, #tpu.memory_space<vmem>>, vector<1x16xf32>,
          %get3A_133 = arith.index_cast %scan3A_118 : i32 to index
          %get3A_134 = arith.constant 16 : index
          %get3A_135 = tpu.vector_load %arg10[%get3A_133, %get3A_134] {strides = array<i32>} : memref<80x64xf32, #tpu.memory_space<vmem>>, vector<1x16xf32>,
          %get3A_136 = vector.shape_cast %get3A_135 : vector<1x16xf32> to vector<16xf32>
          %get3A_137 = arith.index_cast %scan3A_118 : i32 to index
          %get3A_138 = arith.constant 16 : index
          %get3A_139 = tpu.vector_load %arg12[%get3A_137, %get3A_138] {strides = array<i32>} : memref<80x64xf32, #tpu.memory_space<vmem>>, vector<1x16xf32>,
          %get3A_140 = vector.shape_cast %get3A_139 : vector<1x16xf32> to vector<16xf32>
          %add3A_141 = arith.addf %get3A_136, %get3A_140 : vector<16xf32>
          %max3A_142 = arith.constant 0.000000e+00 : f32
          %max3A_143 = vector.broadcast %max3A_142 : f32 to vector<16xf32>
          %max3A_144 = arith.maximumf %add3A_141, %max3A_143 : vector<16xf32>
          %swap3A_145 = arith.index_cast %scan3A_118 : i32 to index
          %swap3A_146 = arith.constant 16 : index
          %swap3A_147 = tpu.vector_load %arg14[%swap3A_145, %swap3A_146] {strides = array<i32>} : memref<80x64xf32, #tpu.memory_space<vmem>>, vector<1x16xf32>,
          %swap3A_148 = vector.shape_cast %swap3A_147 : vector<1x16xf32> to vector<16xf32>
          %swap3A_149 = vector.shape_cast %max3A_144 : vector<16xf32> to vector<1x16xf32>
          tpu.vector_store %arg14[%swap3A_145, %swap3A_146], %swap3A_149 {strides = array<i32>} : memref<80x64xf32, #tpu.memory_space<vmem>>, vector<1x16xf32>,
          %get3A_150 = arith.index_cast %scan3A_118 : i32 to index
          %get3A_151 = arith.constant 32 : index
          %get3A_152 = tpu.vector_load %arg10[%get3A_150, %get3A_151] {strides = array<i32>} : memref<80x64xf32, #tpu.memory_space<vmem>>, vector<1x16xf32>,
          %get3A_153 = vector.shape_cast %get3A_152 : vector<1x16xf32> to vector<16xf32>
          %get3A_154 = arith.index_cast %scan3A_118 : i32 to index
          %get3A_155 = arith.constant 32 : index
          %get3A_156 = tpu.vector_load %arg12[%get3A_154, %get3A_155] {strides = array<i32>} : memref<80x64xf32, #tpu.memory_space<vmem>>, vector<1x16xf32>,
          %get3A_157 = vector.shape_cast %get3A_156 : vector<1x16xf32> to vector<16xf32>
          %add3A_158 = arith.addf %get3A_153, %get3A_157 : vector<16xf32>
          %max3A_159 = arith.constant 0.000000e+00 : f32
          %max3A_160 = vector.broadcast %max3A_159 : f32 to vector<16xf32>
          %max3A_161 = arith.maximumf %add3A_158, %max3A_160 : vector<16xf32>
          %swap3A_162 = arith.index_cast %scan3A_118 : i32 to index
          %swap3A_163 = arith.constant 32 : index
          %swap3A_164 = tpu.vector_load %arg14[%swap3A_162, %swap3A_163] {strides = array<i32>} : memref<80x64xf32, #tpu.memory_space<vmem>>, vector<1x16xf32>,
          %swap3A_165 = vector.shape_cast %swap3A_164 : vector<1x16xf32> to vector<16xf32>
          %swap3A_166 = vector.shape_cast %max3A_161 : vector<16xf32> to vector<1x16xf32>
          tpu.vector_store %arg14[%swap3A_162, %swap3A_163], %swap3A_166 {strides = array<i32>} : memref<80x64xf32, #tpu.memory_space<vmem>>, vector<1x16xf32>,
          %get3A_167 = arith.index_cast %scan3A_118 : i32 to index
          %get3A_168 = arith.constant 48 : index
          %get3A_169 = tpu.vector_load %arg10[%get3A_167, %get3A_168] {strides = array<i32>} : memref<80x64xf32, #tpu.memory_space<vmem>>, vector<1x16xf32>,
          %get3A_170 = vector.shape_cast %get3A_169 : vector<1x16xf32> to vector<16xf32>
          %get3A_171 = arith.index_cast %scan3A_118 : i32 to index
          %get3A_172 = arith.constant 48 : index
          %get3A_173 = tpu.vector_load %arg12[%get3A_171, %get3A_172] {strides = array<i32>} : memref<80x64xf32, #tpu.memory_space<vmem>>, vector<1x16xf32>,
          %get3A_174 = vector.shape_cast %get3A_173 : vector<1x16xf32> to vector<16xf32>
          %add3A_175 = arith.addf %get3A_170, %get3A_174 : vector<16xf32>
          %max3A_176 = arith.constant 0.000000e+00 : f32
          %max3A_177 = vector.broadcast %max3A_176 : f32 to vector<16xf32>
          %max3A_178 = arith.maximumf %add3A_175, %max3A_177 : vector<16xf32>
          %swap3A_179 = arith.index_cast %scan3A_118 : i32 to index
          %swap3A_180 = arith.constant 48 : index
          %swap3A_181 = tpu.vector_load %arg14[%swap3A_179, %swap3A_180] {strides = array<i32>} : memref<80x64xf32, #tpu.memory_space<vmem>>, vector<1x16xf32>,
          %swap3A_182 = vector.shape_cast %swap3A_181 : vector<1x16xf32> to vector<16xf32>
          %swap3A_183 = vector.shape_cast %max3A_178 : vector<16xf32> to vector<1x16xf32>
          tpu.vector_store %arg14[%swap3A_179, %swap3A_180], %swap3A_183 {strides = array<i32>} : memref<80x64xf32, #tpu.memory_space<vmem>>, vector<1x16xf32>,
        }
        %scan3A_85 = arith.constant 80 : i32
        %add3A_86 = arith.constant 2 : i32
        %add3A_87 = arith.addi %add3A_69, %add3A_86 : i32
        %lt3A = arith.constant 250 : i32
        %lt3A_88 = arith.cmpi slt, %add3A_87, %lt3A : i32
        %convert_element_type3A_89 = arith.extui %lt3A_88 : i1 to i32
        %cond3A_90 = arith.constant 0 : i32
        %cond3A_91 = arith.cmpi ne, %convert_element_type3A_89, %cond3A_90 : i32
        scf.if %cond3A_91 {
          %add3A_118 = arith.constant 2 : i32
          %add3A_119 = arith.addi %add3A_69, %add3A_118 : i32
          %dma_start3A_120 = arith.constant 0 : i32
          %dma_start3A_121 = tpu.memref_slice %arg8[%add3A_119, %dma_start3A_120] : memref<250x80xi32, #tpu.memory_space<vmem>> -> memref<1x80xi32, #tpu.memory_space<vmem>>
          %dma_start3A_122 = tpu.memref_squeeze %dma_start3A_121 : memref<1x80xi32, #tpu.memory_space<vmem>> -> memref<80xi32, #tpu.memory_space<vmem>>
          %dma_start3A_123 = arith.constant 0 : i32
          %dma_start3A_124 = arith.constant 0 : i32
          %dma_start3A_125 = tpu.memref_slice %arg2[%dma_start3A_123, %dma_start3A_124] : memref<10000x64xf32, #tpu.memory_space<hbm>> -> memref<10000x64xf32, #tpu.memory_space<hbm>>
          tpu.enqueue_indirect_dma source(%dma_start3A_125 : memref<10000x64xf32, #tpu.memory_space<hbm>>) target(%arg10 : memref<80x64xf32, #tpu.memory_space<vmem>>) offsets(%dma_start3A_122 : memref<80xi32, #tpu.memory_space<vmem>>) semaphore(%arg17 : memref<!tpu.dma_semaphore, #tpu.memory_space<semaphore_mem>>)
          %mul3A_126 = arith.constant 80 : i32
          %mul3A_127 = arith.muli %add3A_119, %mul3A_126 : i32
          %add3A_128 = arith.addi %mul3A_9, %mul3A_127 : i32
          %dma_start3A_129 = tpu.memref_slice %arg4[%add3A_128, %mul3A_0] : memref<320000x128xf32, #tpu.memory_space<hbm>> -> memref<80x64xf32, #tpu.memory_space<hbm>>
          %dma_start3A_130 = tpu.memref_slice %arg4[%add3A_128, %mul3A_0] : memref<320000x128xf32, #tpu.memory_space<hbm>> -> memref<80x64xf32, #tpu.memory_space<hbm>>
          tpu.enqueue_dma source(%dma_start3A_130 : memref<80x64xf32, #tpu.memory_space<hbm>>) target(%arg12 : memref<80x64xf32, #tpu.memory_space<vmem>>) target_semaphore(%arg19 : memref<!tpu.dma_semaphore, #tpu.memory_space<semaphore_mem>>)
        } else {
        }
        "tpu.region"() ({
          %run_scoped3A = tpu.sem_alloc : memref<!tpu.dma_semaphore, #tpu.memory_space<semaphore_mem>>
          %dma_start3A_118 = arith.constant 0 : i32
          %dma_start3A_119 = tpu.memref_slice %arg9[%add3A_69, %dma_start3A_118] : memref<250x80xi32, #tpu.memory_space<vmem>> -> memref<1x80xi32, #tpu.memory_space<vmem>>
          %dma_start3A_120 = tpu.memref_squeeze %dma_start3A_119 : memref<1x80xi32, #tpu.memory_space<vmem>> -> memref<80xi32, #tpu.memory_space<vmem>>
          %dma_start3A_121 = arith.constant 0 : i32
          %dma_start3A_122 = arith.constant 0 : i32
          %dma_start3A_123 = tpu.memref_slice %arg16[%dma_start3A_121, %dma_start3A_122] : memref<10000x64xf32, #tpu.memory_space<vmem_shared>> -> memref<10000x64xf32, #tpu.memory_space<vmem_shared>>
          tpu.enqueue_indirect_dma source(%arg14 : memref<80x64xf32, #tpu.memory_space<vmem>>) target(%dma_start3A_123 : memref<10000x64xf32, #tpu.memory_space<vmem_shared>>) offsets(%dma_start3A_120 : memref<80xi32, #tpu.memory_space<vmem>>) semaphore(%run_scoped3A : memref<!tpu.dma_semaphore, #tpu.memory_space<semaphore_mem>>) {add = true}
          %dma_wait3A_124 = arith.constant 0 : i32
          %dma_wait3A_125 = tpu.memref_slice %arg9[%add3A_69, %dma_wait3A_124] : memref<250x80xi32, #tpu.memory_space<vmem>> -> memref<1x80xi32, #tpu.memory_space<vmem>>
          %dma_wait3A_126 = tpu.memref_squeeze %dma_wait3A_125 : memref<1x80xi32, #tpu.memory_space<vmem>> -> memref<80xi32, #tpu.memory_space<vmem>>
          %dma_wait3A_127 = arith.constant 0 : i32
          %dma_wait3A_128 = arith.constant 0 : i32
          %dma_wait3A_129 = tpu.memref_slice %arg16[%dma_wait3A_127, %dma_wait3A_128] : memref<10000x64xf32, #tpu.memory_space<vmem_shared>> -> memref<10000x64xf32, #tpu.memory_space<vmem_shared>>
          tpu.wait_indirect_dma semaphore(%run_scoped3A : memref<!tpu.dma_semaphore, #tpu.memory_space<semaphore_mem>>) src(%arg14 : memref<80x64xf32, #tpu.memory_space<vmem>>) dst(%dma_wait3A_129 : memref<10000x64xf32, #tpu.memory_space<vmem_shared>>)
          tpu.yield
        }) : () -> ()
        %add3A_92 = arith.constant 1 : i32
        %add3A_93 = arith.addi %mul3A_67, %add3A_92 : i32
        %dma_wait3A_94 = arith.constant 0 : i32
        %dma_wait3A_95 = tpu.memref_slice %arg8[%add3A_93, %dma_wait3A_94] : memref<250x80xi32, #tpu.memory_space<vmem>> -> memref<1x80xi32, #tpu.memory_space<vmem>>
        %dma_wait3A_96 = tpu.memref_squeeze %dma_wait3A_95 : memref<1x80xi32, #tpu.memory_space<vmem>> -> memref<80xi32, #tpu.memory_space<vmem>>
        %dma_wait3A_97 = arith.constant 0 : i32
        %dma_wait3A_98 = arith.constant 0 : i32
        %dma_wait3A_99 = tpu.memref_slice %arg2[%dma_wait3A_97, %dma_wait3A_98] : memref<10000x64xf32, #tpu.memory_space<hbm>> -> memref<10000x64xf32, #tpu.memory_space<hbm>>
        tpu.wait_indirect_dma semaphore(%arg18 : memref<!tpu.dma_semaphore, #tpu.memory_space<semaphore_mem>>) src(%dma_wait3A_99 : memref<10000x64xf32, #tpu.memory_space<hbm>>) dst(%arg11 : memref<80x64xf32, #tpu.memory_space<vmem>>)
        %mul3A_100 = arith.constant 80 : i32
        %mul3A_101 = arith.muli %add3A_93, %mul3A_100 : i32
        %add3A_102 = arith.addi %mul3A_9, %mul3A_101 : i32
        %dma_wait3A_103 = tpu.memref_slice %arg4[%add3A_102, %mul3A_0] : memref<320000x128xf32, #tpu.memory_space<hbm>> -> memref<80x64xf32, #tpu.memory_space<hbm>>
        %dma_wait3A_104 = tpu.memref_slice %arg4[%add3A_102, %mul3A_0] : memref<320000x128xf32, #tpu.memory_space<hbm>> -> memref<80x64xf32, #tpu.memory_space<hbm>>
        tpu.wait_dma2 semaphore(%arg20 : memref<!tpu.dma_semaphore, #tpu.memory_space<semaphore_mem>>) src(%dma_wait3A_104 : memref<80x64xf32, #tpu.memory_space<hbm>>) dst(%arg13 : memref<80x64xf32, #tpu.memory_space<vmem>>)
        %scan3A_105 = arith.constant 0 : i32
        %scan3A_106 = arith.constant 0 : i32
        %scan3A_107 = arith.constant 80 : i32
        %scan3A_108 = arith.addi %scan3A_106, %scan3A_107 : i32
        %scan3A_109 = arith.constant 1 : i32
        scf.for %scan3A_118 = %scan3A_106 to %scan3A_108 step %scan3A_109  : i32 {
          %get3A = arith.index_cast %scan3A_118 : i32 to index
          %get3A_119 = arith.constant 0 : index
          %get3A_120 = tpu.vector_load %arg11[%get3A, %get3A_119] {strides = array<i32>} : memref<80x64xf32, #tpu.memory_space<vmem>>, vector<1x16xf32>,
          %get3A_121 = vector.shape_cast %get3A_120 : vector<1x16xf32> to vector<16xf32>
          %get3A_122 = arith.index_cast %scan3A_118 : i32 to index
          %get3A_123 = arith.constant 0 : index
          %get3A_124 = tpu.vector_load %arg13[%get3A_122, %get3A_123] {strides = array<i32>} : memref<80x64xf32, #tpu.memory_space<vmem>>, vector<1x16xf32>,
          %get3A_125 = vector.shape_cast %get3A_124 : vector<1x16xf32> to vector<16xf32>
          %add3A_126 = arith.addf %get3A_121, %get3A_125 : vector<16xf32>
          %max3A = arith.constant 0.000000e+00 : f32
          %max3A_127 = vector.broadcast %max3A : f32 to vector<16xf32>
          %max3A_128 = arith.maximumf %add3A_126, %max3A_127 : vector<16xf32>
          %swap3A = arith.index_cast %scan3A_118 : i32 to index
          %swap3A_129 = arith.constant 0 : index
          %swap3A_130 = tpu.vector_load %arg14[%swap3A, %swap3A_129] {strides = array<i32>} : memref<80x64xf32, #tpu.memory_space<vmem>>, vector<1x16xf32>,
          %swap3A_131 = vector.shape_cast %swap3A_130 : vector<1x16xf32> to vector<16xf32>
          %swap3A_132 = vector.shape_cast %max3A_128 : vector<16xf32> to vector<1x16xf32>
          tpu.vector_store %arg14[%swap3A, %swap3A_129], %swap3A_132 {strides = array<i32>} : memref<80x64xf32, #tpu.memory_space<vmem>>, vector<1x16xf32>,
          %get3A_133 = arith.index_cast %scan3A_118 : i32 to index
          %get3A_134 = arith.constant 16 : index
          %get3A_135 = tpu.vector_load %arg11[%get3A_133, %get3A_134] {strides = array<i32>} : memref<80x64xf32, #tpu.memory_space<vmem>>, vector<1x16xf32>,
          %get3A_136 = vector.shape_cast %get3A_135 : vector<1x16xf32> to vector<16xf32>
          %get3A_137 = arith.index_cast %scan3A_118 : i32 to index
          %get3A_138 = arith.constant 16 : index
          %get3A_139 = tpu.vector_load %arg13[%get3A_137, %get3A_138] {strides = array<i32>} : memref<80x64xf32, #tpu.memory_space<vmem>>, vector<1x16xf32>,
          %get3A_140 = vector.shape_cast %get3A_139 : vector<1x16xf32> to vector<16xf32>
          %add3A_141 = arith.addf %get3A_136, %get3A_140 : vector<16xf32>
          %max3A_142 = arith.constant 0.000000e+00 : f32
          %max3A_143 = vector.broadcast %max3A_142 : f32 to vector<16xf32>
          %max3A_144 = arith.maximumf %add3A_141, %max3A_143 : vector<16xf32>
          %swap3A_145 = arith.index_cast %scan3A_118 : i32 to index
          %swap3A_146 = arith.constant 16 : index
          %swap3A_147 = tpu.vector_load %arg14[%swap3A_145, %swap3A_146] {strides = array<i32>} : memref<80x64xf32, #tpu.memory_space<vmem>>, vector<1x16xf32>,
          %swap3A_148 = vector.shape_cast %swap3A_147 : vector<1x16xf32> to vector<16xf32>
          %swap3A_149 = vector.shape_cast %max3A_144 : vector<16xf32> to vector<1x16xf32>
          tpu.vector_store %arg14[%swap3A_145, %swap3A_146], %swap3A_149 {strides = array<i32>} : memref<80x64xf32, #tpu.memory_space<vmem>>, vector<1x16xf32>,
          %get3A_150 = arith.index_cast %scan3A_118 : i32 to index
          %get3A_151 = arith.constant 32 : index
          %get3A_152 = tpu.vector_load %arg11[%get3A_150, %get3A_151] {strides = array<i32>} : memref<80x64xf32, #tpu.memory_space<vmem>>, vector<1x16xf32>,
          %get3A_153 = vector.shape_cast %get3A_152 : vector<1x16xf32> to vector<16xf32>
          %get3A_154 = arith.index_cast %scan3A_118 : i32 to index
          %get3A_155 = arith.constant 32 : index
          %get3A_156 = tpu.vector_load %arg13[%get3A_154, %get3A_155] {strides = array<i32>} : memref<80x64xf32, #tpu.memory_space<vmem>>, vector<1x16xf32>,
          %get3A_157 = vector.shape_cast %get3A_156 : vector<1x16xf32> to vector<16xf32>
          %add3A_158 = arith.addf %get3A_153, %get3A_157 : vector<16xf32>
          %max3A_159 = arith.constant 0.000000e+00 : f32
          %max3A_160 = vector.broadcast %max3A_159 : f32 to vector<16xf32>
          %max3A_161 = arith.maximumf %add3A_158, %max3A_160 : vector<16xf32>
          %swap3A_162 = arith.index_cast %scan3A_118 : i32 to index
          %swap3A_163 = arith.constant 32 : index
          %swap3A_164 = tpu.vector_load %arg14[%swap3A_162, %swap3A_163] {strides = array<i32>} : memref<80x64xf32, #tpu.memory_space<vmem>>, vector<1x16xf32>,
          %swap3A_165 = vector.shape_cast %swap3A_164 : vector<1x16xf32> to vector<16xf32>
          %swap3A_166 = vector.shape_cast %max3A_161 : vector<16xf32> to vector<1x16xf32>
          tpu.vector_store %arg14[%swap3A_162, %swap3A_163], %swap3A_166 {strides = array<i32>} : memref<80x64xf32, #tpu.memory_space<vmem>>, vector<1x16xf32>,
          %get3A_167 = arith.index_cast %scan3A_118 : i32 to index
          %get3A_168 = arith.constant 48 : index
          %get3A_169 = tpu.vector_load %arg11[%get3A_167, %get3A_168] {strides = array<i32>} : memref<80x64xf32, #tpu.memory_space<vmem>>, vector<1x16xf32>,
          %get3A_170 = vector.shape_cast %get3A_169 : vector<1x16xf32> to vector<16xf32>
          %get3A_171 = arith.index_cast %scan3A_118 : i32 to index
          %get3A_172 = arith.constant 48 : index
          %get3A_173 = tpu.vector_load %arg13[%get3A_171, %get3A_172] {strides = array<i32>} : memref<80x64xf32, #tpu.memory_space<vmem>>, vector<1x16xf32>,
          %get3A_174 = vector.shape_cast %get3A_173 : vector<1x16xf32> to vector<16xf32>
          %add3A_175 = arith.addf %get3A_170, %get3A_174 : vector<16xf32>
          %max3A_176 = arith.constant 0.000000e+00 : f32
          %max3A_177 = vector.broadcast %max3A_176 : f32 to vector<16xf32>
          %max3A_178 = arith.maximumf %add3A_175, %max3A_177 : vector<16xf32>
          %swap3A_179 = arith.index_cast %scan3A_118 : i32 to index
          %swap3A_180 = arith.constant 48 : index
          %swap3A_181 = tpu.vector_load %arg14[%swap3A_179, %swap3A_180] {strides = array<i32>} : memref<80x64xf32, #tpu.memory_space<vmem>>, vector<1x16xf32>,
          %swap3A_182 = vector.shape_cast %swap3A_181 : vector<1x16xf32> to vector<16xf32>
          %swap3A_183 = vector.shape_cast %max3A_178 : vector<16xf32> to vector<1x16xf32>
          tpu.vector_store %arg14[%swap3A_179, %swap3A_180], %swap3A_183 {strides = array<i32>} : memref<80x64xf32, #tpu.memory_space<vmem>>, vector<1x16xf32>,
        }
        %scan3A_110 = arith.constant 80 : i32
        %add3A_111 = arith.constant 2 : i32
        %add3A_112 = arith.addi %add3A_93, %add3A_111 : i32
        %lt3A_113 = arith.constant 250 : i32
        %lt3A_114 = arith.cmpi slt, %add3A_112, %lt3A_113 : i32
        %convert_element_type3A_115 = arith.extui %lt3A_114 : i1 to i32
        %cond3A_116 = arith.constant 0 : i32
        %cond3A_117 = arith.cmpi ne, %convert_element_type3A_115, %cond3A_116 : i32
        scf.if %cond3A_117 {
          %add3A_118 = arith.constant 2 : i32
          %add3A_119 = arith.addi %add3A_93, %add3A_118 : i32
          %dma_start3A_120 = arith.constant 0 : i32
          %dma_start3A_121 = tpu.memref_slice %arg8[%add3A_119, %dma_start3A_120] : memref<250x80xi32, #tpu.memory_space<vmem>> -> memref<1x80xi32, #tpu.memory_space<vmem>>
          %dma_start3A_122 = tpu.memref_squeeze %dma_start3A_121 : memref<1x80xi32, #tpu.memory_space<vmem>> -> memref<80xi32, #tpu.memory_space<vmem>>
          %dma_start3A_123 = arith.constant 0 : i32
          %dma_start3A_124 = arith.constant 0 : i32
          %dma_start3A_125 = tpu.memref_slice %arg2[%dma_start3A_123, %dma_start3A_124] : memref<10000x64xf32, #tpu.memory_space<hbm>> -> memref<10000x64xf32, #tpu.memory_space<hbm>>
          tpu.enqueue_indirect_dma source(%dma_start3A_125 : memref<10000x64xf32, #tpu.memory_space<hbm>>) target(%arg11 : memref<80x64xf32, #tpu.memory_space<vmem>>) offsets(%dma_start3A_122 : memref<80xi32, #tpu.memory_space<vmem>>) semaphore(%arg18 : memref<!tpu.dma_semaphore, #tpu.memory_space<semaphore_mem>>)
          %mul3A_126 = arith.constant 80 : i32
          %mul3A_127 = arith.muli %add3A_119, %mul3A_126 : i32
          %add3A_128 = arith.addi %mul3A_9, %mul3A_127 : i32
          %dma_start3A_129 = tpu.memref_slice %arg4[%add3A_128, %mul3A_0] : memref<320000x128xf32, #tpu.memory_space<hbm>> -> memref<80x64xf32, #tpu.memory_space<hbm>>
          %dma_start3A_130 = tpu.memref_slice %arg4[%add3A_128, %mul3A_0] : memref<320000x128xf32, #tpu.memory_space<hbm>> -> memref<80x64xf32, #tpu.memory_space<hbm>>
          tpu.enqueue_dma source(%dma_start3A_130 : memref<80x64xf32, #tpu.memory_space<hbm>>) target(%arg13 : memref<80x64xf32, #tpu.memory_space<vmem>>) target_semaphore(%arg20 : memref<!tpu.dma_semaphore, #tpu.memory_space<semaphore_mem>>)
        } else {
        }
        "tpu.region"() ({
          %run_scoped3A = tpu.sem_alloc : memref<!tpu.dma_semaphore, #tpu.memory_space<semaphore_mem>>
          %dma_start3A_118 = arith.constant 0 : i32
          %dma_start3A_119 = tpu.memref_slice %arg9[%add3A_93, %dma_start3A_118] : memref<250x80xi32, #tpu.memory_space<vmem>> -> memref<1x80xi32, #tpu.memory_space<vmem>>
          %dma_start3A_120 = tpu.memref_squeeze %dma_start3A_119 : memref<1x80xi32, #tpu.memory_space<vmem>> -> memref<80xi32, #tpu.memory_space<vmem>>
          %dma_start3A_121 = arith.constant 0 : i32
          %dma_start3A_122 = arith.constant 0 : i32
          %dma_start3A_123 = tpu.memref_slice %arg16[%dma_start3A_121, %dma_start3A_122] : memref<10000x64xf32, #tpu.memory_space<vmem_shared>> -> memref<10000x64xf32, #tpu.memory_space<vmem_shared>>
          tpu.enqueue_indirect_dma source(%arg14 : memref<80x64xf32, #tpu.memory_space<vmem>>) target(%dma_start3A_123 : memref<10000x64xf32, #tpu.memory_space<vmem_shared>>) offsets(%dma_start3A_120 : memref<80xi32, #tpu.memory_space<vmem>>) semaphore(%run_scoped3A : memref<!tpu.dma_semaphore, #tpu.memory_space<semaphore_mem>>) {add = true}
          %dma_wait3A_124 = arith.constant 0 : i32
          %dma_wait3A_125 = tpu.memref_slice %arg9[%add3A_93, %dma_wait3A_124] : memref<250x80xi32, #tpu.memory_space<vmem>> -> memref<1x80xi32, #tpu.memory_space<vmem>>
          %dma_wait3A_126 = tpu.memref_squeeze %dma_wait3A_125 : memref<1x80xi32, #tpu.memory_space<vmem>> -> memref<80xi32, #tpu.memory_space<vmem>>
          %dma_wait3A_127 = arith.constant 0 : i32
          %dma_wait3A_128 = arith.constant 0 : i32
          %dma_wait3A_129 = tpu.memref_slice %arg16[%dma_wait3A_127, %dma_wait3A_128] : memref<10000x64xf32, #tpu.memory_space<vmem_shared>> -> memref<10000x64xf32, #tpu.memory_space<vmem_shared>>
          tpu.wait_indirect_dma semaphore(%run_scoped3A : memref<!tpu.dma_semaphore, #tpu.memory_space<semaphore_mem>>) src(%arg14 : memref<80x64xf32, #tpu.memory_space<vmem>>) dst(%dma_wait3A_129 : memref<10000x64xf32, #tpu.memory_space<vmem_shared>>)
          tpu.yield
        }) : () -> ()
      }
      %scan3A_64 = arith.constant 125 : i32
    } else {
    }
    %eq3A_22 = arith.constant 1 : i32
    %eq3A_23 = arith.cmpi eq, %arg0, %eq3A_22 : i32
    %convert_element_type3A_24 = arith.extui %eq3A_23 : i1 to i32
    %cond3A_25 = arith.constant 0 : i32
    %cond3A_26 = arith.cmpi ne, %convert_element_type3A_24, %cond3A_25 : i32
    scf.if %cond3A_26 {
      %dma_start3A = arith.constant 0 : i32
      %dma_start3A_38 = arith.constant 0 : i32
      %dma_start3A_39 = tpu.memref_slice %arg8[%dma_start3A, %dma_start3A_38] : memref<250x80xi32, #tpu.memory_space<vmem>> -> memref<1x80xi32, #tpu.memory_space<vmem>>
      %dma_start3A_40 = tpu.memref_squeeze %dma_start3A_39 : memref<1x80xi32, #tpu.memory_space<vmem>> -> memref<80xi32, #tpu.memory_space<vmem>>
      %dma_start3A_41 = arith.constant 0 : i32
      %dma_start3A_42 = arith.constant 0 : i32
      %dma_start3A_43 = tpu.memref_slice %arg3[%dma_start3A_41, %dma_start3A_42] : memref<10000x64xf32, #tpu.memory_space<hbm>> -> memref<10000x64xf32, #tpu.memory_space<hbm>>
      tpu.enqueue_indirect_dma source(%dma_start3A_43 : memref<10000x64xf32, #tpu.memory_space<hbm>>) target(%arg10 : memref<80x64xf32, #tpu.memory_space<vmem>>) offsets(%dma_start3A_40 : memref<80xi32, #tpu.memory_space<vmem>>) semaphore(%arg17 : memref<!tpu.dma_semaphore, #tpu.memory_space<semaphore_mem>>)
      %add3A_44 = arith.constant 0 : i32
      %add3A_45 = arith.addi %mul3A_9, %add3A_44 : i32
      %dma_start3A_46 = tpu.memref_slice %arg4[%add3A_45, %mul3A_0] : memref<320000x128xf32, #tpu.memory_space<hbm>> -> memref<80x64xf32, #tpu.memory_space<hbm>>
      %dma_start3A_47 = tpu.memref_slice %arg4[%add3A_45, %mul3A_0] : memref<320000x128xf32, #tpu.memory_space<hbm>> -> memref<80x64xf32, #tpu.memory_space<hbm>>
      tpu.enqueue_dma source(%dma_start3A_47 : memref<80x64xf32, #tpu.memory_space<hbm>>) target(%arg12 : memref<80x64xf32, #tpu.memory_space<vmem>>) target_semaphore(%arg19 : memref<!tpu.dma_semaphore, #tpu.memory_space<semaphore_mem>>)
      %dma_start3A_48 = arith.constant 1 : i32
      %dma_start3A_49 = arith.constant 0 : i32
      %dma_start3A_50 = tpu.memref_slice %arg8[%dma_start3A_48, %dma_start3A_49] : memref<250x80xi32, #tpu.memory_space<vmem>> -> memref<1x80xi32, #tpu.memory_space<vmem>>
      %dma_start3A_51 = tpu.memref_squeeze %dma_start3A_50 : memref<1x80xi32, #tpu.memory_space<vmem>> -> memref<80xi32, #tpu.memory_space<vmem>>
      %dma_start3A_52 = arith.constant 0 : i32
      %dma_start3A_53 = arith.constant 0 : i32
      %dma_start3A_54 = tpu.memref_slice %arg3[%dma_start3A_52, %dma_start3A_53] : memref<10000x64xf32, #tpu.memory_space<hbm>> -> memref<10000x64xf32, #tpu.memory_space<hbm>>
      tpu.enqueue_indirect_dma source(%dma_start3A_54 : memref<10000x64xf32, #tpu.memory_space<hbm>>) target(%arg11 : memref<80x64xf32, #tpu.memory_space<vmem>>) offsets(%dma_start3A_51 : memref<80xi32, #tpu.memory_space<vmem>>) semaphore(%arg18 : memref<!tpu.dma_semaphore, #tpu.memory_space<semaphore_mem>>)
      %add3A_55 = arith.constant 80 : i32
      %add3A_56 = arith.addi %mul3A_9, %add3A_55 : i32
      %dma_start3A_57 = tpu.memref_slice %arg4[%add3A_56, %mul3A_0] : memref<320000x128xf32, #tpu.memory_space<hbm>> -> memref<80x64xf32, #tpu.memory_space<hbm>>
      %dma_start3A_58 = tpu.memref_slice %arg4[%add3A_56, %mul3A_0] : memref<320000x128xf32, #tpu.memory_space<hbm>> -> memref<80x64xf32, #tpu.memory_space<hbm>>
      tpu.enqueue_dma source(%dma_start3A_58 : memref<80x64xf32, #tpu.memory_space<hbm>>) target(%arg13 : memref<80x64xf32, #tpu.memory_space<vmem>>) target_semaphore(%arg20 : memref<!tpu.dma_semaphore, #tpu.memory_space<semaphore_mem>>)
      %scan3A_59 = arith.constant 0 : i32
      %scan3A_60 = arith.constant 0 : i32
      %scan3A_61 = arith.constant 125 : i32
      %scan3A_62 = arith.addi %scan3A_60, %scan3A_61 : i32
      %scan3A_63 = arith.constant 1 : i32
      scf.for %scan3A_65 = %scan3A_60 to %scan3A_62 step %scan3A_63  : i32 {
        %mul3A_66 = arith.constant 2 : i32
        %mul3A_67 = arith.muli %scan3A_65, %mul3A_66 : i32
        %add3A_68 = arith.constant 0 : i32
        %add3A_69 = arith.addi %mul3A_67, %add3A_68 : i32
        %dma_wait3A = arith.constant 0 : i32
        %dma_wait3A_70 = tpu.memref_slice %arg8[%add3A_69, %dma_wait3A] : memref<250x80xi32, #tpu.memory_space<vmem>> -> memref<1x80xi32, #tpu.memory_space<vmem>>
        %dma_wait3A_71 = tpu.memref_squeeze %dma_wait3A_70 : memref<1x80xi32, #tpu.memory_space<vmem>> -> memref<80xi32, #tpu.memory_space<vmem>>
        %dma_wait3A_72 = arith.constant 0 : i32
        %dma_wait3A_73 = arith.constant 0 : i32
        %dma_wait3A_74 = tpu.memref_slice %arg3[%dma_wait3A_72, %dma_wait3A_73] : memref<10000x64xf32, #tpu.memory_space<hbm>> -> memref<10000x64xf32, #tpu.memory_space<hbm>>
        tpu.wait_indirect_dma semaphore(%arg17 : memref<!tpu.dma_semaphore, #tpu.memory_space<semaphore_mem>>) src(%dma_wait3A_74 : memref<10000x64xf32, #tpu.memory_space<hbm>>) dst(%arg10 : memref<80x64xf32, #tpu.memory_space<vmem>>)
        %mul3A_75 = arith.constant 80 : i32
        %mul3A_76 = arith.muli %add3A_69, %mul3A_75 : i32
        %add3A_77 = arith.addi %mul3A_9, %mul3A_76 : i32
        %dma_wait3A_78 = tpu.memref_slice %arg4[%add3A_77, %mul3A_0] : memref<320000x128xf32, #tpu.memory_space<hbm>> -> memref<80x64xf32, #tpu.memory_space<hbm>>
        %dma_wait3A_79 = tpu.memref_slice %arg4[%add3A_77, %mul3A_0] : memref<320000x128xf32, #tpu.memory_space<hbm>> -> memref<80x64xf32, #tpu.memory_space<hbm>>
        tpu.wait_dma2 semaphore(%arg19 : memref<!tpu.dma_semaphore, #tpu.memory_space<semaphore_mem>>) src(%dma_wait3A_79 : memref<80x64xf32, #tpu.memory_space<hbm>>) dst(%arg12 : memref<80x64xf32, #tpu.memory_space<vmem>>)
        %scan3A_80 = arith.constant 0 : i32
        %scan3A_81 = arith.constant 0 : i32
        %scan3A_82 = arith.constant 80 : i32
        %scan3A_83 = arith.addi %scan3A_81, %scan3A_82 : i32
        %scan3A_84 = arith.constant 1 : i32
        scf.for %scan3A_118 = %scan3A_81 to %scan3A_83 step %scan3A_84  : i32 {
          %get3A = arith.index_cast %scan3A_118 : i32 to index
          %get3A_119 = arith.constant 0 : index
          %get3A_120 = tpu.vector_load %arg10[%get3A, %get3A_119] {strides = array<i32>} : memref<80x64xf32, #tpu.memory_space<vmem>>, vector<1x16xf32>,
          %get3A_121 = vector.shape_cast %get3A_120 : vector<1x16xf32> to vector<16xf32>
          %get3A_122 = arith.index_cast %scan3A_118 : i32 to index
          %get3A_123 = arith.constant 0 : index
          %get3A_124 = tpu.vector_load %arg12[%get3A_122, %get3A_123] {strides = array<i32>} : memref<80x64xf32, #tpu.memory_space<vmem>>, vector<1x16xf32>,
          %get3A_125 = vector.shape_cast %get3A_124 : vector<1x16xf32> to vector<16xf32>
          %add3A_126 = arith.addf %get3A_121, %get3A_125 : vector<16xf32>
          %max3A = arith.constant 0.000000e+00 : f32
          %max3A_127 = vector.broadcast %max3A : f32 to vector<16xf32>
          %max3A_128 = arith.maximumf %add3A_126, %max3A_127 : vector<16xf32>
          %swap3A = arith.index_cast %scan3A_118 : i32 to index
          %swap3A_129 = arith.constant 0 : index
          %swap3A_130 = tpu.vector_load %arg14[%swap3A, %swap3A_129] {strides = array<i32>} : memref<80x64xf32, #tpu.memory_space<vmem>>, vector<1x16xf32>,
          %swap3A_131 = vector.shape_cast %swap3A_130 : vector<1x16xf32> to vector<16xf32>
          %swap3A_132 = vector.shape_cast %max3A_128 : vector<16xf32> to vector<1x16xf32>
          tpu.vector_store %arg14[%swap3A, %swap3A_129], %swap3A_132 {strides = array<i32>} : memref<80x64xf32, #tpu.memory_space<vmem>>, vector<1x16xf32>,
          %get3A_133 = arith.index_cast %scan3A_118 : i32 to index
          %get3A_134 = arith.constant 16 : index
          %get3A_135 = tpu.vector_load %arg10[%get3A_133, %get3A_134] {strides = array<i32>} : memref<80x64xf32, #tpu.memory_space<vmem>>, vector<1x16xf32>,
          %get3A_136 = vector.shape_cast %get3A_135 : vector<1x16xf32> to vector<16xf32>
          %get3A_137 = arith.index_cast %scan3A_118 : i32 to index
          %get3A_138 = arith.constant 16 : index
          %get3A_139 = tpu.vector_load %arg12[%get3A_137, %get3A_138] {strides = array<i32>} : memref<80x64xf32, #tpu.memory_space<vmem>>, vector<1x16xf32>,
          %get3A_140 = vector.shape_cast %get3A_139 : vector<1x16xf32> to vector<16xf32>
          %add3A_141 = arith.addf %get3A_136, %get3A_140 : vector<16xf32>
          %max3A_142 = arith.constant 0.000000e+00 : f32
          %max3A_143 = vector.broadcast %max3A_142 : f32 to vector<16xf32>
          %max3A_144 = arith.maximumf %add3A_141, %max3A_143 : vector<16xf32>
          %swap3A_145 = arith.index_cast %scan3A_118 : i32 to index
          %swap3A_146 = arith.constant 16 : index
          %swap3A_147 = tpu.vector_load %arg14[%swap3A_145, %swap3A_146] {strides = array<i32>} : memref<80x64xf32, #tpu.memory_space<vmem>>, vector<1x16xf32>,
          %swap3A_148 = vector.shape_cast %swap3A_147 : vector<1x16xf32> to vector<16xf32>
          %swap3A_149 = vector.shape_cast %max3A_144 : vector<16xf32> to vector<1x16xf32>
          tpu.vector_store %arg14[%swap3A_145, %swap3A_146], %swap3A_149 {strides = array<i32>} : memref<80x64xf32, #tpu.memory_space<vmem>>, vector<1x16xf32>,
          %get3A_150 = arith.index_cast %scan3A_118 : i32 to index
          %get3A_151 = arith.constant 32 : index
          %get3A_152 = tpu.vector_load %arg10[%get3A_150, %get3A_151] {strides = array<i32>} : memref<80x64xf32, #tpu.memory_space<vmem>>, vector<1x16xf32>,
          %get3A_153 = vector.shape_cast %get3A_152 : vector<1x16xf32> to vector<16xf32>
          %get3A_154 = arith.index_cast %scan3A_118 : i32 to index
          %get3A_155 = arith.constant 32 : index
          %get3A_156 = tpu.vector_load %arg12[%get3A_154, %get3A_155] {strides = array<i32>} : memref<80x64xf32, #tpu.memory_space<vmem>>, vector<1x16xf32>,
          %get3A_157 = vector.shape_cast %get3A_156 : vector<1x16xf32> to vector<16xf32>
          %add3A_158 = arith.addf %get3A_153, %get3A_157 : vector<16xf32>
          %max3A_159 = arith.constant 0.000000e+00 : f32
          %max3A_160 = vector.broadcast %max3A_159 : f32 to vector<16xf32>
          %max3A_161 = arith.maximumf %add3A_158, %max3A_160 : vector<16xf32>
          %swap3A_162 = arith.index_cast %scan3A_118 : i32 to index
          %swap3A_163 = arith.constant 32 : index
          %swap3A_164 = tpu.vector_load %arg14[%swap3A_162, %swap3A_163] {strides = array<i32>} : memref<80x64xf32, #tpu.memory_space<vmem>>, vector<1x16xf32>,
          %swap3A_165 = vector.shape_cast %swap3A_164 : vector<1x16xf32> to vector<16xf32>
          %swap3A_166 = vector.shape_cast %max3A_161 : vector<16xf32> to vector<1x16xf32>
          tpu.vector_store %arg14[%swap3A_162, %swap3A_163], %swap3A_166 {strides = array<i32>} : memref<80x64xf32, #tpu.memory_space<vmem>>, vector<1x16xf32>,
          %get3A_167 = arith.index_cast %scan3A_118 : i32 to index
          %get3A_168 = arith.constant 48 : index
          %get3A_169 = tpu.vector_load %arg10[%get3A_167, %get3A_168] {strides = array<i32>} : memref<80x64xf32, #tpu.memory_space<vmem>>, vector<1x16xf32>,
          %get3A_170 = vector.shape_cast %get3A_169 : vector<1x16xf32> to vector<16xf32>
          %get3A_171 = arith.index_cast %scan3A_118 : i32 to index
          %get3A_172 = arith.constant 48 : index
          %get3A_173 = tpu.vector_load %arg12[%get3A_171, %get3A_172] {strides = array<i32>} : memref<80x64xf32, #tpu.memory_space<vmem>>, vector<1x16xf32>,
          %get3A_174 = vector.shape_cast %get3A_173 : vector<1x16xf32> to vector<16xf32>
          %add3A_175 = arith.addf %get3A_170, %get3A_174 : vector<16xf32>
          %max3A_176 = arith.constant 0.000000e+00 : f32
          %max3A_177 = vector.broadcast %max3A_176 : f32 to vector<16xf32>
          %max3A_178 = arith.maximumf %add3A_175, %max3A_177 : vector<16xf32>
          %swap3A_179 = arith.index_cast %scan3A_118 : i32 to index
          %swap3A_180 = arith.constant 48 : index
          %swap3A_181 = tpu.vector_load %arg14[%swap3A_179, %swap3A_180] {strides = array<i32>} : memref<80x64xf32, #tpu.memory_space<vmem>>, vector<1x16xf32>,
          %swap3A_182 = vector.shape_cast %swap3A_181 : vector<1x16xf32> to vector<16xf32>
          %swap3A_183 = vector.shape_cast %max3A_178 : vector<16xf32> to vector<1x16xf32>
          tpu.vector_store %arg14[%swap3A_179, %swap3A_180], %swap3A_183 {strides = array<i32>} : memref<80x64xf32, #tpu.memory_space<vmem>>, vector<1x16xf32>,
        }
        %scan3A_85 = arith.constant 80 : i32
        %add3A_86 = arith.constant 2 : i32
        %add3A_87 = arith.addi %add3A_69, %add3A_86 : i32
        %lt3A = arith.constant 250 : i32
        %lt3A_88 = arith.cmpi slt, %add3A_87, %lt3A : i32
        %convert_element_type3A_89 = arith.extui %lt3A_88 : i1 to i32
        %cond3A_90 = arith.constant 0 : i32
        %cond3A_91 = arith.cmpi ne, %convert_element_type3A_89, %cond3A_90 : i32
        scf.if %cond3A_91 {
          %add3A_118 = arith.constant 2 : i32
          %add3A_119 = arith.addi %add3A_69, %add3A_118 : i32
          %dma_start3A_120 = arith.constant 0 : i32
          %dma_start3A_121 = tpu.memref_slice %arg8[%add3A_119, %dma_start3A_120] : memref<250x80xi32, #tpu.memory_space<vmem>> -> memref<1x80xi32, #tpu.memory_space<vmem>>
          %dma_start3A_122 = tpu.memref_squeeze %dma_start3A_121 : memref<1x80xi32, #tpu.memory_space<vmem>> -> memref<80xi32, #tpu.memory_space<vmem>>
          %dma_start3A_123 = arith.constant 0 : i32
          %dma_start3A_124 = arith.constant 0 : i32
          %dma_start3A_125 = tpu.memref_slice %arg3[%dma_start3A_123, %dma_start3A_124] : memref<10000x64xf32, #tpu.memory_space<hbm>> -> memref<10000x64xf32, #tpu.memory_space<hbm>>
          tpu.enqueue_indirect_dma source(%dma_start3A_125 : memref<10000x64xf32, #tpu.memory_space<hbm>>) target(%arg10 : memref<80x64xf32, #tpu.memory_space<vmem>>) offsets(%dma_start3A_122 : memref<80xi32, #tpu.memory_space<vmem>>) semaphore(%arg17 : memref<!tpu.dma_semaphore, #tpu.memory_space<semaphore_mem>>)
          %mul3A_126 = arith.constant 80 : i32
          %mul3A_127 = arith.muli %add3A_119, %mul3A_126 : i32
          %add3A_128 = arith.addi %mul3A_9, %mul3A_127 : i32
          %dma_start3A_129 = tpu.memref_slice %arg4[%add3A_128, %mul3A_0] : memref<320000x128xf32, #tpu.memory_space<hbm>> -> memref<80x64xf32, #tpu.memory_space<hbm>>
          %dma_start3A_130 = tpu.memref_slice %arg4[%add3A_128, %mul3A_0] : memref<320000x128xf32, #tpu.memory_space<hbm>> -> memref<80x64xf32, #tpu.memory_space<hbm>>
          tpu.enqueue_dma source(%dma_start3A_130 : memref<80x64xf32, #tpu.memory_space<hbm>>) target(%arg12 : memref<80x64xf32, #tpu.memory_space<vmem>>) target_semaphore(%arg19 : memref<!tpu.dma_semaphore, #tpu.memory_space<semaphore_mem>>)
        } else {
        }
        "tpu.region"() ({
          %run_scoped3A = tpu.sem_alloc : memref<!tpu.dma_semaphore, #tpu.memory_space<semaphore_mem>>
          %dma_start3A_118 = arith.constant 0 : i32
          %dma_start3A_119 = tpu.memref_slice %arg9[%add3A_69, %dma_start3A_118] : memref<250x80xi32, #tpu.memory_space<vmem>> -> memref<1x80xi32, #tpu.memory_space<vmem>>
          %dma_start3A_120 = tpu.memref_squeeze %dma_start3A_119 : memref<1x80xi32, #tpu.memory_space<vmem>> -> memref<80xi32, #tpu.memory_space<vmem>>
          %dma_start3A_121 = arith.constant 0 : i32
          %dma_start3A_122 = arith.constant 0 : i32
          %dma_start3A_123 = tpu.memref_slice %arg16[%dma_start3A_121, %dma_start3A_122] : memref<10000x64xf32, #tpu.memory_space<vmem_shared>> -> memref<10000x64xf32, #tpu.memory_space<vmem_shared>>
          tpu.enqueue_indirect_dma source(%arg14 : memref<80x64xf32, #tpu.memory_space<vmem>>) target(%dma_start3A_123 : memref<10000x64xf32, #tpu.memory_space<vmem_shared>>) offsets(%dma_start3A_120 : memref<80xi32, #tpu.memory_space<vmem>>) semaphore(%run_scoped3A : memref<!tpu.dma_semaphore, #tpu.memory_space<semaphore_mem>>) {add = true}
          %dma_wait3A_124 = arith.constant 0 : i32
          %dma_wait3A_125 = tpu.memref_slice %arg9[%add3A_69, %dma_wait3A_124] : memref<250x80xi32, #tpu.memory_space<vmem>> -> memref<1x80xi32, #tpu.memory_space<vmem>>
          %dma_wait3A_126 = tpu.memref_squeeze %dma_wait3A_125 : memref<1x80xi32, #tpu.memory_space<vmem>> -> memref<80xi32, #tpu.memory_space<vmem>>
          %dma_wait3A_127 = arith.constant 0 : i32
          %dma_wait3A_128 = arith.constant 0 : i32
          %dma_wait3A_129 = tpu.memref_slice %arg16[%dma_wait3A_127, %dma_wait3A_128] : memref<10000x64xf32, #tpu.memory_space<vmem_shared>> -> memref<10000x64xf32, #tpu.memory_space<vmem_shared>>
          tpu.wait_indirect_dma semaphore(%run_scoped3A : memref<!tpu.dma_semaphore, #tpu.memory_space<semaphore_mem>>) src(%arg14 : memref<80x64xf32, #tpu.memory_space<vmem>>) dst(%dma_wait3A_129 : memref<10000x64xf32, #tpu.memory_space<vmem_shared>>)
          tpu.yield
        }) : () -> ()
        %add3A_92 = arith.constant 1 : i32
        %add3A_93 = arith.addi %mul3A_67, %add3A_92 : i32
        %dma_wait3A_94 = arith.constant 0 : i32
        %dma_wait3A_95 = tpu.memref_slice %arg8[%add3A_93, %dma_wait3A_94] : memref<250x80xi32, #tpu.memory_space<vmem>> -> memref<1x80xi32, #tpu.memory_space<vmem>>
        %dma_wait3A_96 = tpu.memref_squeeze %dma_wait3A_95 : memref<1x80xi32, #tpu.memory_space<vmem>> -> memref<80xi32, #tpu.memory_space<vmem>>
        %dma_wait3A_97 = arith.constant 0 : i32
        %dma_wait3A_98 = arith.constant 0 : i32
        %dma_wait3A_99 = tpu.memref_slice %arg3[%dma_wait3A_97, %dma_wait3A_98] : memref<10000x64xf32, #tpu.memory_space<hbm>> -> memref<10000x64xf32, #tpu.memory_space<hbm>>
        tpu.wait_indirect_dma semaphore(%arg18 : memref<!tpu.dma_semaphore, #tpu.memory_space<semaphore_mem>>) src(%dma_wait3A_99 : memref<10000x64xf32, #tpu.memory_space<hbm>>) dst(%arg11 : memref<80x64xf32, #tpu.memory_space<vmem>>)
        %mul3A_100 = arith.constant 80 : i32
        %mul3A_101 = arith.muli %add3A_93, %mul3A_100 : i32
        %add3A_102 = arith.addi %mul3A_9, %mul3A_101 : i32
        %dma_wait3A_103 = tpu.memref_slice %arg4[%add3A_102, %mul3A_0] : memref<320000x128xf32, #tpu.memory_space<hbm>> -> memref<80x64xf32, #tpu.memory_space<hbm>>
        %dma_wait3A_104 = tpu.memref_slice %arg4[%add3A_102, %mul3A_0] : memref<320000x128xf32, #tpu.memory_space<hbm>> -> memref<80x64xf32, #tpu.memory_space<hbm>>
        tpu.wait_dma2 semaphore(%arg20 : memref<!tpu.dma_semaphore, #tpu.memory_space<semaphore_mem>>) src(%dma_wait3A_104 : memref<80x64xf32, #tpu.memory_space<hbm>>) dst(%arg13 : memref<80x64xf32, #tpu.memory_space<vmem>>)
        %scan3A_105 = arith.constant 0 : i32
        %scan3A_106 = arith.constant 0 : i32
        %scan3A_107 = arith.constant 80 : i32
        %scan3A_108 = arith.addi %scan3A_106, %scan3A_107 : i32
        %scan3A_109 = arith.constant 1 : i32
        scf.for %scan3A_118 = %scan3A_106 to %scan3A_108 step %scan3A_109  : i32 {
          %get3A = arith.index_cast %scan3A_118 : i32 to index
          %get3A_119 = arith.constant 0 : index
          %get3A_120 = tpu.vector_load %arg11[%get3A, %get3A_119] {strides = array<i32>} : memref<80x64xf32, #tpu.memory_space<vmem>>, vector<1x16xf32>,
          %get3A_121 = vector.shape_cast %get3A_120 : vector<1x16xf32> to vector<16xf32>
          %get3A_122 = arith.index_cast %scan3A_118 : i32 to index
          %get3A_123 = arith.constant 0 : index
          %get3A_124 = tpu.vector_load %arg13[%get3A_122, %get3A_123] {strides = array<i32>} : memref<80x64xf32, #tpu.memory_space<vmem>>, vector<1x16xf32>,
          %get3A_125 = vector.shape_cast %get3A_124 : vector<1x16xf32> to vector<16xf32>
          %add3A_126 = arith.addf %get3A_121, %get3A_125 : vector<16xf32>
          %max3A = arith.constant 0.000000e+00 : f32
          %max3A_127 = vector.broadcast %max3A : f32 to vector<16xf32>
          %max3A_128 = arith.maximumf %add3A_126, %max3A_127 : vector<16xf32>
          %swap3A = arith.index_cast %scan3A_118 : i32 to index
          %swap3A_129 = arith.constant 0 : index
          %swap3A_130 = tpu.vector_load %arg14[%swap3A, %swap3A_129] {strides = array<i32>} : memref<80x64xf32, #tpu.memory_space<vmem>>, vector<1x16xf32>,
          %swap3A_131 = vector.shape_cast %swap3A_130 : vector<1x16xf32> to vector<16xf32>
          %swap3A_132 = vector.shape_cast %max3A_128 : vector<16xf32> to vector<1x16xf32>
          tpu.vector_store %arg14[%swap3A, %swap3A_129], %swap3A_132 {strides = array<i32>} : memref<80x64xf32, #tpu.memory_space<vmem>>, vector<1x16xf32>,
          %get3A_133 = arith.index_cast %scan3A_118 : i32 to index
          %get3A_134 = arith.constant 16 : index
          %get3A_135 = tpu.vector_load %arg11[%get3A_133, %get3A_134] {strides = array<i32>} : memref<80x64xf32, #tpu.memory_space<vmem>>, vector<1x16xf32>,
          %get3A_136 = vector.shape_cast %get3A_135 : vector<1x16xf32> to vector<16xf32>
          %get3A_137 = arith.index_cast %scan3A_118 : i32 to index
          %get3A_138 = arith.constant 16 : index
          %get3A_139 = tpu.vector_load %arg13[%get3A_137, %get3A_138] {strides = array<i32>} : memref<80x64xf32, #tpu.memory_space<vmem>>, vector<1x16xf32>,
          %get3A_140 = vector.shape_cast %get3A_139 : vector<1x16xf32> to vector<16xf32>
          %add3A_141 = arith.addf %get3A_136, %get3A_140 : vector<16xf32>
          %max3A_142 = arith.constant 0.000000e+00 : f32
          %max3A_143 = vector.broadcast %max3A_142 : f32 to vector<16xf32>
          %max3A_144 = arith.maximumf %add3A_141, %max3A_143 : vector<16xf32>
          %swap3A_145 = arith.index_cast %scan3A_118 : i32 to index
          %swap3A_146 = arith.constant 16 : index
          %swap3A_147 = tpu.vector_load %arg14[%swap3A_145, %swap3A_146] {strides = array<i32>} : memref<80x64xf32, #tpu.memory_space<vmem>>, vector<1x16xf32>,
          %swap3A_148 = vector.shape_cast %swap3A_147 : vector<1x16xf32> to vector<16xf32>
          %swap3A_149 = vector.shape_cast %max3A_144 : vector<16xf32> to vector<1x16xf32>
          tpu.vector_store %arg14[%swap3A_145, %swap3A_146], %swap3A_149 {strides = array<i32>} : memref<80x64xf32, #tpu.memory_space<vmem>>, vector<1x16xf32>,
          %get3A_150 = arith.index_cast %scan3A_118 : i32 to index
          %get3A_151 = arith.constant 32 : index
          %get3A_152 = tpu.vector_load %arg11[%get3A_150, %get3A_151] {strides = array<i32>} : memref<80x64xf32, #tpu.memory_space<vmem>>, vector<1x16xf32>,
          %get3A_153 = vector.shape_cast %get3A_152 : vector<1x16xf32> to vector<16xf32>
          %get3A_154 = arith.index_cast %scan3A_118 : i32 to index
          %get3A_155 = arith.constant 32 : index
          %get3A_156 = tpu.vector_load %arg13[%get3A_154, %get3A_155] {strides = array<i32>} : memref<80x64xf32, #tpu.memory_space<vmem>>, vector<1x16xf32>,
          %get3A_157 = vector.shape_cast %get3A_156 : vector<1x16xf32> to vector<16xf32>
          %add3A_158 = arith.addf %get3A_153, %get3A_157 : vector<16xf32>
          %max3A_159 = arith.constant 0.000000e+00 : f32
          %max3A_160 = vector.broadcast %max3A_159 : f32 to vector<16xf32>
          %max3A_161 = arith.maximumf %add3A_158, %max3A_160 : vector<16xf32>
          %swap3A_162 = arith.index_cast %scan3A_118 : i32 to index
          %swap3A_163 = arith.constant 32 : index
          %swap3A_164 = tpu.vector_load %arg14[%swap3A_162, %swap3A_163] {strides = array<i32>} : memref<80x64xf32, #tpu.memory_space<vmem>>, vector<1x16xf32>,
          %swap3A_165 = vector.shape_cast %swap3A_164 : vector<1x16xf32> to vector<16xf32>
          %swap3A_166 = vector.shape_cast %max3A_161 : vector<16xf32> to vector<1x16xf32>
          tpu.vector_store %arg14[%swap3A_162, %swap3A_163], %swap3A_166 {strides = array<i32>} : memref<80x64xf32, #tpu.memory_space<vmem>>, vector<1x16xf32>,
          %get3A_167 = arith.index_cast %scan3A_118 : i32 to index
          %get3A_168 = arith.constant 48 : index
          %get3A_169 = tpu.vector_load %arg11[%get3A_167, %get3A_168] {strides = array<i32>} : memref<80x64xf32, #tpu.memory_space<vmem>>, vector<1x16xf32>,
          %get3A_170 = vector.shape_cast %get3A_169 : vector<1x16xf32> to vector<16xf32>
          %get3A_171 = arith.index_cast %scan3A_118 : i32 to index
          %get3A_172 = arith.constant 48 : index
          %get3A_173 = tpu.vector_load %arg13[%get3A_171, %get3A_172] {strides = array<i32>} : memref<80x64xf32, #tpu.memory_space<vmem>>, vector<1x16xf32>,
          %get3A_174 = vector.shape_cast %get3A_173 : vector<1x16xf32> to vector<16xf32>
          %add3A_175 = arith.addf %get3A_170, %get3A_174 : vector<16xf32>
          %max3A_176 = arith.constant 0.000000e+00 : f32
          %max3A_177 = vector.broadcast %max3A_176 : f32 to vector<16xf32>
          %max3A_178 = arith.maximumf %add3A_175, %max3A_177 : vector<16xf32>
          %swap3A_179 = arith.index_cast %scan3A_118 : i32 to index
          %swap3A_180 = arith.constant 48 : index
          %swap3A_181 = tpu.vector_load %arg14[%swap3A_179, %swap3A_180] {strides = array<i32>} : memref<80x64xf32, #tpu.memory_space<vmem>>, vector<1x16xf32>,
          %swap3A_182 = vector.shape_cast %swap3A_181 : vector<1x16xf32> to vector<16xf32>
          %swap3A_183 = vector.shape_cast %max3A_178 : vector<16xf32> to vector<1x16xf32>
          tpu.vector_store %arg14[%swap3A_179, %swap3A_180], %swap3A_183 {strides = array<i32>} : memref<80x64xf32, #tpu.memory_space<vmem>>, vector<1x16xf32>,
        }
        %scan3A_110 = arith.constant 80 : i32
        %add3A_111 = arith.constant 2 : i32
        %add3A_112 = arith.addi %add3A_93, %add3A_111 : i32
        %lt3A_113 = arith.constant 250 : i32
        %lt3A_114 = arith.cmpi slt, %add3A_112, %lt3A_113 : i32
        %convert_element_type3A_115 = arith.extui %lt3A_114 : i1 to i32
        %cond3A_116 = arith.constant 0 : i32
        %cond3A_117 = arith.cmpi ne, %convert_element_type3A_115, %cond3A_116 : i32
        scf.if %cond3A_117 {
          %add3A_118 = arith.constant 2 : i32
          %add3A_119 = arith.addi %add3A_93, %add3A_118 : i32
          %dma_start3A_120 = arith.constant 0 : i32
          %dma_start3A_121 = tpu.memref_slice %arg8[%add3A_119, %dma_start3A_120] : memref<250x80xi32, #tpu.memory_space<vmem>> -> memref<1x80xi32, #tpu.memory_space<vmem>>
          %dma_start3A_122 = tpu.memref_squeeze %dma_start3A_121 : memref<1x80xi32, #tpu.memory_space<vmem>> -> memref<80xi32, #tpu.memory_space<vmem>>
          %dma_start3A_123 = arith.constant 0 : i32
          %dma_start3A_124 = arith.constant 0 : i32
          %dma_start3A_125 = tpu.memref_slice %arg3[%dma_start3A_123, %dma_start3A_124] : memref<10000x64xf32, #tpu.memory_space<hbm>> -> memref<10000x64xf32, #tpu.memory_space<hbm>>
          tpu.enqueue_indirect_dma source(%dma_start3A_125 : memref<10000x64xf32, #tpu.memory_space<hbm>>) target(%arg11 : memref<80x64xf32, #tpu.memory_space<vmem>>) offsets(%dma_start3A_122 : memref<80xi32, #tpu.memory_space<vmem>>) semaphore(%arg18 : memref<!tpu.dma_semaphore, #tpu.memory_space<semaphore_mem>>)
          %mul3A_126 = arith.constant 80 : i32
          %mul3A_127 = arith.muli %add3A_119, %mul3A_126 : i32
          %add3A_128 = arith.addi %mul3A_9, %mul3A_127 : i32
          %dma_start3A_129 = tpu.memref_slice %arg4[%add3A_128, %mul3A_0] : memref<320000x128xf32, #tpu.memory_space<hbm>> -> memref<80x64xf32, #tpu.memory_space<hbm>>
          %dma_start3A_130 = tpu.memref_slice %arg4[%add3A_128, %mul3A_0] : memref<320000x128xf32, #tpu.memory_space<hbm>> -> memref<80x64xf32, #tpu.memory_space<hbm>>
          tpu.enqueue_dma source(%dma_start3A_130 : memref<80x64xf32, #tpu.memory_space<hbm>>) target(%arg13 : memref<80x64xf32, #tpu.memory_space<vmem>>) target_semaphore(%arg20 : memref<!tpu.dma_semaphore, #tpu.memory_space<semaphore_mem>>)
        } else {
        }
        "tpu.region"() ({
          %run_scoped3A = tpu.sem_alloc : memref<!tpu.dma_semaphore, #tpu.memory_space<semaphore_mem>>
          %dma_start3A_118 = arith.constant 0 : i32
          %dma_start3A_119 = tpu.memref_slice %arg9[%add3A_93, %dma_start3A_118] : memref<250x80xi32, #tpu.memory_space<vmem>> -> memref<1x80xi32, #tpu.memory_space<vmem>>
          %dma_start3A_120 = tpu.memref_squeeze %dma_start3A_119 : memref<1x80xi32, #tpu.memory_space<vmem>> -> memref<80xi32, #tpu.memory_space<vmem>>
          %dma_start3A_121 = arith.constant 0 : i32
          %dma_start3A_122 = arith.constant 0 : i32
          %dma_start3A_123 = tpu.memref_slice %arg16[%dma_start3A_121, %dma_start3A_122] : memref<10000x64xf32, #tpu.memory_space<vmem_shared>> -> memref<10000x64xf32, #tpu.memory_space<vmem_shared>>
          tpu.enqueue_indirect_dma source(%arg14 : memref<80x64xf32, #tpu.memory_space<vmem>>) target(%dma_start3A_123 : memref<10000x64xf32, #tpu.memory_space<vmem_shared>>) offsets(%dma_start3A_120 : memref<80xi32, #tpu.memory_space<vmem>>) semaphore(%run_scoped3A : memref<!tpu.dma_semaphore, #tpu.memory_space<semaphore_mem>>) {add = true}
          %dma_wait3A_124 = arith.constant 0 : i32
          %dma_wait3A_125 = tpu.memref_slice %arg9[%add3A_93, %dma_wait3A_124] : memref<250x80xi32, #tpu.memory_space<vmem>> -> memref<1x80xi32, #tpu.memory_space<vmem>>
          %dma_wait3A_126 = tpu.memref_squeeze %dma_wait3A_125 : memref<1x80xi32, #tpu.memory_space<vmem>> -> memref<80xi32, #tpu.memory_space<vmem>>
          %dma_wait3A_127 = arith.constant 0 : i32
          %dma_wait3A_128 = arith.constant 0 : i32
          %dma_wait3A_129 = tpu.memref_slice %arg16[%dma_wait3A_127, %dma_wait3A_128] : memref<10000x64xf32, #tpu.memory_space<vmem_shared>> -> memref<10000x64xf32, #tpu.memory_space<vmem_shared>>
          tpu.wait_indirect_dma semaphore(%run_scoped3A : memref<!tpu.dma_semaphore, #tpu.memory_space<semaphore_mem>>) src(%arg14 : memref<80x64xf32, #tpu.memory_space<vmem>>) dst(%dma_wait3A_129 : memref<10000x64xf32, #tpu.memory_space<vmem_shared>>)
          tpu.yield
        }) : () -> ()
      }
      %scan3A_64 = arith.constant 125 : i32
    } else {
    }
    %barrier3A_27 = arith.constant 0 : index
    tpu.barrier barrier_id(%barrier3A_27)
    %add3A_28 = arith.constant 0 : i32
    %add3A_29 = arith.addi %add3A_28, %arg0 : i32
    %mul3A_30 = arith.constant 10000 : i32
    %mul3A_31 = arith.muli %add3A_29, %mul3A_30 : i32
    %add3A_32 = arith.addi %mul3A_31, %mul3A_2 : i32
    "tpu.region"() ({
      %run_scoped3A = tpu.sem_alloc : memref<!tpu.dma_semaphore, #tpu.memory_space<semaphore_mem>>
      %dma_start3A = arith.constant 0 : i32
      %dma_start3A_38 = tpu.memref_slice %arg7[%add3A_32, %dma_start3A] : memref<20000x64xf32, #tpu.memory_space<hbm>> -> memref<624x64xf32, #tpu.memory_space<hbm>>
      %dma_start3A_39 = arith.constant 0 : i32
      %dma_start3A_40 = tpu.memref_slice %arg16[%mul3A_2, %dma_start3A_39] : memref<10000x64xf32, #tpu.memory_space<vmem_shared>> -> memref<624x64xf32, #tpu.memory_space<vmem_shared>>
      tpu.enqueue_dma source(%dma_start3A_40 : memref<624x64xf32, #tpu.memory_space<vmem_shared>>) target(%dma_start3A_38 : memref<624x64xf32, #tpu.memory_space<hbm>>) target_semaphore(%run_scoped3A : memref<!tpu.dma_semaphore, #tpu.memory_space<semaphore_mem>>)
      %dma_wait3A = arith.constant 0 : i32
      %dma_wait3A_41 = tpu.memref_slice %arg7[%add3A_32, %dma_wait3A] : memref<20000x64xf32, #tpu.memory_space<hbm>> -> memref<624x64xf32, #tpu.memory_space<hbm>>
      %dma_wait3A_42 = arith.constant 0 : i32
      %dma_wait3A_43 = tpu.memref_slice %arg16[%mul3A_2, %dma_wait3A_42] : memref<10000x64xf32, #tpu.memory_space<vmem_shared>> -> memref<624x64xf32, #tpu.memory_space<vmem_shared>>
      tpu.wait_dma2 semaphore(%run_scoped3A : memref<!tpu.dma_semaphore, #tpu.memory_space<semaphore_mem>>) src(%dma_wait3A_43 : memref<624x64xf32, #tpu.memory_space<vmem_shared>>) dst(%dma_wait3A_41 : memref<624x64xf32, #tpu.memory_space<hbm>>)
      tpu.yield
    }) : () -> ()
    %eq3A_33 = arith.constant 0 : i32
    %eq3A_34 = arith.cmpi eq, %arg1, %eq3A_33 : i32
    %convert_element_type3A_35 = arith.extui %eq3A_34 : i1 to i32
    %cond3A_36 = arith.constant 0 : i32
    %cond3A_37 = arith.cmpi ne, %convert_element_type3A_35, %cond3A_36 : i32
    scf.if %cond3A_37 {
      %add3A_38 = arith.constant 9984 : i32
      %add3A_39 = arith.addi %mul3A_31, %add3A_38 : i32
      "tpu.region"() ({
        %run_scoped3A = tpu.sem_alloc : memref<!tpu.dma_semaphore, #tpu.memory_space<semaphore_mem>>
        %dma_start3A = arith.constant 0 : i32
        %dma_start3A_40 = tpu.memref_slice %arg7[%add3A_39, %dma_start3A] : memref<20000x64xf32, #tpu.memory_space<hbm>> -> memref<16x64xf32, #tpu.memory_space<hbm>>
        %dma_start3A_41 = arith.constant 9984 : i32
        %dma_start3A_42 = arith.constant 0 : i32
        %dma_start3A_43 = tpu.memref_slice %arg16[%dma_start3A_41, %dma_start3A_42] : memref<10000x64xf32, #tpu.memory_space<vmem_shared>> -> memref<16x64xf32, #tpu.memory_space<vmem_shared>>
        tpu.enqueue_dma source(%dma_start3A_43 : memref<16x64xf32, #tpu.memory_space<vmem_shared>>) target(%dma_start3A_40 : memref<16x64xf32, #tpu.memory_space<hbm>>) target_semaphore(%run_scoped3A : memref<!tpu.dma_semaphore, #tpu.memory_space<semaphore_mem>>)
        %dma_wait3A = arith.constant 0 : i32
        %dma_wait3A_44 = tpu.memref_slice %arg7[%add3A_39, %dma_wait3A] : memref<20000x64xf32, #tpu.memory_space<hbm>> -> memref<16x64xf32, #tpu.memory_space<hbm>>
        %dma_wait3A_45 = arith.constant 9984 : i32
        %dma_wait3A_46 = arith.constant 0 : i32
        %dma_wait3A_47 = tpu.memref_slice %arg16[%dma_wait3A_45, %dma_wait3A_46] : memref<10000x64xf32, #tpu.memory_space<vmem_shared>> -> memref<16x64xf32, #tpu.memory_space<vmem_shared>>
        tpu.wait_dma2 semaphore(%run_scoped3A : memref<!tpu.dma_semaphore, #tpu.memory_space<semaphore_mem>>) src(%dma_wait3A_47 : memref<16x64xf32, #tpu.memory_space<vmem_shared>>) dst(%dma_wait3A_44 : memref<16x64xf32, #tpu.memory_space<hbm>>)
        tpu.yield
      }) : () -> ()
    } else {
    }
    return
  }
}

#map = affine_map<(d0, d1) -> (0, 0)>
#map1 = affine_map<(d0, d1) -> (0, 0, 0)>
module attributes {stable_mosaic.version = 14 : i64} {
  func.func @k(%arg0: i32, %arg1: i32, %arg2: memref<10000x64xf32, #tpu.memory_space<hbm>>, %arg3: memref<10000x64xf32, #tpu.memory_space<hbm>>, %arg4: memref<320000x128xf32, #tpu.memory_space<hbm>>, %arg5: memref<10000x64xf32, #tpu.memory_space<hbm>>, %arg6: memref<10000x64xf32, #tpu.memory_space<hbm>>, %arg7: memref<320000x128xf32, #tpu.memory_space<hbm>>, %arg8: memref<16x250x80xi32, #tpu.memory_space<hbm>>, %arg9: memref<16x250x80xi32, #tpu.memory_space<hbm>>, %arg10: memref<40000x64xf32, #tpu.memory_space<hbm>>, %arg11: memref<250x80xi32, #tpu.memory_space<vmem>>, %arg12: memref<250x80xi32, #tpu.memory_space<vmem>>, %arg13: memref<80x64xf32, #tpu.memory_space<vmem>>, %arg14: memref<80x64xf32, #tpu.memory_space<vmem>>, %arg15: memref<80x64xf32, #tpu.memory_space<vmem>>, %arg16: memref<80x64xf32, #tpu.memory_space<vmem>>, %arg17: memref<80x64xf32, #tpu.memory_space<vmem>>, %arg18: memref<208x64xf32, #tpu.memory_space<vmem>>, %arg19: memref<10000x64xf32, #tpu.memory_space<vmem_shared>>, %arg20: memref<!tpu.dma_semaphore, #tpu.memory_space<semaphore_mem>>, %arg21: memref<!tpu.dma_semaphore, #tpu.memory_space<semaphore_mem>>, %arg22: memref<!tpu.dma_semaphore, #tpu.memory_space<semaphore_mem>>, %arg23: memref<!tpu.dma_semaphore, #tpu.memory_space<semaphore_mem>>) attributes {dimension_semantics = [#tpu.dimension_semantics<core_parallel>, #tpu.dimension_semantics<subcore_parallel>], iteration_bounds = array<i64: 2, 16>, scalar_prefetch = 0 : i64, scratch_operands = 13 : i64, tpu.core_type = #tpu.core_type<sc_vector_subcore>, window_params = [{transform_indices = #map}, {transform_indices = #map}, {transform_indices = #map}, {transform_indices = #map}, {transform_indices = #map}, {transform_indices = #map}, {transform_indices = #map1}, {transform_indices = #map1}, {transform_indices = #map}]} {
    %mul3A = arith.constant 64 : i32
    %mul3A_0 = arith.muli %arg0, %mul3A : i32
    %mul3A_1 = arith.constant 624 : i32
    %mul3A_2 = arith.muli %arg1, %mul3A_1 : i32
    %scan3A = arith.constant 0 : i32
    %scan3A_3 = arith.constant 0 : i32
    %scan3A_4 = arith.constant 208 : i32
    %scan3A_5 = arith.addi %scan3A_3, %scan3A_4 : i32
    %scan3A_6 = arith.constant 1 : i32
    scf.for %scan3A_71 = %scan3A_3 to %scan3A_5 step %scan3A_6  : i32 {
      %broadcast_in_dim3A = arith.constant 0.000000e+00 : f32
      %broadcast_in_dim3A_72 = vector.broadcast %broadcast_in_dim3A : f32 to vector<16xf32>
      %swap3A = arith.index_cast %scan3A_71 : i32 to index
      %swap3A_73 = arith.constant 0 : index
      %swap3A_74 = tpu.vector_load %arg18[%swap3A, %swap3A_73] {strides = array<i32>} : memref<208x64xf32, #tpu.memory_space<vmem>>, vector<1x16xf32>,
      %swap3A_75 = vector.shape_cast %swap3A_74 : vector<1x16xf32> to vector<16xf32>
      %swap3A_76 = vector.shape_cast %broadcast_in_dim3A_72 : vector<16xf32> to vector<1x16xf32>
      tpu.vector_store %arg18[%swap3A, %swap3A_73], %swap3A_76 {strides = array<i32>} : memref<208x64xf32, #tpu.memory_space<vmem>>, vector<1x16xf32>,
      %broadcast_in_dim3A_77 = arith.constant 0.000000e+00 : f32
      %broadcast_in_dim3A_78 = vector.broadcast %broadcast_in_dim3A_77 : f32 to vector<16xf32>
      %swap3A_79 = arith.index_cast %scan3A_71 : i32 to index
      %swap3A_80 = arith.constant 16 : index
      %swap3A_81 = tpu.vector_load %arg18[%swap3A_79, %swap3A_80] {strides = array<i32>} : memref<208x64xf32, #tpu.memory_space<vmem>>, vector<1x16xf32>,
      %swap3A_82 = vector.shape_cast %swap3A_81 : vector<1x16xf32> to vector<16xf32>
      %swap3A_83 = vector.shape_cast %broadcast_in_dim3A_78 : vector<16xf32> to vector<1x16xf32>
      tpu.vector_store %arg18[%swap3A_79, %swap3A_80], %swap3A_83 {strides = array<i32>} : memref<208x64xf32, #tpu.memory_space<vmem>>, vector<1x16xf32>,
      %broadcast_in_dim3A_84 = arith.constant 0.000000e+00 : f32
      %broadcast_in_dim3A_85 = vector.broadcast %broadcast_in_dim3A_84 : f32 to vector<16xf32>
      %swap3A_86 = arith.index_cast %scan3A_71 : i32 to index
      %swap3A_87 = arith.constant 32 : index
      %swap3A_88 = tpu.vector_load %arg18[%swap3A_86, %swap3A_87] {strides = array<i32>} : memref<208x64xf32, #tpu.memory_space<vmem>>, vector<1x16xf32>,
      %swap3A_89 = vector.shape_cast %swap3A_88 : vector<1x16xf32> to vector<16xf32>
      %swap3A_90 = vector.shape_cast %broadcast_in_dim3A_85 : vector<16xf32> to vector<1x16xf32>
      tpu.vector_store %arg18[%swap3A_86, %swap3A_87], %swap3A_90 {strides = array<i32>} : memref<208x64xf32, #tpu.memory_space<vmem>>, vector<1x16xf32>,
      %broadcast_in_dim3A_91 = arith.constant 0.000000e+00 : f32
      %broadcast_in_dim3A_92 = vector.broadcast %broadcast_in_dim3A_91 : f32 to vector<16xf32>
      %swap3A_93 = arith.index_cast %scan3A_71 : i32 to index
      %swap3A_94 = arith.constant 48 : index
      %swap3A_95 = tpu.vector_load %arg18[%swap3A_93, %swap3A_94] {strides = array<i32>} : memref<208x64xf32, #tpu.memory_space<vmem>>, vector<1x16xf32>,
      %swap3A_96 = vector.shape_cast %swap3A_95 : vector<1x16xf32> to vector<16xf32>
      %swap3A_97 = vector.shape_cast %broadcast_in_dim3A_92 : vector<16xf32> to vector<1x16xf32>
      tpu.vector_store %arg18[%swap3A_93, %swap3A_94], %swap3A_97 {strides = array<i32>} : memref<208x64xf32, #tpu.memory_space<vmem>>, vector<1x16xf32>,
    }
    %scan3A_7 = arith.constant 208 : i32
    "tpu.region"() ({
      %run_scoped3A = tpu.sem_alloc : memref<!tpu.dma_semaphore, #tpu.memory_space<semaphore_mem>>
      %dma_start3A = arith.constant 0 : i32
      %dma_start3A_71 = arith.constant 0 : i32
      %dma_start3A_72 = tpu.memref_slice %arg8[%arg1, %dma_start3A, %dma_start3A_71] : memref<16x250x80xi32, #tpu.memory_space<hbm>> -> memref<1x250x80xi32, #tpu.memory_space<hbm>>
      %dma_start3A_73 = tpu.memref_squeeze %dma_start3A_72 : memref<1x250x80xi32, #tpu.memory_space<hbm>> -> memref<250x80xi32, #tpu.memory_space<hbm>>
      %dma_start3A_74 = arith.constant 0 : i32
      %dma_start3A_75 = arith.constant 0 : i32
      %dma_start3A_76 = tpu.memref_slice %arg8[%arg1, %dma_start3A_74, %dma_start3A_75] : memref<16x250x80xi32, #tpu.memory_space<hbm>> -> memref<1x250x80xi32, #tpu.memory_space<hbm>>
      %dma_start3A_77 = tpu.memref_squeeze %dma_start3A_76 : memref<1x250x80xi32, #tpu.memory_space<hbm>> -> memref<250x80xi32, #tpu.memory_space<hbm>>
      tpu.enqueue_dma source(%dma_start3A_77 : memref<250x80xi32, #tpu.memory_space<hbm>>) target(%arg11 : memref<250x80xi32, #tpu.memory_space<vmem>>) target_semaphore(%run_scoped3A : memref<!tpu.dma_semaphore, #tpu.memory_space<semaphore_mem>>)
      %dma_wait3A = arith.constant 0 : i32
      %dma_wait3A_78 = arith.constant 0 : i32
      %dma_wait3A_79 = tpu.memref_slice %arg8[%arg1, %dma_wait3A, %dma_wait3A_78] : memref<16x250x80xi32, #tpu.memory_space<hbm>> -> memref<1x250x80xi32, #tpu.memory_space<hbm>>
      %dma_wait3A_80 = tpu.memref_squeeze %dma_wait3A_79 : memref<1x250x80xi32, #tpu.memory_space<hbm>> -> memref<250x80xi32, #tpu.memory_space<hbm>>
      %dma_wait3A_81 = arith.constant 0 : i32
      %dma_wait3A_82 = arith.constant 0 : i32
      %dma_wait3A_83 = tpu.memref_slice %arg8[%arg1, %dma_wait3A_81, %dma_wait3A_82] : memref<16x250x80xi32, #tpu.memory_space<hbm>> -> memref<1x250x80xi32, #tpu.memory_space<hbm>>
      %dma_wait3A_84 = tpu.memref_squeeze %dma_wait3A_83 : memref<1x250x80xi32, #tpu.memory_space<hbm>> -> memref<250x80xi32, #tpu.memory_space<hbm>>
      tpu.wait_dma2 semaphore(%run_scoped3A : memref<!tpu.dma_semaphore, #tpu.memory_space<semaphore_mem>>) src(%dma_wait3A_84 : memref<250x80xi32, #tpu.memory_space<hbm>>) dst(%arg11 : memref<250x80xi32, #tpu.memory_space<vmem>>)
      tpu.yield
    }) : () -> ()
    "tpu.region"() ({
      %run_scoped3A = tpu.sem_alloc : memref<!tpu.dma_semaphore, #tpu.memory_space<semaphore_mem>>
      %dma_start3A = arith.constant 0 : i32
      %dma_start3A_71 = arith.constant 0 : i32
      %dma_start3A_72 = tpu.memref_slice %arg9[%arg1, %dma_start3A, %dma_start3A_71] : memref<16x250x80xi32, #tpu.memory_space<hbm>> -> memref<1x250x80xi32, #tpu.memory_space<hbm>>
      %dma_start3A_73 = tpu.memref_squeeze %dma_start3A_72 : memref<1x250x80xi32, #tpu.memory_space<hbm>> -> memref<250x80xi32, #tpu.memory_space<hbm>>
      %dma_start3A_74 = arith.constant 0 : i32
      %dma_start3A_75 = arith.constant 0 : i32
      %dma_start3A_76 = tpu.memref_slice %arg9[%arg1, %dma_start3A_74, %dma_start3A_75] : memref<16x250x80xi32, #tpu.memory_space<hbm>> -> memref<1x250x80xi32, #tpu.memory_space<hbm>>
      %dma_start3A_77 = tpu.memref_squeeze %dma_start3A_76 : memref<1x250x80xi32, #tpu.memory_space<hbm>> -> memref<250x80xi32, #tpu.memory_space<hbm>>
      tpu.enqueue_dma source(%dma_start3A_77 : memref<250x80xi32, #tpu.memory_space<hbm>>) target(%arg12 : memref<250x80xi32, #tpu.memory_space<vmem>>) target_semaphore(%run_scoped3A : memref<!tpu.dma_semaphore, #tpu.memory_space<semaphore_mem>>)
      %dma_wait3A = arith.constant 0 : i32
      %dma_wait3A_78 = arith.constant 0 : i32
      %dma_wait3A_79 = tpu.memref_slice %arg9[%arg1, %dma_wait3A, %dma_wait3A_78] : memref<16x250x80xi32, #tpu.memory_space<hbm>> -> memref<1x250x80xi32, #tpu.memory_space<hbm>>
      %dma_wait3A_80 = tpu.memref_squeeze %dma_wait3A_79 : memref<1x250x80xi32, #tpu.memory_space<hbm>> -> memref<250x80xi32, #tpu.memory_space<hbm>>
      %dma_wait3A_81 = arith.constant 0 : i32
      %dma_wait3A_82 = arith.constant 0 : i32
      %dma_wait3A_83 = tpu.memref_slice %arg9[%arg1, %dma_wait3A_81, %dma_wait3A_82] : memref<16x250x80xi32, #tpu.memory_space<hbm>> -> memref<1x250x80xi32, #tpu.memory_space<hbm>>
      %dma_wait3A_84 = tpu.memref_squeeze %dma_wait3A_83 : memref<1x250x80xi32, #tpu.memory_space<hbm>> -> memref<250x80xi32, #tpu.memory_space<hbm>>
      tpu.wait_dma2 semaphore(%run_scoped3A : memref<!tpu.dma_semaphore, #tpu.memory_space<semaphore_mem>>) src(%dma_wait3A_84 : memref<250x80xi32, #tpu.memory_space<hbm>>) dst(%arg12 : memref<250x80xi32, #tpu.memory_space<vmem>>)
      tpu.yield
    }) : () -> ()
    %mul3A_8 = arith.constant 20000 : i32
    %mul3A_9 = arith.muli %arg1, %mul3A_8 : i32
    %add3A = arith.constant 0 : i32
    %add3A_10 = arith.addi %mul3A_2, %add3A : i32
    "tpu.region"() ({
      %run_scoped3A = tpu.sem_alloc : memref<!tpu.dma_semaphore, #tpu.memory_space<semaphore_mem>>
      %dma_start3A = arith.constant 0 : i32
      %dma_start3A_71 = tpu.memref_slice %arg19[%add3A_10, %dma_start3A] : memref<10000x64xf32, #tpu.memory_space<vmem_shared>> -> memref<208x64xf32, #tpu.memory_space<vmem_shared>>
      %dma_start3A_72 = arith.constant 0 : i32
      %dma_start3A_73 = tpu.memref_slice %arg19[%add3A_10, %dma_start3A_72] : memref<10000x64xf32, #tpu.memory_space<vmem_shared>> -> memref<208x64xf32, #tpu.memory_space<vmem_shared>>
      tpu.enqueue_dma source(%arg18 : memref<208x64xf32, #tpu.memory_space<vmem>>) target(%dma_start3A_73 : memref<208x64xf32, #tpu.memory_space<vmem_shared>>) target_semaphore(%run_scoped3A : memref<!tpu.dma_semaphore, #tpu.memory_space<semaphore_mem>>)
      %dma_wait3A = arith.constant 0 : i32
      %dma_wait3A_74 = tpu.memref_slice %arg19[%add3A_10, %dma_wait3A] : memref<10000x64xf32, #tpu.memory_space<vmem_shared>> -> memref<208x64xf32, #tpu.memory_space<vmem_shared>>
      %dma_wait3A_75 = arith.constant 0 : i32
      %dma_wait3A_76 = tpu.memref_slice %arg19[%add3A_10, %dma_wait3A_75] : memref<10000x64xf32, #tpu.memory_space<vmem_shared>> -> memref<208x64xf32, #tpu.memory_space<vmem_shared>>
      tpu.wait_dma2 semaphore(%run_scoped3A : memref<!tpu.dma_semaphore, #tpu.memory_space<semaphore_mem>>) src(%arg18 : memref<208x64xf32, #tpu.memory_space<vmem>>) dst(%dma_wait3A_76 : memref<208x64xf32, #tpu.memory_space<vmem_shared>>)
      tpu.yield
    }) : () -> ()
    %add3A_11 = arith.constant 208 : i32
    %add3A_12 = arith.addi %mul3A_2, %add3A_11 : i32
    "tpu.region"() ({
      %run_scoped3A = tpu.sem_alloc : memref<!tpu.dma_semaphore, #tpu.memory_space<semaphore_mem>>
      %dma_start3A = arith.constant 0 : i32
      %dma_start3A_71 = tpu.memref_slice %arg19[%add3A_12, %dma_start3A] : memref<10000x64xf32, #tpu.memory_space<vmem_shared>> -> memref<208x64xf32, #tpu.memory_space<vmem_shared>>
      %dma_start3A_72 = arith.constant 0 : i32
      %dma_start3A_73 = tpu.memref_slice %arg19[%add3A_12, %dma_start3A_72] : memref<10000x64xf32, #tpu.memory_space<vmem_shared>> -> memref<208x64xf32, #tpu.memory_space<vmem_shared>>
      tpu.enqueue_dma source(%arg18 : memref<208x64xf32, #tpu.memory_space<vmem>>) target(%dma_start3A_73 : memref<208x64xf32, #tpu.memory_space<vmem_shared>>) target_semaphore(%run_scoped3A : memref<!tpu.dma_semaphore, #tpu.memory_space<semaphore_mem>>)
      %dma_wait3A = arith.constant 0 : i32
      %dma_wait3A_74 = tpu.memref_slice %arg19[%add3A_12, %dma_wait3A] : memref<10000x64xf32, #tpu.memory_space<vmem_shared>> -> memref<208x64xf32, #tpu.memory_space<vmem_shared>>
      %dma_wait3A_75 = arith.constant 0 : i32
      %dma_wait3A_76 = tpu.memref_slice %arg19[%add3A_12, %dma_wait3A_75] : memref<10000x64xf32, #tpu.memory_space<vmem_shared>> -> memref<208x64xf32, #tpu.memory_space<vmem_shared>>
      tpu.wait_dma2 semaphore(%run_scoped3A : memref<!tpu.dma_semaphore, #tpu.memory_space<semaphore_mem>>) src(%arg18 : memref<208x64xf32, #tpu.memory_space<vmem>>) dst(%dma_wait3A_76 : memref<208x64xf32, #tpu.memory_space<vmem_shared>>)
      tpu.yield
    }) : () -> ()
    %add3A_13 = arith.constant 416 : i32
    %add3A_14 = arith.addi %mul3A_2, %add3A_13 : i32
    "tpu.region"() ({
      %run_scoped3A = tpu.sem_alloc : memref<!tpu.dma_semaphore, #tpu.memory_space<semaphore_mem>>
      %dma_start3A = arith.constant 0 : i32
      %dma_start3A_71 = tpu.memref_slice %arg19[%add3A_14, %dma_start3A] : memref<10000x64xf32, #tpu.memory_space<vmem_shared>> -> memref<208x64xf32, #tpu.memory_space<vmem_shared>>
      %dma_start3A_72 = arith.constant 0 : i32
      %dma_start3A_73 = tpu.memref_slice %arg19[%add3A_14, %dma_start3A_72] : memref<10000x64xf32, #tpu.memory_space<vmem_shared>> -> memref<208x64xf32, #tpu.memory_space<vmem_shared>>
      tpu.enqueue_dma source(%arg18 : memref<208x64xf32, #tpu.memory_space<vmem>>) target(%dma_start3A_73 : memref<208x64xf32, #tpu.memory_space<vmem_shared>>) target_semaphore(%run_scoped3A : memref<!tpu.dma_semaphore, #tpu.memory_space<semaphore_mem>>)
      %dma_wait3A = arith.constant 0 : i32
      %dma_wait3A_74 = tpu.memref_slice %arg19[%add3A_14, %dma_wait3A] : memref<10000x64xf32, #tpu.memory_space<vmem_shared>> -> memref<208x64xf32, #tpu.memory_space<vmem_shared>>
      %dma_wait3A_75 = arith.constant 0 : i32
      %dma_wait3A_76 = tpu.memref_slice %arg19[%add3A_14, %dma_wait3A_75] : memref<10000x64xf32, #tpu.memory_space<vmem_shared>> -> memref<208x64xf32, #tpu.memory_space<vmem_shared>>
      tpu.wait_dma2 semaphore(%run_scoped3A : memref<!tpu.dma_semaphore, #tpu.memory_space<semaphore_mem>>) src(%arg18 : memref<208x64xf32, #tpu.memory_space<vmem>>) dst(%dma_wait3A_76 : memref<208x64xf32, #tpu.memory_space<vmem_shared>>)
      tpu.yield
    }) : () -> ()
    %eq3A = arith.constant 0 : i32
    %eq3A_15 = arith.cmpi eq, %arg1, %eq3A : i32
    %convert_element_type3A = arith.extui %eq3A_15 : i1 to i32
    %cond3A = arith.constant 0 : i32
    %cond3A_16 = arith.cmpi ne, %convert_element_type3A, %cond3A : i32
    scf.if %cond3A_16 {
      "tpu.region"() ({
        %run_scoped3A = tpu.sem_alloc : memref<!tpu.dma_semaphore, #tpu.memory_space<semaphore_mem>>
        %dma_start3A = arith.constant 0 : i32
        %dma_start3A_71 = arith.constant 0 : i32
        %dma_start3A_72 = tpu.memref_slice %arg18[%dma_start3A, %dma_start3A_71] : memref<208x64xf32, #tpu.memory_space<vmem>> -> memref<16x64xf32, #tpu.memory_space<vmem>>
        %dma_start3A_73 = arith.constant 9984 : i32
        %dma_start3A_74 = arith.constant 0 : i32
        %dma_start3A_75 = tpu.memref_slice %arg19[%dma_start3A_73, %dma_start3A_74] : memref<10000x64xf32, #tpu.memory_space<vmem_shared>> -> memref<16x64xf32, #tpu.memory_space<vmem_shared>>
        %dma_start3A_76 = arith.constant 9984 : i32
        %dma_start3A_77 = arith.constant 0 : i32
        %dma_start3A_78 = tpu.memref_slice %arg19[%dma_start3A_76, %dma_start3A_77] : memref<10000x64xf32, #tpu.memory_space<vmem_shared>> -> memref<16x64xf32, #tpu.memory_space<vmem_shared>>
        %dma_start3A_79 = arith.constant 0 : i32
        %dma_start3A_80 = arith.constant 0 : i32
        %dma_start3A_81 = tpu.memref_slice %arg18[%dma_start3A_79, %dma_start3A_80] : memref<208x64xf32, #tpu.memory_space<vmem>> -> memref<16x64xf32, #tpu.memory_space<vmem>>
        tpu.enqueue_dma source(%dma_start3A_81 : memref<16x64xf32, #tpu.memory_space<vmem>>) target(%dma_start3A_78 : memref<16x64xf32, #tpu.memory_space<vmem_shared>>) target_semaphore(%run_scoped3A : memref<!tpu.dma_semaphore, #tpu.memory_space<semaphore_mem>>)
        %dma_wait3A = arith.constant 0 : i32
        %dma_wait3A_82 = arith.constant 0 : i32
        %dma_wait3A_83 = tpu.memref_slice %arg18[%dma_wait3A, %dma_wait3A_82] : memref<208x64xf32, #tpu.memory_space<vmem>> -> memref<16x64xf32, #tpu.memory_space<vmem>>
        %dma_wait3A_84 = arith.constant 9984 : i32
        %dma_wait3A_85 = arith.constant 0 : i32
        %dma_wait3A_86 = tpu.memref_slice %arg19[%dma_wait3A_84, %dma_wait3A_85] : memref<10000x64xf32, #tpu.memory_space<vmem_shared>> -> memref<16x64xf32, #tpu.memory_space<vmem_shared>>
        %dma_wait3A_87 = arith.constant 9984 : i32
        %dma_wait3A_88 = arith.constant 0 : i32
        %dma_wait3A_89 = tpu.memref_slice %arg19[%dma_wait3A_87, %dma_wait3A_88] : memref<10000x64xf32, #tpu.memory_space<vmem_shared>> -> memref<16x64xf32, #tpu.memory_space<vmem_shared>>
        %dma_wait3A_90 = arith.constant 0 : i32
        %dma_wait3A_91 = arith.constant 0 : i32
        %dma_wait3A_92 = tpu.memref_slice %arg18[%dma_wait3A_90, %dma_wait3A_91] : memref<208x64xf32, #tpu.memory_space<vmem>> -> memref<16x64xf32, #tpu.memory_space<vmem>>
        tpu.wait_dma2 semaphore(%run_scoped3A : memref<!tpu.dma_semaphore, #tpu.memory_space<semaphore_mem>>) src(%dma_wait3A_92 : memref<16x64xf32, #tpu.memory_space<vmem>>) dst(%dma_wait3A_89 : memref<16x64xf32, #tpu.memory_space<vmem_shared>>)
        tpu.yield
      }) : () -> ()
    } else {
    }
    %barrier3A = arith.constant 0 : index
    tpu.barrier barrier_id(%barrier3A)
    %eq3A_17 = arith.constant 0 : i32
    %eq3A_18 = arith.cmpi eq, %arg0, %eq3A_17 : i32
    %convert_element_type3A_19 = arith.extui %eq3A_18 : i1 to i32
    %cond3A_20 = arith.constant 0 : i32
    %cond3A_21 = arith.cmpi ne, %convert_element_type3A_19, %cond3A_20 : i32
    scf.if %cond3A_21 {
      %dma_start3A = arith.constant 0 : i32
      %dma_start3A_71 = arith.constant 0 : i32
      %dma_start3A_72 = tpu.memref_slice %arg11[%dma_start3A, %dma_start3A_71] : memref<250x80xi32, #tpu.memory_space<vmem>> -> memref<1x80xi32, #tpu.memory_space<vmem>>
      %dma_start3A_73 = tpu.memref_squeeze %dma_start3A_72 : memref<1x80xi32, #tpu.memory_space<vmem>> -> memref<80xi32, #tpu.memory_space<vmem>>
      %dma_start3A_74 = arith.constant 0 : i32
      %dma_start3A_75 = arith.constant 0 : i32
      %dma_start3A_76 = tpu.memref_slice %arg2[%dma_start3A_74, %dma_start3A_75] : memref<10000x64xf32, #tpu.memory_space<hbm>> -> memref<10000x64xf32, #tpu.memory_space<hbm>>
      tpu.enqueue_indirect_dma source(%dma_start3A_76 : memref<10000x64xf32, #tpu.memory_space<hbm>>) target(%arg13 : memref<80x64xf32, #tpu.memory_space<vmem>>) offsets(%dma_start3A_73 : memref<80xi32, #tpu.memory_space<vmem>>) semaphore(%arg20 : memref<!tpu.dma_semaphore, #tpu.memory_space<semaphore_mem>>)
      %add3A_77 = arith.constant 0 : i32
      %add3A_78 = arith.addi %mul3A_9, %add3A_77 : i32
      %dma_start3A_79 = tpu.memref_slice %arg4[%add3A_78, %mul3A_0] : memref<320000x128xf32, #tpu.memory_space<hbm>> -> memref<80x64xf32, #tpu.memory_space<hbm>>
      %dma_start3A_80 = tpu.memref_slice %arg4[%add3A_78, %mul3A_0] : memref<320000x128xf32, #tpu.memory_space<hbm>> -> memref<80x64xf32, #tpu.memory_space<hbm>>
      tpu.enqueue_dma source(%dma_start3A_80 : memref<80x64xf32, #tpu.memory_space<hbm>>) target(%arg15 : memref<80x64xf32, #tpu.memory_space<vmem>>) target_semaphore(%arg22 : memref<!tpu.dma_semaphore, #tpu.memory_space<semaphore_mem>>)
      %dma_start3A_81 = arith.constant 1 : i32
      %dma_start3A_82 = arith.constant 0 : i32
      %dma_start3A_83 = tpu.memref_slice %arg11[%dma_start3A_81, %dma_start3A_82] : memref<250x80xi32, #tpu.memory_space<vmem>> -> memref<1x80xi32, #tpu.memory_space<vmem>>
      %dma_start3A_84 = tpu.memref_squeeze %dma_start3A_83 : memref<1x80xi32, #tpu.memory_space<vmem>> -> memref<80xi32, #tpu.memory_space<vmem>>
      %dma_start3A_85 = arith.constant 0 : i32
      %dma_start3A_86 = arith.constant 0 : i32
      %dma_start3A_87 = tpu.memref_slice %arg2[%dma_start3A_85, %dma_start3A_86] : memref<10000x64xf32, #tpu.memory_space<hbm>> -> memref<10000x64xf32, #tpu.memory_space<hbm>>
      tpu.enqueue_indirect_dma source(%dma_start3A_87 : memref<10000x64xf32, #tpu.memory_space<hbm>>) target(%arg14 : memref<80x64xf32, #tpu.memory_space<vmem>>) offsets(%dma_start3A_84 : memref<80xi32, #tpu.memory_space<vmem>>) semaphore(%arg21 : memref<!tpu.dma_semaphore, #tpu.memory_space<semaphore_mem>>)
      %add3A_88 = arith.constant 80 : i32
      %add3A_89 = arith.addi %mul3A_9, %add3A_88 : i32
      %dma_start3A_90 = tpu.memref_slice %arg4[%add3A_89, %mul3A_0] : memref<320000x128xf32, #tpu.memory_space<hbm>> -> memref<80x64xf32, #tpu.memory_space<hbm>>
      %dma_start3A_91 = tpu.memref_slice %arg4[%add3A_89, %mul3A_0] : memref<320000x128xf32, #tpu.memory_space<hbm>> -> memref<80x64xf32, #tpu.memory_space<hbm>>
      tpu.enqueue_dma source(%dma_start3A_91 : memref<80x64xf32, #tpu.memory_space<hbm>>) target(%arg16 : memref<80x64xf32, #tpu.memory_space<vmem>>) target_semaphore(%arg23 : memref<!tpu.dma_semaphore, #tpu.memory_space<semaphore_mem>>)
      %scan3A_92 = arith.constant 0 : i32
      %scan3A_93 = arith.constant 0 : i32
      %scan3A_94 = arith.constant 125 : i32
      %scan3A_95 = arith.addi %scan3A_93, %scan3A_94 : i32
      %scan3A_96 = arith.constant 1 : i32
      scf.for %scan3A_98 = %scan3A_93 to %scan3A_95 step %scan3A_96  : i32 {
        %mul3A_99 = arith.constant 2 : i32
        %mul3A_100 = arith.muli %scan3A_98, %mul3A_99 : i32
        %add3A_101 = arith.constant 0 : i32
        %add3A_102 = arith.addi %mul3A_100, %add3A_101 : i32
        %dma_wait3A = arith.constant 0 : i32
        %dma_wait3A_103 = tpu.memref_slice %arg11[%add3A_102, %dma_wait3A] : memref<250x80xi32, #tpu.memory_space<vmem>> -> memref<1x80xi32, #tpu.memory_space<vmem>>
        %dma_wait3A_104 = tpu.memref_squeeze %dma_wait3A_103 : memref<1x80xi32, #tpu.memory_space<vmem>> -> memref<80xi32, #tpu.memory_space<vmem>>
        %dma_wait3A_105 = arith.constant 0 : i32
        %dma_wait3A_106 = arith.constant 0 : i32
        %dma_wait3A_107 = tpu.memref_slice %arg2[%dma_wait3A_105, %dma_wait3A_106] : memref<10000x64xf32, #tpu.memory_space<hbm>> -> memref<10000x64xf32, #tpu.memory_space<hbm>>
        tpu.wait_indirect_dma semaphore(%arg20 : memref<!tpu.dma_semaphore, #tpu.memory_space<semaphore_mem>>) src(%dma_wait3A_107 : memref<10000x64xf32, #tpu.memory_space<hbm>>) dst(%arg13 : memref<80x64xf32, #tpu.memory_space<vmem>>)
        %mul3A_108 = arith.constant 80 : i32
        %mul3A_109 = arith.muli %add3A_102, %mul3A_108 : i32
        %add3A_110 = arith.addi %mul3A_9, %mul3A_109 : i32
        %dma_wait3A_111 = tpu.memref_slice %arg4[%add3A_110, %mul3A_0] : memref<320000x128xf32, #tpu.memory_space<hbm>> -> memref<80x64xf32, #tpu.memory_space<hbm>>
        %dma_wait3A_112 = tpu.memref_slice %arg4[%add3A_110, %mul3A_0] : memref<320000x128xf32, #tpu.memory_space<hbm>> -> memref<80x64xf32, #tpu.memory_space<hbm>>
        tpu.wait_dma2 semaphore(%arg22 : memref<!tpu.dma_semaphore, #tpu.memory_space<semaphore_mem>>) src(%dma_wait3A_112 : memref<80x64xf32, #tpu.memory_space<hbm>>) dst(%arg15 : memref<80x64xf32, #tpu.memory_space<vmem>>)
        %scan3A_113 = arith.constant 0 : i32
        %scan3A_114 = arith.constant 0 : i32
        %scan3A_115 = arith.constant 80 : i32
        %scan3A_116 = arith.addi %scan3A_114, %scan3A_115 : i32
        %scan3A_117 = arith.constant 1 : i32
        scf.for %scan3A_151 = %scan3A_114 to %scan3A_116 step %scan3A_117  : i32 {
          %get3A = arith.index_cast %scan3A_151 : i32 to index
          %get3A_152 = arith.constant 0 : index
          %get3A_153 = tpu.vector_load %arg13[%get3A, %get3A_152] {strides = array<i32>} : memref<80x64xf32, #tpu.memory_space<vmem>>, vector<1x16xf32>,
          %get3A_154 = vector.shape_cast %get3A_153 : vector<1x16xf32> to vector<16xf32>
          %get3A_155 = arith.index_cast %scan3A_151 : i32 to index
          %get3A_156 = arith.constant 0 : index
          %get3A_157 = tpu.vector_load %arg15[%get3A_155, %get3A_156] {strides = array<i32>} : memref<80x64xf32, #tpu.memory_space<vmem>>, vector<1x16xf32>,
          %get3A_158 = vector.shape_cast %get3A_157 : vector<1x16xf32> to vector<16xf32>
          %add3A_159 = arith.addf %get3A_154, %get3A_158 : vector<16xf32>
          %max3A = arith.constant 0.000000e+00 : f32
          %max3A_160 = vector.broadcast %max3A : f32 to vector<16xf32>
          %max3A_161 = arith.maximumf %add3A_159, %max3A_160 : vector<16xf32>
          %swap3A = arith.index_cast %scan3A_151 : i32 to index
          %swap3A_162 = arith.constant 0 : index
          %swap3A_163 = tpu.vector_load %arg17[%swap3A, %swap3A_162] {strides = array<i32>} : memref<80x64xf32, #tpu.memory_space<vmem>>, vector<1x16xf32>,
          %swap3A_164 = vector.shape_cast %swap3A_163 : vector<1x16xf32> to vector<16xf32>
          %swap3A_165 = vector.shape_cast %max3A_161 : vector<16xf32> to vector<1x16xf32>
          tpu.vector_store %arg17[%swap3A, %swap3A_162], %swap3A_165 {strides = array<i32>} : memref<80x64xf32, #tpu.memory_space<vmem>>, vector<1x16xf32>,
          %get3A_166 = arith.index_cast %scan3A_151 : i32 to index
          %get3A_167 = arith.constant 16 : index
          %get3A_168 = tpu.vector_load %arg13[%get3A_166, %get3A_167] {strides = array<i32>} : memref<80x64xf32, #tpu.memory_space<vmem>>, vector<1x16xf32>,
          %get3A_169 = vector.shape_cast %get3A_168 : vector<1x16xf32> to vector<16xf32>
          %get3A_170 = arith.index_cast %scan3A_151 : i32 to index
          %get3A_171 = arith.constant 16 : index
          %get3A_172 = tpu.vector_load %arg15[%get3A_170, %get3A_171] {strides = array<i32>} : memref<80x64xf32, #tpu.memory_space<vmem>>, vector<1x16xf32>,
          %get3A_173 = vector.shape_cast %get3A_172 : vector<1x16xf32> to vector<16xf32>
          %add3A_174 = arith.addf %get3A_169, %get3A_173 : vector<16xf32>
          %max3A_175 = arith.constant 0.000000e+00 : f32
          %max3A_176 = vector.broadcast %max3A_175 : f32 to vector<16xf32>
          %max3A_177 = arith.maximumf %add3A_174, %max3A_176 : vector<16xf32>
          %swap3A_178 = arith.index_cast %scan3A_151 : i32 to index
          %swap3A_179 = arith.constant 16 : index
          %swap3A_180 = tpu.vector_load %arg17[%swap3A_178, %swap3A_179] {strides = array<i32>} : memref<80x64xf32, #tpu.memory_space<vmem>>, vector<1x16xf32>,
          %swap3A_181 = vector.shape_cast %swap3A_180 : vector<1x16xf32> to vector<16xf32>
          %swap3A_182 = vector.shape_cast %max3A_177 : vector<16xf32> to vector<1x16xf32>
          tpu.vector_store %arg17[%swap3A_178, %swap3A_179], %swap3A_182 {strides = array<i32>} : memref<80x64xf32, #tpu.memory_space<vmem>>, vector<1x16xf32>,
          %get3A_183 = arith.index_cast %scan3A_151 : i32 to index
          %get3A_184 = arith.constant 32 : index
          %get3A_185 = tpu.vector_load %arg13[%get3A_183, %get3A_184] {strides = array<i32>} : memref<80x64xf32, #tpu.memory_space<vmem>>, vector<1x16xf32>,
          %get3A_186 = vector.shape_cast %get3A_185 : vector<1x16xf32> to vector<16xf32>
          %get3A_187 = arith.index_cast %scan3A_151 : i32 to index
          %get3A_188 = arith.constant 32 : index
          %get3A_189 = tpu.vector_load %arg15[%get3A_187, %get3A_188] {strides = array<i32>} : memref<80x64xf32, #tpu.memory_space<vmem>>, vector<1x16xf32>,
          %get3A_190 = vector.shape_cast %get3A_189 : vector<1x16xf32> to vector<16xf32>
          %add3A_191 = arith.addf %get3A_186, %get3A_190 : vector<16xf32>
          %max3A_192 = arith.constant 0.000000e+00 : f32
          %max3A_193 = vector.broadcast %max3A_192 : f32 to vector<16xf32>
          %max3A_194 = arith.maximumf %add3A_191, %max3A_193 : vector<16xf32>
          %swap3A_195 = arith.index_cast %scan3A_151 : i32 to index
          %swap3A_196 = arith.constant 32 : index
          %swap3A_197 = tpu.vector_load %arg17[%swap3A_195, %swap3A_196] {strides = array<i32>} : memref<80x64xf32, #tpu.memory_space<vmem>>, vector<1x16xf32>,
          %swap3A_198 = vector.shape_cast %swap3A_197 : vector<1x16xf32> to vector<16xf32>
          %swap3A_199 = vector.shape_cast %max3A_194 : vector<16xf32> to vector<1x16xf32>
          tpu.vector_store %arg17[%swap3A_195, %swap3A_196], %swap3A_199 {strides = array<i32>} : memref<80x64xf32, #tpu.memory_space<vmem>>, vector<1x16xf32>,
          %get3A_200 = arith.index_cast %scan3A_151 : i32 to index
          %get3A_201 = arith.constant 48 : index
          %get3A_202 = tpu.vector_load %arg13[%get3A_200, %get3A_201] {strides = array<i32>} : memref<80x64xf32, #tpu.memory_space<vmem>>, vector<1x16xf32>,
          %get3A_203 = vector.shape_cast %get3A_202 : vector<1x16xf32> to vector<16xf32>
          %get3A_204 = arith.index_cast %scan3A_151 : i32 to index
          %get3A_205 = arith.constant 48 : index
          %get3A_206 = tpu.vector_load %arg15[%get3A_204, %get3A_205] {strides = array<i32>} : memref<80x64xf32, #tpu.memory_space<vmem>>, vector<1x16xf32>,
          %get3A_207 = vector.shape_cast %get3A_206 : vector<1x16xf32> to vector<16xf32>
          %add3A_208 = arith.addf %get3A_203, %get3A_207 : vector<16xf32>
          %max3A_209 = arith.constant 0.000000e+00 : f32
          %max3A_210 = vector.broadcast %max3A_209 : f32 to vector<16xf32>
          %max3A_211 = arith.maximumf %add3A_208, %max3A_210 : vector<16xf32>
          %swap3A_212 = arith.index_cast %scan3A_151 : i32 to index
          %swap3A_213 = arith.constant 48 : index
          %swap3A_214 = tpu.vector_load %arg17[%swap3A_212, %swap3A_213] {strides = array<i32>} : memref<80x64xf32, #tpu.memory_space<vmem>>, vector<1x16xf32>,
          %swap3A_215 = vector.shape_cast %swap3A_214 : vector<1x16xf32> to vector<16xf32>
          %swap3A_216 = vector.shape_cast %max3A_211 : vector<16xf32> to vector<1x16xf32>
          tpu.vector_store %arg17[%swap3A_212, %swap3A_213], %swap3A_216 {strides = array<i32>} : memref<80x64xf32, #tpu.memory_space<vmem>>, vector<1x16xf32>,
        }
        %scan3A_118 = arith.constant 80 : i32
        %add3A_119 = arith.constant 2 : i32
        %add3A_120 = arith.addi %add3A_102, %add3A_119 : i32
        %lt3A = arith.constant 250 : i32
        %lt3A_121 = arith.cmpi slt, %add3A_120, %lt3A : i32
        %convert_element_type3A_122 = arith.extui %lt3A_121 : i1 to i32
        %cond3A_123 = arith.constant 0 : i32
        %cond3A_124 = arith.cmpi ne, %convert_element_type3A_122, %cond3A_123 : i32
        scf.if %cond3A_124 {
          %add3A_151 = arith.constant 2 : i32
          %add3A_152 = arith.addi %add3A_102, %add3A_151 : i32
          %dma_start3A_153 = arith.constant 0 : i32
          %dma_start3A_154 = tpu.memref_slice %arg11[%add3A_152, %dma_start3A_153] : memref<250x80xi32, #tpu.memory_space<vmem>> -> memref<1x80xi32, #tpu.memory_space<vmem>>
          %dma_start3A_155 = tpu.memref_squeeze %dma_start3A_154 : memref<1x80xi32, #tpu.memory_space<vmem>> -> memref<80xi32, #tpu.memory_space<vmem>>
          %dma_start3A_156 = arith.constant 0 : i32
          %dma_start3A_157 = arith.constant 0 : i32
          %dma_start3A_158 = tpu.memref_slice %arg2[%dma_start3A_156, %dma_start3A_157] : memref<10000x64xf32, #tpu.memory_space<hbm>> -> memref<10000x64xf32, #tpu.memory_space<hbm>>
          tpu.enqueue_indirect_dma source(%dma_start3A_158 : memref<10000x64xf32, #tpu.memory_space<hbm>>) target(%arg13 : memref<80x64xf32, #tpu.memory_space<vmem>>) offsets(%dma_start3A_155 : memref<80xi32, #tpu.memory_space<vmem>>) semaphore(%arg20 : memref<!tpu.dma_semaphore, #tpu.memory_space<semaphore_mem>>)
          %mul3A_159 = arith.constant 80 : i32
          %mul3A_160 = arith.muli %add3A_152, %mul3A_159 : i32
          %add3A_161 = arith.addi %mul3A_9, %mul3A_160 : i32
          %dma_start3A_162 = tpu.memref_slice %arg4[%add3A_161, %mul3A_0] : memref<320000x128xf32, #tpu.memory_space<hbm>> -> memref<80x64xf32, #tpu.memory_space<hbm>>
          %dma_start3A_163 = tpu.memref_slice %arg4[%add3A_161, %mul3A_0] : memref<320000x128xf32, #tpu.memory_space<hbm>> -> memref<80x64xf32, #tpu.memory_space<hbm>>
          tpu.enqueue_dma source(%dma_start3A_163 : memref<80x64xf32, #tpu.memory_space<hbm>>) target(%arg15 : memref<80x64xf32, #tpu.memory_space<vmem>>) target_semaphore(%arg22 : memref<!tpu.dma_semaphore, #tpu.memory_space<semaphore_mem>>)
        } else {
        }
        "tpu.region"() ({
          %run_scoped3A = tpu.sem_alloc : memref<!tpu.dma_semaphore, #tpu.memory_space<semaphore_mem>>
          %dma_start3A_151 = arith.constant 0 : i32
          %dma_start3A_152 = tpu.memref_slice %arg12[%add3A_102, %dma_start3A_151] : memref<250x80xi32, #tpu.memory_space<vmem>> -> memref<1x80xi32, #tpu.memory_space<vmem>>
          %dma_start3A_153 = tpu.memref_squeeze %dma_start3A_152 : memref<1x80xi32, #tpu.memory_space<vmem>> -> memref<80xi32, #tpu.memory_space<vmem>>
          %dma_start3A_154 = arith.constant 0 : i32
          %dma_start3A_155 = arith.constant 0 : i32
          %dma_start3A_156 = tpu.memref_slice %arg19[%dma_start3A_154, %dma_start3A_155] : memref<10000x64xf32, #tpu.memory_space<vmem_shared>> -> memref<10000x64xf32, #tpu.memory_space<vmem_shared>>
          tpu.enqueue_indirect_dma source(%arg17 : memref<80x64xf32, #tpu.memory_space<vmem>>) target(%dma_start3A_156 : memref<10000x64xf32, #tpu.memory_space<vmem_shared>>) offsets(%dma_start3A_153 : memref<80xi32, #tpu.memory_space<vmem>>) semaphore(%run_scoped3A : memref<!tpu.dma_semaphore, #tpu.memory_space<semaphore_mem>>) {add = true}
          %dma_wait3A_157 = arith.constant 0 : i32
          %dma_wait3A_158 = tpu.memref_slice %arg12[%add3A_102, %dma_wait3A_157] : memref<250x80xi32, #tpu.memory_space<vmem>> -> memref<1x80xi32, #tpu.memory_space<vmem>>
          %dma_wait3A_159 = tpu.memref_squeeze %dma_wait3A_158 : memref<1x80xi32, #tpu.memory_space<vmem>> -> memref<80xi32, #tpu.memory_space<vmem>>
          %dma_wait3A_160 = arith.constant 0 : i32
          %dma_wait3A_161 = arith.constant 0 : i32
          %dma_wait3A_162 = tpu.memref_slice %arg19[%dma_wait3A_160, %dma_wait3A_161] : memref<10000x64xf32, #tpu.memory_space<vmem_shared>> -> memref<10000x64xf32, #tpu.memory_space<vmem_shared>>
          tpu.wait_indirect_dma semaphore(%run_scoped3A : memref<!tpu.dma_semaphore, #tpu.memory_space<semaphore_mem>>) src(%arg17 : memref<80x64xf32, #tpu.memory_space<vmem>>) dst(%dma_wait3A_162 : memref<10000x64xf32, #tpu.memory_space<vmem_shared>>)
          tpu.yield
        }) : () -> ()
        %add3A_125 = arith.constant 1 : i32
        %add3A_126 = arith.addi %mul3A_100, %add3A_125 : i32
        %dma_wait3A_127 = arith.constant 0 : i32
        %dma_wait3A_128 = tpu.memref_slice %arg11[%add3A_126, %dma_wait3A_127] : memref<250x80xi32, #tpu.memory_space<vmem>> -> memref<1x80xi32, #tpu.memory_space<vmem>>
        %dma_wait3A_129 = tpu.memref_squeeze %dma_wait3A_128 : memref<1x80xi32, #tpu.memory_space<vmem>> -> memref<80xi32, #tpu.memory_space<vmem>>
        %dma_wait3A_130 = arith.constant 0 : i32
        %dma_wait3A_131 = arith.constant 0 : i32
        %dma_wait3A_132 = tpu.memref_slice %arg2[%dma_wait3A_130, %dma_wait3A_131] : memref<10000x64xf32, #tpu.memory_space<hbm>> -> memref<10000x64xf32, #tpu.memory_space<hbm>>
        tpu.wait_indirect_dma semaphore(%arg21 : memref<!tpu.dma_semaphore, #tpu.memory_space<semaphore_mem>>) src(%dma_wait3A_132 : memref<10000x64xf32, #tpu.memory_space<hbm>>) dst(%arg14 : memref<80x64xf32, #tpu.memory_space<vmem>>)
        %mul3A_133 = arith.constant 80 : i32
        %mul3A_134 = arith.muli %add3A_126, %mul3A_133 : i32
        %add3A_135 = arith.addi %mul3A_9, %mul3A_134 : i32
        %dma_wait3A_136 = tpu.memref_slice %arg4[%add3A_135, %mul3A_0] : memref<320000x128xf32, #tpu.memory_space<hbm>> -> memref<80x64xf32, #tpu.memory_space<hbm>>
        %dma_wait3A_137 = tpu.memref_slice %arg4[%add3A_135, %mul3A_0] : memref<320000x128xf32, #tpu.memory_space<hbm>> -> memref<80x64xf32, #tpu.memory_space<hbm>>
        tpu.wait_dma2 semaphore(%arg23 : memref<!tpu.dma_semaphore, #tpu.memory_space<semaphore_mem>>) src(%dma_wait3A_137 : memref<80x64xf32, #tpu.memory_space<hbm>>) dst(%arg16 : memref<80x64xf32, #tpu.memory_space<vmem>>)
        %scan3A_138 = arith.constant 0 : i32
        %scan3A_139 = arith.constant 0 : i32
        %scan3A_140 = arith.constant 80 : i32
        %scan3A_141 = arith.addi %scan3A_139, %scan3A_140 : i32
        %scan3A_142 = arith.constant 1 : i32
        scf.for %scan3A_151 = %scan3A_139 to %scan3A_141 step %scan3A_142  : i32 {
          %get3A = arith.index_cast %scan3A_151 : i32 to index
          %get3A_152 = arith.constant 0 : index
          %get3A_153 = tpu.vector_load %arg14[%get3A, %get3A_152] {strides = array<i32>} : memref<80x64xf32, #tpu.memory_space<vmem>>, vector<1x16xf32>,
          %get3A_154 = vector.shape_cast %get3A_153 : vector<1x16xf32> to vector<16xf32>
          %get3A_155 = arith.index_cast %scan3A_151 : i32 to index
          %get3A_156 = arith.constant 0 : index
          %get3A_157 = tpu.vector_load %arg16[%get3A_155, %get3A_156] {strides = array<i32>} : memref<80x64xf32, #tpu.memory_space<vmem>>, vector<1x16xf32>,
          %get3A_158 = vector.shape_cast %get3A_157 : vector<1x16xf32> to vector<16xf32>
          %add3A_159 = arith.addf %get3A_154, %get3A_158 : vector<16xf32>
          %max3A = arith.constant 0.000000e+00 : f32
          %max3A_160 = vector.broadcast %max3A : f32 to vector<16xf32>
          %max3A_161 = arith.maximumf %add3A_159, %max3A_160 : vector<16xf32>
          %swap3A = arith.index_cast %scan3A_151 : i32 to index
          %swap3A_162 = arith.constant 0 : index
          %swap3A_163 = tpu.vector_load %arg17[%swap3A, %swap3A_162] {strides = array<i32>} : memref<80x64xf32, #tpu.memory_space<vmem>>, vector<1x16xf32>,
          %swap3A_164 = vector.shape_cast %swap3A_163 : vector<1x16xf32> to vector<16xf32>
          %swap3A_165 = vector.shape_cast %max3A_161 : vector<16xf32> to vector<1x16xf32>
          tpu.vector_store %arg17[%swap3A, %swap3A_162], %swap3A_165 {strides = array<i32>} : memref<80x64xf32, #tpu.memory_space<vmem>>, vector<1x16xf32>,
          %get3A_166 = arith.index_cast %scan3A_151 : i32 to index
          %get3A_167 = arith.constant 16 : index
          %get3A_168 = tpu.vector_load %arg14[%get3A_166, %get3A_167] {strides = array<i32>} : memref<80x64xf32, #tpu.memory_space<vmem>>, vector<1x16xf32>,
          %get3A_169 = vector.shape_cast %get3A_168 : vector<1x16xf32> to vector<16xf32>
          %get3A_170 = arith.index_cast %scan3A_151 : i32 to index
          %get3A_171 = arith.constant 16 : index
          %get3A_172 = tpu.vector_load %arg16[%get3A_170, %get3A_171] {strides = array<i32>} : memref<80x64xf32, #tpu.memory_space<vmem>>, vector<1x16xf32>,
          %get3A_173 = vector.shape_cast %get3A_172 : vector<1x16xf32> to vector<16xf32>
          %add3A_174 = arith.addf %get3A_169, %get3A_173 : vector<16xf32>
          %max3A_175 = arith.constant 0.000000e+00 : f32
          %max3A_176 = vector.broadcast %max3A_175 : f32 to vector<16xf32>
          %max3A_177 = arith.maximumf %add3A_174, %max3A_176 : vector<16xf32>
          %swap3A_178 = arith.index_cast %scan3A_151 : i32 to index
          %swap3A_179 = arith.constant 16 : index
          %swap3A_180 = tpu.vector_load %arg17[%swap3A_178, %swap3A_179] {strides = array<i32>} : memref<80x64xf32, #tpu.memory_space<vmem>>, vector<1x16xf32>,
          %swap3A_181 = vector.shape_cast %swap3A_180 : vector<1x16xf32> to vector<16xf32>
          %swap3A_182 = vector.shape_cast %max3A_177 : vector<16xf32> to vector<1x16xf32>
          tpu.vector_store %arg17[%swap3A_178, %swap3A_179], %swap3A_182 {strides = array<i32>} : memref<80x64xf32, #tpu.memory_space<vmem>>, vector<1x16xf32>,
          %get3A_183 = arith.index_cast %scan3A_151 : i32 to index
          %get3A_184 = arith.constant 32 : index
          %get3A_185 = tpu.vector_load %arg14[%get3A_183, %get3A_184] {strides = array<i32>} : memref<80x64xf32, #tpu.memory_space<vmem>>, vector<1x16xf32>,
          %get3A_186 = vector.shape_cast %get3A_185 : vector<1x16xf32> to vector<16xf32>
          %get3A_187 = arith.index_cast %scan3A_151 : i32 to index
          %get3A_188 = arith.constant 32 : index
          %get3A_189 = tpu.vector_load %arg16[%get3A_187, %get3A_188] {strides = array<i32>} : memref<80x64xf32, #tpu.memory_space<vmem>>, vector<1x16xf32>,
          %get3A_190 = vector.shape_cast %get3A_189 : vector<1x16xf32> to vector<16xf32>
          %add3A_191 = arith.addf %get3A_186, %get3A_190 : vector<16xf32>
          %max3A_192 = arith.constant 0.000000e+00 : f32
          %max3A_193 = vector.broadcast %max3A_192 : f32 to vector<16xf32>
          %max3A_194 = arith.maximumf %add3A_191, %max3A_193 : vector<16xf32>
          %swap3A_195 = arith.index_cast %scan3A_151 : i32 to index
          %swap3A_196 = arith.constant 32 : index
          %swap3A_197 = tpu.vector_load %arg17[%swap3A_195, %swap3A_196] {strides = array<i32>} : memref<80x64xf32, #tpu.memory_space<vmem>>, vector<1x16xf32>,
          %swap3A_198 = vector.shape_cast %swap3A_197 : vector<1x16xf32> to vector<16xf32>
          %swap3A_199 = vector.shape_cast %max3A_194 : vector<16xf32> to vector<1x16xf32>
          tpu.vector_store %arg17[%swap3A_195, %swap3A_196], %swap3A_199 {strides = array<i32>} : memref<80x64xf32, #tpu.memory_space<vmem>>, vector<1x16xf32>,
          %get3A_200 = arith.index_cast %scan3A_151 : i32 to index
          %get3A_201 = arith.constant 48 : index
          %get3A_202 = tpu.vector_load %arg14[%get3A_200, %get3A_201] {strides = array<i32>} : memref<80x64xf32, #tpu.memory_space<vmem>>, vector<1x16xf32>,
          %get3A_203 = vector.shape_cast %get3A_202 : vector<1x16xf32> to vector<16xf32>
          %get3A_204 = arith.index_cast %scan3A_151 : i32 to index
          %get3A_205 = arith.constant 48 : index
          %get3A_206 = tpu.vector_load %arg16[%get3A_204, %get3A_205] {strides = array<i32>} : memref<80x64xf32, #tpu.memory_space<vmem>>, vector<1x16xf32>,
          %get3A_207 = vector.shape_cast %get3A_206 : vector<1x16xf32> to vector<16xf32>
          %add3A_208 = arith.addf %get3A_203, %get3A_207 : vector<16xf32>
          %max3A_209 = arith.constant 0.000000e+00 : f32
          %max3A_210 = vector.broadcast %max3A_209 : f32 to vector<16xf32>
          %max3A_211 = arith.maximumf %add3A_208, %max3A_210 : vector<16xf32>
          %swap3A_212 = arith.index_cast %scan3A_151 : i32 to index
          %swap3A_213 = arith.constant 48 : index
          %swap3A_214 = tpu.vector_load %arg17[%swap3A_212, %swap3A_213] {strides = array<i32>} : memref<80x64xf32, #tpu.memory_space<vmem>>, vector<1x16xf32>,
          %swap3A_215 = vector.shape_cast %swap3A_214 : vector<1x16xf32> to vector<16xf32>
          %swap3A_216 = vector.shape_cast %max3A_211 : vector<16xf32> to vector<1x16xf32>
          tpu.vector_store %arg17[%swap3A_212, %swap3A_213], %swap3A_216 {strides = array<i32>} : memref<80x64xf32, #tpu.memory_space<vmem>>, vector<1x16xf32>,
        }
        %scan3A_143 = arith.constant 80 : i32
        %add3A_144 = arith.constant 2 : i32
        %add3A_145 = arith.addi %add3A_126, %add3A_144 : i32
        %lt3A_146 = arith.constant 250 : i32
        %lt3A_147 = arith.cmpi slt, %add3A_145, %lt3A_146 : i32
        %convert_element_type3A_148 = arith.extui %lt3A_147 : i1 to i32
        %cond3A_149 = arith.constant 0 : i32
        %cond3A_150 = arith.cmpi ne, %convert_element_type3A_148, %cond3A_149 : i32
        scf.if %cond3A_150 {
          %add3A_151 = arith.constant 2 : i32
          %add3A_152 = arith.addi %add3A_126, %add3A_151 : i32
          %dma_start3A_153 = arith.constant 0 : i32
          %dma_start3A_154 = tpu.memref_slice %arg11[%add3A_152, %dma_start3A_153] : memref<250x80xi32, #tpu.memory_space<vmem>> -> memref<1x80xi32, #tpu.memory_space<vmem>>
          %dma_start3A_155 = tpu.memref_squeeze %dma_start3A_154 : memref<1x80xi32, #tpu.memory_space<vmem>> -> memref<80xi32, #tpu.memory_space<vmem>>
          %dma_start3A_156 = arith.constant 0 : i32
          %dma_start3A_157 = arith.constant 0 : i32
          %dma_start3A_158 = tpu.memref_slice %arg2[%dma_start3A_156, %dma_start3A_157] : memref<10000x64xf32, #tpu.memory_space<hbm>> -> memref<10000x64xf32, #tpu.memory_space<hbm>>
          tpu.enqueue_indirect_dma source(%dma_start3A_158 : memref<10000x64xf32, #tpu.memory_space<hbm>>) target(%arg14 : memref<80x64xf32, #tpu.memory_space<vmem>>) offsets(%dma_start3A_155 : memref<80xi32, #tpu.memory_space<vmem>>) semaphore(%arg21 : memref<!tpu.dma_semaphore, #tpu.memory_space<semaphore_mem>>)
          %mul3A_159 = arith.constant 80 : i32
          %mul3A_160 = arith.muli %add3A_152, %mul3A_159 : i32
          %add3A_161 = arith.addi %mul3A_9, %mul3A_160 : i32
          %dma_start3A_162 = tpu.memref_slice %arg4[%add3A_161, %mul3A_0] : memref<320000x128xf32, #tpu.memory_space<hbm>> -> memref<80x64xf32, #tpu.memory_space<hbm>>
          %dma_start3A_163 = tpu.memref_slice %arg4[%add3A_161, %mul3A_0] : memref<320000x128xf32, #tpu.memory_space<hbm>> -> memref<80x64xf32, #tpu.memory_space<hbm>>
          tpu.enqueue_dma source(%dma_start3A_163 : memref<80x64xf32, #tpu.memory_space<hbm>>) target(%arg16 : memref<80x64xf32, #tpu.memory_space<vmem>>) target_semaphore(%arg23 : memref<!tpu.dma_semaphore, #tpu.memory_space<semaphore_mem>>)
        } else {
        }
        "tpu.region"() ({
          %run_scoped3A = tpu.sem_alloc : memref<!tpu.dma_semaphore, #tpu.memory_space<semaphore_mem>>
          %dma_start3A_151 = arith.constant 0 : i32
          %dma_start3A_152 = tpu.memref_slice %arg12[%add3A_126, %dma_start3A_151] : memref<250x80xi32, #tpu.memory_space<vmem>> -> memref<1x80xi32, #tpu.memory_space<vmem>>
          %dma_start3A_153 = tpu.memref_squeeze %dma_start3A_152 : memref<1x80xi32, #tpu.memory_space<vmem>> -> memref<80xi32, #tpu.memory_space<vmem>>
          %dma_start3A_154 = arith.constant 0 : i32
          %dma_start3A_155 = arith.constant 0 : i32
          %dma_start3A_156 = tpu.memref_slice %arg19[%dma_start3A_154, %dma_start3A_155] : memref<10000x64xf32, #tpu.memory_space<vmem_shared>> -> memref<10000x64xf32, #tpu.memory_space<vmem_shared>>
          tpu.enqueue_indirect_dma source(%arg17 : memref<80x64xf32, #tpu.memory_space<vmem>>) target(%dma_start3A_156 : memref<10000x64xf32, #tpu.memory_space<vmem_shared>>) offsets(%dma_start3A_153 : memref<80xi32, #tpu.memory_space<vmem>>) semaphore(%run_scoped3A : memref<!tpu.dma_semaphore, #tpu.memory_space<semaphore_mem>>) {add = true}
          %dma_wait3A_157 = arith.constant 0 : i32
          %dma_wait3A_158 = tpu.memref_slice %arg12[%add3A_126, %dma_wait3A_157] : memref<250x80xi32, #tpu.memory_space<vmem>> -> memref<1x80xi32, #tpu.memory_space<vmem>>
          %dma_wait3A_159 = tpu.memref_squeeze %dma_wait3A_158 : memref<1x80xi32, #tpu.memory_space<vmem>> -> memref<80xi32, #tpu.memory_space<vmem>>
          %dma_wait3A_160 = arith.constant 0 : i32
          %dma_wait3A_161 = arith.constant 0 : i32
          %dma_wait3A_162 = tpu.memref_slice %arg19[%dma_wait3A_160, %dma_wait3A_161] : memref<10000x64xf32, #tpu.memory_space<vmem_shared>> -> memref<10000x64xf32, #tpu.memory_space<vmem_shared>>
          tpu.wait_indirect_dma semaphore(%run_scoped3A : memref<!tpu.dma_semaphore, #tpu.memory_space<semaphore_mem>>) src(%arg17 : memref<80x64xf32, #tpu.memory_space<vmem>>) dst(%dma_wait3A_162 : memref<10000x64xf32, #tpu.memory_space<vmem_shared>>)
          tpu.yield
        }) : () -> ()
      }
      %scan3A_97 = arith.constant 125 : i32
    } else {
    }
    %eq3A_22 = arith.constant 1 : i32
    %eq3A_23 = arith.cmpi eq, %arg0, %eq3A_22 : i32
    %convert_element_type3A_24 = arith.extui %eq3A_23 : i1 to i32
    %cond3A_25 = arith.constant 0 : i32
    %cond3A_26 = arith.cmpi ne, %convert_element_type3A_24, %cond3A_25 : i32
    scf.if %cond3A_26 {
      %dma_start3A = arith.constant 0 : i32
      %dma_start3A_71 = arith.constant 0 : i32
      %dma_start3A_72 = tpu.memref_slice %arg11[%dma_start3A, %dma_start3A_71] : memref<250x80xi32, #tpu.memory_space<vmem>> -> memref<1x80xi32, #tpu.memory_space<vmem>>
      %dma_start3A_73 = tpu.memref_squeeze %dma_start3A_72 : memref<1x80xi32, #tpu.memory_space<vmem>> -> memref<80xi32, #tpu.memory_space<vmem>>
      %dma_start3A_74 = arith.constant 0 : i32
      %dma_start3A_75 = arith.constant 0 : i32
      %dma_start3A_76 = tpu.memref_slice %arg3[%dma_start3A_74, %dma_start3A_75] : memref<10000x64xf32, #tpu.memory_space<hbm>> -> memref<10000x64xf32, #tpu.memory_space<hbm>>
      tpu.enqueue_indirect_dma source(%dma_start3A_76 : memref<10000x64xf32, #tpu.memory_space<hbm>>) target(%arg13 : memref<80x64xf32, #tpu.memory_space<vmem>>) offsets(%dma_start3A_73 : memref<80xi32, #tpu.memory_space<vmem>>) semaphore(%arg20 : memref<!tpu.dma_semaphore, #tpu.memory_space<semaphore_mem>>)
      %add3A_77 = arith.constant 0 : i32
      %add3A_78 = arith.addi %mul3A_9, %add3A_77 : i32
      %dma_start3A_79 = tpu.memref_slice %arg4[%add3A_78, %mul3A_0] : memref<320000x128xf32, #tpu.memory_space<hbm>> -> memref<80x64xf32, #tpu.memory_space<hbm>>
      %dma_start3A_80 = tpu.memref_slice %arg4[%add3A_78, %mul3A_0] : memref<320000x128xf32, #tpu.memory_space<hbm>> -> memref<80x64xf32, #tpu.memory_space<hbm>>
      tpu.enqueue_dma source(%dma_start3A_80 : memref<80x64xf32, #tpu.memory_space<hbm>>) target(%arg15 : memref<80x64xf32, #tpu.memory_space<vmem>>) target_semaphore(%arg22 : memref<!tpu.dma_semaphore, #tpu.memory_space<semaphore_mem>>)
      %dma_start3A_81 = arith.constant 1 : i32
      %dma_start3A_82 = arith.constant 0 : i32
      %dma_start3A_83 = tpu.memref_slice %arg11[%dma_start3A_81, %dma_start3A_82] : memref<250x80xi32, #tpu.memory_space<vmem>> -> memref<1x80xi32, #tpu.memory_space<vmem>>
      %dma_start3A_84 = tpu.memref_squeeze %dma_start3A_83 : memref<1x80xi32, #tpu.memory_space<vmem>> -> memref<80xi32, #tpu.memory_space<vmem>>
      %dma_start3A_85 = arith.constant 0 : i32
      %dma_start3A_86 = arith.constant 0 : i32
      %dma_start3A_87 = tpu.memref_slice %arg3[%dma_start3A_85, %dma_start3A_86] : memref<10000x64xf32, #tpu.memory_space<hbm>> -> memref<10000x64xf32, #tpu.memory_space<hbm>>
      tpu.enqueue_indirect_dma source(%dma_start3A_87 : memref<10000x64xf32, #tpu.memory_space<hbm>>) target(%arg14 : memref<80x64xf32, #tpu.memory_space<vmem>>) offsets(%dma_start3A_84 : memref<80xi32, #tpu.memory_space<vmem>>) semaphore(%arg21 : memref<!tpu.dma_semaphore, #tpu.memory_space<semaphore_mem>>)
      %add3A_88 = arith.constant 80 : i32
      %add3A_89 = arith.addi %mul3A_9, %add3A_88 : i32
      %dma_start3A_90 = tpu.memref_slice %arg4[%add3A_89, %mul3A_0] : memref<320000x128xf32, #tpu.memory_space<hbm>> -> memref<80x64xf32, #tpu.memory_space<hbm>>
      %dma_start3A_91 = tpu.memref_slice %arg4[%add3A_89, %mul3A_0] : memref<320000x128xf32, #tpu.memory_space<hbm>> -> memref<80x64xf32, #tpu.memory_space<hbm>>
      tpu.enqueue_dma source(%dma_start3A_91 : memref<80x64xf32, #tpu.memory_space<hbm>>) target(%arg16 : memref<80x64xf32, #tpu.memory_space<vmem>>) target_semaphore(%arg23 : memref<!tpu.dma_semaphore, #tpu.memory_space<semaphore_mem>>)
      %scan3A_92 = arith.constant 0 : i32
      %scan3A_93 = arith.constant 0 : i32
      %scan3A_94 = arith.constant 125 : i32
      %scan3A_95 = arith.addi %scan3A_93, %scan3A_94 : i32
      %scan3A_96 = arith.constant 1 : i32
      scf.for %scan3A_98 = %scan3A_93 to %scan3A_95 step %scan3A_96  : i32 {
        %mul3A_99 = arith.constant 2 : i32
        %mul3A_100 = arith.muli %scan3A_98, %mul3A_99 : i32
        %add3A_101 = arith.constant 0 : i32
        %add3A_102 = arith.addi %mul3A_100, %add3A_101 : i32
        %dma_wait3A = arith.constant 0 : i32
        %dma_wait3A_103 = tpu.memref_slice %arg11[%add3A_102, %dma_wait3A] : memref<250x80xi32, #tpu.memory_space<vmem>> -> memref<1x80xi32, #tpu.memory_space<vmem>>
        %dma_wait3A_104 = tpu.memref_squeeze %dma_wait3A_103 : memref<1x80xi32, #tpu.memory_space<vmem>> -> memref<80xi32, #tpu.memory_space<vmem>>
        %dma_wait3A_105 = arith.constant 0 : i32
        %dma_wait3A_106 = arith.constant 0 : i32
        %dma_wait3A_107 = tpu.memref_slice %arg3[%dma_wait3A_105, %dma_wait3A_106] : memref<10000x64xf32, #tpu.memory_space<hbm>> -> memref<10000x64xf32, #tpu.memory_space<hbm>>
        tpu.wait_indirect_dma semaphore(%arg20 : memref<!tpu.dma_semaphore, #tpu.memory_space<semaphore_mem>>) src(%dma_wait3A_107 : memref<10000x64xf32, #tpu.memory_space<hbm>>) dst(%arg13 : memref<80x64xf32, #tpu.memory_space<vmem>>)
        %mul3A_108 = arith.constant 80 : i32
        %mul3A_109 = arith.muli %add3A_102, %mul3A_108 : i32
        %add3A_110 = arith.addi %mul3A_9, %mul3A_109 : i32
        %dma_wait3A_111 = tpu.memref_slice %arg4[%add3A_110, %mul3A_0] : memref<320000x128xf32, #tpu.memory_space<hbm>> -> memref<80x64xf32, #tpu.memory_space<hbm>>
        %dma_wait3A_112 = tpu.memref_slice %arg4[%add3A_110, %mul3A_0] : memref<320000x128xf32, #tpu.memory_space<hbm>> -> memref<80x64xf32, #tpu.memory_space<hbm>>
        tpu.wait_dma2 semaphore(%arg22 : memref<!tpu.dma_semaphore, #tpu.memory_space<semaphore_mem>>) src(%dma_wait3A_112 : memref<80x64xf32, #tpu.memory_space<hbm>>) dst(%arg15 : memref<80x64xf32, #tpu.memory_space<vmem>>)
        %scan3A_113 = arith.constant 0 : i32
        %scan3A_114 = arith.constant 0 : i32
        %scan3A_115 = arith.constant 80 : i32
        %scan3A_116 = arith.addi %scan3A_114, %scan3A_115 : i32
        %scan3A_117 = arith.constant 1 : i32
        scf.for %scan3A_151 = %scan3A_114 to %scan3A_116 step %scan3A_117  : i32 {
          %get3A = arith.index_cast %scan3A_151 : i32 to index
          %get3A_152 = arith.constant 0 : index
          %get3A_153 = tpu.vector_load %arg13[%get3A, %get3A_152] {strides = array<i32>} : memref<80x64xf32, #tpu.memory_space<vmem>>, vector<1x16xf32>,
          %get3A_154 = vector.shape_cast %get3A_153 : vector<1x16xf32> to vector<16xf32>
          %get3A_155 = arith.index_cast %scan3A_151 : i32 to index
          %get3A_156 = arith.constant 0 : index
          %get3A_157 = tpu.vector_load %arg15[%get3A_155, %get3A_156] {strides = array<i32>} : memref<80x64xf32, #tpu.memory_space<vmem>>, vector<1x16xf32>,
          %get3A_158 = vector.shape_cast %get3A_157 : vector<1x16xf32> to vector<16xf32>
          %add3A_159 = arith.addf %get3A_154, %get3A_158 : vector<16xf32>
          %max3A = arith.constant 0.000000e+00 : f32
          %max3A_160 = vector.broadcast %max3A : f32 to vector<16xf32>
          %max3A_161 = arith.maximumf %add3A_159, %max3A_160 : vector<16xf32>
          %swap3A = arith.index_cast %scan3A_151 : i32 to index
          %swap3A_162 = arith.constant 0 : index
          %swap3A_163 = tpu.vector_load %arg17[%swap3A, %swap3A_162] {strides = array<i32>} : memref<80x64xf32, #tpu.memory_space<vmem>>, vector<1x16xf32>,
          %swap3A_164 = vector.shape_cast %swap3A_163 : vector<1x16xf32> to vector<16xf32>
          %swap3A_165 = vector.shape_cast %max3A_161 : vector<16xf32> to vector<1x16xf32>
          tpu.vector_store %arg17[%swap3A, %swap3A_162], %swap3A_165 {strides = array<i32>} : memref<80x64xf32, #tpu.memory_space<vmem>>, vector<1x16xf32>,
          %get3A_166 = arith.index_cast %scan3A_151 : i32 to index
          %get3A_167 = arith.constant 16 : index
          %get3A_168 = tpu.vector_load %arg13[%get3A_166, %get3A_167] {strides = array<i32>} : memref<80x64xf32, #tpu.memory_space<vmem>>, vector<1x16xf32>,
          %get3A_169 = vector.shape_cast %get3A_168 : vector<1x16xf32> to vector<16xf32>
          %get3A_170 = arith.index_cast %scan3A_151 : i32 to index
          %get3A_171 = arith.constant 16 : index
          %get3A_172 = tpu.vector_load %arg15[%get3A_170, %get3A_171] {strides = array<i32>} : memref<80x64xf32, #tpu.memory_space<vmem>>, vector<1x16xf32>,
          %get3A_173 = vector.shape_cast %get3A_172 : vector<1x16xf32> to vector<16xf32>
          %add3A_174 = arith.addf %get3A_169, %get3A_173 : vector<16xf32>
          %max3A_175 = arith.constant 0.000000e+00 : f32
          %max3A_176 = vector.broadcast %max3A_175 : f32 to vector<16xf32>
          %max3A_177 = arith.maximumf %add3A_174, %max3A_176 : vector<16xf32>
          %swap3A_178 = arith.index_cast %scan3A_151 : i32 to index
          %swap3A_179 = arith.constant 16 : index
          %swap3A_180 = tpu.vector_load %arg17[%swap3A_178, %swap3A_179] {strides = array<i32>} : memref<80x64xf32, #tpu.memory_space<vmem>>, vector<1x16xf32>,
          %swap3A_181 = vector.shape_cast %swap3A_180 : vector<1x16xf32> to vector<16xf32>
          %swap3A_182 = vector.shape_cast %max3A_177 : vector<16xf32> to vector<1x16xf32>
          tpu.vector_store %arg17[%swap3A_178, %swap3A_179], %swap3A_182 {strides = array<i32>} : memref<80x64xf32, #tpu.memory_space<vmem>>, vector<1x16xf32>,
          %get3A_183 = arith.index_cast %scan3A_151 : i32 to index
          %get3A_184 = arith.constant 32 : index
          %get3A_185 = tpu.vector_load %arg13[%get3A_183, %get3A_184] {strides = array<i32>} : memref<80x64xf32, #tpu.memory_space<vmem>>, vector<1x16xf32>,
          %get3A_186 = vector.shape_cast %get3A_185 : vector<1x16xf32> to vector<16xf32>
          %get3A_187 = arith.index_cast %scan3A_151 : i32 to index
          %get3A_188 = arith.constant 32 : index
          %get3A_189 = tpu.vector_load %arg15[%get3A_187, %get3A_188] {strides = array<i32>} : memref<80x64xf32, #tpu.memory_space<vmem>>, vector<1x16xf32>,
          %get3A_190 = vector.shape_cast %get3A_189 : vector<1x16xf32> to vector<16xf32>
          %add3A_191 = arith.addf %get3A_186, %get3A_190 : vector<16xf32>
          %max3A_192 = arith.constant 0.000000e+00 : f32
          %max3A_193 = vector.broadcast %max3A_192 : f32 to vector<16xf32>
          %max3A_194 = arith.maximumf %add3A_191, %max3A_193 : vector<16xf32>
          %swap3A_195 = arith.index_cast %scan3A_151 : i32 to index
          %swap3A_196 = arith.constant 32 : index
          %swap3A_197 = tpu.vector_load %arg17[%swap3A_195, %swap3A_196] {strides = array<i32>} : memref<80x64xf32, #tpu.memory_space<vmem>>, vector<1x16xf32>,
          %swap3A_198 = vector.shape_cast %swap3A_197 : vector<1x16xf32> to vector<16xf32>
          %swap3A_199 = vector.shape_cast %max3A_194 : vector<16xf32> to vector<1x16xf32>
          tpu.vector_store %arg17[%swap3A_195, %swap3A_196], %swap3A_199 {strides = array<i32>} : memref<80x64xf32, #tpu.memory_space<vmem>>, vector<1x16xf32>,
          %get3A_200 = arith.index_cast %scan3A_151 : i32 to index
          %get3A_201 = arith.constant 48 : index
          %get3A_202 = tpu.vector_load %arg13[%get3A_200, %get3A_201] {strides = array<i32>} : memref<80x64xf32, #tpu.memory_space<vmem>>, vector<1x16xf32>,
          %get3A_203 = vector.shape_cast %get3A_202 : vector<1x16xf32> to vector<16xf32>
          %get3A_204 = arith.index_cast %scan3A_151 : i32 to index
          %get3A_205 = arith.constant 48 : index
          %get3A_206 = tpu.vector_load %arg15[%get3A_204, %get3A_205] {strides = array<i32>} : memref<80x64xf32, #tpu.memory_space<vmem>>, vector<1x16xf32>,
          %get3A_207 = vector.shape_cast %get3A_206 : vector<1x16xf32> to vector<16xf32>
          %add3A_208 = arith.addf %get3A_203, %get3A_207 : vector<16xf32>
          %max3A_209 = arith.constant 0.000000e+00 : f32
          %max3A_210 = vector.broadcast %max3A_209 : f32 to vector<16xf32>
          %max3A_211 = arith.maximumf %add3A_208, %max3A_210 : vector<16xf32>
          %swap3A_212 = arith.index_cast %scan3A_151 : i32 to index
          %swap3A_213 = arith.constant 48 : index
          %swap3A_214 = tpu.vector_load %arg17[%swap3A_212, %swap3A_213] {strides = array<i32>} : memref<80x64xf32, #tpu.memory_space<vmem>>, vector<1x16xf32>,
          %swap3A_215 = vector.shape_cast %swap3A_214 : vector<1x16xf32> to vector<16xf32>
          %swap3A_216 = vector.shape_cast %max3A_211 : vector<16xf32> to vector<1x16xf32>
          tpu.vector_store %arg17[%swap3A_212, %swap3A_213], %swap3A_216 {strides = array<i32>} : memref<80x64xf32, #tpu.memory_space<vmem>>, vector<1x16xf32>,
        }
        %scan3A_118 = arith.constant 80 : i32
        %add3A_119 = arith.constant 2 : i32
        %add3A_120 = arith.addi %add3A_102, %add3A_119 : i32
        %lt3A = arith.constant 250 : i32
        %lt3A_121 = arith.cmpi slt, %add3A_120, %lt3A : i32
        %convert_element_type3A_122 = arith.extui %lt3A_121 : i1 to i32
        %cond3A_123 = arith.constant 0 : i32
        %cond3A_124 = arith.cmpi ne, %convert_element_type3A_122, %cond3A_123 : i32
        scf.if %cond3A_124 {
          %add3A_151 = arith.constant 2 : i32
          %add3A_152 = arith.addi %add3A_102, %add3A_151 : i32
          %dma_start3A_153 = arith.constant 0 : i32
          %dma_start3A_154 = tpu.memref_slice %arg11[%add3A_152, %dma_start3A_153] : memref<250x80xi32, #tpu.memory_space<vmem>> -> memref<1x80xi32, #tpu.memory_space<vmem>>
          %dma_start3A_155 = tpu.memref_squeeze %dma_start3A_154 : memref<1x80xi32, #tpu.memory_space<vmem>> -> memref<80xi32, #tpu.memory_space<vmem>>
          %dma_start3A_156 = arith.constant 0 : i32
          %dma_start3A_157 = arith.constant 0 : i32
          %dma_start3A_158 = tpu.memref_slice %arg3[%dma_start3A_156, %dma_start3A_157] : memref<10000x64xf32, #tpu.memory_space<hbm>> -> memref<10000x64xf32, #tpu.memory_space<hbm>>
          tpu.enqueue_indirect_dma source(%dma_start3A_158 : memref<10000x64xf32, #tpu.memory_space<hbm>>) target(%arg13 : memref<80x64xf32, #tpu.memory_space<vmem>>) offsets(%dma_start3A_155 : memref<80xi32, #tpu.memory_space<vmem>>) semaphore(%arg20 : memref<!tpu.dma_semaphore, #tpu.memory_space<semaphore_mem>>)
          %mul3A_159 = arith.constant 80 : i32
          %mul3A_160 = arith.muli %add3A_152, %mul3A_159 : i32
          %add3A_161 = arith.addi %mul3A_9, %mul3A_160 : i32
          %dma_start3A_162 = tpu.memref_slice %arg4[%add3A_161, %mul3A_0] : memref<320000x128xf32, #tpu.memory_space<hbm>> -> memref<80x64xf32, #tpu.memory_space<hbm>>
          %dma_start3A_163 = tpu.memref_slice %arg4[%add3A_161, %mul3A_0] : memref<320000x128xf32, #tpu.memory_space<hbm>> -> memref<80x64xf32, #tpu.memory_space<hbm>>
          tpu.enqueue_dma source(%dma_start3A_163 : memref<80x64xf32, #tpu.memory_space<hbm>>) target(%arg15 : memref<80x64xf32, #tpu.memory_space<vmem>>) target_semaphore(%arg22 : memref<!tpu.dma_semaphore, #tpu.memory_space<semaphore_mem>>)
        } else {
        }
        "tpu.region"() ({
          %run_scoped3A = tpu.sem_alloc : memref<!tpu.dma_semaphore, #tpu.memory_space<semaphore_mem>>
          %dma_start3A_151 = arith.constant 0 : i32
          %dma_start3A_152 = tpu.memref_slice %arg12[%add3A_102, %dma_start3A_151] : memref<250x80xi32, #tpu.memory_space<vmem>> -> memref<1x80xi32, #tpu.memory_space<vmem>>
          %dma_start3A_153 = tpu.memref_squeeze %dma_start3A_152 : memref<1x80xi32, #tpu.memory_space<vmem>> -> memref<80xi32, #tpu.memory_space<vmem>>
          %dma_start3A_154 = arith.constant 0 : i32
          %dma_start3A_155 = arith.constant 0 : i32
          %dma_start3A_156 = tpu.memref_slice %arg19[%dma_start3A_154, %dma_start3A_155] : memref<10000x64xf32, #tpu.memory_space<vmem_shared>> -> memref<10000x64xf32, #tpu.memory_space<vmem_shared>>
          tpu.enqueue_indirect_dma source(%arg17 : memref<80x64xf32, #tpu.memory_space<vmem>>) target(%dma_start3A_156 : memref<10000x64xf32, #tpu.memory_space<vmem_shared>>) offsets(%dma_start3A_153 : memref<80xi32, #tpu.memory_space<vmem>>) semaphore(%run_scoped3A : memref<!tpu.dma_semaphore, #tpu.memory_space<semaphore_mem>>) {add = true}
          %dma_wait3A_157 = arith.constant 0 : i32
          %dma_wait3A_158 = tpu.memref_slice %arg12[%add3A_102, %dma_wait3A_157] : memref<250x80xi32, #tpu.memory_space<vmem>> -> memref<1x80xi32, #tpu.memory_space<vmem>>
          %dma_wait3A_159 = tpu.memref_squeeze %dma_wait3A_158 : memref<1x80xi32, #tpu.memory_space<vmem>> -> memref<80xi32, #tpu.memory_space<vmem>>
          %dma_wait3A_160 = arith.constant 0 : i32
          %dma_wait3A_161 = arith.constant 0 : i32
          %dma_wait3A_162 = tpu.memref_slice %arg19[%dma_wait3A_160, %dma_wait3A_161] : memref<10000x64xf32, #tpu.memory_space<vmem_shared>> -> memref<10000x64xf32, #tpu.memory_space<vmem_shared>>
          tpu.wait_indirect_dma semaphore(%run_scoped3A : memref<!tpu.dma_semaphore, #tpu.memory_space<semaphore_mem>>) src(%arg17 : memref<80x64xf32, #tpu.memory_space<vmem>>) dst(%dma_wait3A_162 : memref<10000x64xf32, #tpu.memory_space<vmem_shared>>)
          tpu.yield
        }) : () -> ()
        %add3A_125 = arith.constant 1 : i32
        %add3A_126 = arith.addi %mul3A_100, %add3A_125 : i32
        %dma_wait3A_127 = arith.constant 0 : i32
        %dma_wait3A_128 = tpu.memref_slice %arg11[%add3A_126, %dma_wait3A_127] : memref<250x80xi32, #tpu.memory_space<vmem>> -> memref<1x80xi32, #tpu.memory_space<vmem>>
        %dma_wait3A_129 = tpu.memref_squeeze %dma_wait3A_128 : memref<1x80xi32, #tpu.memory_space<vmem>> -> memref<80xi32, #tpu.memory_space<vmem>>
        %dma_wait3A_130 = arith.constant 0 : i32
        %dma_wait3A_131 = arith.constant 0 : i32
        %dma_wait3A_132 = tpu.memref_slice %arg3[%dma_wait3A_130, %dma_wait3A_131] : memref<10000x64xf32, #tpu.memory_space<hbm>> -> memref<10000x64xf32, #tpu.memory_space<hbm>>
        tpu.wait_indirect_dma semaphore(%arg21 : memref<!tpu.dma_semaphore, #tpu.memory_space<semaphore_mem>>) src(%dma_wait3A_132 : memref<10000x64xf32, #tpu.memory_space<hbm>>) dst(%arg14 : memref<80x64xf32, #tpu.memory_space<vmem>>)
        %mul3A_133 = arith.constant 80 : i32
        %mul3A_134 = arith.muli %add3A_126, %mul3A_133 : i32
        %add3A_135 = arith.addi %mul3A_9, %mul3A_134 : i32
        %dma_wait3A_136 = tpu.memref_slice %arg4[%add3A_135, %mul3A_0] : memref<320000x128xf32, #tpu.memory_space<hbm>> -> memref<80x64xf32, #tpu.memory_space<hbm>>
        %dma_wait3A_137 = tpu.memref_slice %arg4[%add3A_135, %mul3A_0] : memref<320000x128xf32, #tpu.memory_space<hbm>> -> memref<80x64xf32, #tpu.memory_space<hbm>>
        tpu.wait_dma2 semaphore(%arg23 : memref<!tpu.dma_semaphore, #tpu.memory_space<semaphore_mem>>) src(%dma_wait3A_137 : memref<80x64xf32, #tpu.memory_space<hbm>>) dst(%arg16 : memref<80x64xf32, #tpu.memory_space<vmem>>)
        %scan3A_138 = arith.constant 0 : i32
        %scan3A_139 = arith.constant 0 : i32
        %scan3A_140 = arith.constant 80 : i32
        %scan3A_141 = arith.addi %scan3A_139, %scan3A_140 : i32
        %scan3A_142 = arith.constant 1 : i32
        scf.for %scan3A_151 = %scan3A_139 to %scan3A_141 step %scan3A_142  : i32 {
          %get3A = arith.index_cast %scan3A_151 : i32 to index
          %get3A_152 = arith.constant 0 : index
          %get3A_153 = tpu.vector_load %arg14[%get3A, %get3A_152] {strides = array<i32>} : memref<80x64xf32, #tpu.memory_space<vmem>>, vector<1x16xf32>,
          %get3A_154 = vector.shape_cast %get3A_153 : vector<1x16xf32> to vector<16xf32>
          %get3A_155 = arith.index_cast %scan3A_151 : i32 to index
          %get3A_156 = arith.constant 0 : index
          %get3A_157 = tpu.vector_load %arg16[%get3A_155, %get3A_156] {strides = array<i32>} : memref<80x64xf32, #tpu.memory_space<vmem>>, vector<1x16xf32>,
          %get3A_158 = vector.shape_cast %get3A_157 : vector<1x16xf32> to vector<16xf32>
          %add3A_159 = arith.addf %get3A_154, %get3A_158 : vector<16xf32>
          %max3A = arith.constant 0.000000e+00 : f32
          %max3A_160 = vector.broadcast %max3A : f32 to vector<16xf32>
          %max3A_161 = arith.maximumf %add3A_159, %max3A_160 : vector<16xf32>
          %swap3A = arith.index_cast %scan3A_151 : i32 to index
          %swap3A_162 = arith.constant 0 : index
          %swap3A_163 = tpu.vector_load %arg17[%swap3A, %swap3A_162] {strides = array<i32>} : memref<80x64xf32, #tpu.memory_space<vmem>>, vector<1x16xf32>,
          %swap3A_164 = vector.shape_cast %swap3A_163 : vector<1x16xf32> to vector<16xf32>
          %swap3A_165 = vector.shape_cast %max3A_161 : vector<16xf32> to vector<1x16xf32>
          tpu.vector_store %arg17[%swap3A, %swap3A_162], %swap3A_165 {strides = array<i32>} : memref<80x64xf32, #tpu.memory_space<vmem>>, vector<1x16xf32>,
          %get3A_166 = arith.index_cast %scan3A_151 : i32 to index
          %get3A_167 = arith.constant 16 : index
          %get3A_168 = tpu.vector_load %arg14[%get3A_166, %get3A_167] {strides = array<i32>} : memref<80x64xf32, #tpu.memory_space<vmem>>, vector<1x16xf32>,
          %get3A_169 = vector.shape_cast %get3A_168 : vector<1x16xf32> to vector<16xf32>
          %get3A_170 = arith.index_cast %scan3A_151 : i32 to index
          %get3A_171 = arith.constant 16 : index
          %get3A_172 = tpu.vector_load %arg16[%get3A_170, %get3A_171] {strides = array<i32>} : memref<80x64xf32, #tpu.memory_space<vmem>>, vector<1x16xf32>,
          %get3A_173 = vector.shape_cast %get3A_172 : vector<1x16xf32> to vector<16xf32>
          %add3A_174 = arith.addf %get3A_169, %get3A_173 : vector<16xf32>
          %max3A_175 = arith.constant 0.000000e+00 : f32
          %max3A_176 = vector.broadcast %max3A_175 : f32 to vector<16xf32>
          %max3A_177 = arith.maximumf %add3A_174, %max3A_176 : vector<16xf32>
          %swap3A_178 = arith.index_cast %scan3A_151 : i32 to index
          %swap3A_179 = arith.constant 16 : index
          %swap3A_180 = tpu.vector_load %arg17[%swap3A_178, %swap3A_179] {strides = array<i32>} : memref<80x64xf32, #tpu.memory_space<vmem>>, vector<1x16xf32>,
          %swap3A_181 = vector.shape_cast %swap3A_180 : vector<1x16xf32> to vector<16xf32>
          %swap3A_182 = vector.shape_cast %max3A_177 : vector<16xf32> to vector<1x16xf32>
          tpu.vector_store %arg17[%swap3A_178, %swap3A_179], %swap3A_182 {strides = array<i32>} : memref<80x64xf32, #tpu.memory_space<vmem>>, vector<1x16xf32>,
          %get3A_183 = arith.index_cast %scan3A_151 : i32 to index
          %get3A_184 = arith.constant 32 : index
          %get3A_185 = tpu.vector_load %arg14[%get3A_183, %get3A_184] {strides = array<i32>} : memref<80x64xf32, #tpu.memory_space<vmem>>, vector<1x16xf32>,
          %get3A_186 = vector.shape_cast %get3A_185 : vector<1x16xf32> to vector<16xf32>
          %get3A_187 = arith.index_cast %scan3A_151 : i32 to index
          %get3A_188 = arith.constant 32 : index
          %get3A_189 = tpu.vector_load %arg16[%get3A_187, %get3A_188] {strides = array<i32>} : memref<80x64xf32, #tpu.memory_space<vmem>>, vector<1x16xf32>,
          %get3A_190 = vector.shape_cast %get3A_189 : vector<1x16xf32> to vector<16xf32>
          %add3A_191 = arith.addf %get3A_186, %get3A_190 : vector<16xf32>
          %max3A_192 = arith.constant 0.000000e+00 : f32
          %max3A_193 = vector.broadcast %max3A_192 : f32 to vector<16xf32>
          %max3A_194 = arith.maximumf %add3A_191, %max3A_193 : vector<16xf32>
          %swap3A_195 = arith.index_cast %scan3A_151 : i32 to index
          %swap3A_196 = arith.constant 32 : index
          %swap3A_197 = tpu.vector_load %arg17[%swap3A_195, %swap3A_196] {strides = array<i32>} : memref<80x64xf32, #tpu.memory_space<vmem>>, vector<1x16xf32>,
          %swap3A_198 = vector.shape_cast %swap3A_197 : vector<1x16xf32> to vector<16xf32>
          %swap3A_199 = vector.shape_cast %max3A_194 : vector<16xf32> to vector<1x16xf32>
          tpu.vector_store %arg17[%swap3A_195, %swap3A_196], %swap3A_199 {strides = array<i32>} : memref<80x64xf32, #tpu.memory_space<vmem>>, vector<1x16xf32>,
          %get3A_200 = arith.index_cast %scan3A_151 : i32 to index
          %get3A_201 = arith.constant 48 : index
          %get3A_202 = tpu.vector_load %arg14[%get3A_200, %get3A_201] {strides = array<i32>} : memref<80x64xf32, #tpu.memory_space<vmem>>, vector<1x16xf32>,
          %get3A_203 = vector.shape_cast %get3A_202 : vector<1x16xf32> to vector<16xf32>
          %get3A_204 = arith.index_cast %scan3A_151 : i32 to index
          %get3A_205 = arith.constant 48 : index
          %get3A_206 = tpu.vector_load %arg16[%get3A_204, %get3A_205] {strides = array<i32>} : memref<80x64xf32, #tpu.memory_space<vmem>>, vector<1x16xf32>,
          %get3A_207 = vector.shape_cast %get3A_206 : vector<1x16xf32> to vector<16xf32>
          %add3A_208 = arith.addf %get3A_203, %get3A_207 : vector<16xf32>
          %max3A_209 = arith.constant 0.000000e+00 : f32
          %max3A_210 = vector.broadcast %max3A_209 : f32 to vector<16xf32>
          %max3A_211 = arith.maximumf %add3A_208, %max3A_210 : vector<16xf32>
          %swap3A_212 = arith.index_cast %scan3A_151 : i32 to index
          %swap3A_213 = arith.constant 48 : index
          %swap3A_214 = tpu.vector_load %arg17[%swap3A_212, %swap3A_213] {strides = array<i32>} : memref<80x64xf32, #tpu.memory_space<vmem>>, vector<1x16xf32>,
          %swap3A_215 = vector.shape_cast %swap3A_214 : vector<1x16xf32> to vector<16xf32>
          %swap3A_216 = vector.shape_cast %max3A_211 : vector<16xf32> to vector<1x16xf32>
          tpu.vector_store %arg17[%swap3A_212, %swap3A_213], %swap3A_216 {strides = array<i32>} : memref<80x64xf32, #tpu.memory_space<vmem>>, vector<1x16xf32>,
        }
        %scan3A_143 = arith.constant 80 : i32
        %add3A_144 = arith.constant 2 : i32
        %add3A_145 = arith.addi %add3A_126, %add3A_144 : i32
        %lt3A_146 = arith.constant 250 : i32
        %lt3A_147 = arith.cmpi slt, %add3A_145, %lt3A_146 : i32
        %convert_element_type3A_148 = arith.extui %lt3A_147 : i1 to i32
        %cond3A_149 = arith.constant 0 : i32
        %cond3A_150 = arith.cmpi ne, %convert_element_type3A_148, %cond3A_149 : i32
        scf.if %cond3A_150 {
          %add3A_151 = arith.constant 2 : i32
          %add3A_152 = arith.addi %add3A_126, %add3A_151 : i32
          %dma_start3A_153 = arith.constant 0 : i32
          %dma_start3A_154 = tpu.memref_slice %arg11[%add3A_152, %dma_start3A_153] : memref<250x80xi32, #tpu.memory_space<vmem>> -> memref<1x80xi32, #tpu.memory_space<vmem>>
          %dma_start3A_155 = tpu.memref_squeeze %dma_start3A_154 : memref<1x80xi32, #tpu.memory_space<vmem>> -> memref<80xi32, #tpu.memory_space<vmem>>
          %dma_start3A_156 = arith.constant 0 : i32
          %dma_start3A_157 = arith.constant 0 : i32
          %dma_start3A_158 = tpu.memref_slice %arg3[%dma_start3A_156, %dma_start3A_157] : memref<10000x64xf32, #tpu.memory_space<hbm>> -> memref<10000x64xf32, #tpu.memory_space<hbm>>
          tpu.enqueue_indirect_dma source(%dma_start3A_158 : memref<10000x64xf32, #tpu.memory_space<hbm>>) target(%arg14 : memref<80x64xf32, #tpu.memory_space<vmem>>) offsets(%dma_start3A_155 : memref<80xi32, #tpu.memory_space<vmem>>) semaphore(%arg21 : memref<!tpu.dma_semaphore, #tpu.memory_space<semaphore_mem>>)
          %mul3A_159 = arith.constant 80 : i32
          %mul3A_160 = arith.muli %add3A_152, %mul3A_159 : i32
          %add3A_161 = arith.addi %mul3A_9, %mul3A_160 : i32
          %dma_start3A_162 = tpu.memref_slice %arg4[%add3A_161, %mul3A_0] : memref<320000x128xf32, #tpu.memory_space<hbm>> -> memref<80x64xf32, #tpu.memory_space<hbm>>
          %dma_start3A_163 = tpu.memref_slice %arg4[%add3A_161, %mul3A_0] : memref<320000x128xf32, #tpu.memory_space<hbm>> -> memref<80x64xf32, #tpu.memory_space<hbm>>
          tpu.enqueue_dma source(%dma_start3A_163 : memref<80x64xf32, #tpu.memory_space<hbm>>) target(%arg16 : memref<80x64xf32, #tpu.memory_space<vmem>>) target_semaphore(%arg23 : memref<!tpu.dma_semaphore, #tpu.memory_space<semaphore_mem>>)
        } else {
        }
        "tpu.region"() ({
          %run_scoped3A = tpu.sem_alloc : memref<!tpu.dma_semaphore, #tpu.memory_space<semaphore_mem>>
          %dma_start3A_151 = arith.constant 0 : i32
          %dma_start3A_152 = tpu.memref_slice %arg12[%add3A_126, %dma_start3A_151] : memref<250x80xi32, #tpu.memory_space<vmem>> -> memref<1x80xi32, #tpu.memory_space<vmem>>
          %dma_start3A_153 = tpu.memref_squeeze %dma_start3A_152 : memref<1x80xi32, #tpu.memory_space<vmem>> -> memref<80xi32, #tpu.memory_space<vmem>>
          %dma_start3A_154 = arith.constant 0 : i32
          %dma_start3A_155 = arith.constant 0 : i32
          %dma_start3A_156 = tpu.memref_slice %arg19[%dma_start3A_154, %dma_start3A_155] : memref<10000x64xf32, #tpu.memory_space<vmem_shared>> -> memref<10000x64xf32, #tpu.memory_space<vmem_shared>>
          tpu.enqueue_indirect_dma source(%arg17 : memref<80x64xf32, #tpu.memory_space<vmem>>) target(%dma_start3A_156 : memref<10000x64xf32, #tpu.memory_space<vmem_shared>>) offsets(%dma_start3A_153 : memref<80xi32, #tpu.memory_space<vmem>>) semaphore(%run_scoped3A : memref<!tpu.dma_semaphore, #tpu.memory_space<semaphore_mem>>) {add = true}
          %dma_wait3A_157 = arith.constant 0 : i32
          %dma_wait3A_158 = tpu.memref_slice %arg12[%add3A_126, %dma_wait3A_157] : memref<250x80xi32, #tpu.memory_space<vmem>> -> memref<1x80xi32, #tpu.memory_space<vmem>>
          %dma_wait3A_159 = tpu.memref_squeeze %dma_wait3A_158 : memref<1x80xi32, #tpu.memory_space<vmem>> -> memref<80xi32, #tpu.memory_space<vmem>>
          %dma_wait3A_160 = arith.constant 0 : i32
          %dma_wait3A_161 = arith.constant 0 : i32
          %dma_wait3A_162 = tpu.memref_slice %arg19[%dma_wait3A_160, %dma_wait3A_161] : memref<10000x64xf32, #tpu.memory_space<vmem_shared>> -> memref<10000x64xf32, #tpu.memory_space<vmem_shared>>
          tpu.wait_indirect_dma semaphore(%run_scoped3A : memref<!tpu.dma_semaphore, #tpu.memory_space<semaphore_mem>>) src(%arg17 : memref<80x64xf32, #tpu.memory_space<vmem>>) dst(%dma_wait3A_162 : memref<10000x64xf32, #tpu.memory_space<vmem_shared>>)
          tpu.yield
        }) : () -> ()
      }
      %scan3A_97 = arith.constant 125 : i32
    } else {
    }
    %barrier3A_27 = arith.constant 0 : index
    tpu.barrier barrier_id(%barrier3A_27)
    %add3A_28 = arith.constant 0 : i32
    %add3A_29 = arith.addi %add3A_28, %arg0 : i32
    %mul3A_30 = arith.constant 10000 : i32
    %mul3A_31 = arith.muli %add3A_29, %mul3A_30 : i32
    %add3A_32 = arith.addi %mul3A_31, %mul3A_2 : i32
    "tpu.region"() ({
      %run_scoped3A = tpu.sem_alloc : memref<!tpu.dma_semaphore, #tpu.memory_space<semaphore_mem>>
      %dma_start3A = arith.constant 0 : i32
      %dma_start3A_71 = tpu.memref_slice %arg10[%add3A_32, %dma_start3A] : memref<40000x64xf32, #tpu.memory_space<hbm>> -> memref<624x64xf32, #tpu.memory_space<hbm>>
      %dma_start3A_72 = arith.constant 0 : i32
      %dma_start3A_73 = tpu.memref_slice %arg19[%mul3A_2, %dma_start3A_72] : memref<10000x64xf32, #tpu.memory_space<vmem_shared>> -> memref<624x64xf32, #tpu.memory_space<vmem_shared>>
      tpu.enqueue_dma source(%dma_start3A_73 : memref<624x64xf32, #tpu.memory_space<vmem_shared>>) target(%dma_start3A_71 : memref<624x64xf32, #tpu.memory_space<hbm>>) target_semaphore(%run_scoped3A : memref<!tpu.dma_semaphore, #tpu.memory_space<semaphore_mem>>)
      %dma_wait3A = arith.constant 0 : i32
      %dma_wait3A_74 = tpu.memref_slice %arg10[%add3A_32, %dma_wait3A] : memref<40000x64xf32, #tpu.memory_space<hbm>> -> memref<624x64xf32, #tpu.memory_space<hbm>>
      %dma_wait3A_75 = arith.constant 0 : i32
      %dma_wait3A_76 = tpu.memref_slice %arg19[%mul3A_2, %dma_wait3A_75] : memref<10000x64xf32, #tpu.memory_space<vmem_shared>> -> memref<624x64xf32, #tpu.memory_space<vmem_shared>>
      tpu.wait_dma2 semaphore(%run_scoped3A : memref<!tpu.dma_semaphore, #tpu.memory_space<semaphore_mem>>) src(%dma_wait3A_76 : memref<624x64xf32, #tpu.memory_space<vmem_shared>>) dst(%dma_wait3A_74 : memref<624x64xf32, #tpu.memory_space<hbm>>)
      tpu.yield
    }) : () -> ()
    %eq3A_33 = arith.constant 0 : i32
    %eq3A_34 = arith.cmpi eq, %arg1, %eq3A_33 : i32
    %convert_element_type3A_35 = arith.extui %eq3A_34 : i1 to i32
    %cond3A_36 = arith.constant 0 : i32
    %cond3A_37 = arith.cmpi ne, %convert_element_type3A_35, %cond3A_36 : i32
    scf.if %cond3A_37 {
      %add3A_71 = arith.constant 9984 : i32
      %add3A_72 = arith.addi %mul3A_31, %add3A_71 : i32
      "tpu.region"() ({
        %run_scoped3A = tpu.sem_alloc : memref<!tpu.dma_semaphore, #tpu.memory_space<semaphore_mem>>
        %dma_start3A = arith.constant 0 : i32
        %dma_start3A_73 = tpu.memref_slice %arg10[%add3A_72, %dma_start3A] : memref<40000x64xf32, #tpu.memory_space<hbm>> -> memref<16x64xf32, #tpu.memory_space<hbm>>
        %dma_start3A_74 = arith.constant 9984 : i32
        %dma_start3A_75 = arith.constant 0 : i32
        %dma_start3A_76 = tpu.memref_slice %arg19[%dma_start3A_74, %dma_start3A_75] : memref<10000x64xf32, #tpu.memory_space<vmem_shared>> -> memref<16x64xf32, #tpu.memory_space<vmem_shared>>
        tpu.enqueue_dma source(%dma_start3A_76 : memref<16x64xf32, #tpu.memory_space<vmem_shared>>) target(%dma_start3A_73 : memref<16x64xf32, #tpu.memory_space<hbm>>) target_semaphore(%run_scoped3A : memref<!tpu.dma_semaphore, #tpu.memory_space<semaphore_mem>>)
        %dma_wait3A = arith.constant 0 : i32
        %dma_wait3A_77 = tpu.memref_slice %arg10[%add3A_72, %dma_wait3A] : memref<40000x64xf32, #tpu.memory_space<hbm>> -> memref<16x64xf32, #tpu.memory_space<hbm>>
        %dma_wait3A_78 = arith.constant 9984 : i32
        %dma_wait3A_79 = arith.constant 0 : i32
        %dma_wait3A_80 = tpu.memref_slice %arg19[%dma_wait3A_78, %dma_wait3A_79] : memref<10000x64xf32, #tpu.memory_space<vmem_shared>> -> memref<16x64xf32, #tpu.memory_space<vmem_shared>>
        tpu.wait_dma2 semaphore(%run_scoped3A : memref<!tpu.dma_semaphore, #tpu.memory_space<semaphore_mem>>) src(%dma_wait3A_80 : memref<16x64xf32, #tpu.memory_space<vmem_shared>>) dst(%dma_wait3A_77 : memref<16x64xf32, #tpu.memory_space<hbm>>)
        tpu.yield
      }) : () -> ()
    } else {
    }
    %add3A_38 = arith.constant 0 : i32
    %add3A_39 = arith.addi %mul3A_2, %add3A_38 : i32
    "tpu.region"() ({
      %run_scoped3A = tpu.sem_alloc : memref<!tpu.dma_semaphore, #tpu.memory_space<semaphore_mem>>
      %dma_start3A = arith.constant 0 : i32
      %dma_start3A_71 = tpu.memref_slice %arg19[%add3A_39, %dma_start3A] : memref<10000x64xf32, #tpu.memory_space<vmem_shared>> -> memref<208x64xf32, #tpu.memory_space<vmem_shared>>
      %dma_start3A_72 = arith.constant 0 : i32
      %dma_start3A_73 = tpu.memref_slice %arg19[%add3A_39, %dma_start3A_72] : memref<10000x64xf32, #tpu.memory_space<vmem_shared>> -> memref<208x64xf32, #tpu.memory_space<vmem_shared>>
      tpu.enqueue_dma source(%arg18 : memref<208x64xf32, #tpu.memory_space<vmem>>) target(%dma_start3A_73 : memref<208x64xf32, #tpu.memory_space<vmem_shared>>) target_semaphore(%run_scoped3A : memref<!tpu.dma_semaphore, #tpu.memory_space<semaphore_mem>>)
      %dma_wait3A = arith.constant 0 : i32
      %dma_wait3A_74 = tpu.memref_slice %arg19[%add3A_39, %dma_wait3A] : memref<10000x64xf32, #tpu.memory_space<vmem_shared>> -> memref<208x64xf32, #tpu.memory_space<vmem_shared>>
      %dma_wait3A_75 = arith.constant 0 : i32
      %dma_wait3A_76 = tpu.memref_slice %arg19[%add3A_39, %dma_wait3A_75] : memref<10000x64xf32, #tpu.memory_space<vmem_shared>> -> memref<208x64xf32, #tpu.memory_space<vmem_shared>>
      tpu.wait_dma2 semaphore(%run_scoped3A : memref<!tpu.dma_semaphore, #tpu.memory_space<semaphore_mem>>) src(%arg18 : memref<208x64xf32, #tpu.memory_space<vmem>>) dst(%dma_wait3A_76 : memref<208x64xf32, #tpu.memory_space<vmem_shared>>)
      tpu.yield
    }) : () -> ()
    %add3A_40 = arith.constant 208 : i32
    %add3A_41 = arith.addi %mul3A_2, %add3A_40 : i32
    "tpu.region"() ({
      %run_scoped3A = tpu.sem_alloc : memref<!tpu.dma_semaphore, #tpu.memory_space<semaphore_mem>>
      %dma_start3A = arith.constant 0 : i32
      %dma_start3A_71 = tpu.memref_slice %arg19[%add3A_41, %dma_start3A] : memref<10000x64xf32, #tpu.memory_space<vmem_shared>> -> memref<208x64xf32, #tpu.memory_space<vmem_shared>>
      %dma_start3A_72 = arith.constant 0 : i32
      %dma_start3A_73 = tpu.memref_slice %arg19[%add3A_41, %dma_start3A_72] : memref<10000x64xf32, #tpu.memory_space<vmem_shared>> -> memref<208x64xf32, #tpu.memory_space<vmem_shared>>
      tpu.enqueue_dma source(%arg18 : memref<208x64xf32, #tpu.memory_space<vmem>>) target(%dma_start3A_73 : memref<208x64xf32, #tpu.memory_space<vmem_shared>>) target_semaphore(%run_scoped3A : memref<!tpu.dma_semaphore, #tpu.memory_space<semaphore_mem>>)
      %dma_wait3A = arith.constant 0 : i32
      %dma_wait3A_74 = tpu.memref_slice %arg19[%add3A_41, %dma_wait3A] : memref<10000x64xf32, #tpu.memory_space<vmem_shared>> -> memref<208x64xf32, #tpu.memory_space<vmem_shared>>
      %dma_wait3A_75 = arith.constant 0 : i32
      %dma_wait3A_76 = tpu.memref_slice %arg19[%add3A_41, %dma_wait3A_75] : memref<10000x64xf32, #tpu.memory_space<vmem_shared>> -> memref<208x64xf32, #tpu.memory_space<vmem_shared>>
      tpu.wait_dma2 semaphore(%run_scoped3A : memref<!tpu.dma_semaphore, #tpu.memory_space<semaphore_mem>>) src(%arg18 : memref<208x64xf32, #tpu.memory_space<vmem>>) dst(%dma_wait3A_76 : memref<208x64xf32, #tpu.memory_space<vmem_shared>>)
      tpu.yield
    }) : () -> ()
    %add3A_42 = arith.constant 416 : i32
    %add3A_43 = arith.addi %mul3A_2, %add3A_42 : i32
    "tpu.region"() ({
      %run_scoped3A = tpu.sem_alloc : memref<!tpu.dma_semaphore, #tpu.memory_space<semaphore_mem>>
      %dma_start3A = arith.constant 0 : i32
      %dma_start3A_71 = tpu.memref_slice %arg19[%add3A_43, %dma_start3A] : memref<10000x64xf32, #tpu.memory_space<vmem_shared>> -> memref<208x64xf32, #tpu.memory_space<vmem_shared>>
      %dma_start3A_72 = arith.constant 0 : i32
      %dma_start3A_73 = tpu.memref_slice %arg19[%add3A_43, %dma_start3A_72] : memref<10000x64xf32, #tpu.memory_space<vmem_shared>> -> memref<208x64xf32, #tpu.memory_space<vmem_shared>>
      tpu.enqueue_dma source(%arg18 : memref<208x64xf32, #tpu.memory_space<vmem>>) target(%dma_start3A_73 : memref<208x64xf32, #tpu.memory_space<vmem_shared>>) target_semaphore(%run_scoped3A : memref<!tpu.dma_semaphore, #tpu.memory_space<semaphore_mem>>)
      %dma_wait3A = arith.constant 0 : i32
      %dma_wait3A_74 = tpu.memref_slice %arg19[%add3A_43, %dma_wait3A] : memref<10000x64xf32, #tpu.memory_space<vmem_shared>> -> memref<208x64xf32, #tpu.memory_space<vmem_shared>>
      %dma_wait3A_75 = arith.constant 0 : i32
      %dma_wait3A_76 = tpu.memref_slice %arg19[%add3A_43, %dma_wait3A_75] : memref<10000x64xf32, #tpu.memory_space<vmem_shared>> -> memref<208x64xf32, #tpu.memory_space<vmem_shared>>
      tpu.wait_dma2 semaphore(%run_scoped3A : memref<!tpu.dma_semaphore, #tpu.memory_space<semaphore_mem>>) src(%arg18 : memref<208x64xf32, #tpu.memory_space<vmem>>) dst(%dma_wait3A_76 : memref<208x64xf32, #tpu.memory_space<vmem_shared>>)
      tpu.yield
    }) : () -> ()
    %eq3A_44 = arith.constant 0 : i32
    %eq3A_45 = arith.cmpi eq, %arg1, %eq3A_44 : i32
    %convert_element_type3A_46 = arith.extui %eq3A_45 : i1 to i32
    %cond3A_47 = arith.constant 0 : i32
    %cond3A_48 = arith.cmpi ne, %convert_element_type3A_46, %cond3A_47 : i32
    scf.if %cond3A_48 {
      "tpu.region"() ({
        %run_scoped3A = tpu.sem_alloc : memref<!tpu.dma_semaphore, #tpu.memory_space<semaphore_mem>>
        %dma_start3A = arith.constant 0 : i32
        %dma_start3A_71 = arith.constant 0 : i32
        %dma_start3A_72 = tpu.memref_slice %arg18[%dma_start3A, %dma_start3A_71] : memref<208x64xf32, #tpu.memory_space<vmem>> -> memref<16x64xf32, #tpu.memory_space<vmem>>
        %dma_start3A_73 = arith.constant 9984 : i32
        %dma_start3A_74 = arith.constant 0 : i32
        %dma_start3A_75 = tpu.memref_slice %arg19[%dma_start3A_73, %dma_start3A_74] : memref<10000x64xf32, #tpu.memory_space<vmem_shared>> -> memref<16x64xf32, #tpu.memory_space<vmem_shared>>
        %dma_start3A_76 = arith.constant 9984 : i32
        %dma_start3A_77 = arith.constant 0 : i32
        %dma_start3A_78 = tpu.memref_slice %arg19[%dma_start3A_76, %dma_start3A_77] : memref<10000x64xf32, #tpu.memory_space<vmem_shared>> -> memref<16x64xf32, #tpu.memory_space<vmem_shared>>
        %dma_start3A_79 = arith.constant 0 : i32
        %dma_start3A_80 = arith.constant 0 : i32
        %dma_start3A_81 = tpu.memref_slice %arg18[%dma_start3A_79, %dma_start3A_80] : memref<208x64xf32, #tpu.memory_space<vmem>> -> memref<16x64xf32, #tpu.memory_space<vmem>>
        tpu.enqueue_dma source(%dma_start3A_81 : memref<16x64xf32, #tpu.memory_space<vmem>>) target(%dma_start3A_78 : memref<16x64xf32, #tpu.memory_space<vmem_shared>>) target_semaphore(%run_scoped3A : memref<!tpu.dma_semaphore, #tpu.memory_space<semaphore_mem>>)
        %dma_wait3A = arith.constant 0 : i32
        %dma_wait3A_82 = arith.constant 0 : i32
        %dma_wait3A_83 = tpu.memref_slice %arg18[%dma_wait3A, %dma_wait3A_82] : memref<208x64xf32, #tpu.memory_space<vmem>> -> memref<16x64xf32, #tpu.memory_space<vmem>>
        %dma_wait3A_84 = arith.constant 9984 : i32
        %dma_wait3A_85 = arith.constant 0 : i32
        %dma_wait3A_86 = tpu.memref_slice %arg19[%dma_wait3A_84, %dma_wait3A_85] : memref<10000x64xf32, #tpu.memory_space<vmem_shared>> -> memref<16x64xf32, #tpu.memory_space<vmem_shared>>
        %dma_wait3A_87 = arith.constant 9984 : i32
        %dma_wait3A_88 = arith.constant 0 : i32
        %dma_wait3A_89 = tpu.memref_slice %arg19[%dma_wait3A_87, %dma_wait3A_88] : memref<10000x64xf32, #tpu.memory_space<vmem_shared>> -> memref<16x64xf32, #tpu.memory_space<vmem_shared>>
        %dma_wait3A_90 = arith.constant 0 : i32
        %dma_wait3A_91 = arith.constant 0 : i32
        %dma_wait3A_92 = tpu.memref_slice %arg18[%dma_wait3A_90, %dma_wait3A_91] : memref<208x64xf32, #tpu.memory_space<vmem>> -> memref<16x64xf32, #tpu.memory_space<vmem>>
        tpu.wait_dma2 semaphore(%run_scoped3A : memref<!tpu.dma_semaphore, #tpu.memory_space<semaphore_mem>>) src(%dma_wait3A_92 : memref<16x64xf32, #tpu.memory_space<vmem>>) dst(%dma_wait3A_89 : memref<16x64xf32, #tpu.memory_space<vmem_shared>>)
        tpu.yield
      }) : () -> ()
    } else {
    }
    %barrier3A_49 = arith.constant 0 : index
    tpu.barrier barrier_id(%barrier3A_49)
    %eq3A_50 = arith.constant 0 : i32
    %eq3A_51 = arith.cmpi eq, %arg0, %eq3A_50 : i32
    %convert_element_type3A_52 = arith.extui %eq3A_51 : i1 to i32
    %cond3A_53 = arith.constant 0 : i32
    %cond3A_54 = arith.cmpi ne, %convert_element_type3A_52, %cond3A_53 : i32
    scf.if %cond3A_54 {
      %dma_start3A = arith.constant 0 : i32
      %dma_start3A_71 = arith.constant 0 : i32
      %dma_start3A_72 = tpu.memref_slice %arg11[%dma_start3A, %dma_start3A_71] : memref<250x80xi32, #tpu.memory_space<vmem>> -> memref<1x80xi32, #tpu.memory_space<vmem>>
      %dma_start3A_73 = tpu.memref_squeeze %dma_start3A_72 : memref<1x80xi32, #tpu.memory_space<vmem>> -> memref<80xi32, #tpu.memory_space<vmem>>
      %dma_start3A_74 = arith.constant 0 : i32
      %dma_start3A_75 = arith.constant 0 : i32
      %dma_start3A_76 = tpu.memref_slice %arg5[%dma_start3A_74, %dma_start3A_75] : memref<10000x64xf32, #tpu.memory_space<hbm>> -> memref<10000x64xf32, #tpu.memory_space<hbm>>
      tpu.enqueue_indirect_dma source(%dma_start3A_76 : memref<10000x64xf32, #tpu.memory_space<hbm>>) target(%arg13 : memref<80x64xf32, #tpu.memory_space<vmem>>) offsets(%dma_start3A_73 : memref<80xi32, #tpu.memory_space<vmem>>) semaphore(%arg20 : memref<!tpu.dma_semaphore, #tpu.memory_space<semaphore_mem>>)
      %add3A_77 = arith.constant 0 : i32
      %add3A_78 = arith.addi %mul3A_9, %add3A_77 : i32
      %dma_start3A_79 = tpu.memref_slice %arg7[%add3A_78, %mul3A_0] : memref<320000x128xf32, #tpu.memory_space<hbm>> -> memref<80x64xf32, #tpu.memory_space<hbm>>
      %dma_start3A_80 = tpu.memref_slice %arg7[%add3A_78, %mul3A_0] : memref<320000x128xf32, #tpu.memory_space<hbm>> -> memref<80x64xf32, #tpu.memory_space<hbm>>
      tpu.enqueue_dma source(%dma_start3A_80 : memref<80x64xf32, #tpu.memory_space<hbm>>) target(%arg15 : memref<80x64xf32, #tpu.memory_space<vmem>>) target_semaphore(%arg22 : memref<!tpu.dma_semaphore, #tpu.memory_space<semaphore_mem>>)
      %dma_start3A_81 = arith.constant 1 : i32
      %dma_start3A_82 = arith.constant 0 : i32
      %dma_start3A_83 = tpu.memref_slice %arg11[%dma_start3A_81, %dma_start3A_82] : memref<250x80xi32, #tpu.memory_space<vmem>> -> memref<1x80xi32, #tpu.memory_space<vmem>>
      %dma_start3A_84 = tpu.memref_squeeze %dma_start3A_83 : memref<1x80xi32, #tpu.memory_space<vmem>> -> memref<80xi32, #tpu.memory_space<vmem>>
      %dma_start3A_85 = arith.constant 0 : i32
      %dma_start3A_86 = arith.constant 0 : i32
      %dma_start3A_87 = tpu.memref_slice %arg5[%dma_start3A_85, %dma_start3A_86] : memref<10000x64xf32, #tpu.memory_space<hbm>> -> memref<10000x64xf32, #tpu.memory_space<hbm>>
      tpu.enqueue_indirect_dma source(%dma_start3A_87 : memref<10000x64xf32, #tpu.memory_space<hbm>>) target(%arg14 : memref<80x64xf32, #tpu.memory_space<vmem>>) offsets(%dma_start3A_84 : memref<80xi32, #tpu.memory_space<vmem>>) semaphore(%arg21 : memref<!tpu.dma_semaphore, #tpu.memory_space<semaphore_mem>>)
      %add3A_88 = arith.constant 80 : i32
      %add3A_89 = arith.addi %mul3A_9, %add3A_88 : i32
      %dma_start3A_90 = tpu.memref_slice %arg7[%add3A_89, %mul3A_0] : memref<320000x128xf32, #tpu.memory_space<hbm>> -> memref<80x64xf32, #tpu.memory_space<hbm>>
      %dma_start3A_91 = tpu.memref_slice %arg7[%add3A_89, %mul3A_0] : memref<320000x128xf32, #tpu.memory_space<hbm>> -> memref<80x64xf32, #tpu.memory_space<hbm>>
      tpu.enqueue_dma source(%dma_start3A_91 : memref<80x64xf32, #tpu.memory_space<hbm>>) target(%arg16 : memref<80x64xf32, #tpu.memory_space<vmem>>) target_semaphore(%arg23 : memref<!tpu.dma_semaphore, #tpu.memory_space<semaphore_mem>>)
      %scan3A_92 = arith.constant 0 : i32
      %scan3A_93 = arith.constant 0 : i32
      %scan3A_94 = arith.constant 125 : i32
      %scan3A_95 = arith.addi %scan3A_93, %scan3A_94 : i32
      %scan3A_96 = arith.constant 1 : i32
      scf.for %scan3A_98 = %scan3A_93 to %scan3A_95 step %scan3A_96  : i32 {
        %mul3A_99 = arith.constant 2 : i32
        %mul3A_100 = arith.muli %scan3A_98, %mul3A_99 : i32
        %add3A_101 = arith.constant 0 : i32
        %add3A_102 = arith.addi %mul3A_100, %add3A_101 : i32
        %dma_wait3A = arith.constant 0 : i32
        %dma_wait3A_103 = tpu.memref_slice %arg11[%add3A_102, %dma_wait3A] : memref<250x80xi32, #tpu.memory_space<vmem>> -> memref<1x80xi32, #tpu.memory_space<vmem>>
        %dma_wait3A_104 = tpu.memref_squeeze %dma_wait3A_103 : memref<1x80xi32, #tpu.memory_space<vmem>> -> memref<80xi32, #tpu.memory_space<vmem>>
        %dma_wait3A_105 = arith.constant 0 : i32
        %dma_wait3A_106 = arith.constant 0 : i32
        %dma_wait3A_107 = tpu.memref_slice %arg5[%dma_wait3A_105, %dma_wait3A_106] : memref<10000x64xf32, #tpu.memory_space<hbm>> -> memref<10000x64xf32, #tpu.memory_space<hbm>>
        tpu.wait_indirect_dma semaphore(%arg20 : memref<!tpu.dma_semaphore, #tpu.memory_space<semaphore_mem>>) src(%dma_wait3A_107 : memref<10000x64xf32, #tpu.memory_space<hbm>>) dst(%arg13 : memref<80x64xf32, #tpu.memory_space<vmem>>)
        %mul3A_108 = arith.constant 80 : i32
        %mul3A_109 = arith.muli %add3A_102, %mul3A_108 : i32
        %add3A_110 = arith.addi %mul3A_9, %mul3A_109 : i32
        %dma_wait3A_111 = tpu.memref_slice %arg7[%add3A_110, %mul3A_0] : memref<320000x128xf32, #tpu.memory_space<hbm>> -> memref<80x64xf32, #tpu.memory_space<hbm>>
        %dma_wait3A_112 = tpu.memref_slice %arg7[%add3A_110, %mul3A_0] : memref<320000x128xf32, #tpu.memory_space<hbm>> -> memref<80x64xf32, #tpu.memory_space<hbm>>
        tpu.wait_dma2 semaphore(%arg22 : memref<!tpu.dma_semaphore, #tpu.memory_space<semaphore_mem>>) src(%dma_wait3A_112 : memref<80x64xf32, #tpu.memory_space<hbm>>) dst(%arg15 : memref<80x64xf32, #tpu.memory_space<vmem>>)
        %scan3A_113 = arith.constant 0 : i32
        %scan3A_114 = arith.constant 0 : i32
        %scan3A_115 = arith.constant 80 : i32
        %scan3A_116 = arith.addi %scan3A_114, %scan3A_115 : i32
        %scan3A_117 = arith.constant 1 : i32
        scf.for %scan3A_151 = %scan3A_114 to %scan3A_116 step %scan3A_117  : i32 {
          %get3A = arith.index_cast %scan3A_151 : i32 to index
          %get3A_152 = arith.constant 0 : index
          %get3A_153 = tpu.vector_load %arg13[%get3A, %get3A_152] {strides = array<i32>} : memref<80x64xf32, #tpu.memory_space<vmem>>, vector<1x16xf32>,
          %get3A_154 = vector.shape_cast %get3A_153 : vector<1x16xf32> to vector<16xf32>
          %get3A_155 = arith.index_cast %scan3A_151 : i32 to index
          %get3A_156 = arith.constant 0 : index
          %get3A_157 = tpu.vector_load %arg15[%get3A_155, %get3A_156] {strides = array<i32>} : memref<80x64xf32, #tpu.memory_space<vmem>>, vector<1x16xf32>,
          %get3A_158 = vector.shape_cast %get3A_157 : vector<1x16xf32> to vector<16xf32>
          %add3A_159 = arith.addf %get3A_154, %get3A_158 : vector<16xf32>
          %max3A = arith.constant 0.000000e+00 : f32
          %max3A_160 = vector.broadcast %max3A : f32 to vector<16xf32>
          %max3A_161 = arith.maximumf %add3A_159, %max3A_160 : vector<16xf32>
          %swap3A = arith.index_cast %scan3A_151 : i32 to index
          %swap3A_162 = arith.constant 0 : index
          %swap3A_163 = tpu.vector_load %arg17[%swap3A, %swap3A_162] {strides = array<i32>} : memref<80x64xf32, #tpu.memory_space<vmem>>, vector<1x16xf32>,
          %swap3A_164 = vector.shape_cast %swap3A_163 : vector<1x16xf32> to vector<16xf32>
          %swap3A_165 = vector.shape_cast %max3A_161 : vector<16xf32> to vector<1x16xf32>
          tpu.vector_store %arg17[%swap3A, %swap3A_162], %swap3A_165 {strides = array<i32>} : memref<80x64xf32, #tpu.memory_space<vmem>>, vector<1x16xf32>,
          %get3A_166 = arith.index_cast %scan3A_151 : i32 to index
          %get3A_167 = arith.constant 16 : index
          %get3A_168 = tpu.vector_load %arg13[%get3A_166, %get3A_167] {strides = array<i32>} : memref<80x64xf32, #tpu.memory_space<vmem>>, vector<1x16xf32>,
          %get3A_169 = vector.shape_cast %get3A_168 : vector<1x16xf32> to vector<16xf32>
          %get3A_170 = arith.index_cast %scan3A_151 : i32 to index
          %get3A_171 = arith.constant 16 : index
          %get3A_172 = tpu.vector_load %arg15[%get3A_170, %get3A_171] {strides = array<i32>} : memref<80x64xf32, #tpu.memory_space<vmem>>, vector<1x16xf32>,
          %get3A_173 = vector.shape_cast %get3A_172 : vector<1x16xf32> to vector<16xf32>
          %add3A_174 = arith.addf %get3A_169, %get3A_173 : vector<16xf32>
          %max3A_175 = arith.constant 0.000000e+00 : f32
          %max3A_176 = vector.broadcast %max3A_175 : f32 to vector<16xf32>
          %max3A_177 = arith.maximumf %add3A_174, %max3A_176 : vector<16xf32>
          %swap3A_178 = arith.index_cast %scan3A_151 : i32 to index
          %swap3A_179 = arith.constant 16 : index
          %swap3A_180 = tpu.vector_load %arg17[%swap3A_178, %swap3A_179] {strides = array<i32>} : memref<80x64xf32, #tpu.memory_space<vmem>>, vector<1x16xf32>,
          %swap3A_181 = vector.shape_cast %swap3A_180 : vector<1x16xf32> to vector<16xf32>
          %swap3A_182 = vector.shape_cast %max3A_177 : vector<16xf32> to vector<1x16xf32>
          tpu.vector_store %arg17[%swap3A_178, %swap3A_179], %swap3A_182 {strides = array<i32>} : memref<80x64xf32, #tpu.memory_space<vmem>>, vector<1x16xf32>,
          %get3A_183 = arith.index_cast %scan3A_151 : i32 to index
          %get3A_184 = arith.constant 32 : index
          %get3A_185 = tpu.vector_load %arg13[%get3A_183, %get3A_184] {strides = array<i32>} : memref<80x64xf32, #tpu.memory_space<vmem>>, vector<1x16xf32>,
          %get3A_186 = vector.shape_cast %get3A_185 : vector<1x16xf32> to vector<16xf32>
          %get3A_187 = arith.index_cast %scan3A_151 : i32 to index
          %get3A_188 = arith.constant 32 : index
          %get3A_189 = tpu.vector_load %arg15[%get3A_187, %get3A_188] {strides = array<i32>} : memref<80x64xf32, #tpu.memory_space<vmem>>, vector<1x16xf32>,
          %get3A_190 = vector.shape_cast %get3A_189 : vector<1x16xf32> to vector<16xf32>
          %add3A_191 = arith.addf %get3A_186, %get3A_190 : vector<16xf32>
          %max3A_192 = arith.constant 0.000000e+00 : f32
          %max3A_193 = vector.broadcast %max3A_192 : f32 to vector<16xf32>
          %max3A_194 = arith.maximumf %add3A_191, %max3A_193 : vector<16xf32>
          %swap3A_195 = arith.index_cast %scan3A_151 : i32 to index
          %swap3A_196 = arith.constant 32 : index
          %swap3A_197 = tpu.vector_load %arg17[%swap3A_195, %swap3A_196] {strides = array<i32>} : memref<80x64xf32, #tpu.memory_space<vmem>>, vector<1x16xf32>,
          %swap3A_198 = vector.shape_cast %swap3A_197 : vector<1x16xf32> to vector<16xf32>
          %swap3A_199 = vector.shape_cast %max3A_194 : vector<16xf32> to vector<1x16xf32>
          tpu.vector_store %arg17[%swap3A_195, %swap3A_196], %swap3A_199 {strides = array<i32>} : memref<80x64xf32, #tpu.memory_space<vmem>>, vector<1x16xf32>,
          %get3A_200 = arith.index_cast %scan3A_151 : i32 to index
          %get3A_201 = arith.constant 48 : index
          %get3A_202 = tpu.vector_load %arg13[%get3A_200, %get3A_201] {strides = array<i32>} : memref<80x64xf32, #tpu.memory_space<vmem>>, vector<1x16xf32>,
          %get3A_203 = vector.shape_cast %get3A_202 : vector<1x16xf32> to vector<16xf32>
          %get3A_204 = arith.index_cast %scan3A_151 : i32 to index
          %get3A_205 = arith.constant 48 : index
          %get3A_206 = tpu.vector_load %arg15[%get3A_204, %get3A_205] {strides = array<i32>} : memref<80x64xf32, #tpu.memory_space<vmem>>, vector<1x16xf32>,
          %get3A_207 = vector.shape_cast %get3A_206 : vector<1x16xf32> to vector<16xf32>
          %add3A_208 = arith.addf %get3A_203, %get3A_207 : vector<16xf32>
          %max3A_209 = arith.constant 0.000000e+00 : f32
          %max3A_210 = vector.broadcast %max3A_209 : f32 to vector<16xf32>
          %max3A_211 = arith.maximumf %add3A_208, %max3A_210 : vector<16xf32>
          %swap3A_212 = arith.index_cast %scan3A_151 : i32 to index
          %swap3A_213 = arith.constant 48 : index
          %swap3A_214 = tpu.vector_load %arg17[%swap3A_212, %swap3A_213] {strides = array<i32>} : memref<80x64xf32, #tpu.memory_space<vmem>>, vector<1x16xf32>,
          %swap3A_215 = vector.shape_cast %swap3A_214 : vector<1x16xf32> to vector<16xf32>
          %swap3A_216 = vector.shape_cast %max3A_211 : vector<16xf32> to vector<1x16xf32>
          tpu.vector_store %arg17[%swap3A_212, %swap3A_213], %swap3A_216 {strides = array<i32>} : memref<80x64xf32, #tpu.memory_space<vmem>>, vector<1x16xf32>,
        }
        %scan3A_118 = arith.constant 80 : i32
        %add3A_119 = arith.constant 2 : i32
        %add3A_120 = arith.addi %add3A_102, %add3A_119 : i32
        %lt3A = arith.constant 250 : i32
        %lt3A_121 = arith.cmpi slt, %add3A_120, %lt3A : i32
        %convert_element_type3A_122 = arith.extui %lt3A_121 : i1 to i32
        %cond3A_123 = arith.constant 0 : i32
        %cond3A_124 = arith.cmpi ne, %convert_element_type3A_122, %cond3A_123 : i32
        scf.if %cond3A_124 {
          %add3A_151 = arith.constant 2 : i32
          %add3A_152 = arith.addi %add3A_102, %add3A_151 : i32
          %dma_start3A_153 = arith.constant 0 : i32
          %dma_start3A_154 = tpu.memref_slice %arg11[%add3A_152, %dma_start3A_153] : memref<250x80xi32, #tpu.memory_space<vmem>> -> memref<1x80xi32, #tpu.memory_space<vmem>>
          %dma_start3A_155 = tpu.memref_squeeze %dma_start3A_154 : memref<1x80xi32, #tpu.memory_space<vmem>> -> memref<80xi32, #tpu.memory_space<vmem>>
          %dma_start3A_156 = arith.constant 0 : i32
          %dma_start3A_157 = arith.constant 0 : i32
          %dma_start3A_158 = tpu.memref_slice %arg5[%dma_start3A_156, %dma_start3A_157] : memref<10000x64xf32, #tpu.memory_space<hbm>> -> memref<10000x64xf32, #tpu.memory_space<hbm>>
          tpu.enqueue_indirect_dma source(%dma_start3A_158 : memref<10000x64xf32, #tpu.memory_space<hbm>>) target(%arg13 : memref<80x64xf32, #tpu.memory_space<vmem>>) offsets(%dma_start3A_155 : memref<80xi32, #tpu.memory_space<vmem>>) semaphore(%arg20 : memref<!tpu.dma_semaphore, #tpu.memory_space<semaphore_mem>>)
          %mul3A_159 = arith.constant 80 : i32
          %mul3A_160 = arith.muli %add3A_152, %mul3A_159 : i32
          %add3A_161 = arith.addi %mul3A_9, %mul3A_160 : i32
          %dma_start3A_162 = tpu.memref_slice %arg7[%add3A_161, %mul3A_0] : memref<320000x128xf32, #tpu.memory_space<hbm>> -> memref<80x64xf32, #tpu.memory_space<hbm>>
          %dma_start3A_163 = tpu.memref_slice %arg7[%add3A_161, %mul3A_0] : memref<320000x128xf32, #tpu.memory_space<hbm>> -> memref<80x64xf32, #tpu.memory_space<hbm>>
          tpu.enqueue_dma source(%dma_start3A_163 : memref<80x64xf32, #tpu.memory_space<hbm>>) target(%arg15 : memref<80x64xf32, #tpu.memory_space<vmem>>) target_semaphore(%arg22 : memref<!tpu.dma_semaphore, #tpu.memory_space<semaphore_mem>>)
        } else {
        }
        "tpu.region"() ({
          %run_scoped3A = tpu.sem_alloc : memref<!tpu.dma_semaphore, #tpu.memory_space<semaphore_mem>>
          %dma_start3A_151 = arith.constant 0 : i32
          %dma_start3A_152 = tpu.memref_slice %arg12[%add3A_102, %dma_start3A_151] : memref<250x80xi32, #tpu.memory_space<vmem>> -> memref<1x80xi32, #tpu.memory_space<vmem>>
          %dma_start3A_153 = tpu.memref_squeeze %dma_start3A_152 : memref<1x80xi32, #tpu.memory_space<vmem>> -> memref<80xi32, #tpu.memory_space<vmem>>
          %dma_start3A_154 = arith.constant 0 : i32
          %dma_start3A_155 = arith.constant 0 : i32
          %dma_start3A_156 = tpu.memref_slice %arg19[%dma_start3A_154, %dma_start3A_155] : memref<10000x64xf32, #tpu.memory_space<vmem_shared>> -> memref<10000x64xf32, #tpu.memory_space<vmem_shared>>
          tpu.enqueue_indirect_dma source(%arg17 : memref<80x64xf32, #tpu.memory_space<vmem>>) target(%dma_start3A_156 : memref<10000x64xf32, #tpu.memory_space<vmem_shared>>) offsets(%dma_start3A_153 : memref<80xi32, #tpu.memory_space<vmem>>) semaphore(%run_scoped3A : memref<!tpu.dma_semaphore, #tpu.memory_space<semaphore_mem>>) {add = true}
          %dma_wait3A_157 = arith.constant 0 : i32
          %dma_wait3A_158 = tpu.memref_slice %arg12[%add3A_102, %dma_wait3A_157] : memref<250x80xi32, #tpu.memory_space<vmem>> -> memref<1x80xi32, #tpu.memory_space<vmem>>
          %dma_wait3A_159 = tpu.memref_squeeze %dma_wait3A_158 : memref<1x80xi32, #tpu.memory_space<vmem>> -> memref<80xi32, #tpu.memory_space<vmem>>
          %dma_wait3A_160 = arith.constant 0 : i32
          %dma_wait3A_161 = arith.constant 0 : i32
          %dma_wait3A_162 = tpu.memref_slice %arg19[%dma_wait3A_160, %dma_wait3A_161] : memref<10000x64xf32, #tpu.memory_space<vmem_shared>> -> memref<10000x64xf32, #tpu.memory_space<vmem_shared>>
          tpu.wait_indirect_dma semaphore(%run_scoped3A : memref<!tpu.dma_semaphore, #tpu.memory_space<semaphore_mem>>) src(%arg17 : memref<80x64xf32, #tpu.memory_space<vmem>>) dst(%dma_wait3A_162 : memref<10000x64xf32, #tpu.memory_space<vmem_shared>>)
          tpu.yield
        }) : () -> ()
        %add3A_125 = arith.constant 1 : i32
        %add3A_126 = arith.addi %mul3A_100, %add3A_125 : i32
        %dma_wait3A_127 = arith.constant 0 : i32
        %dma_wait3A_128 = tpu.memref_slice %arg11[%add3A_126, %dma_wait3A_127] : memref<250x80xi32, #tpu.memory_space<vmem>> -> memref<1x80xi32, #tpu.memory_space<vmem>>
        %dma_wait3A_129 = tpu.memref_squeeze %dma_wait3A_128 : memref<1x80xi32, #tpu.memory_space<vmem>> -> memref<80xi32, #tpu.memory_space<vmem>>
        %dma_wait3A_130 = arith.constant 0 : i32
        %dma_wait3A_131 = arith.constant 0 : i32
        %dma_wait3A_132 = tpu.memref_slice %arg5[%dma_wait3A_130, %dma_wait3A_131] : memref<10000x64xf32, #tpu.memory_space<hbm>> -> memref<10000x64xf32, #tpu.memory_space<hbm>>
        tpu.wait_indirect_dma semaphore(%arg21 : memref<!tpu.dma_semaphore, #tpu.memory_space<semaphore_mem>>) src(%dma_wait3A_132 : memref<10000x64xf32, #tpu.memory_space<hbm>>) dst(%arg14 : memref<80x64xf32, #tpu.memory_space<vmem>>)
        %mul3A_133 = arith.constant 80 : i32
        %mul3A_134 = arith.muli %add3A_126, %mul3A_133 : i32
        %add3A_135 = arith.addi %mul3A_9, %mul3A_134 : i32
        %dma_wait3A_136 = tpu.memref_slice %arg7[%add3A_135, %mul3A_0] : memref<320000x128xf32, #tpu.memory_space<hbm>> -> memref<80x64xf32, #tpu.memory_space<hbm>>
        %dma_wait3A_137 = tpu.memref_slice %arg7[%add3A_135, %mul3A_0] : memref<320000x128xf32, #tpu.memory_space<hbm>> -> memref<80x64xf32, #tpu.memory_space<hbm>>
        tpu.wait_dma2 semaphore(%arg23 : memref<!tpu.dma_semaphore, #tpu.memory_space<semaphore_mem>>) src(%dma_wait3A_137 : memref<80x64xf32, #tpu.memory_space<hbm>>) dst(%arg16 : memref<80x64xf32, #tpu.memory_space<vmem>>)
        %scan3A_138 = arith.constant 0 : i32
        %scan3A_139 = arith.constant 0 : i32
        %scan3A_140 = arith.constant 80 : i32
        %scan3A_141 = arith.addi %scan3A_139, %scan3A_140 : i32
        %scan3A_142 = arith.constant 1 : i32
        scf.for %scan3A_151 = %scan3A_139 to %scan3A_141 step %scan3A_142  : i32 {
          %get3A = arith.index_cast %scan3A_151 : i32 to index
          %get3A_152 = arith.constant 0 : index
          %get3A_153 = tpu.vector_load %arg14[%get3A, %get3A_152] {strides = array<i32>} : memref<80x64xf32, #tpu.memory_space<vmem>>, vector<1x16xf32>,
          %get3A_154 = vector.shape_cast %get3A_153 : vector<1x16xf32> to vector<16xf32>
          %get3A_155 = arith.index_cast %scan3A_151 : i32 to index
          %get3A_156 = arith.constant 0 : index
          %get3A_157 = tpu.vector_load %arg16[%get3A_155, %get3A_156] {strides = array<i32>} : memref<80x64xf32, #tpu.memory_space<vmem>>, vector<1x16xf32>,
          %get3A_158 = vector.shape_cast %get3A_157 : vector<1x16xf32> to vector<16xf32>
          %add3A_159 = arith.addf %get3A_154, %get3A_158 : vector<16xf32>
          %max3A = arith.constant 0.000000e+00 : f32
          %max3A_160 = vector.broadcast %max3A : f32 to vector<16xf32>
          %max3A_161 = arith.maximumf %add3A_159, %max3A_160 : vector<16xf32>
          %swap3A = arith.index_cast %scan3A_151 : i32 to index
          %swap3A_162 = arith.constant 0 : index
          %swap3A_163 = tpu.vector_load %arg17[%swap3A, %swap3A_162] {strides = array<i32>} : memref<80x64xf32, #tpu.memory_space<vmem>>, vector<1x16xf32>,
          %swap3A_164 = vector.shape_cast %swap3A_163 : vector<1x16xf32> to vector<16xf32>
          %swap3A_165 = vector.shape_cast %max3A_161 : vector<16xf32> to vector<1x16xf32>
          tpu.vector_store %arg17[%swap3A, %swap3A_162], %swap3A_165 {strides = array<i32>} : memref<80x64xf32, #tpu.memory_space<vmem>>, vector<1x16xf32>,
          %get3A_166 = arith.index_cast %scan3A_151 : i32 to index
          %get3A_167 = arith.constant 16 : index
          %get3A_168 = tpu.vector_load %arg14[%get3A_166, %get3A_167] {strides = array<i32>} : memref<80x64xf32, #tpu.memory_space<vmem>>, vector<1x16xf32>,
          %get3A_169 = vector.shape_cast %get3A_168 : vector<1x16xf32> to vector<16xf32>
          %get3A_170 = arith.index_cast %scan3A_151 : i32 to index
          %get3A_171 = arith.constant 16 : index
          %get3A_172 = tpu.vector_load %arg16[%get3A_170, %get3A_171] {strides = array<i32>} : memref<80x64xf32, #tpu.memory_space<vmem>>, vector<1x16xf32>,
          %get3A_173 = vector.shape_cast %get3A_172 : vector<1x16xf32> to vector<16xf32>
          %add3A_174 = arith.addf %get3A_169, %get3A_173 : vector<16xf32>
          %max3A_175 = arith.constant 0.000000e+00 : f32
          %max3A_176 = vector.broadcast %max3A_175 : f32 to vector<16xf32>
          %max3A_177 = arith.maximumf %add3A_174, %max3A_176 : vector<16xf32>
          %swap3A_178 = arith.index_cast %scan3A_151 : i32 to index
          %swap3A_179 = arith.constant 16 : index
          %swap3A_180 = tpu.vector_load %arg17[%swap3A_178, %swap3A_179] {strides = array<i32>} : memref<80x64xf32, #tpu.memory_space<vmem>>, vector<1x16xf32>,
          %swap3A_181 = vector.shape_cast %swap3A_180 : vector<1x16xf32> to vector<16xf32>
          %swap3A_182 = vector.shape_cast %max3A_177 : vector<16xf32> to vector<1x16xf32>
          tpu.vector_store %arg17[%swap3A_178, %swap3A_179], %swap3A_182 {strides = array<i32>} : memref<80x64xf32, #tpu.memory_space<vmem>>, vector<1x16xf32>,
          %get3A_183 = arith.index_cast %scan3A_151 : i32 to index
          %get3A_184 = arith.constant 32 : index
          %get3A_185 = tpu.vector_load %arg14[%get3A_183, %get3A_184] {strides = array<i32>} : memref<80x64xf32, #tpu.memory_space<vmem>>, vector<1x16xf32>,
          %get3A_186 = vector.shape_cast %get3A_185 : vector<1x16xf32> to vector<16xf32>
          %get3A_187 = arith.index_cast %scan3A_151 : i32 to index
          %get3A_188 = arith.constant 32 : index
          %get3A_189 = tpu.vector_load %arg16[%get3A_187, %get3A_188] {strides = array<i32>} : memref<80x64xf32, #tpu.memory_space<vmem>>, vector<1x16xf32>,
          %get3A_190 = vector.shape_cast %get3A_189 : vector<1x16xf32> to vector<16xf32>
          %add3A_191 = arith.addf %get3A_186, %get3A_190 : vector<16xf32>
          %max3A_192 = arith.constant 0.000000e+00 : f32
          %max3A_193 = vector.broadcast %max3A_192 : f32 to vector<16xf32>
          %max3A_194 = arith.maximumf %add3A_191, %max3A_193 : vector<16xf32>
          %swap3A_195 = arith.index_cast %scan3A_151 : i32 to index
          %swap3A_196 = arith.constant 32 : index
          %swap3A_197 = tpu.vector_load %arg17[%swap3A_195, %swap3A_196] {strides = array<i32>} : memref<80x64xf32, #tpu.memory_space<vmem>>, vector<1x16xf32>,
          %swap3A_198 = vector.shape_cast %swap3A_197 : vector<1x16xf32> to vector<16xf32>
          %swap3A_199 = vector.shape_cast %max3A_194 : vector<16xf32> to vector<1x16xf32>
          tpu.vector_store %arg17[%swap3A_195, %swap3A_196], %swap3A_199 {strides = array<i32>} : memref<80x64xf32, #tpu.memory_space<vmem>>, vector<1x16xf32>,
          %get3A_200 = arith.index_cast %scan3A_151 : i32 to index
          %get3A_201 = arith.constant 48 : index
          %get3A_202 = tpu.vector_load %arg14[%get3A_200, %get3A_201] {strides = array<i32>} : memref<80x64xf32, #tpu.memory_space<vmem>>, vector<1x16xf32>,
          %get3A_203 = vector.shape_cast %get3A_202 : vector<1x16xf32> to vector<16xf32>
          %get3A_204 = arith.index_cast %scan3A_151 : i32 to index
          %get3A_205 = arith.constant 48 : index
          %get3A_206 = tpu.vector_load %arg16[%get3A_204, %get3A_205] {strides = array<i32>} : memref<80x64xf32, #tpu.memory_space<vmem>>, vector<1x16xf32>,
          %get3A_207 = vector.shape_cast %get3A_206 : vector<1x16xf32> to vector<16xf32>
          %add3A_208 = arith.addf %get3A_203, %get3A_207 : vector<16xf32>
          %max3A_209 = arith.constant 0.000000e+00 : f32
          %max3A_210 = vector.broadcast %max3A_209 : f32 to vector<16xf32>
          %max3A_211 = arith.maximumf %add3A_208, %max3A_210 : vector<16xf32>
          %swap3A_212 = arith.index_cast %scan3A_151 : i32 to index
          %swap3A_213 = arith.constant 48 : index
          %swap3A_214 = tpu.vector_load %arg17[%swap3A_212, %swap3A_213] {strides = array<i32>} : memref<80x64xf32, #tpu.memory_space<vmem>>, vector<1x16xf32>,
          %swap3A_215 = vector.shape_cast %swap3A_214 : vector<1x16xf32> to vector<16xf32>
          %swap3A_216 = vector.shape_cast %max3A_211 : vector<16xf32> to vector<1x16xf32>
          tpu.vector_store %arg17[%swap3A_212, %swap3A_213], %swap3A_216 {strides = array<i32>} : memref<80x64xf32, #tpu.memory_space<vmem>>, vector<1x16xf32>,
        }
        %scan3A_143 = arith.constant 80 : i32
        %add3A_144 = arith.constant 2 : i32
        %add3A_145 = arith.addi %add3A_126, %add3A_144 : i32
        %lt3A_146 = arith.constant 250 : i32
        %lt3A_147 = arith.cmpi slt, %add3A_145, %lt3A_146 : i32
        %convert_element_type3A_148 = arith.extui %lt3A_147 : i1 to i32
        %cond3A_149 = arith.constant 0 : i32
        %cond3A_150 = arith.cmpi ne, %convert_element_type3A_148, %cond3A_149 : i32
        scf.if %cond3A_150 {
          %add3A_151 = arith.constant 2 : i32
          %add3A_152 = arith.addi %add3A_126, %add3A_151 : i32
          %dma_start3A_153 = arith.constant 0 : i32
          %dma_start3A_154 = tpu.memref_slice %arg11[%add3A_152, %dma_start3A_153] : memref<250x80xi32, #tpu.memory_space<vmem>> -> memref<1x80xi32, #tpu.memory_space<vmem>>
          %dma_start3A_155 = tpu.memref_squeeze %dma_start3A_154 : memref<1x80xi32, #tpu.memory_space<vmem>> -> memref<80xi32, #tpu.memory_space<vmem>>
          %dma_start3A_156 = arith.constant 0 : i32
          %dma_start3A_157 = arith.constant 0 : i32
          %dma_start3A_158 = tpu.memref_slice %arg5[%dma_start3A_156, %dma_start3A_157] : memref<10000x64xf32, #tpu.memory_space<hbm>> -> memref<10000x64xf32, #tpu.memory_space<hbm>>
          tpu.enqueue_indirect_dma source(%dma_start3A_158 : memref<10000x64xf32, #tpu.memory_space<hbm>>) target(%arg14 : memref<80x64xf32, #tpu.memory_space<vmem>>) offsets(%dma_start3A_155 : memref<80xi32, #tpu.memory_space<vmem>>) semaphore(%arg21 : memref<!tpu.dma_semaphore, #tpu.memory_space<semaphore_mem>>)
          %mul3A_159 = arith.constant 80 : i32
          %mul3A_160 = arith.muli %add3A_152, %mul3A_159 : i32
          %add3A_161 = arith.addi %mul3A_9, %mul3A_160 : i32
          %dma_start3A_162 = tpu.memref_slice %arg7[%add3A_161, %mul3A_0] : memref<320000x128xf32, #tpu.memory_space<hbm>> -> memref<80x64xf32, #tpu.memory_space<hbm>>
          %dma_start3A_163 = tpu.memref_slice %arg7[%add3A_161, %mul3A_0] : memref<320000x128xf32, #tpu.memory_space<hbm>> -> memref<80x64xf32, #tpu.memory_space<hbm>>
          tpu.enqueue_dma source(%dma_start3A_163 : memref<80x64xf32, #tpu.memory_space<hbm>>) target(%arg16 : memref<80x64xf32, #tpu.memory_space<vmem>>) target_semaphore(%arg23 : memref<!tpu.dma_semaphore, #tpu.memory_space<semaphore_mem>>)
        } else {
        }
        "tpu.region"() ({
          %run_scoped3A = tpu.sem_alloc : memref<!tpu.dma_semaphore, #tpu.memory_space<semaphore_mem>>
          %dma_start3A_151 = arith.constant 0 : i32
          %dma_start3A_152 = tpu.memref_slice %arg12[%add3A_126, %dma_start3A_151] : memref<250x80xi32, #tpu.memory_space<vmem>> -> memref<1x80xi32, #tpu.memory_space<vmem>>
          %dma_start3A_153 = tpu.memref_squeeze %dma_start3A_152 : memref<1x80xi32, #tpu.memory_space<vmem>> -> memref<80xi32, #tpu.memory_space<vmem>>
          %dma_start3A_154 = arith.constant 0 : i32
          %dma_start3A_155 = arith.constant 0 : i32
          %dma_start3A_156 = tpu.memref_slice %arg19[%dma_start3A_154, %dma_start3A_155] : memref<10000x64xf32, #tpu.memory_space<vmem_shared>> -> memref<10000x64xf32, #tpu.memory_space<vmem_shared>>
          tpu.enqueue_indirect_dma source(%arg17 : memref<80x64xf32, #tpu.memory_space<vmem>>) target(%dma_start3A_156 : memref<10000x64xf32, #tpu.memory_space<vmem_shared>>) offsets(%dma_start3A_153 : memref<80xi32, #tpu.memory_space<vmem>>) semaphore(%run_scoped3A : memref<!tpu.dma_semaphore, #tpu.memory_space<semaphore_mem>>) {add = true}
          %dma_wait3A_157 = arith.constant 0 : i32
          %dma_wait3A_158 = tpu.memref_slice %arg12[%add3A_126, %dma_wait3A_157] : memref<250x80xi32, #tpu.memory_space<vmem>> -> memref<1x80xi32, #tpu.memory_space<vmem>>
          %dma_wait3A_159 = tpu.memref_squeeze %dma_wait3A_158 : memref<1x80xi32, #tpu.memory_space<vmem>> -> memref<80xi32, #tpu.memory_space<vmem>>
          %dma_wait3A_160 = arith.constant 0 : i32
          %dma_wait3A_161 = arith.constant 0 : i32
          %dma_wait3A_162 = tpu.memref_slice %arg19[%dma_wait3A_160, %dma_wait3A_161] : memref<10000x64xf32, #tpu.memory_space<vmem_shared>> -> memref<10000x64xf32, #tpu.memory_space<vmem_shared>>
          tpu.wait_indirect_dma semaphore(%run_scoped3A : memref<!tpu.dma_semaphore, #tpu.memory_space<semaphore_mem>>) src(%arg17 : memref<80x64xf32, #tpu.memory_space<vmem>>) dst(%dma_wait3A_162 : memref<10000x64xf32, #tpu.memory_space<vmem_shared>>)
          tpu.yield
        }) : () -> ()
      }
      %scan3A_97 = arith.constant 125 : i32
    } else {
    }
    %eq3A_55 = arith.constant 1 : i32
    %eq3A_56 = arith.cmpi eq, %arg0, %eq3A_55 : i32
    %convert_element_type3A_57 = arith.extui %eq3A_56 : i1 to i32
    %cond3A_58 = arith.constant 0 : i32
    %cond3A_59 = arith.cmpi ne, %convert_element_type3A_57, %cond3A_58 : i32
    scf.if %cond3A_59 {
      %dma_start3A = arith.constant 0 : i32
      %dma_start3A_71 = arith.constant 0 : i32
      %dma_start3A_72 = tpu.memref_slice %arg11[%dma_start3A, %dma_start3A_71] : memref<250x80xi32, #tpu.memory_space<vmem>> -> memref<1x80xi32, #tpu.memory_space<vmem>>
      %dma_start3A_73 = tpu.memref_squeeze %dma_start3A_72 : memref<1x80xi32, #tpu.memory_space<vmem>> -> memref<80xi32, #tpu.memory_space<vmem>>
      %dma_start3A_74 = arith.constant 0 : i32
      %dma_start3A_75 = arith.constant 0 : i32
      %dma_start3A_76 = tpu.memref_slice %arg6[%dma_start3A_74, %dma_start3A_75] : memref<10000x64xf32, #tpu.memory_space<hbm>> -> memref<10000x64xf32, #tpu.memory_space<hbm>>
      tpu.enqueue_indirect_dma source(%dma_start3A_76 : memref<10000x64xf32, #tpu.memory_space<hbm>>) target(%arg13 : memref<80x64xf32, #tpu.memory_space<vmem>>) offsets(%dma_start3A_73 : memref<80xi32, #tpu.memory_space<vmem>>) semaphore(%arg20 : memref<!tpu.dma_semaphore, #tpu.memory_space<semaphore_mem>>)
      %add3A_77 = arith.constant 0 : i32
      %add3A_78 = arith.addi %mul3A_9, %add3A_77 : i32
      %dma_start3A_79 = tpu.memref_slice %arg7[%add3A_78, %mul3A_0] : memref<320000x128xf32, #tpu.memory_space<hbm>> -> memref<80x64xf32, #tpu.memory_space<hbm>>
      %dma_start3A_80 = tpu.memref_slice %arg7[%add3A_78, %mul3A_0] : memref<320000x128xf32, #tpu.memory_space<hbm>> -> memref<80x64xf32, #tpu.memory_space<hbm>>
      tpu.enqueue_dma source(%dma_start3A_80 : memref<80x64xf32, #tpu.memory_space<hbm>>) target(%arg15 : memref<80x64xf32, #tpu.memory_space<vmem>>) target_semaphore(%arg22 : memref<!tpu.dma_semaphore, #tpu.memory_space<semaphore_mem>>)
      %dma_start3A_81 = arith.constant 1 : i32
      %dma_start3A_82 = arith.constant 0 : i32
      %dma_start3A_83 = tpu.memref_slice %arg11[%dma_start3A_81, %dma_start3A_82] : memref<250x80xi32, #tpu.memory_space<vmem>> -> memref<1x80xi32, #tpu.memory_space<vmem>>
      %dma_start3A_84 = tpu.memref_squeeze %dma_start3A_83 : memref<1x80xi32, #tpu.memory_space<vmem>> -> memref<80xi32, #tpu.memory_space<vmem>>
      %dma_start3A_85 = arith.constant 0 : i32
      %dma_start3A_86 = arith.constant 0 : i32
      %dma_start3A_87 = tpu.memref_slice %arg6[%dma_start3A_85, %dma_start3A_86] : memref<10000x64xf32, #tpu.memory_space<hbm>> -> memref<10000x64xf32, #tpu.memory_space<hbm>>
      tpu.enqueue_indirect_dma source(%dma_start3A_87 : memref<10000x64xf32, #tpu.memory_space<hbm>>) target(%arg14 : memref<80x64xf32, #tpu.memory_space<vmem>>) offsets(%dma_start3A_84 : memref<80xi32, #tpu.memory_space<vmem>>) semaphore(%arg21 : memref<!tpu.dma_semaphore, #tpu.memory_space<semaphore_mem>>)
      %add3A_88 = arith.constant 80 : i32
      %add3A_89 = arith.addi %mul3A_9, %add3A_88 : i32
      %dma_start3A_90 = tpu.memref_slice %arg7[%add3A_89, %mul3A_0] : memref<320000x128xf32, #tpu.memory_space<hbm>> -> memref<80x64xf32, #tpu.memory_space<hbm>>
      %dma_start3A_91 = tpu.memref_slice %arg7[%add3A_89, %mul3A_0] : memref<320000x128xf32, #tpu.memory_space<hbm>> -> memref<80x64xf32, #tpu.memory_space<hbm>>
      tpu.enqueue_dma source(%dma_start3A_91 : memref<80x64xf32, #tpu.memory_space<hbm>>) target(%arg16 : memref<80x64xf32, #tpu.memory_space<vmem>>) target_semaphore(%arg23 : memref<!tpu.dma_semaphore, #tpu.memory_space<semaphore_mem>>)
      %scan3A_92 = arith.constant 0 : i32
      %scan3A_93 = arith.constant 0 : i32
      %scan3A_94 = arith.constant 125 : i32
      %scan3A_95 = arith.addi %scan3A_93, %scan3A_94 : i32
      %scan3A_96 = arith.constant 1 : i32
      scf.for %scan3A_98 = %scan3A_93 to %scan3A_95 step %scan3A_96  : i32 {
        %mul3A_99 = arith.constant 2 : i32
        %mul3A_100 = arith.muli %scan3A_98, %mul3A_99 : i32
        %add3A_101 = arith.constant 0 : i32
        %add3A_102 = arith.addi %mul3A_100, %add3A_101 : i32
        %dma_wait3A = arith.constant 0 : i32
        %dma_wait3A_103 = tpu.memref_slice %arg11[%add3A_102, %dma_wait3A] : memref<250x80xi32, #tpu.memory_space<vmem>> -> memref<1x80xi32, #tpu.memory_space<vmem>>
        %dma_wait3A_104 = tpu.memref_squeeze %dma_wait3A_103 : memref<1x80xi32, #tpu.memory_space<vmem>> -> memref<80xi32, #tpu.memory_space<vmem>>
        %dma_wait3A_105 = arith.constant 0 : i32
        %dma_wait3A_106 = arith.constant 0 : i32
        %dma_wait3A_107 = tpu.memref_slice %arg6[%dma_wait3A_105, %dma_wait3A_106] : memref<10000x64xf32, #tpu.memory_space<hbm>> -> memref<10000x64xf32, #tpu.memory_space<hbm>>
        tpu.wait_indirect_dma semaphore(%arg20 : memref<!tpu.dma_semaphore, #tpu.memory_space<semaphore_mem>>) src(%dma_wait3A_107 : memref<10000x64xf32, #tpu.memory_space<hbm>>) dst(%arg13 : memref<80x64xf32, #tpu.memory_space<vmem>>)
        %mul3A_108 = arith.constant 80 : i32
        %mul3A_109 = arith.muli %add3A_102, %mul3A_108 : i32
        %add3A_110 = arith.addi %mul3A_9, %mul3A_109 : i32
        %dma_wait3A_111 = tpu.memref_slice %arg7[%add3A_110, %mul3A_0] : memref<320000x128xf32, #tpu.memory_space<hbm>> -> memref<80x64xf32, #tpu.memory_space<hbm>>
        %dma_wait3A_112 = tpu.memref_slice %arg7[%add3A_110, %mul3A_0] : memref<320000x128xf32, #tpu.memory_space<hbm>> -> memref<80x64xf32, #tpu.memory_space<hbm>>
        tpu.wait_dma2 semaphore(%arg22 : memref<!tpu.dma_semaphore, #tpu.memory_space<semaphore_mem>>) src(%dma_wait3A_112 : memref<80x64xf32, #tpu.memory_space<hbm>>) dst(%arg15 : memref<80x64xf32, #tpu.memory_space<vmem>>)
        %scan3A_113 = arith.constant 0 : i32
        %scan3A_114 = arith.constant 0 : i32
        %scan3A_115 = arith.constant 80 : i32
        %scan3A_116 = arith.addi %scan3A_114, %scan3A_115 : i32
        %scan3A_117 = arith.constant 1 : i32
        scf.for %scan3A_151 = %scan3A_114 to %scan3A_116 step %scan3A_117  : i32 {
          %get3A = arith.index_cast %scan3A_151 : i32 to index
          %get3A_152 = arith.constant 0 : index
          %get3A_153 = tpu.vector_load %arg13[%get3A, %get3A_152] {strides = array<i32>} : memref<80x64xf32, #tpu.memory_space<vmem>>, vector<1x16xf32>,
          %get3A_154 = vector.shape_cast %get3A_153 : vector<1x16xf32> to vector<16xf32>
          %get3A_155 = arith.index_cast %scan3A_151 : i32 to index
          %get3A_156 = arith.constant 0 : index
          %get3A_157 = tpu.vector_load %arg15[%get3A_155, %get3A_156] {strides = array<i32>} : memref<80x64xf32, #tpu.memory_space<vmem>>, vector<1x16xf32>,
          %get3A_158 = vector.shape_cast %get3A_157 : vector<1x16xf32> to vector<16xf32>
          %add3A_159 = arith.addf %get3A_154, %get3A_158 : vector<16xf32>
          %max3A = arith.constant 0.000000e+00 : f32
          %max3A_160 = vector.broadcast %max3A : f32 to vector<16xf32>
          %max3A_161 = arith.maximumf %add3A_159, %max3A_160 : vector<16xf32>
          %swap3A = arith.index_cast %scan3A_151 : i32 to index
          %swap3A_162 = arith.constant 0 : index
          %swap3A_163 = tpu.vector_load %arg17[%swap3A, %swap3A_162] {strides = array<i32>} : memref<80x64xf32, #tpu.memory_space<vmem>>, vector<1x16xf32>,
          %swap3A_164 = vector.shape_cast %swap3A_163 : vector<1x16xf32> to vector<16xf32>
          %swap3A_165 = vector.shape_cast %max3A_161 : vector<16xf32> to vector<1x16xf32>
          tpu.vector_store %arg17[%swap3A, %swap3A_162], %swap3A_165 {strides = array<i32>} : memref<80x64xf32, #tpu.memory_space<vmem>>, vector<1x16xf32>,
          %get3A_166 = arith.index_cast %scan3A_151 : i32 to index
          %get3A_167 = arith.constant 16 : index
          %get3A_168 = tpu.vector_load %arg13[%get3A_166, %get3A_167] {strides = array<i32>} : memref<80x64xf32, #tpu.memory_space<vmem>>, vector<1x16xf32>,
          %get3A_169 = vector.shape_cast %get3A_168 : vector<1x16xf32> to vector<16xf32>
          %get3A_170 = arith.index_cast %scan3A_151 : i32 to index
          %get3A_171 = arith.constant 16 : index
          %get3A_172 = tpu.vector_load %arg15[%get3A_170, %get3A_171] {strides = array<i32>} : memref<80x64xf32, #tpu.memory_space<vmem>>, vector<1x16xf32>,
          %get3A_173 = vector.shape_cast %get3A_172 : vector<1x16xf32> to vector<16xf32>
          %add3A_174 = arith.addf %get3A_169, %get3A_173 : vector<16xf32>
          %max3A_175 = arith.constant 0.000000e+00 : f32
          %max3A_176 = vector.broadcast %max3A_175 : f32 to vector<16xf32>
          %max3A_177 = arith.maximumf %add3A_174, %max3A_176 : vector<16xf32>
          %swap3A_178 = arith.index_cast %scan3A_151 : i32 to index
          %swap3A_179 = arith.constant 16 : index
          %swap3A_180 = tpu.vector_load %arg17[%swap3A_178, %swap3A_179] {strides = array<i32>} : memref<80x64xf32, #tpu.memory_space<vmem>>, vector<1x16xf32>,
          %swap3A_181 = vector.shape_cast %swap3A_180 : vector<1x16xf32> to vector<16xf32>
          %swap3A_182 = vector.shape_cast %max3A_177 : vector<16xf32> to vector<1x16xf32>
          tpu.vector_store %arg17[%swap3A_178, %swap3A_179], %swap3A_182 {strides = array<i32>} : memref<80x64xf32, #tpu.memory_space<vmem>>, vector<1x16xf32>,
          %get3A_183 = arith.index_cast %scan3A_151 : i32 to index
          %get3A_184 = arith.constant 32 : index
          %get3A_185 = tpu.vector_load %arg13[%get3A_183, %get3A_184] {strides = array<i32>} : memref<80x64xf32, #tpu.memory_space<vmem>>, vector<1x16xf32>,
          %get3A_186 = vector.shape_cast %get3A_185 : vector<1x16xf32> to vector<16xf32>
          %get3A_187 = arith.index_cast %scan3A_151 : i32 to index
          %get3A_188 = arith.constant 32 : index
          %get3A_189 = tpu.vector_load %arg15[%get3A_187, %get3A_188] {strides = array<i32>} : memref<80x64xf32, #tpu.memory_space<vmem>>, vector<1x16xf32>,
          %get3A_190 = vector.shape_cast %get3A_189 : vector<1x16xf32> to vector<16xf32>
          %add3A_191 = arith.addf %get3A_186, %get3A_190 : vector<16xf32>
          %max3A_192 = arith.constant 0.000000e+00 : f32
          %max3A_193 = vector.broadcast %max3A_192 : f32 to vector<16xf32>
          %max3A_194 = arith.maximumf %add3A_191, %max3A_193 : vector<16xf32>
          %swap3A_195 = arith.index_cast %scan3A_151 : i32 to index
          %swap3A_196 = arith.constant 32 : index
          %swap3A_197 = tpu.vector_load %arg17[%swap3A_195, %swap3A_196] {strides = array<i32>} : memref<80x64xf32, #tpu.memory_space<vmem>>, vector<1x16xf32>,
          %swap3A_198 = vector.shape_cast %swap3A_197 : vector<1x16xf32> to vector<16xf32>
          %swap3A_199 = vector.shape_cast %max3A_194 : vector<16xf32> to vector<1x16xf32>
          tpu.vector_store %arg17[%swap3A_195, %swap3A_196], %swap3A_199 {strides = array<i32>} : memref<80x64xf32, #tpu.memory_space<vmem>>, vector<1x16xf32>,
          %get3A_200 = arith.index_cast %scan3A_151 : i32 to index
          %get3A_201 = arith.constant 48 : index
          %get3A_202 = tpu.vector_load %arg13[%get3A_200, %get3A_201] {strides = array<i32>} : memref<80x64xf32, #tpu.memory_space<vmem>>, vector<1x16xf32>,
          %get3A_203 = vector.shape_cast %get3A_202 : vector<1x16xf32> to vector<16xf32>
          %get3A_204 = arith.index_cast %scan3A_151 : i32 to index
          %get3A_205 = arith.constant 48 : index
          %get3A_206 = tpu.vector_load %arg15[%get3A_204, %get3A_205] {strides = array<i32>} : memref<80x64xf32, #tpu.memory_space<vmem>>, vector<1x16xf32>,
          %get3A_207 = vector.shape_cast %get3A_206 : vector<1x16xf32> to vector<16xf32>
          %add3A_208 = arith.addf %get3A_203, %get3A_207 : vector<16xf32>
          %max3A_209 = arith.constant 0.000000e+00 : f32
          %max3A_210 = vector.broadcast %max3A_209 : f32 to vector<16xf32>
          %max3A_211 = arith.maximumf %add3A_208, %max3A_210 : vector<16xf32>
          %swap3A_212 = arith.index_cast %scan3A_151 : i32 to index
          %swap3A_213 = arith.constant 48 : index
          %swap3A_214 = tpu.vector_load %arg17[%swap3A_212, %swap3A_213] {strides = array<i32>} : memref<80x64xf32, #tpu.memory_space<vmem>>, vector<1x16xf32>,
          %swap3A_215 = vector.shape_cast %swap3A_214 : vector<1x16xf32> to vector<16xf32>
          %swap3A_216 = vector.shape_cast %max3A_211 : vector<16xf32> to vector<1x16xf32>
          tpu.vector_store %arg17[%swap3A_212, %swap3A_213], %swap3A_216 {strides = array<i32>} : memref<80x64xf32, #tpu.memory_space<vmem>>, vector<1x16xf32>,
        }
        %scan3A_118 = arith.constant 80 : i32
        %add3A_119 = arith.constant 2 : i32
        %add3A_120 = arith.addi %add3A_102, %add3A_119 : i32
        %lt3A = arith.constant 250 : i32
        %lt3A_121 = arith.cmpi slt, %add3A_120, %lt3A : i32
        %convert_element_type3A_122 = arith.extui %lt3A_121 : i1 to i32
        %cond3A_123 = arith.constant 0 : i32
        %cond3A_124 = arith.cmpi ne, %convert_element_type3A_122, %cond3A_123 : i32
        scf.if %cond3A_124 {
          %add3A_151 = arith.constant 2 : i32
          %add3A_152 = arith.addi %add3A_102, %add3A_151 : i32
          %dma_start3A_153 = arith.constant 0 : i32
          %dma_start3A_154 = tpu.memref_slice %arg11[%add3A_152, %dma_start3A_153] : memref<250x80xi32, #tpu.memory_space<vmem>> -> memref<1x80xi32, #tpu.memory_space<vmem>>
          %dma_start3A_155 = tpu.memref_squeeze %dma_start3A_154 : memref<1x80xi32, #tpu.memory_space<vmem>> -> memref<80xi32, #tpu.memory_space<vmem>>
          %dma_start3A_156 = arith.constant 0 : i32
          %dma_start3A_157 = arith.constant 0 : i32
          %dma_start3A_158 = tpu.memref_slice %arg6[%dma_start3A_156, %dma_start3A_157] : memref<10000x64xf32, #tpu.memory_space<hbm>> -> memref<10000x64xf32, #tpu.memory_space<hbm>>
          tpu.enqueue_indirect_dma source(%dma_start3A_158 : memref<10000x64xf32, #tpu.memory_space<hbm>>) target(%arg13 : memref<80x64xf32, #tpu.memory_space<vmem>>) offsets(%dma_start3A_155 : memref<80xi32, #tpu.memory_space<vmem>>) semaphore(%arg20 : memref<!tpu.dma_semaphore, #tpu.memory_space<semaphore_mem>>)
          %mul3A_159 = arith.constant 80 : i32
          %mul3A_160 = arith.muli %add3A_152, %mul3A_159 : i32
          %add3A_161 = arith.addi %mul3A_9, %mul3A_160 : i32
          %dma_start3A_162 = tpu.memref_slice %arg7[%add3A_161, %mul3A_0] : memref<320000x128xf32, #tpu.memory_space<hbm>> -> memref<80x64xf32, #tpu.memory_space<hbm>>
          %dma_start3A_163 = tpu.memref_slice %arg7[%add3A_161, %mul3A_0] : memref<320000x128xf32, #tpu.memory_space<hbm>> -> memref<80x64xf32, #tpu.memory_space<hbm>>
          tpu.enqueue_dma source(%dma_start3A_163 : memref<80x64xf32, #tpu.memory_space<hbm>>) target(%arg15 : memref<80x64xf32, #tpu.memory_space<vmem>>) target_semaphore(%arg22 : memref<!tpu.dma_semaphore, #tpu.memory_space<semaphore_mem>>)
        } else {
        }
        "tpu.region"() ({
          %run_scoped3A = tpu.sem_alloc : memref<!tpu.dma_semaphore, #tpu.memory_space<semaphore_mem>>
          %dma_start3A_151 = arith.constant 0 : i32
          %dma_start3A_152 = tpu.memref_slice %arg12[%add3A_102, %dma_start3A_151] : memref<250x80xi32, #tpu.memory_space<vmem>> -> memref<1x80xi32, #tpu.memory_space<vmem>>
          %dma_start3A_153 = tpu.memref_squeeze %dma_start3A_152 : memref<1x80xi32, #tpu.memory_space<vmem>> -> memref<80xi32, #tpu.memory_space<vmem>>
          %dma_start3A_154 = arith.constant 0 : i32
          %dma_start3A_155 = arith.constant 0 : i32
          %dma_start3A_156 = tpu.memref_slice %arg19[%dma_start3A_154, %dma_start3A_155] : memref<10000x64xf32, #tpu.memory_space<vmem_shared>> -> memref<10000x64xf32, #tpu.memory_space<vmem_shared>>
          tpu.enqueue_indirect_dma source(%arg17 : memref<80x64xf32, #tpu.memory_space<vmem>>) target(%dma_start3A_156 : memref<10000x64xf32, #tpu.memory_space<vmem_shared>>) offsets(%dma_start3A_153 : memref<80xi32, #tpu.memory_space<vmem>>) semaphore(%run_scoped3A : memref<!tpu.dma_semaphore, #tpu.memory_space<semaphore_mem>>) {add = true}
          %dma_wait3A_157 = arith.constant 0 : i32
          %dma_wait3A_158 = tpu.memref_slice %arg12[%add3A_102, %dma_wait3A_157] : memref<250x80xi32, #tpu.memory_space<vmem>> -> memref<1x80xi32, #tpu.memory_space<vmem>>
          %dma_wait3A_159 = tpu.memref_squeeze %dma_wait3A_158 : memref<1x80xi32, #tpu.memory_space<vmem>> -> memref<80xi32, #tpu.memory_space<vmem>>
          %dma_wait3A_160 = arith.constant 0 : i32
          %dma_wait3A_161 = arith.constant 0 : i32
          %dma_wait3A_162 = tpu.memref_slice %arg19[%dma_wait3A_160, %dma_wait3A_161] : memref<10000x64xf32, #tpu.memory_space<vmem_shared>> -> memref<10000x64xf32, #tpu.memory_space<vmem_shared>>
          tpu.wait_indirect_dma semaphore(%run_scoped3A : memref<!tpu.dma_semaphore, #tpu.memory_space<semaphore_mem>>) src(%arg17 : memref<80x64xf32, #tpu.memory_space<vmem>>) dst(%dma_wait3A_162 : memref<10000x64xf32, #tpu.memory_space<vmem_shared>>)
          tpu.yield
        }) : () -> ()
        %add3A_125 = arith.constant 1 : i32
        %add3A_126 = arith.addi %mul3A_100, %add3A_125 : i32
        %dma_wait3A_127 = arith.constant 0 : i32
        %dma_wait3A_128 = tpu.memref_slice %arg11[%add3A_126, %dma_wait3A_127] : memref<250x80xi32, #tpu.memory_space<vmem>> -> memref<1x80xi32, #tpu.memory_space<vmem>>
        %dma_wait3A_129 = tpu.memref_squeeze %dma_wait3A_128 : memref<1x80xi32, #tpu.memory_space<vmem>> -> memref<80xi32, #tpu.memory_space<vmem>>
        %dma_wait3A_130 = arith.constant 0 : i32
        %dma_wait3A_131 = arith.constant 0 : i32
        %dma_wait3A_132 = tpu.memref_slice %arg6[%dma_wait3A_130, %dma_wait3A_131] : memref<10000x64xf32, #tpu.memory_space<hbm>> -> memref<10000x64xf32, #tpu.memory_space<hbm>>
        tpu.wait_indirect_dma semaphore(%arg21 : memref<!tpu.dma_semaphore, #tpu.memory_space<semaphore_mem>>) src(%dma_wait3A_132 : memref<10000x64xf32, #tpu.memory_space<hbm>>) dst(%arg14 : memref<80x64xf32, #tpu.memory_space<vmem>>)
        %mul3A_133 = arith.constant 80 : i32
        %mul3A_134 = arith.muli %add3A_126, %mul3A_133 : i32
        %add3A_135 = arith.addi %mul3A_9, %mul3A_134 : i32
        %dma_wait3A_136 = tpu.memref_slice %arg7[%add3A_135, %mul3A_0] : memref<320000x128xf32, #tpu.memory_space<hbm>> -> memref<80x64xf32, #tpu.memory_space<hbm>>
        %dma_wait3A_137 = tpu.memref_slice %arg7[%add3A_135, %mul3A_0] : memref<320000x128xf32, #tpu.memory_space<hbm>> -> memref<80x64xf32, #tpu.memory_space<hbm>>
        tpu.wait_dma2 semaphore(%arg23 : memref<!tpu.dma_semaphore, #tpu.memory_space<semaphore_mem>>) src(%dma_wait3A_137 : memref<80x64xf32, #tpu.memory_space<hbm>>) dst(%arg16 : memref<80x64xf32, #tpu.memory_space<vmem>>)
        %scan3A_138 = arith.constant 0 : i32
        %scan3A_139 = arith.constant 0 : i32
        %scan3A_140 = arith.constant 80 : i32
        %scan3A_141 = arith.addi %scan3A_139, %scan3A_140 : i32
        %scan3A_142 = arith.constant 1 : i32
        scf.for %scan3A_151 = %scan3A_139 to %scan3A_141 step %scan3A_142  : i32 {
          %get3A = arith.index_cast %scan3A_151 : i32 to index
          %get3A_152 = arith.constant 0 : index
          %get3A_153 = tpu.vector_load %arg14[%get3A, %get3A_152] {strides = array<i32>} : memref<80x64xf32, #tpu.memory_space<vmem>>, vector<1x16xf32>,
          %get3A_154 = vector.shape_cast %get3A_153 : vector<1x16xf32> to vector<16xf32>
          %get3A_155 = arith.index_cast %scan3A_151 : i32 to index
          %get3A_156 = arith.constant 0 : index
          %get3A_157 = tpu.vector_load %arg16[%get3A_155, %get3A_156] {strides = array<i32>} : memref<80x64xf32, #tpu.memory_space<vmem>>, vector<1x16xf32>,
          %get3A_158 = vector.shape_cast %get3A_157 : vector<1x16xf32> to vector<16xf32>
          %add3A_159 = arith.addf %get3A_154, %get3A_158 : vector<16xf32>
          %max3A = arith.constant 0.000000e+00 : f32
          %max3A_160 = vector.broadcast %max3A : f32 to vector<16xf32>
          %max3A_161 = arith.maximumf %add3A_159, %max3A_160 : vector<16xf32>
          %swap3A = arith.index_cast %scan3A_151 : i32 to index
          %swap3A_162 = arith.constant 0 : index
          %swap3A_163 = tpu.vector_load %arg17[%swap3A, %swap3A_162] {strides = array<i32>} : memref<80x64xf32, #tpu.memory_space<vmem>>, vector<1x16xf32>,
          %swap3A_164 = vector.shape_cast %swap3A_163 : vector<1x16xf32> to vector<16xf32>
          %swap3A_165 = vector.shape_cast %max3A_161 : vector<16xf32> to vector<1x16xf32>
          tpu.vector_store %arg17[%swap3A, %swap3A_162], %swap3A_165 {strides = array<i32>} : memref<80x64xf32, #tpu.memory_space<vmem>>, vector<1x16xf32>,
          %get3A_166 = arith.index_cast %scan3A_151 : i32 to index
          %get3A_167 = arith.constant 16 : index
          %get3A_168 = tpu.vector_load %arg14[%get3A_166, %get3A_167] {strides = array<i32>} : memref<80x64xf32, #tpu.memory_space<vmem>>, vector<1x16xf32>,
          %get3A_169 = vector.shape_cast %get3A_168 : vector<1x16xf32> to vector<16xf32>
          %get3A_170 = arith.index_cast %scan3A_151 : i32 to index
          %get3A_171 = arith.constant 16 : index
          %get3A_172 = tpu.vector_load %arg16[%get3A_170, %get3A_171] {strides = array<i32>} : memref<80x64xf32, #tpu.memory_space<vmem>>, vector<1x16xf32>,
          %get3A_173 = vector.shape_cast %get3A_172 : vector<1x16xf32> to vector<16xf32>
          %add3A_174 = arith.addf %get3A_169, %get3A_173 : vector<16xf32>
          %max3A_175 = arith.constant 0.000000e+00 : f32
          %max3A_176 = vector.broadcast %max3A_175 : f32 to vector<16xf32>
          %max3A_177 = arith.maximumf %add3A_174, %max3A_176 : vector<16xf32>
          %swap3A_178 = arith.index_cast %scan3A_151 : i32 to index
          %swap3A_179 = arith.constant 16 : index
          %swap3A_180 = tpu.vector_load %arg17[%swap3A_178, %swap3A_179] {strides = array<i32>} : memref<80x64xf32, #tpu.memory_space<vmem>>, vector<1x16xf32>,
          %swap3A_181 = vector.shape_cast %swap3A_180 : vector<1x16xf32> to vector<16xf32>
          %swap3A_182 = vector.shape_cast %max3A_177 : vector<16xf32> to vector<1x16xf32>
          tpu.vector_store %arg17[%swap3A_178, %swap3A_179], %swap3A_182 {strides = array<i32>} : memref<80x64xf32, #tpu.memory_space<vmem>>, vector<1x16xf32>,
          %get3A_183 = arith.index_cast %scan3A_151 : i32 to index
          %get3A_184 = arith.constant 32 : index
          %get3A_185 = tpu.vector_load %arg14[%get3A_183, %get3A_184] {strides = array<i32>} : memref<80x64xf32, #tpu.memory_space<vmem>>, vector<1x16xf32>,
          %get3A_186 = vector.shape_cast %get3A_185 : vector<1x16xf32> to vector<16xf32>
          %get3A_187 = arith.index_cast %scan3A_151 : i32 to index
          %get3A_188 = arith.constant 32 : index
          %get3A_189 = tpu.vector_load %arg16[%get3A_187, %get3A_188] {strides = array<i32>} : memref<80x64xf32, #tpu.memory_space<vmem>>, vector<1x16xf32>,
          %get3A_190 = vector.shape_cast %get3A_189 : vector<1x16xf32> to vector<16xf32>
          %add3A_191 = arith.addf %get3A_186, %get3A_190 : vector<16xf32>
          %max3A_192 = arith.constant 0.000000e+00 : f32
          %max3A_193 = vector.broadcast %max3A_192 : f32 to vector<16xf32>
          %max3A_194 = arith.maximumf %add3A_191, %max3A_193 : vector<16xf32>
          %swap3A_195 = arith.index_cast %scan3A_151 : i32 to index
          %swap3A_196 = arith.constant 32 : index
          %swap3A_197 = tpu.vector_load %arg17[%swap3A_195, %swap3A_196] {strides = array<i32>} : memref<80x64xf32, #tpu.memory_space<vmem>>, vector<1x16xf32>,
          %swap3A_198 = vector.shape_cast %swap3A_197 : vector<1x16xf32> to vector<16xf32>
          %swap3A_199 = vector.shape_cast %max3A_194 : vector<16xf32> to vector<1x16xf32>
          tpu.vector_store %arg17[%swap3A_195, %swap3A_196], %swap3A_199 {strides = array<i32>} : memref<80x64xf32, #tpu.memory_space<vmem>>, vector<1x16xf32>,
          %get3A_200 = arith.index_cast %scan3A_151 : i32 to index
          %get3A_201 = arith.constant 48 : index
          %get3A_202 = tpu.vector_load %arg14[%get3A_200, %get3A_201] {strides = array<i32>} : memref<80x64xf32, #tpu.memory_space<vmem>>, vector<1x16xf32>,
          %get3A_203 = vector.shape_cast %get3A_202 : vector<1x16xf32> to vector<16xf32>
          %get3A_204 = arith.index_cast %scan3A_151 : i32 to index
          %get3A_205 = arith.constant 48 : index
          %get3A_206 = tpu.vector_load %arg16[%get3A_204, %get3A_205] {strides = array<i32>} : memref<80x64xf32, #tpu.memory_space<vmem>>, vector<1x16xf32>,
          %get3A_207 = vector.shape_cast %get3A_206 : vector<1x16xf32> to vector<16xf32>
          %add3A_208 = arith.addf %get3A_203, %get3A_207 : vector<16xf32>
          %max3A_209 = arith.constant 0.000000e+00 : f32
          %max3A_210 = vector.broadcast %max3A_209 : f32 to vector<16xf32>
          %max3A_211 = arith.maximumf %add3A_208, %max3A_210 : vector<16xf32>
          %swap3A_212 = arith.index_cast %scan3A_151 : i32 to index
          %swap3A_213 = arith.constant 48 : index
          %swap3A_214 = tpu.vector_load %arg17[%swap3A_212, %swap3A_213] {strides = array<i32>} : memref<80x64xf32, #tpu.memory_space<vmem>>, vector<1x16xf32>,
          %swap3A_215 = vector.shape_cast %swap3A_214 : vector<1x16xf32> to vector<16xf32>
          %swap3A_216 = vector.shape_cast %max3A_211 : vector<16xf32> to vector<1x16xf32>
          tpu.vector_store %arg17[%swap3A_212, %swap3A_213], %swap3A_216 {strides = array<i32>} : memref<80x64xf32, #tpu.memory_space<vmem>>, vector<1x16xf32>,
        }
        %scan3A_143 = arith.constant 80 : i32
        %add3A_144 = arith.constant 2 : i32
        %add3A_145 = arith.addi %add3A_126, %add3A_144 : i32
        %lt3A_146 = arith.constant 250 : i32
        %lt3A_147 = arith.cmpi slt, %add3A_145, %lt3A_146 : i32
        %convert_element_type3A_148 = arith.extui %lt3A_147 : i1 to i32
        %cond3A_149 = arith.constant 0 : i32
        %cond3A_150 = arith.cmpi ne, %convert_element_type3A_148, %cond3A_149 : i32
        scf.if %cond3A_150 {
          %add3A_151 = arith.constant 2 : i32
          %add3A_152 = arith.addi %add3A_126, %add3A_151 : i32
          %dma_start3A_153 = arith.constant 0 : i32
          %dma_start3A_154 = tpu.memref_slice %arg11[%add3A_152, %dma_start3A_153] : memref<250x80xi32, #tpu.memory_space<vmem>> -> memref<1x80xi32, #tpu.memory_space<vmem>>
          %dma_start3A_155 = tpu.memref_squeeze %dma_start3A_154 : memref<1x80xi32, #tpu.memory_space<vmem>> -> memref<80xi32, #tpu.memory_space<vmem>>
          %dma_start3A_156 = arith.constant 0 : i32
          %dma_start3A_157 = arith.constant 0 : i32
          %dma_start3A_158 = tpu.memref_slice %arg6[%dma_start3A_156, %dma_start3A_157] : memref<10000x64xf32, #tpu.memory_space<hbm>> -> memref<10000x64xf32, #tpu.memory_space<hbm>>
          tpu.enqueue_indirect_dma source(%dma_start3A_158 : memref<10000x64xf32, #tpu.memory_space<hbm>>) target(%arg14 : memref<80x64xf32, #tpu.memory_space<vmem>>) offsets(%dma_start3A_155 : memref<80xi32, #tpu.memory_space<vmem>>) semaphore(%arg21 : memref<!tpu.dma_semaphore, #tpu.memory_space<semaphore_mem>>)
          %mul3A_159 = arith.constant 80 : i32
          %mul3A_160 = arith.muli %add3A_152, %mul3A_159 : i32
          %add3A_161 = arith.addi %mul3A_9, %mul3A_160 : i32
          %dma_start3A_162 = tpu.memref_slice %arg7[%add3A_161, %mul3A_0] : memref<320000x128xf32, #tpu.memory_space<hbm>> -> memref<80x64xf32, #tpu.memory_space<hbm>>
          %dma_start3A_163 = tpu.memref_slice %arg7[%add3A_161, %mul3A_0] : memref<320000x128xf32, #tpu.memory_space<hbm>> -> memref<80x64xf32, #tpu.memory_space<hbm>>
          tpu.enqueue_dma source(%dma_start3A_163 : memref<80x64xf32, #tpu.memory_space<hbm>>) target(%arg16 : memref<80x64xf32, #tpu.memory_space<vmem>>) target_semaphore(%arg23 : memref<!tpu.dma_semaphore, #tpu.memory_space<semaphore_mem>>)
        } else {
        }
        "tpu.region"() ({
          %run_scoped3A = tpu.sem_alloc : memref<!tpu.dma_semaphore, #tpu.memory_space<semaphore_mem>>
          %dma_start3A_151 = arith.constant 0 : i32
          %dma_start3A_152 = tpu.memref_slice %arg12[%add3A_126, %dma_start3A_151] : memref<250x80xi32, #tpu.memory_space<vmem>> -> memref<1x80xi32, #tpu.memory_space<vmem>>
          %dma_start3A_153 = tpu.memref_squeeze %dma_start3A_152 : memref<1x80xi32, #tpu.memory_space<vmem>> -> memref<80xi32, #tpu.memory_space<vmem>>
          %dma_start3A_154 = arith.constant 0 : i32
          %dma_start3A_155 = arith.constant 0 : i32
          %dma_start3A_156 = tpu.memref_slice %arg19[%dma_start3A_154, %dma_start3A_155] : memref<10000x64xf32, #tpu.memory_space<vmem_shared>> -> memref<10000x64xf32, #tpu.memory_space<vmem_shared>>
          tpu.enqueue_indirect_dma source(%arg17 : memref<80x64xf32, #tpu.memory_space<vmem>>) target(%dma_start3A_156 : memref<10000x64xf32, #tpu.memory_space<vmem_shared>>) offsets(%dma_start3A_153 : memref<80xi32, #tpu.memory_space<vmem>>) semaphore(%run_scoped3A : memref<!tpu.dma_semaphore, #tpu.memory_space<semaphore_mem>>) {add = true}
          %dma_wait3A_157 = arith.constant 0 : i32
          %dma_wait3A_158 = tpu.memref_slice %arg12[%add3A_126, %dma_wait3A_157] : memref<250x80xi32, #tpu.memory_space<vmem>> -> memref<1x80xi32, #tpu.memory_space<vmem>>
          %dma_wait3A_159 = tpu.memref_squeeze %dma_wait3A_158 : memref<1x80xi32, #tpu.memory_space<vmem>> -> memref<80xi32, #tpu.memory_space<vmem>>
          %dma_wait3A_160 = arith.constant 0 : i32
          %dma_wait3A_161 = arith.constant 0 : i32
          %dma_wait3A_162 = tpu.memref_slice %arg19[%dma_wait3A_160, %dma_wait3A_161] : memref<10000x64xf32, #tpu.memory_space<vmem_shared>> -> memref<10000x64xf32, #tpu.memory_space<vmem_shared>>
          tpu.wait_indirect_dma semaphore(%run_scoped3A : memref<!tpu.dma_semaphore, #tpu.memory_space<semaphore_mem>>) src(%arg17 : memref<80x64xf32, #tpu.memory_space<vmem>>) dst(%dma_wait3A_162 : memref<10000x64xf32, #tpu.memory_space<vmem_shared>>)
          tpu.yield
        }) : () -> ()
      }
      %scan3A_97 = arith.constant 125 : i32
    } else {
    }
    %barrier3A_60 = arith.constant 0 : index
    tpu.barrier barrier_id(%barrier3A_60)
    %add3A_61 = arith.constant 2 : i32
    %add3A_62 = arith.addi %add3A_61, %arg0 : i32
    %mul3A_63 = arith.constant 10000 : i32
    %mul3A_64 = arith.muli %add3A_62, %mul3A_63 : i32
    %add3A_65 = arith.addi %mul3A_64, %mul3A_2 : i32
    "tpu.region"() ({
      %run_scoped3A = tpu.sem_alloc : memref<!tpu.dma_semaphore, #tpu.memory_space<semaphore_mem>>
      %dma_start3A = arith.constant 0 : i32
      %dma_start3A_71 = tpu.memref_slice %arg10[%add3A_65, %dma_start3A] : memref<40000x64xf32, #tpu.memory_space<hbm>> -> memref<624x64xf32, #tpu.memory_space<hbm>>
      %dma_start3A_72 = arith.constant 0 : i32
      %dma_start3A_73 = tpu.memref_slice %arg19[%mul3A_2, %dma_start3A_72] : memref<10000x64xf32, #tpu.memory_space<vmem_shared>> -> memref<624x64xf32, #tpu.memory_space<vmem_shared>>
      tpu.enqueue_dma source(%dma_start3A_73 : memref<624x64xf32, #tpu.memory_space<vmem_shared>>) target(%dma_start3A_71 : memref<624x64xf32, #tpu.memory_space<hbm>>) target_semaphore(%run_scoped3A : memref<!tpu.dma_semaphore, #tpu.memory_space<semaphore_mem>>)
      %dma_wait3A = arith.constant 0 : i32
      %dma_wait3A_74 = tpu.memref_slice %arg10[%add3A_65, %dma_wait3A] : memref<40000x64xf32, #tpu.memory_space<hbm>> -> memref<624x64xf32, #tpu.memory_space<hbm>>
      %dma_wait3A_75 = arith.constant 0 : i32
      %dma_wait3A_76 = tpu.memref_slice %arg19[%mul3A_2, %dma_wait3A_75] : memref<10000x64xf32, #tpu.memory_space<vmem_shared>> -> memref<624x64xf32, #tpu.memory_space<vmem_shared>>
      tpu.wait_dma2 semaphore(%run_scoped3A : memref<!tpu.dma_semaphore, #tpu.memory_space<semaphore_mem>>) src(%dma_wait3A_76 : memref<624x64xf32, #tpu.memory_space<vmem_shared>>) dst(%dma_wait3A_74 : memref<624x64xf32, #tpu.memory_space<hbm>>)
      tpu.yield
    }) : () -> ()
    %eq3A_66 = arith.constant 0 : i32
    %eq3A_67 = arith.cmpi eq, %arg1, %eq3A_66 : i32
    %convert_element_type3A_68 = arith.extui %eq3A_67 : i1 to i32
    %cond3A_69 = arith.constant 0 : i32
    %cond3A_70 = arith.cmpi ne, %convert_element_type3A_68, %cond3A_69 : i32
    scf.if %cond3A_70 {
      %add3A_71 = arith.constant 9984 : i32
      %add3A_72 = arith.addi %mul3A_64, %add3A_71 : i32
      "tpu.region"() ({
        %run_scoped3A = tpu.sem_alloc : memref<!tpu.dma_semaphore, #tpu.memory_space<semaphore_mem>>
        %dma_start3A = arith.constant 0 : i32
        %dma_start3A_73 = tpu.memref_slice %arg10[%add3A_72, %dma_start3A] : memref<40000x64xf32, #tpu.memory_space<hbm>> -> memref<16x64xf32, #tpu.memory_space<hbm>>
        %dma_start3A_74 = arith.constant 9984 : i32
        %dma_start3A_75 = arith.constant 0 : i32
        %dma_start3A_76 = tpu.memref_slice %arg19[%dma_start3A_74, %dma_start3A_75] : memref<10000x64xf32, #tpu.memory_space<vmem_shared>> -> memref<16x64xf32, #tpu.memory_space<vmem_shared>>
        tpu.enqueue_dma source(%dma_start3A_76 : memref<16x64xf32, #tpu.memory_space<vmem_shared>>) target(%dma_start3A_73 : memref<16x64xf32, #tpu.memory_space<hbm>>) target_semaphore(%run_scoped3A : memref<!tpu.dma_semaphore, #tpu.memory_space<semaphore_mem>>)
        %dma_wait3A = arith.constant 0 : i32
        %dma_wait3A_77 = tpu.memref_slice %arg10[%add3A_72, %dma_wait3A] : memref<40000x64xf32, #tpu.memory_space<hbm>> -> memref<16x64xf32, #tpu.memory_space<hbm>>
        %dma_wait3A_78 = arith.constant 9984 : i32
        %dma_wait3A_79 = arith.constant 0 : i32
        %dma_wait3A_80 = tpu.memref_slice %arg19[%dma_wait3A_78, %dma_wait3A_79] : memref<10000x64xf32, #tpu.memory_space<vmem_shared>> -> memref<16x64xf32, #tpu.memory_space<vmem_shared>>
        tpu.wait_dma2 semaphore(%run_scoped3A : memref<!tpu.dma_semaphore, #tpu.memory_space<semaphore_mem>>) src(%dma_wait3A_80 : memref<16x64xf32, #tpu.memory_space<vmem_shared>>) dst(%dma_wait3A_77 : memref<16x64xf32, #tpu.memory_space<hbm>>)
        tpu.yield
      }) : () -> ()
    } else {
    }
    return
  }
}

module attributes {stable_mosaic.version = 14 : i64} {
  func.func @_edge1_body(%arg0: i32, %arg1: memref<16x1280xf32, #tpu.memory_space<vmem>>, %arg2: memref<16x128xf32, #tpu.memory_space<vmem>>, %arg3: memref<1x128xf32, #tpu.memory_space<vmem>>, %arg4: memref<1280x128xf32, #tpu.memory_space<vmem>>) attributes {dimension_semantics = [#tpu.dimension_semantics<arbitrary>], iteration_bounds = array<i64: 250>, scalar_prefetch = 0 : i64, scratch_operands = 0 : i64, tpu.core_type = #tpu.core_type<tc>, window_params = [{transform_indices = @transform_0, window_bounds = array<i64: 16, 1280>}, {pipeline_mode = #tpu.pipeline_mode<synchronous>, transform_indices = @transform_1, window_bounds = array<i64: 16, 128>}, {pipeline_mode = #tpu.pipeline_mode<synchronous>, transform_indices = @transform_2, window_bounds = array<i64: 1, 128>}, {transform_indices = @transform_3, window_bounds = array<i64: 1280, 128>}]} {
    %get3A = arith.constant 0 : index
    %get3A_0 = arith.constant 0 : index
    %get3A_1 = vector.load %arg1[%get3A, %get3A_0] : memref<16x1280xf32, #tpu.memory_space<vmem>>, vector<16x1280xf32>
    %get3A_2 = arith.constant 0 : index
    %get3A_3 = arith.constant 0 : index
    %get3A_4 = vector.load %arg2[%get3A_2, %get3A_3] : memref<16x128xf32, #tpu.memory_space<vmem>>, vector<16x128xf32>
    %dot_general3A = arith.constant dense<0.000000e+00> : vector<1280x128xf32>
    %dot_general3A_5 = tpu.matmul %get3A_1, %get3A_4, %dot_general3A {dimension_numbers = #tpu.dot_dimension_numbers<[0], [0], [1], [1], [0, 1, 1, 1], [], []>, transpose_lhs_hint = false} : vector<16x1280xf32>, vector<16x128xf32>, vector<1280x128xf32> -> vector<1280x128xf32>
    %get3A_6 = arith.constant 0 : index
    %get3A_7 = arith.constant 0 : index
    %get3A_8 = vector.load %arg3[%get3A_6, %get3A_7] : memref<1x128xf32, #tpu.memory_space<vmem>>, vector<1x128xf32>
    %add3A = vector.broadcast %get3A_8 : vector<1x128xf32> to vector<1280x128xf32>
    %add3A_9 = arith.addf %dot_general3A_5, %add3A : vector<1280x128xf32>
    %swap3A = arith.constant 0 : index
    %swap3A_10 = arith.constant 0 : index
    %swap3A_11 = vector.load %arg4[%swap3A, %swap3A_10] : memref<1280x128xf32, #tpu.memory_space<vmem>>, vector<1280x128xf32>
    tpu.vector_store %arg4[%swap3A, %swap3A_10], %add3A_9 {strides = array<i32>} : memref<1280x128xf32, #tpu.memory_space<vmem>>, vector<1280x128xf32>,
    return
  }
  func.func @transform_0(%arg0: i32) -> (i32, i32) {
    %c0_i32 = arith.constant 0 : i32
    %c0_i32_0 = arith.constant 0 : i32
    return %c0_i32, %arg0 : i32, i32
  }
  func.func @transform_1(%arg0: i32) -> (i32, i32) {
    %c0_i32 = arith.constant 0 : i32
    %c0_i32_0 = arith.constant 0 : i32
    %c0_i32_1 = arith.constant 0 : i32
    return %c0_i32, %c0_i32_0 : i32, i32
  }
  func.func @transform_2(%arg0: i32) -> (i32, i32) {
    %c0_i32 = arith.constant 0 : i32
    %c0_i32_0 = arith.constant 0 : i32
    %c0_i32_1 = arith.constant 0 : i32
    return %c0_i32, %c0_i32_0 : i32, i32
  }
  func.func @transform_3(%arg0: i32) -> (i32, i32) {
    %c0_i32 = arith.constant 0 : i32
    %c0_i32_0 = arith.constant 0 : i32
    return %arg0, %c0_i32 : i32, i32
  }
}

module attributes {stable_mosaic.version = 14 : i64} {
  func.func @_edge2_body(%arg0: i32, %arg1: memref<16x1280xf32, #tpu.memory_space<vmem>>, %arg2: memref<16x256xf32, #tpu.memory_space<vmem>>, %arg3: memref<1x256xf32, #tpu.memory_space<vmem>>, %arg4: memref<1280x128xf32, #tpu.memory_space<vmem>>, %arg5: memref<1280x128xf32, #tpu.memory_space<vmem>>) attributes {dimension_semantics = [#tpu.dimension_semantics<arbitrary>], iteration_bounds = array<i64: 250>, scalar_prefetch = 0 : i64, scratch_operands = 0 : i64, tpu.core_type = #tpu.core_type<tc>, window_params = [{transform_indices = @transform_0, window_bounds = array<i64: 16, 1280>}, {pipeline_mode = #tpu.pipeline_mode<synchronous>, transform_indices = @transform_1, window_bounds = array<i64: 16, 256>}, {pipeline_mode = #tpu.pipeline_mode<synchronous>, transform_indices = @transform_2, window_bounds = array<i64: 1, 256>}, {transform_indices = @transform_3, window_bounds = array<i64: 1280, 128>}, {transform_indices = @transform_4, window_bounds = array<i64: 1280, 128>}]} {
    %get3A = arith.constant 0 : index
    %get3A_0 = arith.constant 0 : index
    %get3A_1 = vector.load %arg1[%get3A, %get3A_0] : memref<16x1280xf32, #tpu.memory_space<vmem>>, vector<16x1280xf32>
    %get3A_2 = arith.constant 0 : index
    %get3A_3 = arith.constant 0 : index
    %get3A_4 = vector.load %arg2[%get3A_2, %get3A_3] : memref<16x256xf32, #tpu.memory_space<vmem>>, vector<16x256xf32>
    %dot_general3A = arith.constant dense<0.000000e+00> : vector<1280x256xf32>
    %dot_general3A_5 = tpu.matmul %get3A_1, %get3A_4, %dot_general3A {dimension_numbers = #tpu.dot_dimension_numbers<[0], [0], [1], [1], [0, 1, 1, 1], [], []>, transpose_lhs_hint = false} : vector<16x1280xf32>, vector<16x256xf32>, vector<1280x256xf32> -> vector<1280x256xf32>
    %get3A_6 = arith.constant 0 : index
    %get3A_7 = arith.constant 0 : index
    %get3A_8 = vector.load %arg3[%get3A_6, %get3A_7] : memref<1x256xf32, #tpu.memory_space<vmem>>, vector<1x256xf32>
    %add3A = vector.broadcast %get3A_8 : vector<1x256xf32> to vector<1280x256xf32>
    %add3A_9 = arith.addf %dot_general3A_5, %add3A : vector<1280x256xf32>
    %slice3A = vector.extract_strided_slice %add3A_9 {offsets = [0, 0], sizes = [1280, 128], strides = [1, 1]} : vector<1280x256xf32> to vector<1280x128xf32>
    %swap3A = arith.constant 0 : index
    %swap3A_10 = arith.constant 0 : index
    %swap3A_11 = vector.load %arg4[%swap3A, %swap3A_10] : memref<1280x128xf32, #tpu.memory_space<vmem>>, vector<1280x128xf32>
    tpu.vector_store %arg4[%swap3A, %swap3A_10], %slice3A {strides = array<i32>} : memref<1280x128xf32, #tpu.memory_space<vmem>>, vector<1280x128xf32>,
    %slice3A_12 = vector.extract_strided_slice %add3A_9 {offsets = [0, 128], sizes = [1280, 128], strides = [1, 1]} : vector<1280x256xf32> to vector<1280x128xf32>
    %swap3A_13 = arith.constant 0 : index
    %swap3A_14 = arith.constant 0 : index
    %swap3A_15 = vector.load %arg5[%swap3A_13, %swap3A_14] : memref<1280x128xf32, #tpu.memory_space<vmem>>, vector<1280x128xf32>
    tpu.vector_store %arg5[%swap3A_13, %swap3A_14], %slice3A_12 {strides = array<i32>} : memref<1280x128xf32, #tpu.memory_space<vmem>>, vector<1280x128xf32>,
    return
  }
  func.func @transform_0(%arg0: i32) -> (i32, i32) {
    %c0_i32 = arith.constant 0 : i32
    %c0_i32_0 = arith.constant 0 : i32
    return %c0_i32, %arg0 : i32, i32
  }
  func.func @transform_1(%arg0: i32) -> (i32, i32) {
    %c0_i32 = arith.constant 0 : i32
    %c0_i32_0 = arith.constant 0 : i32
    %c0_i32_1 = arith.constant 0 : i32
    return %c0_i32, %c0_i32_0 : i32, i32
  }
  func.func @transform_2(%arg0: i32) -> (i32, i32) {
    %c0_i32 = arith.constant 0 : i32
    %c0_i32_0 = arith.constant 0 : i32
    %c0_i32_1 = arith.constant 0 : i32
    return %c0_i32, %c0_i32_0 : i32, i32
  }
  func.func @transform_3(%arg0: i32) -> (i32, i32) {
    %c0_i32 = arith.constant 0 : i32
    %c0_i32_0 = arith.constant 0 : i32
    return %arg0, %c0_i32 : i32, i32
  }
  func.func @transform_4(%arg0: i32) -> (i32, i32) {
    %c0_i32 = arith.constant 0 : i32
    %c0_i32_0 = arith.constant 0 : i32
    return %arg0, %c0_i32 : i32, i32
  }
}

module attributes {stable_mosaic.version = 14 : i64} {
  func.func @_mlp1_body(%arg0: i32, %arg1: memref<400x128xf32, #tpu.memory_space<vmem>>, %arg2: memref<400x128xf32, #tpu.memory_space<vmem>>, %arg3: memref<128x256xf32, #tpu.memory_space<vmem>>, %arg4: memref<1x256xf32, #tpu.memory_space<vmem>>, %arg5: memref<256x256xf32, #tpu.memory_space<vmem>>, %arg6: memref<1x256xf32, #tpu.memory_space<vmem>>, %arg7: memref<1x256xf32, #tpu.memory_space<vmem>>, %arg8: memref<1x256xf32, #tpu.memory_space<vmem>>, %arg9: memref<400x128xf32, #tpu.memory_space<vmem>>, %arg10: memref<400x128xf32, #tpu.memory_space<vmem>>) attributes {dimension_semantics = [#tpu.dimension_semantics<arbitrary>], iteration_bounds = array<i64: 25>, scalar_prefetch = 0 : i64, scratch_operands = 0 : i64, tpu.core_type = #tpu.core_type<tc>, window_params = [{transform_indices = @transform_0, window_bounds = array<i64: 400, 128>}, {transform_indices = @transform_1, window_bounds = array<i64: 400, 128>}, {pipeline_mode = #tpu.pipeline_mode<synchronous>, transform_indices = @transform_2, window_bounds = array<i64: 128, 256>}, {pipeline_mode = #tpu.pipeline_mode<synchronous>, transform_indices = @transform_3, window_bounds = array<i64: 1, 256>}, {pipeline_mode = #tpu.pipeline_mode<synchronous>, transform_indices = @transform_4, window_bounds = array<i64: 256, 256>}, {pipeline_mode = #tpu.pipeline_mode<synchronous>, transform_indices = @transform_5, window_bounds = array<i64: 1, 256>}, {pipeline_mode = #tpu.pipeline_mode<synchronous>, transform_indices = @transform_6, window_bounds = array<i64: 1, 256>}, {pipeline_mode = #tpu.pipeline_mode<synchronous>, transform_indices = @transform_7, window_bounds = array<i64: 1, 256>}, {transform_indices = @transform_8, window_bounds = array<i64: 400, 128>}, {transform_indices = @transform_9, window_bounds = array<i64: 400, 128>}]} {
    %get3A = arith.constant 0 : index
    %get3A_0 = arith.constant 0 : index
    %get3A_1 = vector.load %arg1[%get3A, %get3A_0] : memref<400x128xf32, #tpu.memory_space<vmem>>, vector<400x128xf32>
    %get3A_2 = arith.constant 0 : index
    %get3A_3 = arith.constant 0 : index
    %get3A_4 = vector.load %arg2[%get3A_2, %get3A_3] : memref<400x128xf32, #tpu.memory_space<vmem>>, vector<400x128xf32>
    %add3A = arith.addf %get3A_1, %get3A_4 : vector<400x128xf32>
    %get3A_5 = arith.constant 0 : index
    %get3A_6 = arith.constant 0 : index
    %get3A_7 = vector.load %arg3[%get3A_5, %get3A_6] : memref<128x256xf32, #tpu.memory_space<vmem>>, vector<128x256xf32>
    %dot_general3A = arith.constant dense<0.000000e+00> : vector<400x256xf32>
    %dot_general3A_8 = tpu.matmul %add3A, %get3A_7, %dot_general3A {dimension_numbers = #tpu.dot_dimension_numbers<[1], [0], [0], [1], [0, 0, 1, 1], [], []>, transpose_lhs_hint = false} : vector<400x128xf32>, vector<128x256xf32>, vector<400x256xf32> -> vector<400x256xf32>
    %get3A_9 = arith.constant 0 : index
    %get3A_10 = arith.constant 0 : index
    %get3A_11 = vector.load %arg4[%get3A_9, %get3A_10] : memref<1x256xf32, #tpu.memory_space<vmem>>, vector<1x256xf32>
    %add3A_12 = vector.broadcast %get3A_11 : vector<1x256xf32> to vector<400x256xf32>
    %add3A_13 = arith.addf %dot_general3A_8, %add3A_12 : vector<400x256xf32>
    %max3A = arith.constant 0.000000e+00 : f32
    %max3A_14 = vector.broadcast %max3A : f32 to vector<400x256xf32>
    %max3A_15 = arith.maximumf %add3A_13, %max3A_14 : vector<400x256xf32>
    %get3A_16 = arith.constant 0 : index
    %get3A_17 = arith.constant 0 : index
    %get3A_18 = vector.load %arg5[%get3A_16, %get3A_17] : memref<256x256xf32, #tpu.memory_space<vmem>>, vector<256x256xf32>
    %dot_general3A_19 = arith.constant dense<0.000000e+00> : vector<400x256xf32>
    %dot_general3A_20 = tpu.matmul %max3A_15, %get3A_18, %dot_general3A_19 {dimension_numbers = #tpu.dot_dimension_numbers<[1], [0], [0], [1], [0, 0, 1, 1], [], []>, transpose_lhs_hint = false} : vector<400x256xf32>, vector<256x256xf32>, vector<400x256xf32> -> vector<400x256xf32>
    %get3A_21 = arith.constant 0 : index
    %get3A_22 = arith.constant 0 : index
    %get3A_23 = vector.load %arg6[%get3A_21, %get3A_22] : memref<1x256xf32, #tpu.memory_space<vmem>>, vector<1x256xf32>
    %add3A_24 = vector.broadcast %get3A_23 : vector<1x256xf32> to vector<400x256xf32>
    %add3A_25 = arith.addf %dot_general3A_20, %add3A_24 : vector<400x256xf32>
    %max3A_26 = arith.constant 0.000000e+00 : f32
    %max3A_27 = vector.broadcast %max3A_26 : f32 to vector<400x256xf32>
    %max3A_28 = arith.maximumf %add3A_25, %max3A_27 : vector<400x256xf32>
    %get3A_29 = arith.constant 0 : index
    %get3A_30 = arith.constant 0 : index
    %get3A_31 = vector.load %arg7[%get3A_29, %get3A_30] : memref<1x256xf32, #tpu.memory_space<vmem>>, vector<1x256xf32>
    %mul3A = vector.broadcast %get3A_31 : vector<1x256xf32> to vector<400x256xf32>
    %mul3A_32 = arith.mulf %max3A_28, %mul3A : vector<400x256xf32>
    %get3A_33 = arith.constant 0 : index
    %get3A_34 = arith.constant 0 : index
    %get3A_35 = vector.load %arg8[%get3A_33, %get3A_34] : memref<1x256xf32, #tpu.memory_space<vmem>>, vector<1x256xf32>
    %add3A_36 = vector.broadcast %get3A_35 : vector<1x256xf32> to vector<400x256xf32>
    %add3A_37 = arith.addf %mul3A_32, %add3A_36 : vector<400x256xf32>
    %slice3A = vector.extract_strided_slice %add3A_37 {offsets = [0, 0], sizes = [400, 128], strides = [1, 1]} : vector<400x256xf32> to vector<400x128xf32>
    %swap3A = arith.constant 0 : index
    %swap3A_38 = arith.constant 0 : index
    %swap3A_39 = vector.load %arg9[%swap3A, %swap3A_38] : memref<400x128xf32, #tpu.memory_space<vmem>>, vector<400x128xf32>
    tpu.vector_store %arg9[%swap3A, %swap3A_38], %slice3A {strides = array<i32>} : memref<400x128xf32, #tpu.memory_space<vmem>>, vector<400x128xf32>,
    %slice3A_40 = vector.extract_strided_slice %add3A_37 {offsets = [0, 128], sizes = [400, 128], strides = [1, 1]} : vector<400x256xf32> to vector<400x128xf32>
    %swap3A_41 = arith.constant 0 : index
    %swap3A_42 = arith.constant 0 : index
    %swap3A_43 = vector.load %arg10[%swap3A_41, %swap3A_42] : memref<400x128xf32, #tpu.memory_space<vmem>>, vector<400x128xf32>
    tpu.vector_store %arg10[%swap3A_41, %swap3A_42], %slice3A_40 {strides = array<i32>} : memref<400x128xf32, #tpu.memory_space<vmem>>, vector<400x128xf32>,
    return
  }
  func.func @transform_0(%arg0: i32) -> (i32, i32) {
    %c0_i32 = arith.constant 0 : i32
    %c0_i32_0 = arith.constant 0 : i32
    return %arg0, %c0_i32 : i32, i32
  }
  func.func @transform_1(%arg0: i32) -> (i32, i32) {
    %c0_i32 = arith.constant 0 : i32
    %c0_i32_0 = arith.constant 0 : i32
    return %arg0, %c0_i32 : i32, i32
  }
  func.func @transform_2(%arg0: i32) -> (i32, i32) {
    %c0_i32 = arith.constant 0 : i32
    %c0_i32_0 = arith.constant 0 : i32
    %c0_i32_1 = arith.constant 0 : i32
    return %c0_i32, %c0_i32_0 : i32, i32
  }
  func.func @transform_3(%arg0: i32) -> (i32, i32) {
    %c0_i32 = arith.constant 0 : i32
    %c0_i32_0 = arith.constant 0 : i32
    %c0_i32_1 = arith.constant 0 : i32
    return %c0_i32, %c0_i32_0 : i32, i32
  }
  func.func @transform_4(%arg0: i32) -> (i32, i32) {
    %c0_i32 = arith.constant 0 : i32
    %c0_i32_0 = arith.constant 0 : i32
    %c0_i32_1 = arith.constant 0 : i32
    return %c0_i32, %c0_i32_0 : i32, i32
  }
  func.func @transform_5(%arg0: i32) -> (i32, i32) {
    %c0_i32 = arith.constant 0 : i32
    %c0_i32_0 = arith.constant 0 : i32
    %c0_i32_1 = arith.constant 0 : i32
    return %c0_i32, %c0_i32_0 : i32, i32
  }
  func.func @transform_6(%arg0: i32) -> (i32, i32) {
    %c0_i32 = arith.constant 0 : i32
    %c0_i32_0 = arith.constant 0 : i32
    %c0_i32_1 = arith.constant 0 : i32
    return %c0_i32, %c0_i32_0 : i32, i32
  }
  func.func @transform_7(%arg0: i32) -> (i32, i32) {
    %c0_i32 = arith.constant 0 : i32
    %c0_i32_0 = arith.constant 0 : i32
    %c0_i32_1 = arith.constant 0 : i32
    return %c0_i32, %c0_i32_0 : i32, i32
  }
  func.func @transform_8(%arg0: i32) -> (i32, i32) {
    %c0_i32 = arith.constant 0 : i32
    %c0_i32_0 = arith.constant 0 : i32
    return %arg0, %c0_i32 : i32, i32
  }
  func.func @transform_9(%arg0: i32) -> (i32, i32) {
    %c0_i32 = arith.constant 0 : i32
    %c0_i32_0 = arith.constant 0 : i32
    return %arg0, %c0_i32 : i32, i32
  }
}

module attributes {stable_mosaic.version = 14 : i64} {
  func.func @_mlp2_body(%arg0: i32, %arg1: memref<400x128xf32, #tpu.memory_space<vmem>>, %arg2: memref<400x128xf32, #tpu.memory_space<vmem>>, %arg3: memref<400x128xf32, #tpu.memory_space<vmem>>, %arg4: memref<400x128xf32, #tpu.memory_space<vmem>>, %arg5: memref<128x256xf32, #tpu.memory_space<vmem>>, %arg6: memref<128x256xf32, #tpu.memory_space<vmem>>, %arg7: memref<1x256xf32, #tpu.memory_space<vmem>>, %arg8: memref<256x256xf32, #tpu.memory_space<vmem>>, %arg9: memref<1x256xf32, #tpu.memory_space<vmem>>, %arg10: memref<1x256xf32, #tpu.memory_space<vmem>>, %arg11: memref<1x256xf32, #tpu.memory_space<vmem>>, %arg12: memref<256x128xf32, #tpu.memory_space<vmem>>, %arg13: memref<1x128xf32, #tpu.memory_space<vmem>>, %arg14: memref<400x128xf32, #tpu.memory_space<vmem>>) attributes {dimension_semantics = [#tpu.dimension_semantics<arbitrary>], iteration_bounds = array<i64: 25>, scalar_prefetch = 0 : i64, scratch_operands = 0 : i64, tpu.core_type = #tpu.core_type<tc>, window_params = [{transform_indices = @transform_0, window_bounds = array<i64: 400, 128>}, {transform_indices = @transform_1, window_bounds = array<i64: 400, 128>}, {transform_indices = @transform_2, window_bounds = array<i64: 400, 128>}, {transform_indices = @transform_3, window_bounds = array<i64: 400, 128>}, {pipeline_mode = #tpu.pipeline_mode<synchronous>, transform_indices = @transform_4, window_bounds = array<i64: 128, 256>}, {pipeline_mode = #tpu.pipeline_mode<synchronous>, transform_indices = @transform_5, window_bounds = array<i64: 128, 256>}, {pipeline_mode = #tpu.pipeline_mode<synchronous>, transform_indices = @transform_6, window_bounds = array<i64: 1, 256>}, {pipeline_mode = #tpu.pipeline_mode<synchronous>, transform_indices = @transform_7, window_bounds = array<i64: 256, 256>}, {pipeline_mode = #tpu.pipeline_mode<synchronous>, transform_indices = @transform_8, window_bounds = array<i64: 1, 256>}, {pipeline_mode = #tpu.pipeline_mode<synchronous>, transform_indices = @transform_9, window_bounds = array<i64: 1, 256>}, {pipeline_mode = #tpu.pipeline_mode<synchronous>, transform_indices = @transform_10, window_bounds = array<i64: 1, 256>}, {pipeline_mode = #tpu.pipeline_mode<synchronous>, transform_indices = @transform_11, window_bounds = array<i64: 256, 128>}, {pipeline_mode = #tpu.pipeline_mode<synchronous>, transform_indices = @transform_12, window_bounds = array<i64: 1, 128>}, {transform_indices = @transform_13, window_bounds = array<i64: 400, 128>}]} {
    %get3A = arith.constant 0 : index
    %get3A_0 = arith.constant 0 : index
    %get3A_1 = vector.load %arg1[%get3A, %get3A_0] : memref<400x128xf32, #tpu.memory_space<vmem>>, vector<400x128xf32>
    %get3A_2 = arith.constant 0 : index
    %get3A_3 = arith.constant 0 : index
    %get3A_4 = vector.load %arg3[%get3A_2, %get3A_3] : memref<400x128xf32, #tpu.memory_space<vmem>>, vector<400x128xf32>
    %add3A = arith.addf %get3A_1, %get3A_4 : vector<400x128xf32>
    %get3A_5 = arith.constant 0 : index
    %get3A_6 = arith.constant 0 : index
    %get3A_7 = vector.load %arg2[%get3A_5, %get3A_6] : memref<400x128xf32, #tpu.memory_space<vmem>>, vector<400x128xf32>
    %get3A_8 = arith.constant 0 : index
    %get3A_9 = arith.constant 0 : index
    %get3A_10 = vector.load %arg4[%get3A_8, %get3A_9] : memref<400x128xf32, #tpu.memory_space<vmem>>, vector<400x128xf32>
    %add3A_11 = arith.addf %get3A_7, %get3A_10 : vector<400x128xf32>
    %get3A_12 = arith.constant 0 : index
    %get3A_13 = arith.constant 0 : index
    %get3A_14 = vector.load %arg5[%get3A_12, %get3A_13] : memref<128x256xf32, #tpu.memory_space<vmem>>, vector<128x256xf32>
    %dot_general3A = arith.constant dense<0.000000e+00> : vector<400x256xf32>
    %dot_general3A_15 = tpu.matmul %add3A, %get3A_14, %dot_general3A {dimension_numbers = #tpu.dot_dimension_numbers<[1], [0], [0], [1], [0, 0, 1, 1], [], []>, transpose_lhs_hint = false} : vector<400x128xf32>, vector<128x256xf32>, vector<400x256xf32> -> vector<400x256xf32>
    %get3A_16 = arith.constant 0 : index
    %get3A_17 = arith.constant 0 : index
    %get3A_18 = vector.load %arg6[%get3A_16, %get3A_17] : memref<128x256xf32, #tpu.memory_space<vmem>>, vector<128x256xf32>
    %dot_general3A_19 = arith.constant dense<0.000000e+00> : vector<400x256xf32>
    %dot_general3A_20 = tpu.matmul %add3A_11, %get3A_18, %dot_general3A_19 {dimension_numbers = #tpu.dot_dimension_numbers<[1], [0], [0], [1], [0, 0, 1, 1], [], []>, transpose_lhs_hint = false} : vector<400x128xf32>, vector<128x256xf32>, vector<400x256xf32> -> vector<400x256xf32>
    %add3A_21 = arith.addf %dot_general3A_15, %dot_general3A_20 : vector<400x256xf32>
    %get3A_22 = arith.constant 0 : index
    %get3A_23 = arith.constant 0 : index
    %get3A_24 = vector.load %arg7[%get3A_22, %get3A_23] : memref<1x256xf32, #tpu.memory_space<vmem>>, vector<1x256xf32>
    %add3A_25 = vector.broadcast %get3A_24 : vector<1x256xf32> to vector<400x256xf32>
    %add3A_26 = arith.addf %add3A_21, %add3A_25 : vector<400x256xf32>
    %max3A = arith.constant 0.000000e+00 : f32
    %max3A_27 = vector.broadcast %max3A : f32 to vector<400x256xf32>
    %max3A_28 = arith.maximumf %add3A_26, %max3A_27 : vector<400x256xf32>
    %get3A_29 = arith.constant 0 : index
    %get3A_30 = arith.constant 0 : index
    %get3A_31 = vector.load %arg8[%get3A_29, %get3A_30] : memref<256x256xf32, #tpu.memory_space<vmem>>, vector<256x256xf32>
    %dot_general3A_32 = arith.constant dense<0.000000e+00> : vector<400x256xf32>
    %dot_general3A_33 = tpu.matmul %max3A_28, %get3A_31, %dot_general3A_32 {dimension_numbers = #tpu.dot_dimension_numbers<[1], [0], [0], [1], [0, 0, 1, 1], [], []>, transpose_lhs_hint = false} : vector<400x256xf32>, vector<256x256xf32>, vector<400x256xf32> -> vector<400x256xf32>
    %get3A_34 = arith.constant 0 : index
    %get3A_35 = arith.constant 0 : index
    %get3A_36 = vector.load %arg9[%get3A_34, %get3A_35] : memref<1x256xf32, #tpu.memory_space<vmem>>, vector<1x256xf32>
    %add3A_37 = vector.broadcast %get3A_36 : vector<1x256xf32> to vector<400x256xf32>
    %add3A_38 = arith.addf %dot_general3A_33, %add3A_37 : vector<400x256xf32>
    %max3A_39 = arith.constant 0.000000e+00 : f32
    %max3A_40 = vector.broadcast %max3A_39 : f32 to vector<400x256xf32>
    %max3A_41 = arith.maximumf %add3A_38, %max3A_40 : vector<400x256xf32>
    %get3A_42 = arith.constant 0 : index
    %get3A_43 = arith.constant 0 : index
    %get3A_44 = vector.load %arg10[%get3A_42, %get3A_43] : memref<1x256xf32, #tpu.memory_space<vmem>>, vector<1x256xf32>
    %mul3A = vector.broadcast %get3A_44 : vector<1x256xf32> to vector<400x256xf32>
    %mul3A_45 = arith.mulf %max3A_41, %mul3A : vector<400x256xf32>
    %get3A_46 = arith.constant 0 : index
    %get3A_47 = arith.constant 0 : index
    %get3A_48 = vector.load %arg11[%get3A_46, %get3A_47] : memref<1x256xf32, #tpu.memory_space<vmem>>, vector<1x256xf32>
    %add3A_49 = vector.broadcast %get3A_48 : vector<1x256xf32> to vector<400x256xf32>
    %add3A_50 = arith.addf %mul3A_45, %add3A_49 : vector<400x256xf32>
    %get3A_51 = arith.constant 0 : index
    %get3A_52 = arith.constant 0 : index
    %get3A_53 = vector.load %arg12[%get3A_51, %get3A_52] : memref<256x128xf32, #tpu.memory_space<vmem>>, vector<256x128xf32>
    %dot_general3A_54 = arith.constant dense<0.000000e+00> : vector<400x128xf32>
    %dot_general3A_55 = tpu.matmul %add3A_50, %get3A_53, %dot_general3A_54 {dimension_numbers = #tpu.dot_dimension_numbers<[1], [0], [0], [1], [0, 0, 1, 1], [], []>, transpose_lhs_hint = false} : vector<400x256xf32>, vector<256x128xf32>, vector<400x128xf32> -> vector<400x128xf32>
    %get3A_56 = arith.constant 0 : index
    %get3A_57 = arith.constant 0 : index
    %get3A_58 = vector.load %arg13[%get3A_56, %get3A_57] : memref<1x128xf32, #tpu.memory_space<vmem>>, vector<1x128xf32>
    %add3A_59 = vector.broadcast %get3A_58 : vector<1x128xf32> to vector<400x128xf32>
    %add3A_60 = arith.addf %dot_general3A_55, %add3A_59 : vector<400x128xf32>
    %swap3A = arith.constant 0 : index
    %swap3A_61 = arith.constant 0 : index
    %swap3A_62 = vector.load %arg14[%swap3A, %swap3A_61] : memref<400x128xf32, #tpu.memory_space<vmem>>, vector<400x128xf32>
    tpu.vector_store %arg14[%swap3A, %swap3A_61], %add3A_60 {strides = array<i32>} : memref<400x128xf32, #tpu.memory_space<vmem>>, vector<400x128xf32>,
    return
  }
  func.func @transform_0(%arg0: i32) -> (i32, i32) {
    %c0_i32 = arith.constant 0 : i32
    %c0_i32_0 = arith.constant 0 : i32
    return %arg0, %c0_i32 : i32, i32
  }
  func.func @transform_1(%arg0: i32) -> (i32, i32) {
    %c0_i32 = arith.constant 0 : i32
    %c0_i32_0 = arith.constant 0 : i32
    return %arg0, %c0_i32 : i32, i32
  }
  func.func @transform_2(%arg0: i32) -> (i32, i32) {
    %c0_i32 = arith.constant 0 : i32
    %c0_i32_0 = arith.constant 0 : i32
    return %arg0, %c0_i32 : i32, i32
  }
  func.func @transform_3(%arg0: i32) -> (i32, i32) {
    %c0_i32 = arith.constant 0 : i32
    %c0_i32_0 = arith.constant 0 : i32
    return %arg0, %c0_i32 : i32, i32
  }
  func.func @transform_4(%arg0: i32) -> (i32, i32) {
    %c0_i32 = arith.constant 0 : i32
    %c0_i32_0 = arith.constant 0 : i32
    %c0_i32_1 = arith.constant 0 : i32
    return %c0_i32, %c0_i32_0 : i32, i32
  }
  func.func @transform_5(%arg0: i32) -> (i32, i32) {
    %c0_i32 = arith.constant 0 : i32
    %c0_i32_0 = arith.constant 0 : i32
    %c0_i32_1 = arith.constant 0 : i32
    return %c0_i32, %c0_i32_0 : i32, i32
  }
  func.func @transform_6(%arg0: i32) -> (i32, i32) {
    %c0_i32 = arith.constant 0 : i32
    %c0_i32_0 = arith.constant 0 : i32
    %c0_i32_1 = arith.constant 0 : i32
    return %c0_i32, %c0_i32_0 : i32, i32
  }
  func.func @transform_7(%arg0: i32) -> (i32, i32) {
    %c0_i32 = arith.constant 0 : i32
    %c0_i32_0 = arith.constant 0 : i32
    %c0_i32_1 = arith.constant 0 : i32
    return %c0_i32, %c0_i32_0 : i32, i32
  }
  func.func @transform_8(%arg0: i32) -> (i32, i32) {
    %c0_i32 = arith.constant 0 : i32
    %c0_i32_0 = arith.constant 0 : i32
    %c0_i32_1 = arith.constant 0 : i32
    return %c0_i32, %c0_i32_0 : i32, i32
  }
  func.func @transform_9(%arg0: i32) -> (i32, i32) {
    %c0_i32 = arith.constant 0 : i32
    %c0_i32_0 = arith.constant 0 : i32
    %c0_i32_1 = arith.constant 0 : i32
    return %c0_i32, %c0_i32_0 : i32, i32
  }
  func.func @transform_10(%arg0: i32) -> (i32, i32) {
    %c0_i32 = arith.constant 0 : i32
    %c0_i32_0 = arith.constant 0 : i32
    %c0_i32_1 = arith.constant 0 : i32
    return %c0_i32, %c0_i32_0 : i32, i32
  }
  func.func @transform_11(%arg0: i32) -> (i32, i32) {
    %c0_i32 = arith.constant 0 : i32
    %c0_i32_0 = arith.constant 0 : i32
    %c0_i32_1 = arith.constant 0 : i32
    return %c0_i32, %c0_i32_0 : i32, i32
  }
  func.func @transform_12(%arg0: i32) -> (i32, i32) {
    %c0_i32 = arith.constant 0 : i32
    %c0_i32_0 = arith.constant 0 : i32
    %c0_i32_1 = arith.constant 0 : i32
    return %c0_i32, %c0_i32_0 : i32, i32
  }
  func.func @transform_13(%arg0: i32) -> (i32, i32) {
    %c0_i32 = arith.constant 0 : i32
    %c0_i32_0 = arith.constant 0 : i32
    return %arg0, %c0_i32 : i32, i32
  }
}

</mosaic_0001>

<sc_bundles>
// kernel: kernel.11.cloned.1.call-start
scs
__scs_entry_jumppad:
0x0: {  	(pc) =	sbr.rel $0x88, $3  }
0x1: {  	(tag) =	ssettag $0x0;
	lr =	simm.s32 $0x1  }
0x2: {  	[smem:$0x3F8C] =	sst lr;
	_ =	strace $0xD0000000  }
0x3: {  	_ = 	snop  }
0x4: {  	_ = 	snop  }
0x5: {  	_ = 	snop  }
0x6: {  	_ = 	snop  }
0x7: {  	_ = 	snop  }
__scs_overlays_trampoline_lowered:
0x8: {  	[smem:$0x3F9B] =	sst s0  }
0x9: {  	[smem:$0x3F9C] =	sst s1  }
0xa: {  	[smem:$0x3F9D] =	sst s2  }
0xb: {  	[smem:$0x3F9E] =	sst s3  }
0xc: {  	[smem:$0x3F9F] =	sst s4  }
0xd: {  	[smem:$0x3FA0] =	sst s5  }
0xe: {  	[smem:$0x3FA1] =	sst s6  }
0xf: {  	[smem:$0x3FA2] =	sst s7  }
0x10: {  	[smem:$0x3FA3] =	sst s8  }
0x11: {  	[smem:$0x3FA4] =	sst s9;
	s0 =	simm.s32 @!p0 $0x0  }
0x12: {  	s1 =	sld [smem:$0x3F8A];
	s0 =	simm.s32 @p0 $0x1  }
0x13: {  	[smem:$0x3FA5] =	sst s0;
	s0 =	simm.s32 @!p1 $0x0  }
0x14: {  	s2 =	sld [smem:$0x3F89];
	s0 =	simm.s32 @p1 $0x1  }
0x15: {  	[smem:$0x3FA6] =	sst s0;
	s0 =	simm.s32 @!p2 $0x0  }
0x16: {  	s3 =	sld [smem:$0x3FDB];
	s0 =	simm.s32 @p2 $0x1  }
0x17: {  	s4 =	simm.s32 $0x1BF5;
	[smem:$0x3FA8] =	sst s0  }
0x18: {  	s0 =	sld [smem:$0x3F8B];
	_ =	swait.ge [sflag:s4], $0x0  }
0x19: {  	s7 =	sld [smem:$0x3F8C]  }
0x1a: {  	s8 =	sadd.s32 $0xFFFFE003, lr  }
0x1b: {  	s9 =	sadd.s32 $0xFFFFFEF7, lr;
	s5 =	simm.s32 $0xFFFFFFFF;
	p2 =	slt.u32 s8, $0xFFFFF086  }
0x1c: {  	p1 =	slt.u32 s9, $0xF7A;
	s5 =	simm.s32 @!p2 $0x0  }
0x1d: {  	s5 =	simm.s32 @p1 $0x1;
	p0 =	seq.s32 s7, s2  }
0x1e: {  	s7 =	smul.u32 @!p0 $0xF7A, s2;
	p2 =	seq.s32 @!p0 s5, $0x0  }
0x1f: {  	s9 =	smul.u32 $0xF7A, s1;
	s8 =	simm.s32 @!p0 $0x1BF5;
	p2 =	por !p2, p0  }
0x20: {  	[sflag:s8] =	ssyncset.s32 @!p0 $0xFFFFF086;
	s6 =	sadd.s32 @!p0 s3, s7;
	s7 =	simm.s32 @!p0 $0x108  }
0x21: {  	s3 =	sadd.s32 s3, s9;
	s6 =	sadd.s32 @!p0 $0x88, s6;
	s7 =	simm.s32 @p2 $0x1082  }
0x22: {  	[simem:s7], [sflag:s8] =	dma.local @!p0 [hbm:s6], $0xF7A  }
0x23: {  	s9 =	sor.u32 $0xD0000000, s2;
	s6 =	simm.s32 $0x108;
	_ =	swait.ge @!p0 [sflag:s8], $0x0  }
0x24: {  	s3 =	sadd.s32 $0x88, s3;
	s6 =	simm.s32 @!p1 $0x1082;
	[sflag:s4] =	ssyncset.s32 $0xFFFFF086  }
0x25: {  	[simem:s6], [sflag:s4] =	dma.local [hbm:s3], $0xF7A  }
0x26: {  	[smem:$0x3F8C] =	sst s1;
	(tag) =	ssettag s2;
	_ =	strace s9  }
0x27: {  	s1 =	sld [smem:$0x3F9C]  }
0x28: {  	s2 =	sld [smem:$0x3F9D]  }
0x29: {  	s4 =	sld [smem:$0x3F9F]  }
0x2a: {  	p0 =	seq.s32 s5, $0x0;
	s5 =	sld [smem:$0x3FA0]  }
0x2b: {  	s6 =	sld [smem:$0x3FA1]  }
0x2c: {  	s7 =	sld [smem:$0x3FA2]  }
0x2d: {  	s3 =	simm.s32 $0x108;
	s8 =	sld [smem:$0x3FA3]  }
0x2e: {  	s3 =	simm.s32 @!p0 $0x1082;
	s9 =	sld [smem:$0x3FA4]  }
0x2f: {  	lr =	sadd.s32 s0, s3;
	s0 =	sld [smem:$0x3F9B]  }
0x30: {  	s3 =	sld [smem:$0x3F9E]  }
0x31: {  	[smem:$0x3FA7] =	sst s10  }
0x32: {  	s10 =	sld [smem:$0x3FA5];
	_ =	sdelay $0x3  }
0x33: {  	p0 =	seq.s32 s10, $0x1;
	s10 =	sld [smem:$0x3FA7];
	_ =	sdelay $0x3  }
0x34: {  	[smem:$0x3FA7] =	sst s10  }
0x35: {  	s10 =	sld [smem:$0x3FA6];
	_ =	sdelay $0x3  }
0x36: {  	p1 =	seq.s32 s10, $0x1;
	s10 =	sld [smem:$0x3FA7];
	_ =	sdelay $0x3  }
0x37: {  	[smem:$0x3FA7] =	sst s10  }
0x38: {  	s10 =	sld [smem:$0x3FA8]  }
0x39: {  	_ = 	snop;
	(pc) =	sbr.ind lr, $3  }
0x3a: {  	_ = 	snop  }
0x3b: {  	_ = 	snop  }
0x3c: {  	p2 =	seq.s32 s10, $0x1;
	s10 =	sld [smem:$0x3FA7]  }
0x3d: {  	_ =	shalt  }
0x3e: {  	_ =	shalt  }
0x3f: {  	_ =	shalt  }
0x40: {  	_ =	shalt  }
0x41: {  	_ =	shalt  }
0x42: {  	_ =	shalt  }
0x43: {  	_ =	shalt  }
0x44: {  	_ =	shalt  }
0x45: {  	_ =	shalt  }
0x46: {  	_ =	shalt  }
0x47: {  	_ =	shalt  }
0x48: {  	_ =	shalt  }
0x49: {  	_ =	shalt  }
0x4a: {  	_ =	shalt  }
0x4b: {  	_ =	shalt  }
0x4c: {  	_ =	shalt  }
0x4d: {  	_ =	shalt  }
0x4e: {  	_ =	shalt  }
0x4f: {  	_ =	shalt  }
0x50: {  	_ =	shalt  }
0x51: {  	_ =	shalt  }
0x52: {  	_ =	shalt  }
0x53: {  	_ =	shalt  }
0x54: {  	_ =	shalt  }
0x55: {  	_ =	shalt  }
0x56: {  	_ =	shalt  }
0x57: {  	_ =	shalt  }
0x58: {  	_ =	shalt  }
0x59: {  	_ =	shalt  }
0x5a: {  	_ =	shalt  }
0x5b: {  	_ =	shalt  }
0x5c: {  	_ =	shalt  }
0x5d: {  	_ =	shalt  }
0x5e: {  	_ =	shalt  }
0x5f: {  	_ =	shalt  }
0x60: {  	_ =	shalt  }
0x61: {  	_ =	shalt  }
0x62: {  	_ =	shalt  }
0x63: {  	_ =	shalt  }
0x64: {  	_ =	shalt  }
0x65: {  	_ =	shalt  }
0x66: {  	_ =	shalt  }
0x67: {  	_ =	shalt  }
0x68: {  	_ =	shalt  }
0x69: {  	_ =	shalt  }
0x6a: {  	_ =	shalt  }
0x6b: {  	_ =	shalt  }
0x6c: {  	_ =	shalt  }
0x6d: {  	_ =	shalt  }
0x6e: {  	_ =	shalt  }
0x6f: {  	_ =	shalt  }
0x70: {  	_ =	shalt  }
0x71: {  	_ =	shalt  }
0x72: {  	_ =	shalt  }
0x73: {  	_ =	shalt  }
0x74: {  	_ =	shalt  }
0x75: {  	_ =	shalt  }
0x76: {  	_ =	shalt  }
0x77: {  	_ =	shalt  }
0x78: {  	_ =	shalt  }
0x79: {  	_ =	shalt  }
0x7a: {  	_ =	shalt  }
0x7b: {  	_ =	shalt  }
0x7c: {  	_ =	shalt  }
0x7d: {  	_ =	shalt  }
0x7e: {  	_ =	shalt  }
0x7f: {  	_ =	shalt  }
0x80: {  	_ =	shalt  }
0x81: {  	_ =	shalt  }
0x82: {  	_ =	shalt  }
0x83: {  	_ =	shalt  }
0x84: {  	_ =	shalt  }
0x85: {  	_ =	shalt  }
0x86: {  	_ =	shalt  }
0x87: {  	_ =	shalt  }
.Lfunc_end0:
.L_simem_size_0:
called_computation.1_lowered:
.L_overlay_start_0:
0x88: {  	s2 =	sld [smem:$0x3FD9]  }
0x89: {  	s3 =	sld [smem:$0x3FFE];
	_ =	sdelay $0x1  }
0x8a: {  	s1 =	srdreg.scid  }
0x8b: {  	s0 =	sand.u32 $0x1, s1  }
0x8c: {  	s16 =	sshll.u32 s0, $0xA;
	s2 =	sadd.s32 s3, s2  }
0x8d: {  	s2 =	sadd.s32 s2, s16  }
0x8e: {  	[smem:$0x3FB3] =	sst s2  }
0x8f: {  	_ = 	snop  }
0x90: {  	(tm) =	ssettm $0x1  }
0x91: {  	s17 =	sld [smem:$0x3FFB];
	_ =	sdelay $0x3  }
0x92: {  	_ =	strace s17  }
0x93: {  	s2 =	sld [smem:$0x3FFC];
	_ =	sdelay $0x3  }
0x94: {  	_ =	strace s2  }
0x95: {  	s2 =	sld [smem:$0x3FFD];
	_ =	sdelay $0x3  }
0x96: {  	_ =	strace s2  }
0x97: {  	_ =	strace $0x8FFFFFFF  }
0x98: {  	s18 =	sld [smem:$0x3FDB];
	_ =	sdelay $0x1  }
0x99: {  	s19 =	simm.s32 $_scs_section_size  }
0x9a: {  	s4 =	simm.s32 $_size__tile_overlayer_lowered;
	s5 =	simm.s32 $_tile_overlayer_lowered  }
0x9b: {  	s22 =	simm.s32 $0x1BFF;
	s21 =	sshll.u32 s5, $0x1;
	s2 =	sadd.s32 s19, s18  }
0x9c: {  	s6 =	simm.s32 $0x0;
	s20 =	sshll.u32 s4, $0x1;
	s4 =	sadd.s32 s21, s2  }
0x9d: {  	[timem:s6], [sflag:s22] =	dma.local [hbm:s4], s20  }
0x9e: {  	_ =	swait.ge [sflag:s22], s20  }
0x9f: {  	s3 =	ssub.s32 $0x0, s20;
	[sflag:s22] =	ssyncset.done $0x0  }
0xa0: {  	[sflag:s22] =	ssyncadd.s32 s3;
	_ =	sdelay $0x1  }
0xa1: {  	s23 =	simm.s32 $0x1B8B  }
0xa2: {  	_ =	swait.ge [sflag:s23], $0x1  }
0xa3: {  	[sflag:s23] =	ssyncset.done $0x0  }
0xa4: {  	s25 =	simm.s32 $0x1B8E;
	s24 =	sld [smem:$0x3FFE];
	[sflag:s23] =	ssyncadd.s32 $0xFFFFFFFF  }
0xa5: {  	s26 =	simm.s32 $execute0_lowered;
	[smem:$0x3FD2] =	sst s25  }
0xa6: {  	s4 =	sshll.u32 s26, $0x1;
	_ =	strace $0x80000049;
	[dreg:$0x1] =	wrdreg $0xFFFFFFFF  }
0xa7: {  	s28 =	simm.s32 $_size_execute0_lowered;
	s2 =	sadd.s32 s2, s4;
	[dreg:$0x0] =	wrdreg $0x0  }
0xa8: {  	s4 =	sshll.u32 s28, $0x1;
	[dreg:$0x2] =	wrdreg s2  }
0xa9: {  	[dreg:$0x3] =	wrdreg s4  }
0xaa: {  	[dreg:$0x4] =	wrdreg $0xC0  }
0xab: {  	_ =	task [dreg:s6], $0x5FFFF  }
0xac: {  	[dreg:$0x1] =	wrdreg $0xFFFFFFFF  }
0xad: {  	[dreg:$0x0] =	wrdreg $0x60  }
0xae: {  	[dreg:$0x2] =	wrdreg s24  }
0xaf: {  	[dreg:$0x3] =	wrdreg $0x134400  }
0xb0: {  	[dreg:$0x4] =	wrdreg $0x9  }
0xb1: {  	_ =	task.clear_ibuf [dreg:s6], $0x5FFFF;
	_ =	strace $0x90000049  }
0xb2: {  	s29 =	simm.s32 $0x9;
	_ =	strace $0x8000004B  }
0xb3: {  	_ =	swait.ge [sflag:s29], $0x1  }
0xb4: {  	[sflag:s29] =	ssyncadd.s32 $0xFFFFFFFF  }
0xb5: {  	_ =	strace $0x9000004B  }
0xb6: {  	_ =	sfence  }
0xb7: {  	s30 =	sld [smem:$0x0];
	_ =	sdelay $0x2  }
0xb8: {  	s31 =	sshll.u32 s1, $0xD;
	s1 =	sshrl.u32 s1, $0x2  }
0xb9: {  	s3 =	sand.u32 $0x4000, s31;
	s1 =	sadd.s32 s1, s30  }
0xba: {  	s0 =	sor.u32 s3, s0;
	s1 =	sshll.u32 s1, $0x11  }
0xbb: {  	s0 =	sor.u32 s1, s0  }
0xbc: {  	s0 =	sadd.s32 $0x8F2B, s0  }
0xbd: {  	[sflag:s0] =	ssyncadd.remote.s32 $0x1  }
0xbe: {  	_ =	sfence.sel $0xFFFF  }
0xbf: {  	[dreg:$0x0] =	wrdreg $0xFFFFFFFF;
	(pc) =	sbr.abs _section_cstart, $3  }
0xc0: {  	[dreg:$0x1] =	wrdreg $0xFFFFFFFF  }
0xc1: {  	_ =	task.clear_ibuf [dreg:s6], $0x2FFFF;
	_ =	strace $0x9FFFFFFF  }
0xc2: {  	(tm) =	ssettm $0x7FFFFFFF  }
0xc3: {  	_ =	shalt  }
tec
execute0_lowered:
.L_overlay_start_1:
0x0: {  	(tag) =	ssettag $0x1  }
0x1: {  	s0 =	rddreg [dreg:$0x0]  }
0x2: {  	s1 =	rddreg [dreg:$0x1]  }
0x3: {  	s2 =	simm.s32 $0x0;
	s20 =	stileid.u32;
	s23 =	srdreg.scid  }
0x4: {  	[smem:$0x7FF] =	sst s2;
	s3 =	sadd.s32 $0x54C00, s0;
	s8 =	smul.u32 $0x4E20, s20  }
0x5: {  	s4 =	sadd.s32 $0x41200, s0;
	s6 =	sadd.s32 $0x523400, s0;
	s11 =	smul.u32 $0x270, s20  }
0x6: {  	s7 =	sadd.s32 $0x7C000, s0;
	s9 =	sadd.s32 $0x68600, s0;
	s13 =	smul.u32 $0x27000, s20  }
0x7: {  	s10 =	sadd.s32 $0xA05400, s0;
	s2 =	sand.u32 $0x1, s23;
	s16 =	smul.u32 $0x4E200, s20  }
0x8: {  	s15 =	sadd.s32 $0x8FA00, s0;
	s17 =	smul.u32 $0x271000, s20;
	p1 =	sne.s32 s20, $0x0  }
0x9: {  	s30 =	sadd.s32 $0x9C000, s1;
	s20 =	simm.s32 $0x2;
	s18 =	smul.u32 $0x2710, s2  }
0xa: {  	_ =	strace $0x8000004A;
	s12 =	ssub.s32 $0x2, s2;
	s26 =	smul.u32 $0x9C400, s2  }
0xb: {  	p0 =	sne.s32 s2, $0x0;
	s2 =	simm.s32 $0x1;
	s5 =	sshrl.u32 s8, $0x3  }
0xc: {  	s14 =	sshrl.u32 s12, $0x1;
	s25 =	sshrl.u32 s13, $0x2;
	s17 =	sshrl.u32 s17, $0x3  }
0xd: {  	s22 =	sadd.s32 s10, s16;
	s5 =	sadd.s32 s5, s0;
	s12 =	ssub.s32 s12, s14  }
0xe: {  	s13 =	sadd.s32 s25, s1;
	s14 =	sadd.s32 $0x523408, s0;
	[dreg:$0xb] =	wrdreg s22  }
0xf: {  	s11 =	sadd.s32 s11, s18;
	s24 =	sadd.s32 $0x10200, s5;
	[dreg:$0x11] =	wrdreg s13  }
0x10: {  	s28 =	sadd.s32 $0x508, s17;
	s5 =	sadd.s32 $0x6400, s5;
	[dreg:$0x3] =	wrdreg s24  }
0x11: {  	s17 =	sadd.s32 $0x500, s17;
	s19 =	sadd.s32 s16, s14;
	[dreg:$0x4] =	wrdreg s5  }
0x12: {  	s11 =	sshll.u32 s11, $0x3;
	s31 =	sadd.s32 s6, s28;
	[dreg:$0x5] =	wrdreg s19  }
0x13: {  	s18 =	sadd.s32 s10, s28;
	s23 =	sadd.s32 s6, s17;
	[dreg:$0x6] =	wrdreg s31  }
0x14: {  	s28 =	smax.u32 s12, $0x1;
	s22 =	sadd.s32 $0x3400, s13;
	[dreg:$0xa] =	wrdreg s18  }
0x15: {  	s29 =	sadd.s32 $0x6800, s13;
	s12 =	simm.s32 $0xEC40;
	[dreg:$0xc] =	wrdreg s23  }
0x16: {  	s5 =	sshrl.u32 s26, $0x3;
	s24 =	sadd.s32 s10, s17;
	[dreg:$0x10] =	wrdreg s28  }
0x17: {  	s21 =	sadd.s32 s15, s11;
	s19 =	sadd.s32 $0xA05408, s0;
	[dreg:$0xd] =	wrdreg s24  }
0x18: {  	s5 =	sadd.s32 s15, s5;
	s15 =	sadd.s32 s6, s16;
	[dreg:$0x7] =	wrdreg s21  }
.Ltmp0:
0x19: {  	s0 =	sadd.s32 s16, s19;
	[dreg:$0x8] =	wrdreg s15;
	(pc) =	sbr.rel .LBB2_1-.Ltmp0, $4  }
0x1a: {  	s18 =	simm.s32 $0x50;
	s31 =	sadd.s32 $0x27100, s21;
	[dreg:$0x9] =	wrdreg s0  }
0x1b: {  	s11 =	simm.s32 $0x3;
	s25 =	sadd.s32 $0x13800, s5;
	[dreg:$0x12] =	wrdreg s31  }
0x1c: {  	s23 =	simm.s32 $0x4;
	s26 =	sadd.s32 $0x3A900, s5;
	[dreg:$0xe] =	wrdreg s25  }
0x1d: {  	v0 =	vimm.f32 $0.0e+00;
	s15 =	simm.s32 $0x5;
	[dreg:$0xf] =	wrdreg s26;
	s25 =	simm.s32 $0x0  }
.LBB2_29:
0x1e: {  	[bflag:$0x0] =	sbarrier.arrive $0xFFFF  }
0x1f: {  	s0 =	rddreg [dreg:$0x12]  }
0x20: {  	[hbm:s0], [sflag:s24] =	dma.local [spmem:s26], $0x1380  }
0x21: {  	_ =	swait.ge [sflag:s15], $0x1380  }
0x22: {  	[sflag:s15] =	ssyncset.done $0x0  }
0x23: {  	s0 =	rddreg [dreg:$0xf];
	[sflag:s15] =	ssyncadd.s32 $0xFFFFEC80  }
0x24: {  	[hbm:s0], [sflag:s24] =	dma.local @!p1 [spmem:s5], $0x80  }
0x25: {  	s0 =	simm.s32 @!p1 $0x5  }
0x26: {  	_ =	swait.ge @!p1 [sflag:s0], $0x80  }
0x27: {  	s25 =	sadd.s32 $0x1, s25;
	s28 =	rddreg [dreg:$0x10]  }
0x28: {  	p2 =	sne.s32 s25, s28  }
.Ltmp1:
0x29: {  	_ = 	snop;
	(pc) =	sbr.rel @!p2 .LBB2_30-.Ltmp1, $3  }
0x2a: {  	_ =	sdelay $0x1  }
0x2b: {  	s22 =	smov.u32 s13;
	s29 =	smov.u32 s31;
	[sflag:s0] =	ssyncset.done @!p1 $0x0  }
0x2c: {  	s30 =	smov.u32 s16;
	s13 =	rddreg [dreg:$0x11];
	[sflag:s0] =	ssyncadd.s32 @!p1 $0xFFFFFF80  }
.LBB2_1:
0x2d: {  	s5 =	simm.s32 $0x100;
	s0 =	simm.s32 $0x0  }
.LBB2_2:
0x2e: {  	p2 =	sne.s32 s5, $0xCF00;
	[tilespmem:s0+$0x10070] =	vst v0;
	s17 =	smov.u32 s5;
	s5 =	sadd.s32 $0x100, s5  }
.Ltmp2:
0x2f: {  	[tilespmem:s0+$0x10060] =	vst v0;
	(pc) =	sbr.rel @p2 .LBB2_2-.Ltmp2, $3  }
0x30: {  	[tilespmem:s0+$0x10040] =	vst v0  }
0x31: {  	[tilespmem:s0+$0x10050] =	vst v0;
	_ =	sdelay $0x1  }
0x32: {  	s0 =	sshra.s32 s17, $0x2  }
0x33: {  	[tilespmem:s0+$0x10070] =	vst v0  }
0x34: {  	[tilespmem:s0+$0x10060] =	vst v0  }
0x35: {  	[tilespmem:s0+$0x10040] =	vst v0  }
0x36: {  	[tilespmem:s0+$0x10050] =	vst v0;
	s26 =	simm.s32 $0x0;
	s5 =	rddreg [dreg:$0x3]  }
0x37: {  	[tilespmem:s26], [sflag:$0x5] =	stream.linear.gather [hbm4b:s5+s26], $0x4E20, $0x38;
	[tilespmem:$0x1D080] =	vst v63  }
0x38: {  	_ =	swait.ge [sflag:s15], $0x4E20  }
0x39: {  	[sflag:s15] =	ssyncset.done $0x0  }
0x3a: {  	s16 =	simm.s32 $0x4E20;
	s28 =	rddreg [dreg:$0x4];
	[sflag:s15] =	ssyncadd.s32 $0xFFFFB1E0  }
0x3b: {  	[tilespmem:s16], [sflag:$0x5] =	stream.linear.gather [hbm4b:s28+s26], $0x4E20, $0x38;
	[tilespmem:$0x1D080] =	vst v63  }
0x3c: {  	_ =	swait.ge [sflag:s15], $0x4E20  }
0x3d: {  	[sflag:s15] =	ssyncset.done $0x0  }
0x3e: {  	s31 =	simm.s32 $0x10040;
	[sflag:s15] =	ssyncadd.s32 $0xFFFFB1E0  }
0x3f: {  	[spmem:s13] =	stream.linear.scatter [tilespmem:s31], [sflag:$0x5], $0x3400, $0x38;
	[tilespmem:$0x1D080] =	vst v63  }
0x40: {  	_ =	swait.ge [sflag:s15], $0x3400  }
0x41: {  	[sflag:s15] =	ssyncset.done $0x0  }
0x42: {  	[sflag:s15] =	ssyncadd.s32 $0xFFFFCC00  }
0x43: {  	[spmem:s22] =	stream.linear.scatter [tilespmem:s31], [sflag:$0x5], $0x3400, $0x38;
	[tilespmem:$0x1D080] =	vst v63  }
0x44: {  	_ =	swait.ge [sflag:s15], $0x3400  }
0x45: {  	[sflag:s15] =	ssyncset.done $0x0  }
0x46: {  	[sflag:s15] =	ssyncadd.s32 $0xFFFFCC00  }
0x47: {  	[spmem:s29] =	stream.linear.scatter [tilespmem:s31], [sflag:$0x5], $0x3400, $0x38;
	[tilespmem:$0x1D080] =	vst v63  }
0x48: {  	_ =	swait.ge [sflag:s15], $0x3400  }
0x49: {  	[sflag:s15] =	ssyncset.done $0x0  }
0x4a: {  	s0 =	simm.s32 @!p1 $0x10040;
	[sflag:s15] =	ssyncadd.s32 $0xFFFFCC00  }
0x4b: {  	[spmem:s30] =	stream.linear.scatter @!p1 [tilespmem:s0], [sflag:$0x5], $0x400, $0x38;
	[tilespmem:$0x1D080] =	vst v63  }
0x4c: {  	s0 =	simm.s32 @!p1 $0x5  }
.Ltmp3:
0x4d: {  	_ =	swait.ge @!p1 [sflag:s0], $0x400;
	(pc) =	sbr.rel @p0 .LBB2_10-.Ltmp3, $4  }
0x4e: {  	[sflag:s0] =	ssyncset.done @!p1 $0x0  }
0x4f: {  	[sflag:s0] =	ssyncadd.s32 @!p1 $0xFFFFFC00  }
0x50: {  	[bflag:$0x0] =	sbarrier.arrive $0xFFFF  }
0x51: {  	s5 =	simm.s32 $0x0;
	s0 =	simm.s32 $0x9C40  }
0x52: {  	[tilespmem:s0], [sflag:$0x1] =	stream.indirect.gather [hbm4b:s3+s18], $0x40, s5, s18, $0xb8;
	[tilespmem:$0x1D080] =	vst v63  }
0x53: {  	s24 =	rddreg [dreg:$0x8]  }
0x54: {  	s16 =	simm.s32 $0x40;
	s17 =	simm.s32 $0x80;
	s21 =	simm.s32 $0xC440  }
0x55: {  	[tilespmem:s21], [sflag:$0x3] =	stream.strided.gather [hbm4b:s24+s16], $0x1400, s17, s16, $0x38;
	[tilespmem:$0x1D080] =	vst v63  }
0x56: {  	s26 =	simm.s32 $0xB040  }
0x57: {  	[tilespmem:s26], [sflag:$0x2] =	stream.indirect.gather [hbm4b:s3+s18], $0x40, s18, s18, $0xb8;
	[tilespmem:$0x1D080] =	vst v63  }
0x58: {  	s28 =	rddreg [dreg:$0xc];
	s31 =	simm.s32 $0xD840  }
0x59: {  	[tilespmem:s31], [sflag:$0x4] =	stream.strided.gather [hbm4b:s28+s16], $0x1400, s17, s16, $0x38;
	[tilespmem:$0x1D080] =	vst v63  }
.LBB2_5:
0x5a: {  	_ =	swait.ge [sflag:s2], $0x1400  }
0x5b: {  	[sflag:s2] =	ssyncset.done $0x0  }
0x5c: {  	[sflag:s2] =	ssyncadd.s32 $0xFFFFEC00  }
0x5d: {  	_ =	swait.ge [sflag:s11], $0x1400  }
0x5e: {  	[sflag:s11] =	ssyncset.done $0x0  }
0x5f: {  	s17 =	simm.s32 $0x0;
	[sflag:s11] =	ssyncadd.s32 $0xFFFFEC00  }
0x60: {  	v3 =	vld [tilespmem:s17+$0x9C70]  }
0x61: {  	v4 =	vld [tilespmem:s17+$0xC470]  }
0x62: {  	v6 =	vld [tilespmem:s17+$0x9C40]  }
0x63: {  	v7 =	vld [tilespmem:s17+$0xC440]  }
0x64: {  	v2 =	vld [tilespmem:s17+$0x9C50]  }
0x65: {  	v5 =	vld [tilespmem:s17+$0xC450]  }
0x66: {  	v1 =	vld [tilespmem:s17+$0x9C60];
	v8 =	vadd.f32 v4, v3  }
0x67: {  	s0 =	simm.s32 $0x40;
	v4 =	vld [tilespmem:s17+$0xC460]  }
0x68: {  	s24 =	simm.s32 $0x200;
	v3 =	vld [tilespmem:s0+$0x9C70];
	v6 =	vadd.f32 v7, v6;
	v7 =	vmax.f32 v8, $0.0e+00  }
.LBB2_6:
0x69: {  	p2 =	sne.s32 s24, $0x4F00;
	v8 =	vld [tilespmem:s0+$0xC470];
	[tilespmem:s17+$0xEC70] =	vst v7  }
0x6a: {  	v7 =	vld [tilespmem:s0+$0x9C40];
	v6 =	vmax.f32 v6, $0.0e+00;
	v5 =	vadd.f32 v5, v2  }
0x6b: {  	v9 =	vld [tilespmem:s0+$0xC440];
	[tilespmem:s17+$0xEC40] =	vst v6  }
.Ltmp4:
0x6c: {  	v2 =	vld [tilespmem:s0+$0x9C50];
	v6 =	vmax.f32 v5, $0.0e+00;
	v4 =	vadd.f32 v4, v1;
	(pc) =	sbr.rel @p2 .LBB2_6-.Ltmp4, $4  }
0x6d: {  	v5 =	vld [tilespmem:s0+$0xC450];
	[tilespmem:s17+$0xEC50] =	vst v6  }
0x6e: {  	v1 =	vld [tilespmem:s0+$0x9C60];
	v8 =	vadd.f32 v8, v3;
	v3 =	vmax.f32 v4, $0.0e+00  }
0x6f: {  	v4 =	vld [tilespmem:s0+$0xC460];
	[tilespmem:s17+$0xEC60] =	vst v3;
	s17 =	smov.u32 s0;
	s0 =	sshra.s32 s24, $0x2  }
0x70: {  	s24 =	sadd.s32 $0x100, s24;
	v3 =	vld [tilespmem:s0+$0x9C70];
	v6 =	vadd.f32 v9, v7;
	v7 =	vmax.f32 v8, $0.0e+00  }
0x71: {  	v8 =	vld [tilespmem:s0+$0xC470];
	[tilespmem:s17+$0xEC70] =	vst v7  }
0x72: {  	v7 =	vld [tilespmem:s0+$0x9C40];
	v6 =	vmax.f32 v6, $0.0e+00;
	v2 =	vadd.f32 v5, v2  }
0x73: {  	v9 =	vld [tilespmem:s0+$0xC440];
	[tilespmem:s17+$0xEC40] =	vst v6  }
0x74: {  	v5 =	vld [tilespmem:s0+$0x9C50];
	v2 =	vmax.f32 v2, $0.0e+00  }
0x75: {  	v6 =	vld [tilespmem:s0+$0xC450];
	[tilespmem:s17+$0xEC50] =	vst v2  }
0x76: {  	v2 =	vld [tilespmem:s0+$0x9C60]  }
0x77: {  	v10 =	vld [tilespmem:s0+$0xC460]  }
0x78: {  	v1 =	vadd.f32 v4, v1  }
0x79: {  	v3 =	vadd.f32 v8, v3  }
0x7a: {  	v1 =	vmax.f32 v1, $0.0e+00;
	v4 =	vadd.f32 v9, v7  }
0x7b: {  	[tilespmem:s17+$0xEC60] =	vst v1;
	v1 =	vmax.f32 v3, $0.0e+00;
	v3 =	vadd.f32 v6, v5  }
0x7c: {  	p2 =	seq.s32 s5, $0x7C;
	[tilespmem:s0+$0xEC70] =	vst v1;
	v1 =	vmax.f32 v4, $0.0e+00;
	v2 =	vadd.f32 v10, v2  }
0x7d: {  	s24 =	smul.u32 @!p2 $0xA0, s5;
	[tilespmem:s0+$0xEC40] =	vst v1;
	v1 =	vmax.f32 v3, $0.0e+00  }
0x7e: {  	[tilespmem:s0+$0xEC50] =	vst v1;
	v1 =	vmax.f32 v2, $0.0e+00  }
0x7f: {  	s21 =	simm.s32 @!p2 $0x9C40;
	s17 =	simm.s32 @!p2 $0x50;
	[tilespmem:s0+$0xEC60] =	vst v1;
	s0 =	sadd.s32 @!p2 $0xA0, s24  }
0x80: {  	[tilespmem:s21], [sflag:$0x1] =	stream.indirect.gather @!p2 [hbm4b:s3+s17], $0x40, s0, s17, $0xb8;
	[tilespmem:$0x1D080] =	vst v63  }
0x81: {  	s0 =	sadd.s32 @!p2 s8, s0  }
0x82: {  	s28 =	smul.u32 $0x280, s5;
	s26 =	simm.s32 @!p2 $0xC440;
	s0 =	sshll.u32 @!p2 s0, $0x4  }
0x83: {  	s17 =	simm.s32 @!p2 $0x40;
	s21 =	simm.s32 @!p2 $0x80;
	s0 =	sadd.s32 @!p2 s6, s0  }
0x84: {  	[tilespmem:s26], [sflag:$0x3] =	stream.strided.gather @!p2 [hbm4b:s0+s17], $0x1400, s21, s17, $0x38;
	[tilespmem:$0x1D080] =	vst v63  }
0x85: {  	s0 =	sshra.s32 s28, $0x2  }
0x86: {  	s31 =	sadd.s32 $0x4E20, s0  }
0x87: {  	[spmem:s1] =	stream.indirect.scatter.add.f32 [tilespmem:s12], [sflag:$0x5], $0x40, s31, s18, $0xb8;
	[tilespmem:$0x1D080] =	vst v63  }
0x88: {  	_ =	swait.ge [sflag:s15], $0x1400  }
0x89: {  	[sflag:s15] =	ssyncset.done $0x0  }
0x8a: {  	[sflag:s15] =	ssyncadd.s32 $0xFFFFEC00  }
0x8b: {  	_ =	swait.ge [sflag:s20], $0x1400  }
0x8c: {  	[sflag:s20] =	ssyncset.done $0x0  }
0x8d: {  	[sflag:s20] =	ssyncadd.s32 $0xFFFFEC00  }
0x8e: {  	_ =	swait.ge [sflag:s23], $0x1400  }
0x8f: {  	[sflag:s23] =	ssyncset.done $0x0  }
0x90: {  	s26 =	simm.s32 $0x0;
	[sflag:s23] =	ssyncadd.s32 $0xFFFFEC00  }
0x91: {  	v3 =	vld [tilespmem:s26+$0xB070]  }
0x92: {  	v4 =	vld [tilespmem:s26+$0xD870]  }
0x93: {  	v6 =	vld [tilespmem:s26+$0xB040]  }
0x94: {  	v7 =	vld [tilespmem:s26+$0xD840]  }
0x95: {  	v2 =	vld [tilespmem:s26+$0xB050]  }
0x96: {  	v5 =	vld [tilespmem:s26+$0xD850]  }
0x97: {  	v1 =	vld [tilespmem:s26+$0xB060];
	v8 =	vadd.f32 v4, v3  }
0x98: {  	s17 =	simm.s32 $0x40;
	v4 =	vld [tilespmem:s26+$0xD860]  }
0x99: {  	s28 =	simm.s32 $0x200;
	v3 =	vld [tilespmem:s17+$0xB070];
	v6 =	vadd.f32 v7, v6;
	v7 =	vmax.f32 v8, $0.0e+00  }
.LBB2_8:
0x9a: {  	p3 =	sne.s32 s28, $0x4F00;
	v8 =	vld [tilespmem:s17+$0xD870];
	[tilespmem:s26+$0xEC70] =	vst v7  }
0x9b: {  	v7 =	vld [tilespmem:s17+$0xB040];
	v6 =	vmax.f32 v6, $0.0e+00;
	v5 =	vadd.f32 v5, v2  }
0x9c: {  	v9 =	vld [tilespmem:s17+$0xD840];
	[tilespmem:s26+$0xEC40] =	vst v6  }
.Ltmp5:
0x9d: {  	v2 =	vld [tilespmem:s17+$0xB050];
	v6 =	vmax.f32 v5, $0.0e+00;
	v4 =	vadd.f32 v4, v1;
	(pc) =	sbr.rel @p3 .LBB2_8-.Ltmp5, $4  }
0x9e: {  	v5 =	vld [tilespmem:s17+$0xD850];
	[tilespmem:s26+$0xEC50] =	vst v6  }
0x9f: {  	v1 =	vld [tilespmem:s17+$0xB060];
	v8 =	vadd.f32 v8, v3;
	v3 =	vmax.f32 v4, $0.0e+00  }
0xa0: {  	v4 =	vld [tilespmem:s17+$0xD860];
	[tilespmem:s26+$0xEC60] =	vst v3;
	s26 =	smov.u32 s17;
	s17 =	sshra.s32 s28, $0x2  }
0xa1: {  	s28 =	sadd.s32 $0x100, s28;
	v3 =	vld [tilespmem:s17+$0xB070];
	v6 =	vadd.f32 v9, v7;
	v7 =	vmax.f32 v8, $0.0e+00  }
0xa2: {  	v8 =	vld [tilespmem:s17+$0xD870];
	[tilespmem:s26+$0xEC70] =	vst v7  }
0xa3: {  	v7 =	vld [tilespmem:s17+$0xB040];
	v6 =	vmax.f32 v6, $0.0e+00;
	v2 =	vadd.f32 v5, v2  }
0xa4: {  	v9 =	vld [tilespmem:s17+$0xD840];
	[tilespmem:s26+$0xEC40] =	vst v6  }
0xa5: {  	v62 =	vld [tilespmem:s17+$0xB050];
	v2 =	vmax.f32 v2, $0.0e+00  }
0xa6: {  	v6 =	vld [tilespmem:s17+$0xD850];
	[tilespmem:s26+$0xEC50] =	vst v2  }
0xa7: {  	v2 =	vld [tilespmem:s17+$0xB060]  }
0xa8: {  	v10 =	vld [tilespmem:s17+$0xD860]  }
0xa9: {  	v1 =	vadd.f32 v4, v1  }
0xaa: {  	v3 =	vadd.f32 v8, v3  }
0xab: {  	v1 =	vmax.f32 v1, $0.0e+00;
	v63 =	vadd.f32 v9, v7  }
0xac: {  	[tilespmem:s26+$0xEC60] =	vst v1;
	v1 =	vmax.f32 v3, $0.0e+00;
	v3 =	vadd.f32 v6, v62  }
0xad: {  	[tilespmem:s17+$0xEC70] =	vst v1;
	v1 =	vmax.f32 v63, $0.0e+00;
	v2 =	vadd.f32 v10, v2  }
0xae: {  	[tilespmem:s17+$0xEC40] =	vst v1;
	v1 =	vmax.f32 v3, $0.0e+00  }
0xaf: {  	[tilespmem:s17+$0xEC50] =	vst v1;
	v1 =	vmax.f32 v2, $0.0e+00  }
0xb0: {  	s21 =	simm.s32 @!p2 $0x50;
	[tilespmem:s17+$0xEC60] =	vst v1;
	s17 =	sadd.s32 @!p2 $0xF0, s24;
	s24 =	simm.s32 @!p2 $0xB040  }
0xb1: {  	[tilespmem:s24], [sflag:$0x2] =	stream.indirect.gather @!p2 [hbm4b:s3+s21], $0x40, s17, s21, $0xb8;
	[tilespmem:$0x1D080] =	vst v63  }
0xb2: {  	s17 =	sadd.s32 @!p2 s8, s17  }
0xb3: {  	s5 =	sadd.s32 $0x1, s5;
	s26 =	simm.s32 @!p2 $0xD840;
	s17 =	sshll.u32 @!p2 s17, $0x4  }
0xb4: {  	s21 =	simm.s32 @!p2 $0x40;
	s24 =	simm.s32 @!p2 $0x80;
	s17 =	sadd.s32 @!p2 s6, s17  }
0xb5: {  	[tilespmem:s26], [sflag:$0x4] =	stream.strided.gather @!p2 [hbm4b:s17+s21], $0x1400, s24, s21, $0x38;
	[tilespmem:$0x1D080] =	vst v63  }
0xb6: {  	s0 =	sadd.s32 $0x4E70, s0;
	p2 =	seq.s32 s5, $0x7D  }
0xb7: {  	[spmem:s1] =	stream.indirect.scatter.add.f32 [tilespmem:s12], [sflag:$0x5], $0x40, s0, s18, $0xb8;
	[tilespmem:$0x1D080] =	vst v63  }
.Ltmp6:
0xb8: {  	_ = 	snop;
	(pc) =	sbr.rel @!p2 .LBB2_5-.Ltmp6, $4  }
.Ltmp7:
0xb9: {  	_ = 	snop;
	(pc) =	sbr.rel @p2 .LBB2_16-.Ltmp7, $4  }
0xba: {  	_ =	swait.ge [sflag:s15], $0x1400  }
0xbb: {  	[sflag:s15] =	ssyncset.done $0x0  }
0xbc: {  	[sflag:s15] =	ssyncadd.s32 $0xFFFFEC00  }
0xbd: {  	_ = 	snop  }
.LBB2_10:
0xbe: {  	[tilespmem:s0], [sflag:$0x1] =	stream.indirect.gather [hbm4b:s4+s18], $0x40, s5, s18, $0xb8;
	[tilespmem:$0x1D080] =	vst v63  }
0xbf: {  	s24 =	rddreg [dreg:$0x5]  }
0xc0: {  	s16 =	simm.s32 $0x40;
	s17 =	simm.s32 $0x80;
	s21 =	simm.s32 $0xC440  }
0xc1: {  	[tilespmem:s21], [sflag:$0x3] =	stream.strided.gather [hbm4b:s24+s16], $0x1400, s17, s16, $0x38;
	[tilespmem:$0x1D080] =	vst v63  }
0xc2: {  	s26 =	simm.s32 $0xB040  }
0xc3: {  	[tilespmem:s26], [sflag:$0x2] =	stream.indirect.gather [hbm4b:s4+s18], $0x40, s18, s18, $0xb8;
	[tilespmem:$0x1D080] =	vst v63  }
0xc4: {  	s28 =	rddreg [dreg:$0x6];
	s31 =	simm.s32 $0xD840  }
0xc5: {  	[tilespmem:s31], [sflag:$0x4] =	stream.strided.gather [hbm4b:s28+s16], $0x1400, s17, s16, $0x38;
	[tilespmem:$0x1D080] =	vst v63  }
.LBB2_11:
0xc6: {  	_ =	swait.ge [sflag:s2], $0x1400  }
0xc7: {  	[sflag:s2] =	ssyncset.done $0x0  }
0xc8: {  	[sflag:s2] =	ssyncadd.s32 $0xFFFFEC00  }
0xc9: {  	_ =	swait.ge [sflag:s11], $0x1400  }
0xca: {  	[sflag:s11] =	ssyncset.done $0x0  }
0xcb: {  	s17 =	simm.s32 $0x0;
	[sflag:s11] =	ssyncadd.s32 $0xFFFFEC00  }
0xcc: {  	v3 =	vld [tilespmem:s17+$0x9C70]  }
0xcd: {  	v4 =	vld [tilespmem:s17+$0xC470]  }
0xce: {  	v6 =	vld [tilespmem:s17+$0x9C40]  }
0xcf: {  	v7 =	vld [tilespmem:s17+$0xC440]  }
0xd0: {  	v2 =	vld [tilespmem:s17+$0x9C50]  }
0xd1: {  	v5 =	vld [tilespmem:s17+$0xC450]  }
0xd2: {  	v1 =	vld [tilespmem:s17+$0x9C60];
	v8 =	vadd.f32 v4, v3  }
0xd3: {  	s0 =	simm.s32 $0x40;
	v4 =	vld [tilespmem:s17+$0xC460]  }
0xd4: {  	s24 =	simm.s32 $0x200;
	v3 =	vld [tilespmem:s0+$0x9C70];
	v6 =	vadd.f32 v7, v6;
	v7 =	vmax.f32 v8, $0.0e+00  }
.LBB2_12:
0xd5: {  	p2 =	sne.s32 s24, $0x4F00;
	v8 =	vld [tilespmem:s0+$0xC470];
	[tilespmem:s17+$0xEC70] =	vst v7  }
0xd6: {  	v7 =	vld [tilespmem:s0+$0x9C40];
	v6 =	vmax.f32 v6, $0.0e+00;
	v5 =	vadd.f32 v5, v2  }
0xd7: {  	v9 =	vld [tilespmem:s0+$0xC440];
	[tilespmem:s17+$0xEC40] =	vst v6  }
.Ltmp8:
0xd8: {  	v2 =	vld [tilespmem:s0+$0x9C50];
	v6 =	vmax.f32 v5, $0.0e+00;
	v4 =	vadd.f32 v4, v1;
	(pc) =	sbr.rel @p2 .LBB2_12-.Ltmp8, $4  }
0xd9: {  	v5 =	vld [tilespmem:s0+$0xC450];
	[tilespmem:s17+$0xEC50] =	vst v6  }
0xda: {  	v1 =	vld [tilespmem:s0+$0x9C60];
	v8 =	vadd.f32 v8, v3;
	v3 =	vmax.f32 v4, $0.0e+00  }
0xdb: {  	v4 =	vld [tilespmem:s0+$0xC460];
	[tilespmem:s17+$0xEC60] =	vst v3;
	s17 =	smov.u32 s0;
	s0 =	sshra.s32 s24, $0x2  }
0xdc: {  	s24 =	sadd.s32 $0x100, s24;
	v3 =	vld [tilespmem:s0+$0x9C70];
	v6 =	vadd.f32 v9, v7;
	v7 =	vmax.f32 v8, $0.0e+00  }
0xdd: {  	v8 =	vld [tilespmem:s0+$0xC470];
	[tilespmem:s17+$0xEC70] =	vst v7  }
0xde: {  	v7 =	vld [tilespmem:s0+$0x9C40];
	v6 =	vmax.f32 v6, $0.0e+00;
	v2 =	vadd.f32 v5, v2  }
0xdf: {  	v9 =	vld [tilespmem:s0+$0xC440];
	[tilespmem:s17+$0xEC40] =	vst v6  }
0xe0: {  	v5 =	vld [tilespmem:s0+$0x9C50];
	v2 =	vmax.f32 v2, $0.0e+00  }
0xe1: {  	v6 =	vld [tilespmem:s0+$0xC450];
	[tilespmem:s17+$0xEC50] =	vst v2  }
0xe2: {  	v2 =	vld [tilespmem:s0+$0x9C60]  }
0xe3: {  	v10 =	vld [tilespmem:s0+$0xC460]  }
0xe4: {  	v1 =	vadd.f32 v4, v1  }
0xe5: {  	v3 =	vadd.f32 v8, v3  }
0xe6: {  	v1 =	vmax.f32 v1, $0.0e+00;
	v4 =	vadd.f32 v9, v7  }
0xe7: {  	[tilespmem:s17+$0xEC60] =	vst v1;
	v1 =	vmax.f32 v3, $0.0e+00;
	v3 =	vadd.f32 v6, v5  }
0xe8: {  	p2 =	seq.s32 s5, $0x7C;
	[tilespmem:s0+$0xEC70] =	vst v1;
	v1 =	vmax.f32 v4, $0.0e+00;
	v2 =	vadd.f32 v10, v2  }
0xe9: {  	s24 =	smul.u32 @!p2 $0xA0, s5;
	[tilespmem:s0+$0xEC40] =	vst v1;
	v1 =	vmax.f32 v3, $0.0e+00  }
0xea: {  	[tilespmem:s0+$0xEC50] =	vst v1;
	v1 =	vmax.f32 v2, $0.0e+00  }
0xeb: {  	s21 =	simm.s32 @!p2 $0x9C40;
	s17 =	simm.s32 @!p2 $0x50;
	[tilespmem:s0+$0xEC60] =	vst v1;
	s0 =	sadd.s32 @!p2 $0xA0, s24  }
0xec: {  	[tilespmem:s21], [sflag:$0x1] =	stream.indirect.gather @!p2 [hbm4b:s4+s17], $0x40, s0, s17, $0xb8;
	[tilespmem:$0x1D080] =	vst v63  }
0xed: {  	s0 =	sadd.s32 @!p2 s8, s0  }
0xee: {  	s28 =	smul.u32 $0x280, s5;
	s26 =	simm.s32 @!p2 $0xC440;
	s0 =	sshll.u32 @!p2 s0, $0x4  }
0xef: {  	s17 =	simm.s32 @!p2 $0x40;
	s21 =	simm.s32 @!p2 $0x80;
	s0 =	sadd.s32 @!p2 s0, s14  }
0xf0: {  	[tilespmem:s26], [sflag:$0x3] =	stream.strided.gather @!p2 [hbm4b:s0+s17], $0x1400, s21, s17, $0x38;
	[tilespmem:$0x1D080] =	vst v63  }
0xf1: {  	s0 =	sshra.s32 s28, $0x2  }
0xf2: {  	s31 =	sadd.s32 $0x4E20, s0  }
0xf3: {  	[spmem:s1] =	stream.indirect.scatter.add.f32 [tilespmem:s12], [sflag:$0x5], $0x40, s31, s18, $0xb8;
	[tilespmem:$0x1D080] =	vst v63  }
0xf4: {  	_ =	swait.ge [sflag:s15], $0x1400  }
0xf5: {  	[sflag:s15] =	ssyncset.done $0x0  }
0xf6: {  	[sflag:s15] =	ssyncadd.s32 $0xFFFFEC00  }
0xf7: {  	_ =	swait.ge [sflag:s20], $0x1400  }
0xf8: {  	[sflag:s20] =	ssyncset.done $0x0  }
0xf9: {  	[sflag:s20] =	ssyncadd.s32 $0xFFFFEC00  }
0xfa: {  	_ =	swait.ge [sflag:s23], $0x1400  }
0xfb: {  	[sflag:s23] =	ssyncset.done $0x0  }
0xfc: {  	s26 =	simm.s32 $0x0;
	[sflag:s23] =	ssyncadd.s32 $0xFFFFEC00  }
0xfd: {  	v3 =	vld [tilespmem:s26+$0xB070]  }
0xfe: {  	v4 =	vld [tilespmem:s26+$0xD870]  }
0xff: {  	v6 =	vld [tilespmem:s26+$0xB040]  }
0x100: {  	v7 =	vld [tilespmem:s26+$0xD840]  }
0x101: {  	v2 =	vld [tilespmem:s26+$0xB050]  }
0x102: {  	v5 =	vld [tilespmem:s26+$0xD850]  }
0x103: {  	v1 =	vld [tilespmem:s26+$0xB060];
	v8 =	vadd.f32 v4, v3  }
0x104: {  	s17 =	simm.s32 $0x40;
	v4 =	vld [tilespmem:s26+$0xD860]  }
0x105: {  	s28 =	simm.s32 $0x200;
	v3 =	vld [tilespmem:s17+$0xB070];
	v6 =	vadd.f32 v7, v6;
	v7 =	vmax.f32 v8, $0.0e+00  }
.LBB2_14:
0x106: {  	p3 =	sne.s32 s28, $0x4F00;
	v8 =	vld [tilespmem:s17+$0xD870];
	[tilespmem:s26+$0xEC70] =	vst v7  }
0x107: {  	v7 =	vld [tilespmem:s17+$0xB040];
	v6 =	vmax.f32 v6, $0.0e+00;
	v5 =	vadd.f32 v5, v2  }
0x108: {  	v9 =	vld [tilespmem:s17+$0xD840];
	[tilespmem:s26+$0xEC40] =	vst v6  }
.Ltmp9:
0x109: {  	v2 =	vld [tilespmem:s17+$0xB050];
	v6 =	vmax.f32 v5, $0.0e+00;
	v4 =	vadd.f32 v4, v1;
	(pc) =	sbr.rel @p3 .LBB2_14-.Ltmp9, $4  }
0x10a: {  	v5 =	vld [tilespmem:s17+$0xD850];
	[tilespmem:s26+$0xEC50] =	vst v6  }
0x10b: {  	v1 =	vld [tilespmem:s17+$0xB060];
	v8 =	vadd.f32 v8, v3;
	v3 =	vmax.f32 v4, $0.0e+00  }
0x10c: {  	v4 =	vld [tilespmem:s17+$0xD860];
	[tilespmem:s26+$0xEC60] =	vst v3;
	s26 =	smov.u32 s17;
	s17 =	sshra.s32 s28, $0x2  }
0x10d: {  	s28 =	sadd.s32 $0x100, s28;
	v3 =	vld [tilespmem:s17+$0xB070];
	v6 =	vadd.f32 v9, v7;
	v7 =	vmax.f32 v8, $0.0e+00  }
0x10e: {  	v8 =	vld [tilespmem:s17+$0xD870];
	[tilespmem:s26+$0xEC70] =	vst v7  }
0x10f: {  	v7 =	vld [tilespmem:s17+$0xB040];
	v6 =	vmax.f32 v6, $0.0e+00;
	v2 =	vadd.f32 v5, v2  }
0x110: {  	v9 =	vld [tilespmem:s17+$0xD840];
	[tilespmem:s26+$0xEC40] =	vst v6  }
0x111: {  	v62 =	vld [tilespmem:s17+$0xB050];
	v2 =	vmax.f32 v2, $0.0e+00  }
0x112: {  	v6 =	vld [tilespmem:s17+$0xD850];
	[tilespmem:s26+$0xEC50] =	vst v2  }
0x113: {  	v2 =	vld [tilespmem:s17+$0xB060]  }
0x114: {  	v10 =	vld [tilespmem:s17+$0xD860]  }
0x115: {  	v1 =	vadd.f32 v4, v1  }
0x116: {  	v3 =	vadd.f32 v8, v3  }
0x117: {  	v1 =	vmax.f32 v1, $0.0e+00;
	v63 =	vadd.f32 v9, v7  }
0x118: {  	[tilespmem:s26+$0xEC60] =	vst v1;
	v1 =	vmax.f32 v3, $0.0e+00;
	v3 =	vadd.f32 v6, v62  }
0x119: {  	[tilespmem:s17+$0xEC70] =	vst v1;
	v1 =	vmax.f32 v63, $0.0e+00;
	v2 =	vadd.f32 v10, v2  }
0x11a: {  	[tilespmem:s17+$0xEC40] =	vst v1;
	v1 =	vmax.f32 v3, $0.0e+00  }
0x11b: {  	[tilespmem:s17+$0xEC50] =	vst v1;
	v1 =	vmax.f32 v2, $0.0e+00  }
0x11c: {  	s21 =	simm.s32 @!p2 $0x50;
	[tilespmem:s17+$0xEC60] =	vst v1;
	s17 =	sadd.s32 @!p2 $0xF0, s24;
	s24 =	simm.s32 @!p2 $0xB040  }
0x11d: {  	[tilespmem:s24], [sflag:$0x2] =	stream.indirect.gather @!p2 [hbm4b:s4+s21], $0x40, s17, s21, $0xb8;
	[tilespmem:$0x1D080] =	vst v63  }
0x11e: {  	s17 =	sadd.s32 @!p2 s8, s17  }
0x11f: {  	s5 =	sadd.s32 $0x1, s5;
	s26 =	simm.s32 @!p2 $0xD840;
	s17 =	sshll.u32 @!p2 s17, $0x4  }
0x120: {  	s21 =	simm.s32 @!p2 $0x40;
	s24 =	simm.s32 @!p2 $0x80;
	s17 =	sadd.s32 @!p2 s17, s14  }
0x121: {  	[tilespmem:s26], [sflag:$0x4] =	stream.strided.gather @!p2 [hbm4b:s17+s21], $0x1400, s24, s21, $0x38;
	[tilespmem:$0x1D080] =	vst v63  }
0x122: {  	p2 =	sne.s32 s5, $0x7D  }
.Ltmp10:
0x123: {  	s0 =	sadd.s32 $0x4E70, s0;
	(pc) =	sbr.rel @p2 .LBB2_11-.Ltmp10, $4  }
0x124: {  	[spmem:s1] =	stream.indirect.scatter.add.f32 [tilespmem:s12], [sflag:$0x5], $0x40, s0, s18, $0xb8;
	[tilespmem:$0x1D080] =	vst v63  }
0x125: {  	_ =	swait.ge [sflag:s15], $0x1400  }
0x126: {  	[sflag:s15] =	ssyncset.done $0x0  }
0x127: {  	[sflag:s15] =	ssyncadd.s32 $0xFFFFEC00  }
.LBB2_16:
0x128: {  	s0 =	stileid.u32  }
0x129: {  	[bflag:$0x0] =	sbarrier.arrive $0xFFFF;
	s0 =	sshll.u32 s0, $0x6  }
0x12a: {  	s26 =	sshrl.u32 s13, $0x3;
	s21 =	rddreg [dreg:$0x7];
	s24 =	sor.u32 $0x1C05, s0  }
0x12b: {  	[hbm:s21], [sflag:s24] =	dma.local [spmem:s26], $0x1380  }
0x12c: {  	_ =	swait.ge [sflag:s15], $0x1380  }
0x12d: {  	[sflag:s15] =	ssyncset.done $0x0  }
0x12e: {  	s5 =	sshrl.u32 @!p1 s30, $0x3;
	s0 =	rddreg [dreg:$0xe];
	[sflag:s15] =	ssyncadd.s32 $0xFFFFEC80  }
0x12f: {  	[hbm:s0], [sflag:s24] =	dma.local @!p1 [spmem:s5], $0x80  }
0x130: {  	s0 =	simm.s32 @!p1 $0x5  }
0x131: {  	_ =	swait.ge @!p1 [sflag:s0], $0x80  }
0x132: {  	[sflag:s0] =	ssyncset.done @!p1 $0x0  }
0x133: {  	s16 =	simm.s32 $0x10040;
	[sflag:s0] =	ssyncadd.s32 @!p1 $0xFFFFFF80  }
0x134: {  	[spmem:s13] =	stream.linear.scatter [tilespmem:s16], [sflag:$0x5], $0x3400, $0x38;
	[tilespmem:$0x1D080] =	vst v63  }
0x135: {  	_ =	swait.ge [sflag:s15], $0x3400  }
0x136: {  	[sflag:s15] =	ssyncset.done $0x0  }
0x137: {  	[sflag:s15] =	ssyncadd.s32 $0xFFFFCC00  }
0x138: {  	[spmem:s22] =	stream.linear.scatter [tilespmem:s16], [sflag:$0x5], $0x3400, $0x38;
	[tilespmem:$0x1D080] =	vst v63  }
0x139: {  	_ =	swait.ge [sflag:s15], $0x3400  }
0x13a: {  	[sflag:s15] =	ssyncset.done $0x0  }
0x13b: {  	[sflag:s15] =	ssyncadd.s32 $0xFFFFCC00  }
0x13c: {  	[spmem:s29] =	stream.linear.scatter [tilespmem:s16], [sflag:$0x5], $0x3400, $0x38;
	[tilespmem:$0x1D080] =	vst v63  }
0x13d: {  	_ =	swait.ge [sflag:s15], $0x3400  }
0x13e: {  	[sflag:s15] =	ssyncset.done $0x0  }
0x13f: {  	s17 =	simm.s32 @!p1 $0x10040;
	[sflag:s15] =	ssyncadd.s32 $0xFFFFCC00  }
0x140: {  	[spmem:s30] =	stream.linear.scatter @!p1 [tilespmem:s17], [sflag:$0x5], $0x400, $0x38;
	[tilespmem:$0x1D080] =	vst v63  }
.Ltmp11:
0x141: {  	_ =	swait.ge @!p1 [sflag:s0], $0x400;
	(pc) =	sbr.rel @p0 .LBB2_23-.Ltmp11, $4  }
0x142: {  	[sflag:s0] =	ssyncset.done @!p1 $0x0  }
0x143: {  	[sflag:s0] =	ssyncadd.s32 @!p1 $0xFFFFFC00  }
0x144: {  	s31 =	smov.u32 s29;
	s28 =	simm.s32 $0x0;
	[bflag:$0x0] =	sbarrier.arrive $0xFFFF  }
0x145: {  	s13 =	smov.u32 s22;
	s16 =	smov.u32 s30;
	s0 =	simm.s32 $0x9C40  }
0x146: {  	[tilespmem:s0], [sflag:$0x1] =	stream.indirect.gather [hbm4b:s7+s18], $0x40, s28, s18, $0xb8;
	[tilespmem:$0x1D080] =	vst v63  }
0x147: {  	s30 =	rddreg [dreg:$0xb]  }
0x148: {  	s17 =	simm.s32 $0x40;
	s21 =	simm.s32 $0x80;
	s22 =	simm.s32 $0xC440  }
0x149: {  	[tilespmem:s22], [sflag:$0x3] =	stream.strided.gather [hbm4b:s30+s17], $0x1400, s21, s17, $0x38;
	[tilespmem:$0x1D080] =	vst v63  }
0x14a: {  	s22 =	simm.s32 $0xB040  }
0x14b: {  	[tilespmem:s22], [sflag:$0x2] =	stream.indirect.gather [hbm4b:s7+s18], $0x40, s18, s18, $0xb8;
	[tilespmem:$0x1D080] =	vst v63  }
0x14c: {  	s29 =	rddreg [dreg:$0xd];
	s30 =	simm.s32 $0xD840  }
0x14d: {  	[tilespmem:s30], [sflag:$0x4] =	stream.strided.gather [hbm4b:s29+s17], $0x1400, s21, s17, $0x38;
	[tilespmem:$0x1D080] =	vst v63  }
.LBB2_18:
0x14e: {  	_ =	swait.ge [sflag:s2], $0x1400  }
0x14f: {  	[sflag:s2] =	ssyncset.done $0x0  }
0x150: {  	[sflag:s2] =	ssyncadd.s32 $0xFFFFEC00  }
0x151: {  	_ =	swait.ge [sflag:s11], $0x1400  }
0x152: {  	[sflag:s11] =	ssyncset.done $0x0  }
0x153: {  	s0 =	simm.s32 $0x0;
	[sflag:s11] =	ssyncadd.s32 $0xFFFFEC00  }
0x154: {  	v3 =	vld [tilespmem:s0+$0x9C70]  }
0x155: {  	v4 =	vld [tilespmem:s0+$0xC470]  }
0x156: {  	v6 =	vld [tilespmem:s0+$0x9C40]  }
0x157: {  	v7 =	vld [tilespmem:s0+$0xC440]  }
0x158: {  	v2 =	vld [tilespmem:s0+$0x9C50]  }
0x159: {  	v5 =	vld [tilespmem:s0+$0xC450]  }
0x15a: {  	v1 =	vld [tilespmem:s0+$0x9C60];
	v8 =	vadd.f32 v4, v3  }
0x15b: {  	s17 =	simm.s32 $0x40;
	v4 =	vld [tilespmem:s0+$0xC460]  }
0x15c: {  	s29 =	simm.s32 $0x200;
	v3 =	vld [tilespmem:s17+$0x9C70];
	v6 =	vadd.f32 v7, v6;
	v7 =	vmax.f32 v8, $0.0e+00  }
.LBB2_19:
0x15d: {  	p2 =	sne.s32 s29, $0x4F00;
	v8 =	vld [tilespmem:s17+$0xC470];
	[tilespmem:s0+$0xEC70] =	vst v7  }
0x15e: {  	v7 =	vld [tilespmem:s17+$0x9C40];
	v6 =	vmax.f32 v6, $0.0e+00;
	v5 =	vadd.f32 v5, v2  }
0x15f: {  	v9 =	vld [tilespmem:s17+$0xC440];
	[tilespmem:s0+$0xEC40] =	vst v6  }
.Ltmp12:
0x160: {  	v2 =	vld [tilespmem:s17+$0x9C50];
	v6 =	vmax.f32 v5, $0.0e+00;
	v4 =	vadd.f32 v4, v1;
	(pc) =	sbr.rel @p2 .LBB2_19-.Ltmp12, $4  }
0x161: {  	v5 =	vld [tilespmem:s17+$0xC450];
	[tilespmem:s0+$0xEC50] =	vst v6  }
0x162: {  	v1 =	vld [tilespmem:s17+$0x9C60];
	v8 =	vadd.f32 v8, v3;
	v3 =	vmax.f32 v4, $0.0e+00  }
0x163: {  	v4 =	vld [tilespmem:s17+$0xC460];
	[tilespmem:s0+$0xEC60] =	vst v3;
	s0 =	smov.u32 s17;
	s17 =	sshra.s32 s29, $0x2  }
0x164: {  	s29 =	sadd.s32 $0x100, s29;
	v3 =	vld [tilespmem:s17+$0x9C70];
	v6 =	vadd.f32 v9, v7;
	v7 =	vmax.f32 v8, $0.0e+00  }
0x165: {  	v8 =	vld [tilespmem:s17+$0xC470];
	[tilespmem:s0+$0xEC70] =	vst v7  }
0x166: {  	v7 =	vld [tilespmem:s17+$0x9C40];
	v6 =	vmax.f32 v6, $0.0e+00;
	v2 =	vadd.f32 v5, v2  }
0x167: {  	v9 =	vld [tilespmem:s17+$0xC440];
	[tilespmem:s0+$0xEC40] =	vst v6  }
0x168: {  	v5 =	vld [tilespmem:s17+$0x9C50];
	v2 =	vmax.f32 v2, $0.0e+00  }
0x169: {  	v6 =	vld [tilespmem:s17+$0xC450];
	[tilespmem:s0+$0xEC50] =	vst v2  }
0x16a: {  	v2 =	vld [tilespmem:s17+$0x9C60]  }
0x16b: {  	v10 =	vld [tilespmem:s17+$0xC460]  }
0x16c: {  	v1 =	vadd.f32 v4, v1  }
0x16d: {  	v3 =	vadd.f32 v8, v3  }
0x16e: {  	v1 =	vmax.f32 v1, $0.0e+00;
	v4 =	vadd.f32 v9, v7  }
0x16f: {  	[tilespmem:s0+$0xEC60] =	vst v1;
	v1 =	vmax.f32 v3, $0.0e+00;
	v3 =	vadd.f32 v6, v5  }
0x170: {  	p2 =	seq.s32 s28, $0x7C;
	[tilespmem:s17+$0xEC70] =	vst v1;
	v1 =	vmax.f32 v4, $0.0e+00;
	v2 =	vadd.f32 v10, v2  }
0x171: {  	s0 =	smul.u32 @!p2 $0xA0, s28;
	[tilespmem:s17+$0xEC40] =	vst v1;
	v1 =	vmax.f32 v3, $0.0e+00  }
0x172: {  	[tilespmem:s17+$0xEC50] =	vst v1;
	v1 =	vmax.f32 v2, $0.0e+00  }
0x173: {  	s21 =	simm.s32 @!p2 $0x50;
	s29 =	simm.s32 @!p2 $0x9C40;
	[tilespmem:s17+$0xEC60] =	vst v1;
	s17 =	sadd.s32 @!p2 $0xA0, s0  }
0x174: {  	[tilespmem:s29], [sflag:$0x1] =	stream.indirect.gather @!p2 [hbm4b:s7+s21], $0x40, s17, s21, $0xb8;
	[tilespmem:$0x1D080] =	vst v63  }
0x175: {  	s17 =	sadd.s32 @!p2 s8, s17  }
0x176: {  	s22 =	smul.u32 $0x280, s28;
	s30 =	simm.s32 @!p2 $0xC440;
	s17 =	sshll.u32 @!p2 s17, $0x4  }
0x177: {  	s21 =	simm.s32 @!p2 $0x40;
	s29 =	simm.s32 @!p2 $0x80;
	s17 =	sadd.s32 @!p2 s10, s17  }
0x178: {  	[tilespmem:s30], [sflag:$0x3] =	stream.strided.gather @!p2 [hbm4b:s17+s21], $0x1400, s29, s21, $0x38;
	[tilespmem:$0x1D080] =	vst v63  }
0x179: {  	s17 =	sshra.s32 s22, $0x2  }
0x17a: {  	s22 =	sadd.s32 $0x4E20, s17  }
0x17b: {  	[spmem:s1] =	stream.indirect.scatter.add.f32 [tilespmem:s12], [sflag:$0x5], $0x40, s22, s18, $0xb8;
	[tilespmem:$0x1D080] =	vst v63  }
0x17c: {  	_ =	swait.ge [sflag:s15], $0x1400  }
0x17d: {  	[sflag:s15] =	ssyncset.done $0x0  }
0x17e: {  	[sflag:s15] =	ssyncadd.s32 $0xFFFFEC00  }
0x17f: {  	_ =	swait.ge [sflag:s20], $0x1400  }
0x180: {  	[sflag:s20] =	ssyncset.done $0x0  }
0x181: {  	[sflag:s20] =	ssyncadd.s32 $0xFFFFEC00  }
0x182: {  	_ =	swait.ge [sflag:s23], $0x1400  }
0x183: {  	[sflag:s23] =	ssyncset.done $0x0  }
0x184: {  	s30 =	simm.s32 $0x0;
	[sflag:s23] =	ssyncadd.s32 $0xFFFFEC00  }
0x185: {  	v3 =	vld [tilespmem:s30+$0xB070]  }
0x186: {  	v4 =	vld [tilespmem:s30+$0xD870]  }
0x187: {  	v6 =	vld [tilespmem:s30+$0xB040]  }
0x188: {  	v7 =	vld [tilespmem:s30+$0xD840]  }
0x189: {  	v2 =	vld [tilespmem:s30+$0xB050]  }
0x18a: {  	v5 =	vld [tilespmem:s30+$0xD850]  }
0x18b: {  	v1 =	vld [tilespmem:s30+$0xB060];
	v8 =	vadd.f32 v4, v3  }
0x18c: {  	s29 =	simm.s32 $0x40;
	v4 =	vld [tilespmem:s30+$0xD860]  }
0x18d: {  	s21 =	simm.s32 $0x200;
	v3 =	vld [tilespmem:s29+$0xB070];
	v6 =	vadd.f32 v7, v6;
	v7 =	vmax.f32 v8, $0.0e+00  }
.LBB2_21:
0x18e: {  	p3 =	sne.s32 s21, $0x4F00;
	v8 =	vld [tilespmem:s29+$0xD870];
	[tilespmem:s30+$0xEC70] =	vst v7  }
0x18f: {  	v7 =	vld [tilespmem:s29+$0xB040];
	v6 =	vmax.f32 v6, $0.0e+00;
	v5 =	vadd.f32 v5, v2  }
0x190: {  	v9 =	vld [tilespmem:s29+$0xD840];
	[tilespmem:s30+$0xEC40] =	vst v6  }
.Ltmp13:
0x191: {  	v2 =	vld [tilespmem:s29+$0xB050];
	v6 =	vmax.f32 v5, $0.0e+00;
	v4 =	vadd.f32 v4, v1;
	(pc) =	sbr.rel @p3 .LBB2_21-.Ltmp13, $4  }
0x192: {  	v5 =	vld [tilespmem:s29+$0xD850];
	[tilespmem:s30+$0xEC50] =	vst v6  }
0x193: {  	v1 =	vld [tilespmem:s29+$0xB060];
	v8 =	vadd.f32 v8, v3;
	v3 =	vmax.f32 v4, $0.0e+00  }
0x194: {  	v4 =	vld [tilespmem:s29+$0xD860];
	[tilespmem:s30+$0xEC60] =	vst v3;
	s30 =	smov.u32 s29;
	s29 =	sshra.s32 s21, $0x2  }
0x195: {  	s21 =	sadd.s32 $0x100, s21;
	v3 =	vld [tilespmem:s29+$0xB070];
	v6 =	vadd.f32 v9, v7;
	v7 =	vmax.f32 v8, $0.0e+00  }
0x196: {  	v8 =	vld [tilespmem:s29+$0xD870];
	[tilespmem:s30+$0xEC70] =	vst v7  }
0x197: {  	v7 =	vld [tilespmem:s29+$0xB040];
	v6 =	vmax.f32 v6, $0.0e+00;
	v2 =	vadd.f32 v5, v2  }
0x198: {  	v9 =	vld [tilespmem:s29+$0xD840];
	[tilespmem:s30+$0xEC40] =	vst v6  }
0x199: {  	v62 =	vld [tilespmem:s29+$0xB050];
	v2 =	vmax.f32 v2, $0.0e+00  }
0x19a: {  	v6 =	vld [tilespmem:s29+$0xD850];
	[tilespmem:s30+$0xEC50] =	vst v2  }
0x19b: {  	v2 =	vld [tilespmem:s29+$0xB060]  }
0x19c: {  	v10 =	vld [tilespmem:s29+$0xD860]  }
0x19d: {  	v1 =	vadd.f32 v4, v1  }
0x19e: {  	v3 =	vadd.f32 v8, v3  }
0x19f: {  	v1 =	vmax.f32 v1, $0.0e+00;
	v63 =	vadd.f32 v9, v7  }
0x1a0: {  	[tilespmem:s30+$0xEC60] =	vst v1;
	v1 =	vmax.f32 v3, $0.0e+00;
	v3 =	vadd.f32 v6, v62  }
0x1a1: {  	[tilespmem:s29+$0xEC70] =	vst v1;
	v1 =	vmax.f32 v63, $0.0e+00;
	v2 =	vadd.f32 v10, v2  }
0x1a2: {  	[tilespmem:s29+$0xEC40] =	vst v1;
	v1 =	vmax.f32 v3, $0.0e+00  }
0x1a3: {  	[tilespmem:s29+$0xEC50] =	vst v1;
	v1 =	vmax.f32 v2, $0.0e+00  }
0x1a4: {  	s0 =	sadd.s32 @!p2 $0xF0, s0;
	s21 =	simm.s32 @!p2 $0x50;
	s22 =	simm.s32 @!p2 $0xB040;
	[tilespmem:s29+$0xEC60] =	vst v1  }
0x1a5: {  	[tilespmem:s22], [sflag:$0x2] =	stream.indirect.gather @!p2 [hbm4b:s7+s21], $0x40, s0, s21, $0xb8;
	[tilespmem:$0x1D080] =	vst v63  }
0x1a6: {  	s0 =	sadd.s32 @!p2 s8, s0  }
0x1a7: {  	s28 =	sadd.s32 $0x1, s28;
	s29 =	simm.s32 @!p2 $0xD840;
	s0 =	sshll.u32 @!p2 s0, $0x4  }
0x1a8: {  	s21 =	simm.s32 @!p2 $0x40;
	s22 =	simm.s32 @!p2 $0x80;
	s0 =	sadd.s32 @!p2 s10, s0  }
0x1a9: {  	[tilespmem:s29], [sflag:$0x4] =	stream.strided.gather @!p2 [hbm4b:s0+s21], $0x1400, s22, s21, $0x38;
	[tilespmem:$0x1D080] =	vst v63  }
0x1aa: {  	s30 =	sadd.s32 $0x4E70, s17;
	p2 =	seq.s32 s28, $0x7D  }
0x1ab: {  	[spmem:s1] =	stream.indirect.scatter.add.f32 [tilespmem:s12], [sflag:$0x5], $0x40, s30, s18, $0xb8;
	[tilespmem:$0x1D080] =	vst v63  }
.Ltmp14:
0x1ac: {  	_ = 	snop;
	(pc) =	sbr.rel @!p2 .LBB2_18-.Ltmp14, $4  }
.Ltmp15:
0x1ad: {  	_ = 	snop;
	(pc) =	sbr.rel @p2 .LBB2_29-.Ltmp15, $4  }
0x1ae: {  	_ =	swait.ge [sflag:s15], $0x1400  }
0x1af: {  	[sflag:s15] =	ssyncset.done $0x0  }
0x1b0: {  	[sflag:s15] =	ssyncadd.s32 $0xFFFFEC00  }
0x1b1: {  	_ = 	snop  }
.LBB2_23:
0x1b2: {  	[tilespmem:s0], [sflag:$0x1] =	stream.indirect.gather [hbm4b:s9+s18], $0x40, s28, s18, $0xb8;
	[tilespmem:$0x1D080] =	vst v63  }
0x1b3: {  	s30 =	rddreg [dreg:$0x9]  }
0x1b4: {  	s17 =	simm.s32 $0x40;
	s21 =	simm.s32 $0x80;
	s22 =	simm.s32 $0xC440  }
0x1b5: {  	[tilespmem:s22], [sflag:$0x3] =	stream.strided.gather [hbm4b:s30+s17], $0x1400, s21, s17, $0x38;
	[tilespmem:$0x1D080] =	vst v63  }
0x1b6: {  	s22 =	simm.s32 $0xB040  }
0x1b7: {  	[tilespmem:s22], [sflag:$0x2] =	stream.indirect.gather [hbm4b:s9+s18], $0x40, s18, s18, $0xb8;
	[tilespmem:$0x1D080] =	vst v63  }
0x1b8: {  	s29 =	rddreg [dreg:$0xa];
	s30 =	simm.s32 $0xD840  }
0x1b9: {  	[tilespmem:s30], [sflag:$0x4] =	stream.strided.gather [hbm4b:s29+s17], $0x1400, s21, s17, $0x38;
	[tilespmem:$0x1D080] =	vst v63  }
.LBB2_24:
0x1ba: {  	_ =	swait.ge [sflag:s2], $0x1400  }
0x1bb: {  	[sflag:s2] =	ssyncset.done $0x0  }
0x1bc: {  	[sflag:s2] =	ssyncadd.s32 $0xFFFFEC00  }
0x1bd: {  	_ =	swait.ge [sflag:s11], $0x1400  }
0x1be: {  	[sflag:s11] =	ssyncset.done $0x0  }
0x1bf: {  	s0 =	simm.s32 $0x0;
	[sflag:s11] =	ssyncadd.s32 $0xFFFFEC00  }
0x1c0: {  	v3 =	vld [tilespmem:s0+$0x9C70]  }
0x1c1: {  	v4 =	vld [tilespmem:s0+$0xC470]  }
0x1c2: {  	v6 =	vld [tilespmem:s0+$0x9C40]  }
0x1c3: {  	v7 =	vld [tilespmem:s0+$0xC440]  }
0x1c4: {  	v2 =	vld [tilespmem:s0+$0x9C50]  }
0x1c5: {  	v5 =	vld [tilespmem:s0+$0xC450]  }
0x1c6: {  	v1 =	vld [tilespmem:s0+$0x9C60];
	v8 =	vadd.f32 v4, v3  }
0x1c7: {  	s17 =	simm.s32 $0x40;
	v4 =	vld [tilespmem:s0+$0xC460]  }
0x1c8: {  	s21 =	simm.s32 $0x200;
	v3 =	vld [tilespmem:s17+$0x9C70];
	v6 =	vadd.f32 v7, v6;
	v7 =	vmax.f32 v8, $0.0e+00  }
.LBB2_25:
0x1c9: {  	p2 =	sne.s32 s21, $0x4F00;
	v8 =	vld [tilespmem:s17+$0xC470];
	[tilespmem:s0+$0xEC70] =	vst v7  }
0x1ca: {  	v7 =	vld [tilespmem:s17+$0x9C40];
	v6 =	vmax.f32 v6, $0.0e+00;
	v5 =	vadd.f32 v5, v2  }
0x1cb: {  	v9 =	vld [tilespmem:s17+$0xC440];
	[tilespmem:s0+$0xEC40] =	vst v6  }
.Ltmp16:
0x1cc: {  	v2 =	vld [tilespmem:s17+$0x9C50];
	v6 =	vmax.f32 v5, $0.0e+00;
	v4 =	vadd.f32 v4, v1;
	(pc) =	sbr.rel @p2 .LBB2_25-.Ltmp16, $4  }
0x1cd: {  	v5 =	vld [tilespmem:s17+$0xC450];
	[tilespmem:s0+$0xEC50] =	vst v6  }
0x1ce: {  	v1 =	vld [tilespmem:s17+$0x9C60];
	v8 =	vadd.f32 v8, v3;
	v3 =	vmax.f32 v4, $0.0e+00  }
0x1cf: {  	v4 =	vld [tilespmem:s17+$0xC460];
	[tilespmem:s0+$0xEC60] =	vst v3;
	s0 =	smov.u32 s17;
	s17 =	sshra.s32 s21, $0x2  }
0x1d0: {  	s21 =	sadd.s32 $0x100, s21;
	v3 =	vld [tilespmem:s17+$0x9C70];
	v6 =	vadd.f32 v9, v7;
	v7 =	vmax.f32 v8, $0.0e+00  }
0x1d1: {  	v8 =	vld [tilespmem:s17+$0xC470];
	[tilespmem:s0+$0xEC70] =	vst v7  }
0x1d2: {  	v7 =	vld [tilespmem:s17+$0x9C40];
	v6 =	vmax.f32 v6, $0.0e+00;
	v2 =	vadd.f32 v5, v2  }
0x1d3: {  	v9 =	vld [tilespmem:s17+$0xC440];
	[tilespmem:s0+$0xEC40] =	vst v6  }
0x1d4: {  	v5 =	vld [tilespmem:s17+$0x9C50];
	v2 =	vmax.f32 v2, $0.0e+00  }
0x1d5: {  	v6 =	vld [tilespmem:s17+$0xC450];
	[tilespmem:s0+$0xEC50] =	vst v2  }
0x1d6: {  	v2 =	vld [tilespmem:s17+$0x9C60]  }
0x1d7: {  	v10 =	vld [tilespmem:s17+$0xC460]  }
0x1d8: {  	v1 =	vadd.f32 v4, v1  }
0x1d9: {  	v3 =	vadd.f32 v8, v3  }
0x1da: {  	v1 =	vmax.f32 v1, $0.0e+00;
	v4 =	vadd.f32 v9, v7  }
0x1db: {  	[tilespmem:s0+$0xEC60] =	vst v1;
	v1 =	vmax.f32 v3, $0.0e+00;
	v3 =	vadd.f32 v6, v5  }
0x1dc: {  	p2 =	seq.s32 s28, $0x7C;
	[tilespmem:s17+$0xEC70] =	vst v1;
	v1 =	vmax.f32 v4, $0.0e+00;
	v2 =	vadd.f32 v10, v2  }
0x1dd: {  	s0 =	smul.u32 @!p2 $0xA0, s28;
	[tilespmem:s17+$0xEC40] =	vst v1;
	v1 =	vmax.f32 v3, $0.0e+00  }
0x1de: {  	[tilespmem:s17+$0xEC50] =	vst v1;
	v1 =	vmax.f32 v2, $0.0e+00  }
0x1df: {  	s21 =	simm.s32 @!p2 $0x50;
	s22 =	simm.s32 @!p2 $0x9C40;
	[tilespmem:s17+$0xEC60] =	vst v1;
	s17 =	sadd.s32 @!p2 $0xA0, s0  }
0x1e0: {  	[tilespmem:s22], [sflag:$0x1] =	stream.indirect.gather @!p2 [hbm4b:s9+s21], $0x40, s17, s21, $0xb8;
	[tilespmem:$0x1D080] =	vst v63  }
0x1e1: {  	s17 =	sadd.s32 @!p2 s8, s17  }
0x1e2: {  	s30 =	smul.u32 $0x280, s28;
	s29 =	simm.s32 @!p2 $0xC440;
	s17 =	sshll.u32 @!p2 s17, $0x4  }
0x1e3: {  	s21 =	simm.s32 @!p2 $0x40;
	s22 =	simm.s32 @!p2 $0x80;
	s17 =	sadd.s32 @!p2 s17, s19  }
0x1e4: {  	[tilespmem:s29], [sflag:$0x3] =	stream.strided.gather @!p2 [hbm4b:s17+s21], $0x1400, s22, s21, $0x38;
	[tilespmem:$0x1D080] =	vst v63  }
0x1e5: {  	s17 =	sshra.s32 s30, $0x2  }
0x1e6: {  	s22 =	sadd.s32 $0x4E20, s17  }
0x1e7: {  	[spmem:s1] =	stream.indirect.scatter.add.f32 [tilespmem:s12], [sflag:$0x5], $0x40, s22, s18, $0xb8;
	[tilespmem:$0x1D080] =	vst v63  }
0x1e8: {  	_ =	swait.ge [sflag:s15], $0x1400  }
0x1e9: {  	[sflag:s15] =	ssyncset.done $0x0  }
0x1ea: {  	[sflag:s15] =	ssyncadd.s32 $0xFFFFEC00  }
0x1eb: {  	_ =	swait.ge [sflag:s20], $0x1400  }
0x1ec: {  	[sflag:s20] =	ssyncset.done $0x0  }
0x1ed: {  	[sflag:s20] =	ssyncadd.s32 $0xFFFFEC00  }
0x1ee: {  	_ =	swait.ge [sflag:s23], $0x1400  }
0x1ef: {  	[sflag:s23] =	ssyncset.done $0x0  }
0x1f0: {  	s30 =	simm.s32 $0x0;
	[sflag:s23] =	ssyncadd.s32 $0xFFFFEC00  }
0x1f1: {  	v3 =	vld [tilespmem:s30+$0xB070]  }
0x1f2: {  	v4 =	vld [tilespmem:s30+$0xD870]  }
0x1f3: {  	v6 =	vld [tilespmem:s30+$0xB040]  }
0x1f4: {  	v7 =	vld [tilespmem:s30+$0xD840]  }
0x1f5: {  	v2 =	vld [tilespmem:s30+$0xB050]  }
0x1f6: {  	v5 =	vld [tilespmem:s30+$0xD850]  }
0x1f7: {  	v1 =	vld [tilespmem:s30+$0xB060];
	v8 =	vadd.f32 v4, v3  }
0x1f8: {  	s29 =	simm.s32 $0x40;
	v4 =	vld [tilespmem:s30+$0xD860]  }
0x1f9: {  	s21 =	simm.s32 $0x200;
	v3 =	vld [tilespmem:s29+$0xB070];
	v6 =	vadd.f32 v7, v6;
	v7 =	vmax.f32 v8, $0.0e+00  }
.LBB2_27:
0x1fa: {  	p3 =	sne.s32 s21, $0x4F00;
	v8 =	vld [tilespmem:s29+$0xD870];
	[tilespmem:s30+$0xEC70] =	vst v7  }
0x1fb: {  	v7 =	vld [tilespmem:s29+$0xB040];
	v6 =	vmax.f32 v6, $0.0e+00;
	v5 =	vadd.f32 v5, v2  }
0x1fc: {  	v9 =	vld [tilespmem:s29+$0xD840];
	[tilespmem:s30+$0xEC40] =	vst v6  }
.Ltmp17:
0x1fd: {  	v2 =	vld [tilespmem:s29+$0xB050];
	v6 =	vmax.f32 v5, $0.0e+00;
	v4 =	vadd.f32 v4, v1;
	(pc) =	sbr.rel @p3 .LBB2_27-.Ltmp17, $4  }
0x1fe: {  	v5 =	vld [tilespmem:s29+$0xD850];
	[tilespmem:s30+$0xEC50] =	vst v6  }
0x1ff: {  	v1 =	vld [tilespmem:s29+$0xB060];
	v8 =	vadd.f32 v8, v3;
	v3 =	vmax.f32 v4, $0.0e+00  }
0x200: {  	v4 =	vld [tilespmem:s29+$0xD860];
	[tilespmem:s30+$0xEC60] =	vst v3;
	s30 =	smov.u32 s29;
	s29 =	sshra.s32 s21, $0x2  }
0x201: {  	s21 =	sadd.s32 $0x100, s21;
	v3 =	vld [tilespmem:s29+$0xB070];
	v6 =	vadd.f32 v9, v7;
	v7 =	vmax.f32 v8, $0.0e+00  }
0x202: {  	v8 =	vld [tilespmem:s29+$0xD870];
	[tilespmem:s30+$0xEC70] =	vst v7  }
0x203: {  	v7 =	vld [tilespmem:s29+$0xB040];
	v6 =	vmax.f32 v6, $0.0e+00;
	v2 =	vadd.f32 v5, v2  }
0x204: {  	v9 =	vld [tilespmem:s29+$0xD840];
	[tilespmem:s30+$0xEC40] =	vst v6  }
0x205: {  	v62 =	vld [tilespmem:s29+$0xB050];
	v2 =	vmax.f32 v2, $0.0e+00  }
0x206: {  	v6 =	vld [tilespmem:s29+$0xD850];
	[tilespmem:s30+$0xEC50] =	vst v2  }
0x207: {  	v2 =	vld [tilespmem:s29+$0xB060]  }
0x208: {  	v10 =	vld [tilespmem:s29+$0xD860]  }
0x209: {  	v1 =	vadd.f32 v4, v1  }
0x20a: {  	v3 =	vadd.f32 v8, v3  }
0x20b: {  	v1 =	vmax.f32 v1, $0.0e+00;
	v63 =	vadd.f32 v9, v7  }
0x20c: {  	[tilespmem:s30+$0xEC60] =	vst v1;
	v1 =	vmax.f32 v3, $0.0e+00;
	v3 =	vadd.f32 v6, v62  }
0x20d: {  	[tilespmem:s29+$0xEC70] =	vst v1;
	v1 =	vmax.f32 v63, $0.0e+00;
	v2 =	vadd.f32 v10, v2  }
0x20e: {  	[tilespmem:s29+$0xEC40] =	vst v1;
	v1 =	vmax.f32 v3, $0.0e+00  }
0x20f: {  	[tilespmem:s29+$0xEC50] =	vst v1;
	v1 =	vmax.f32 v2, $0.0e+00  }
0x210: {  	s0 =	sadd.s32 @!p2 $0xF0, s0;
	s21 =	simm.s32 @!p2 $0x50;
	s22 =	simm.s32 @!p2 $0xB040;
	[tilespmem:s29+$0xEC60] =	vst v1  }
0x211: {  	[tilespmem:s22], [sflag:$0x2] =	stream.indirect.gather @!p2 [hbm4b:s9+s21], $0x40, s0, s21, $0xb8;
	[tilespmem:$0x1D080] =	vst v63  }
0x212: {  	s0 =	sadd.s32 @!p2 s8, s0  }
0x213: {  	s28 =	sadd.s32 $0x1, s28;
	s29 =	simm.s32 @!p2 $0xD840;
	s0 =	sshll.u32 @!p2 s0, $0x4  }
0x214: {  	s21 =	simm.s32 @!p2 $0x40;
	s22 =	simm.s32 @!p2 $0x80;
	s0 =	sadd.s32 @!p2 s0, s19  }
0x215: {  	[tilespmem:s29], [sflag:$0x4] =	stream.strided.gather @!p2 [hbm4b:s0+s21], $0x1400, s22, s21, $0x38;
	[tilespmem:$0x1D080] =	vst v63  }
0x216: {  	s30 =	sadd.s32 $0x4E70, s17;
	p2 =	sne.s32 s28, $0x7D  }
0x217: {  	[spmem:s1] =	stream.indirect.scatter.add.f32 [tilespmem:s12], [sflag:$0x5], $0x40, s30, s18, $0xb8;
	[tilespmem:$0x1D080] =	vst v63  }
.Ltmp18:
0x218: {  	_ = 	snop;
	(pc) =	sbr.rel @p2 .LBB2_24-.Ltmp18, $4  }
.Ltmp19:
0x219: {  	_ = 	snop;
	(pc) =	sbr.rel @!p2 .LBB2_29-.Ltmp19, $4  }
0x21a: {  	_ =	swait.ge [sflag:s15], $0x1400  }
0x21b: {  	[sflag:s15] =	ssyncset.done $0x0  }
0x21c: {  	[sflag:s15] =	ssyncadd.s32 $0xFFFFEC00  }
0x21d: {  	_ = 	snop  }
.LBB2_30:
0x21e: {  	_ =	sfence.sel $0x180000  }
0x21f: {  	[bflag:$0x0] =	sbarrier.arrive $0xFFFF  }
0x220: {  	_ =	strace $0x9000004A  }
0x221: {  	[bflag:$0x2] =	sbarrier.arrive $0xFFFF  }
0x222: {  	s0 =	rddreg [dreg:$0x2]  }
0x223: {  	s0 =	sadd.s32 @!p1 $0x100000, s0  }
0x224: {  	[sflag:s0] =	ssyncadd.tile.s32 @!p1 $0x1;
	_ =	shalt  }
.Lfunc_end2:
_tile_overlayer_lowered:
.L_overlay_start_2:
0x225: {  	(tag) =	ssettag $0x2  }
0x226: {  	s0 =	rddreg [dreg:$0x0];
	s2 =	stileid.u32  }
0x227: {  	s1 =	rddreg [dreg:$0x1];
	p0 =	sne.s32 s2, $0x0  }
0x228: {  	s3 =	rddreg [dreg:$0x2];
	[bflag:$0x3] =	sbarrier.arrive $0xFFFF;
	s2 =	simm.s32 @!p0 $0x1C05  }
0x229: {  	[timem:s3], [sflag:s2] =	dma.local @!p0 [hbm:s0], s1  }
0x22a: {  	s0 =	simm.s32 @!p0 $0x5  }
0x22b: {  	_ =	swait.ge @!p0 [sflag:s0], s1  }
0x22c: {  	s1 =	ssub.s32 @!p0 $0x0, s1;
	[sflag:s0] =	ssyncset.done @!p0 $0x0  }
0x22d: {  	[sflag:s0] =	ssyncadd.s32 @!p0 s1  }
0x22e: {  	[bflag:$0x3] =	sbarrier.arrive $0xFFFF  }
0x22f: {  	_ =	shalt  }

// kernel: kernel.8.cloned.1.call-start
scs
__scs_entry_jumppad:
0x0: {  	(pc) =	sbr.rel $0x88, $3  }
0x1: {  	(tag) =	ssettag $0x0;
	lr =	simm.s32 $0x1  }
0x2: {  	[smem:$0x3F8C] =	sst lr;
	_ =	strace $0xD0000000  }
0x3: {  	_ = 	snop  }
0x4: {  	_ = 	snop  }
0x5: {  	_ = 	snop  }
0x6: {  	_ = 	snop  }
0x7: {  	_ = 	snop  }
__scs_overlays_trampoline_lowered:
0x8: {  	[smem:$0x3F9B] =	sst s0  }
0x9: {  	[smem:$0x3F9C] =	sst s1  }
0xa: {  	[smem:$0x3F9D] =	sst s2  }
0xb: {  	[smem:$0x3F9E] =	sst s3  }
0xc: {  	[smem:$0x3F9F] =	sst s4  }
0xd: {  	[smem:$0x3FA0] =	sst s5  }
0xe: {  	[smem:$0x3FA1] =	sst s6  }
0xf: {  	[smem:$0x3FA2] =	sst s7  }
0x10: {  	[smem:$0x3FA3] =	sst s8  }
0x11: {  	[smem:$0x3FA4] =	sst s9;
	s0 =	simm.s32 @!p0 $0x0  }
0x12: {  	s1 =	sld [smem:$0x3F8A];
	s0 =	simm.s32 @p0 $0x1  }
0x13: {  	[smem:$0x3FA5] =	sst s0;
	s0 =	simm.s32 @!p1 $0x0  }
0x14: {  	s2 =	sld [smem:$0x3F89];
	s0 =	simm.s32 @p1 $0x1  }
0x15: {  	[smem:$0x3FA6] =	sst s0;
	s0 =	simm.s32 @!p2 $0x0  }
0x16: {  	s3 =	sld [smem:$0x3FDB];
	s0 =	simm.s32 @p2 $0x1  }
0x17: {  	s4 =	simm.s32 $0x1BF5;
	[smem:$0x3FA8] =	sst s0  }
0x18: {  	s0 =	sld [smem:$0x3F8B];
	_ =	swait.ge [sflag:s4], $0x0  }
0x19: {  	s7 =	sld [smem:$0x3F8C]  }
0x1a: {  	s8 =	sadd.s32 $0xFFFFE003, lr  }
0x1b: {  	s9 =	sadd.s32 $0xFFFFFEF7, lr;
	s5 =	simm.s32 $0xFFFFFFFF;
	p2 =	slt.u32 s8, $0xFFFFF086  }
0x1c: {  	p1 =	slt.u32 s9, $0xF7A;
	s5 =	simm.s32 @!p2 $0x0  }
0x1d: {  	s5 =	simm.s32 @p1 $0x1;
	p0 =	seq.s32 s7, s2  }
0x1e: {  	s7 =	smul.u32 @!p0 $0xF7A, s2;
	p2 =	seq.s32 @!p0 s5, $0x0  }
0x1f: {  	s9 =	smul.u32 $0xF7A, s1;
	s8 =	simm.s32 @!p0 $0x1BF5;
	p2 =	por !p2, p0  }
0x20: {  	[sflag:s8] =	ssyncset.s32 @!p0 $0xFFFFF086;
	s6 =	sadd.s32 @!p0 s3, s7;
	s7 =	simm.s32 @!p0 $0x108  }
0x21: {  	s3 =	sadd.s32 s3, s9;
	s6 =	sadd.s32 @!p0 $0x88, s6;
	s7 =	simm.s32 @p2 $0x1082  }
0x22: {  	[simem:s7], [sflag:s8] =	dma.local @!p0 [hbm:s6], $0xF7A  }
0x23: {  	s9 =	sor.u32 $0xD0000000, s2;
	s6 =	simm.s32 $0x108;
	_ =	swait.ge @!p0 [sflag:s8], $0x0  }
0x24: {  	s3 =	sadd.s32 $0x88, s3;
	s6 =	simm.s32 @!p1 $0x1082;
	[sflag:s4] =	ssyncset.s32 $0xFFFFF086  }
0x25: {  	[simem:s6], [sflag:s4] =	dma.local [hbm:s3], $0xF7A  }
0x26: {  	[smem:$0x3F8C] =	sst s1;
	(tag) =	ssettag s2;
	_ =	strace s9  }
0x27: {  	s1 =	sld [smem:$0x3F9C]  }
0x28: {  	s2 =	sld [smem:$0x3F9D]  }
0x29: {  	s4 =	sld [smem:$0x3F9F]  }
0x2a: {  	p0 =	seq.s32 s5, $0x0;
	s5 =	sld [smem:$0x3FA0]  }
0x2b: {  	s6 =	sld [smem:$0x3FA1]  }
0x2c: {  	s7 =	sld [smem:$0x3FA2]  }
0x2d: {  	s3 =	simm.s32 $0x108;
	s8 =	sld [smem:$0x3FA3]  }
0x2e: {  	s3 =	simm.s32 @!p0 $0x1082;
	s9 =	sld [smem:$0x3FA4]  }
0x2f: {  	lr =	sadd.s32 s0, s3;
	s0 =	sld [smem:$0x3F9B]  }
0x30: {  	s3 =	sld [smem:$0x3F9E]  }
0x31: {  	[smem:$0x3FA7] =	sst s10  }
0x32: {  	s10 =	sld [smem:$0x3FA5];
	_ =	sdelay $0x3  }
0x33: {  	p0 =	seq.s32 s10, $0x1;
	s10 =	sld [smem:$0x3FA7];
	_ =	sdelay $0x3  }
0x34: {  	[smem:$0x3FA7] =	sst s10  }
0x35: {  	s10 =	sld [smem:$0x3FA6];
	_ =	sdelay $0x3  }
0x36: {  	p1 =	seq.s32 s10, $0x1;
	s10 =	sld [smem:$0x3FA7];
	_ =	sdelay $0x3  }
0x37: {  	[smem:$0x3FA7] =	sst s10  }
0x38: {  	s10 =	sld [smem:$0x3FA8]  }
0x39: {  	_ = 	snop;
	(pc) =	sbr.ind lr, $3  }
0x3a: {  	_ = 	snop  }
0x3b: {  	_ = 	snop  }
0x3c: {  	p2 =	seq.s32 s10, $0x1;
	s10 =	sld [smem:$0x3FA7]  }
0x3d: {  	_ =	shalt  }
0x3e: {  	_ =	shalt  }
0x3f: {  	_ =	shalt  }
0x40: {  	_ =	shalt  }
0x41: {  	_ =	shalt  }
0x42: {  	_ =	shalt  }
0x43: {  	_ =	shalt  }
0x44: {  	_ =	shalt  }
0x45: {  	_ =	shalt  }
0x46: {  	_ =	shalt  }
0x47: {  	_ =	shalt  }
0x48: {  	_ =	shalt  }
0x49: {  	_ =	shalt  }
0x4a: {  	_ =	shalt  }
0x4b: {  	_ =	shalt  }
0x4c: {  	_ =	shalt  }
0x4d: {  	_ =	shalt  }
0x4e: {  	_ =	shalt  }
0x4f: {  	_ =	shalt  }
0x50: {  	_ =	shalt  }
0x51: {  	_ =	shalt  }
0x52: {  	_ =	shalt  }
0x53: {  	_ =	shalt  }
0x54: {  	_ =	shalt  }
0x55: {  	_ =	shalt  }
0x56: {  	_ =	shalt  }
0x57: {  	_ =	shalt  }
0x58: {  	_ =	shalt  }
0x59: {  	_ =	shalt  }
0x5a: {  	_ =	shalt  }
0x5b: {  	_ =	shalt  }
0x5c: {  	_ =	shalt  }
0x5d: {  	_ =	shalt  }
0x5e: {  	_ =	shalt  }
0x5f: {  	_ =	shalt  }
0x60: {  	_ =	shalt  }
0x61: {  	_ =	shalt  }
0x62: {  	_ =	shalt  }
0x63: {  	_ =	shalt  }
0x64: {  	_ =	shalt  }
0x65: {  	_ =	shalt  }
0x66: {  	_ =	shalt  }
0x67: {  	_ =	shalt  }
0x68: {  	_ =	shalt  }
0x69: {  	_ =	shalt  }
0x6a: {  	_ =	shalt  }
0x6b: {  	_ =	shalt  }
0x6c: {  	_ =	shalt  }
0x6d: {  	_ =	shalt  }
0x6e: {  	_ =	shalt  }
0x6f: {  	_ =	shalt  }
0x70: {  	_ =	shalt  }
0x71: {  	_ =	shalt  }
0x72: {  	_ =	shalt  }
0x73: {  	_ =	shalt  }
0x74: {  	_ =	shalt  }
0x75: {  	_ =	shalt  }
0x76: {  	_ =	shalt  }
0x77: {  	_ =	shalt  }
0x78: {  	_ =	shalt  }
0x79: {  	_ =	shalt  }
0x7a: {  	_ =	shalt  }
0x7b: {  	_ =	shalt  }
0x7c: {  	_ =	shalt  }
0x7d: {  	_ =	shalt  }
0x7e: {  	_ =	shalt  }
0x7f: {  	_ =	shalt  }
0x80: {  	_ =	shalt  }
0x81: {  	_ =	shalt  }
0x82: {  	_ =	shalt  }
0x83: {  	_ =	shalt  }
0x84: {  	_ =	shalt  }
0x85: {  	_ =	shalt  }
0x86: {  	_ =	shalt  }
0x87: {  	_ =	shalt  }
.Lfunc_end0:
.L_simem_size_0:
called_computation_lowered:
.L_overlay_start_0:
0x88: {  	s2 =	sld [smem:$0x3FD9]  }
0x89: {  	s3 =	sld [smem:$0x3FFE];
	_ =	sdelay $0x1  }
0x8a: {  	s1 =	srdreg.scid  }
0x8b: {  	s0 =	sand.u32 $0x1, s1  }
0x8c: {  	s17 =	sshll.u32 s0, $0xA;
	s2 =	sadd.s32 s3, s2  }
0x8d: {  	s2 =	sadd.s32 s2, s17  }
0x8e: {  	[smem:$0x3FB3] =	sst s2  }
0x8f: {  	_ = 	snop  }
0x90: {  	s2 =	sld [smem:$0x3FD0];
	(tm) =	ssettm $0x1  }
0x91: {  	s18 =	sld [smem:$0x3FFB];
	_ =	sdelay $0x3  }
0x92: {  	_ =	strace s18  }
0x93: {  	s3 =	sld [smem:$0x3FFC];
	_ =	sdelay $0x3  }
0x94: {  	_ =	strace s3  }
0x95: {  	s3 =	sld [smem:$0x3FFD];
	_ =	sdelay $0x3  }
0x96: {  	_ =	strace s3  }
0x97: {  	_ =	strace $0x8FFFFFFF  }
0x98: {  	s19 =	sld [smem:$0x3FDB];
	_ =	sdelay $0x1  }
0x99: {  	s4 =	simm.s32 $_scs_section_size  }
0x9a: {  	s5 =	simm.s32 $_size__tile_overlayer_lowered;
	s6 =	simm.s32 $_tile_overlayer_lowered  }
0x9b: {  	s22 =	simm.s32 $0x1BFF;
	s21 =	sshll.u32 s6, $0x1;
	s3 =	sadd.s32 s4, s19  }
0x9c: {  	s7 =	simm.s32 $0x0;
	s20 =	sshll.u32 s5, $0x1;
	s5 =	sadd.s32 s21, s3  }
0x9d: {  	[timem:s7], [sflag:s22] =	dma.local [hbm:s5], s20  }
0x9e: {  	_ =	swait.ge [sflag:s22], s20  }
0x9f: {  	s4 =	ssub.s32 $0x0, s20;
	[sflag:s22] =	ssyncset.done $0x0  }
0xa0: {  	[sflag:s22] =	ssyncadd.s32 s4;
	_ =	sdelay $0x1  }
0xa1: {  	s23 =	simm.s32 $0x1B8B  }
0xa2: {  	_ =	swait.ge [sflag:s23], $0x1  }
0xa3: {  	[sflag:s23] =	ssyncset.done $0x0  }
0xa4: {  	s25 =	simm.s32 $0x1B8E;
	s24 =	sld [smem:$0x3FFE];
	[sflag:s23] =	ssyncadd.s32 $0xFFFFFFFF  }
0xa5: {  	s26 =	simm.s32 $execute0_lowered;
	[smem:$0x3FD2] =	sst s25  }
0xa6: {  	s5 =	sshll.u32 s26, $0x1;
	_ =	strace $0x80000046;
	[dreg:$0x1] =	wrdreg $0xFFFFFFFF  }
0xa7: {  	s28 =	simm.s32 $_size_execute0_lowered;
	s3 =	sadd.s32 s3, s5;
	[dreg:$0x0] =	wrdreg $0x0  }
0xa8: {  	s5 =	sshll.u32 s28, $0x1;
	[dreg:$0x2] =	wrdreg s3  }
0xa9: {  	[dreg:$0x3] =	wrdreg s5  }
0xaa: {  	[dreg:$0x4] =	wrdreg $0xC0  }
0xab: {  	_ =	task [dreg:s7], $0x5FFFF  }
0xac: {  	[dreg:$0x1] =	wrdreg $0xFFFFFFFF  }
0xad: {  	[dreg:$0x0] =	wrdreg $0x60  }
0xae: {  	[dreg:$0x2] =	wrdreg s24  }
0xaf: {  	[dreg:$0x3] =	wrdreg s2  }
0xb0: {  	[dreg:$0x4] =	wrdreg $0x134400  }
0xb1: {  	[dreg:$0x5] =	wrdreg $0x9  }
0xb2: {  	_ =	task.clear_ibuf [dreg:s7], $0x6FFFF;
	_ =	strace $0x90000046  }
0xb3: {  	s29 =	simm.s32 $0x9;
	_ =	strace $0x80000048  }
0xb4: {  	_ =	swait.ge [sflag:s29], $0x1  }
0xb5: {  	[sflag:s29] =	ssyncadd.s32 $0xFFFFFFFF  }
0xb6: {  	_ =	strace $0x90000048  }
0xb7: {  	_ =	sfence  }
0xb8: {  	s30 =	sld [smem:$0x0];
	_ =	sdelay $0x2  }
0xb9: {  	s31 =	sshll.u32 s1, $0xD;
	s1 =	sshrl.u32 s1, $0x2  }
0xba: {  	s3 =	sand.u32 $0x4000, s31;
	s1 =	sadd.s32 s1, s30  }
0xbb: {  	s0 =	sor.u32 s3, s0;
	s1 =	sshll.u32 s1, $0x11  }
0xbc: {  	s0 =	sor.u32 s1, s0  }
0xbd: {  	s0 =	sadd.s32 $0x8F2B, s0  }
0xbe: {  	[sflag:s0] =	ssyncadd.remote.s32 $0x1  }
0xbf: {  	_ =	sfence.sel $0xFFFF  }
0xc0: {  	[dreg:$0x0] =	wrdreg $0xFFFFFFFF;
	(pc) =	sbr.abs _section_cstart, $3  }
0xc1: {  	[dreg:$0x1] =	wrdreg $0xFFFFFFFF  }
0xc2: {  	_ =	task.clear_ibuf [dreg:s7], $0x2FFFF;
	_ =	strace $0x9FFFFFFF  }
0xc3: {  	(tm) =	ssettm $0x7FFFFFFF  }
tec
execute0_lowered:
.L_overlay_start_1:
0x0: {  	(tag) =	ssettag $0x1  }
0x1: {  	s0 =	rddreg [dreg:$0x0]  }
0x2: {  	s2 =	rddreg [dreg:$0x1]  }
0x3: {  	s1 =	rddreg [dreg:$0x2];
	s3 =	simm.s32 $0x0;
	s18 =	stileid.u32  }
0x4: {  	s19 =	srdreg.scid;
	s28 =	simm.s32 $0x40;
	s29 =	simm.s32 $0x80  }
0x5: {  	s30 =	simm.s32 $0x2;
	s31 =	simm.s32 $0x4;
	s4 =	smul.u32 $0x4E20, s18  }
0x6: {  	[smem:$0x7FF] =	sst s3;
	s5 =	sadd.s32 $0x2DA00, s0;
	s10 =	smul.u32 $0x27000, s18  }
0x7: {  	s6 =	sadd.s32 $0x1A000, s0;
	s3 =	sand.u32 $0x1, s19;
	s15 =	smul.u32 $0x1380, s18  }
0x8: {  	s7 =	sadd.s32 $0x41400, s0;
	s16 =	smul.u32 $0x271000, s18;
	s13 =	sadd.s32 $0x9C000, s1  }
0x9: {  	p1 =	sne.s32 s18, $0x0;
	_ =	strace $0x80000047;
	s17 =	smul.u32 $0x9C400, s3  }
0xa: {  	s9 =	ssub.s32 $0x2, s3;
	p0 =	seq.s32 s3, $0x1;
	s3 =	smul.u32 $0x13880, s3  }
0xb: {  	s8 =	sshrl.u32 s4, $0x3;
	s11 =	sshrl.u32 s9, $0x1;
	s20 =	sshrl.u32 s10, $0x2  }
0xc: {  	s22 =	sshrl.u32 s16, $0x3;
	s16 =	sadd.s32 $0x41408, s0;
	s8 =	sadd.s32 s8, s0  }
0xd: {  	s14 =	ssub.s32 s9, s11;
	s9 =	sadd.s32 s20, s1;
	s23 =	sadd.s32 s7, s22  }
0xe: {  	s25 =	sshrl.u32 s17, $0x3;
	s3 =	sadd.s32 s15, s3;
	s15 =	simm.s32 $0xEC40  }
0xf: {  	s17 =	simm.s32 $0x0;
	s21 =	sadd.s32 $0x10200, s8;
	s8 =	sadd.s32 $0x6400, s8  }
0x10: {  	s11 =	sadd.s32 $0x3400, s9;
	s12 =	sadd.s32 $0x6800, s9;
	[dreg:$0x6] =	wrdreg s23  }
0x11: {  	s24 =	sadd.s32 $0x500, s23;
	s0 =	sadd.s32 s2, s25;
	[dreg:$0x4] =	wrdreg s21  }
.Ltmp0:
0x12: {  	s26 =	sadd.s32 $0x508, s23;
	[dreg:$0x5] =	wrdreg s8;
	(pc) =	sbr.rel .LBB2_1-.Ltmp0, $4  }
0x13: {  	s19 =	sadd.s32 s2, s3;
	s25 =	simm.s32 $0x50;
	[dreg:$0x7] =	wrdreg s24  }
0x14: {  	s23 =	simm.s32 $0x1;
	s8 =	sadd.s32 s22, s16;
	[dreg:$0x9] =	wrdreg s26  }
0x15: {  	s20 =	sadd.s32 $0x13800, s0;
	s21 =	smax.u32 s14, $0x1;
	s22 =	simm.s32 $0x5  }
0x16: {  	v0 =	vimm.f32 $0.0e+00;
	s24 =	simm.s32 $0x10040;
	s26 =	simm.s32 $0x3;
	[dreg:$0x8] =	wrdreg s8  }
.LBB2_16:
0x17: {  	s0 =	stileid.u32  }
0x18: {  	s0 =	sshll.u32 s0, $0x6  }
0x19: {  	[bflag:$0x0] =	sbarrier.arrive $0xFFFF;
	s2 =	sshrl.u32 s9, $0x3;
	s0 =	sor.u32 $0x1C05, s0  }
0x1a: {  	[hbm:s19], [sflag:s0] =	dma.local [spmem:s2], $0x1380  }
0x1b: {  	_ =	swait.ge [sflag:s22], $0x1380  }
0x1c: {  	s17 =	sadd.s32 $0x1, s17;
	[sflag:s22] =	ssyncset.done $0x0  }
0x1d: {  	p2 =	sne.s32 s17, s21;
	s2 =	sshrl.u32 @!p1 s13, $0x3;
	[sflag:s22] =	ssyncadd.s32 $0xFFFFEC80  }
0x1e: {  	[hbm:s20], [sflag:s0] =	dma.local @!p1 [spmem:s2], $0x80  }
.Ltmp1:
0x1f: {  	_ = 	snop;
	(pc) =	sbr.rel @!p2 .LBB2_17-.Ltmp1, $4  }
0x20: {  	s0 =	simm.s32 @!p1 $0x5  }
0x21: {  	_ =	swait.ge @!p1 [sflag:s0], $0x80  }
0x22: {  	[sflag:s0] =	ssyncset.done @!p1 $0x0  }
0x23: {  	[sflag:s0] =	ssyncadd.s32 @!p1 $0xFFFFFF80  }
.LBB2_1:
0x24: {  	s2 =	simm.s32 $0x100;
	s0 =	simm.s32 $0x0  }
.LBB2_2:
0x25: {  	p2 =	sne.s32 s2, $0xCF00;
	[tilespmem:s0+$0x10070] =	vst v0;
	s3 =	smov.u32 s2;
	s2 =	sadd.s32 $0x100, s2  }
.Ltmp2:
0x26: {  	[tilespmem:s0+$0x10060] =	vst v0;
	(pc) =	sbr.rel @p2 .LBB2_2-.Ltmp2, $3  }
0x27: {  	[tilespmem:s0+$0x10040] =	vst v0  }
0x28: {  	[tilespmem:s0+$0x10050] =	vst v0;
	_ =	sdelay $0x1  }
0x29: {  	s0 =	sshra.s32 s3, $0x2  }
0x2a: {  	[tilespmem:s0+$0x10070] =	vst v0  }
0x2b: {  	[tilespmem:s0+$0x10060] =	vst v0  }
0x2c: {  	[tilespmem:s0+$0x10040] =	vst v0  }
0x2d: {  	[tilespmem:s0+$0x10050] =	vst v0;
	s14 =	simm.s32 $0x0;
	s2 =	rddreg [dreg:$0x4]  }
0x2e: {  	[tilespmem:s14], [sflag:$0x5] =	stream.linear.gather [hbm4b:s2+s14], $0x4E20, $0x38;
	[tilespmem:$0x1D080] =	vst v63  }
0x2f: {  	_ =	swait.ge [sflag:s22], $0x4E20  }
0x30: {  	[sflag:s22] =	ssyncset.done $0x0  }
0x31: {  	s3 =	simm.s32 $0x4E20;
	s18 =	rddreg [dreg:$0x5];
	[sflag:s22] =	ssyncadd.s32 $0xFFFFB1E0  }
0x32: {  	[tilespmem:s3], [sflag:$0x5] =	stream.linear.gather [hbm4b:s18+s14], $0x4E20, $0x38;
	[tilespmem:$0x1D080] =	vst v63  }
0x33: {  	_ =	swait.ge [sflag:s22], $0x4E20  }
0x34: {  	[sflag:s22] =	ssyncset.done $0x0  }
0x35: {  	[sflag:s22] =	ssyncadd.s32 $0xFFFFB1E0  }
0x36: {  	[spmem:s9] =	stream.linear.scatter [tilespmem:s24], [sflag:$0x5], $0x3400, $0x38;
	[tilespmem:$0x1D080] =	vst v63  }
0x37: {  	_ =	swait.ge [sflag:s22], $0x3400  }
0x38: {  	[sflag:s22] =	ssyncset.done $0x0  }
0x39: {  	[sflag:s22] =	ssyncadd.s32 $0xFFFFCC00  }
0x3a: {  	[spmem:s11] =	stream.linear.scatter [tilespmem:s24], [sflag:$0x5], $0x3400, $0x38;
	[tilespmem:$0x1D080] =	vst v63  }
0x3b: {  	_ =	swait.ge [sflag:s22], $0x3400  }
0x3c: {  	[sflag:s22] =	ssyncset.done $0x0  }
0x3d: {  	[sflag:s22] =	ssyncadd.s32 $0xFFFFCC00  }
0x3e: {  	[spmem:s12] =	stream.linear.scatter [tilespmem:s24], [sflag:$0x5], $0x3400, $0x38;
	[tilespmem:$0x1D080] =	vst v63  }
0x3f: {  	_ =	swait.ge [sflag:s22], $0x3400  }
0x40: {  	[sflag:s22] =	ssyncset.done $0x0  }
0x41: {  	s0 =	simm.s32 @!p1 $0x10040;
	[sflag:s22] =	ssyncadd.s32 $0xFFFFCC00  }
0x42: {  	[spmem:s13] =	stream.linear.scatter @!p1 [tilespmem:s0], [sflag:$0x5], $0x400, $0x38;
	[tilespmem:$0x1D080] =	vst v63  }
0x43: {  	s0 =	simm.s32 @!p1 $0x5  }
.Ltmp3:
0x44: {  	_ =	swait.ge @!p1 [sflag:s0], $0x400;
	(pc) =	sbr.rel @!p0 .LBB2_4-.Ltmp3, $4  }
0x45: {  	[sflag:s0] =	ssyncset.done @!p1 $0x0  }
0x46: {  	[sflag:s0] =	ssyncadd.s32 @!p1 $0xFFFFFC00  }
0x47: {  	[bflag:$0x0] =	sbarrier.arrive $0xFFFF  }
0x48: {  	s2 =	simm.s32 $0x9C40;
	s0 =	simm.s32 $0x0  }
0x49: {  	[tilespmem:s2], [sflag:$0x1] =	stream.indirect.gather [hbm4b:s6+s25], $0x40, s0, s25, $0xb8;
	[tilespmem:$0x1D080] =	vst v63  }
0x4a: {  	s8 =	rddreg [dreg:$0x8];
	s3 =	simm.s32 $0xC440  }
0x4b: {  	[tilespmem:s3], [sflag:$0x3] =	stream.strided.gather [hbm4b:s8+s28], $0x1400, s29, s28, $0x38;
	[tilespmem:$0x1D080] =	vst v63  }
0x4c: {  	s10 =	simm.s32 $0xB040  }
0x4d: {  	[tilespmem:s10], [sflag:$0x2] =	stream.indirect.gather [hbm4b:s6+s25], $0x40, s25, s25, $0xb8;
	[tilespmem:$0x1D080] =	vst v63  }
0x4e: {  	s14 =	rddreg [dreg:$0x9];
	s18 =	simm.s32 $0xD840  }
0x4f: {  	[tilespmem:s18], [sflag:$0x4] =	stream.strided.gather [hbm4b:s14+s28], $0x1400, s29, s28, $0x38;
	[tilespmem:$0x1D080] =	vst v63  }
.LBB2_11:
0x50: {  	_ =	swait.ge [sflag:s23], $0x1400  }
0x51: {  	[sflag:s23] =	ssyncset.done $0x0  }
0x52: {  	[sflag:s23] =	ssyncadd.s32 $0xFFFFEC00  }
0x53: {  	_ =	swait.ge [sflag:s26], $0x1400  }
0x54: {  	[sflag:s26] =	ssyncset.done $0x0  }
0x55: {  	s2 =	simm.s32 $0x0;
	[sflag:s26] =	ssyncadd.s32 $0xFFFFEC00  }
0x56: {  	v3 =	vld [tilespmem:s2+$0x9C70]  }
0x57: {  	v4 =	vld [tilespmem:s2+$0xC470]  }
0x58: {  	v6 =	vld [tilespmem:s2+$0x9C40]  }
0x59: {  	v7 =	vld [tilespmem:s2+$0xC440]  }
0x5a: {  	v2 =	vld [tilespmem:s2+$0x9C50]  }
0x5b: {  	v5 =	vld [tilespmem:s2+$0xC450]  }
0x5c: {  	v1 =	vld [tilespmem:s2+$0x9C60];
	v8 =	vadd.f32 v4, v3  }
0x5d: {  	s3 =	simm.s32 $0x40;
	v4 =	vld [tilespmem:s2+$0xC460]  }
0x5e: {  	s8 =	simm.s32 $0x200;
	v3 =	vld [tilespmem:s3+$0x9C70];
	v6 =	vadd.f32 v7, v6;
	v7 =	vmax.f32 v8, $0.0e+00  }
.LBB2_12:
0x5f: {  	p2 =	sne.s32 s8, $0x4F00;
	v8 =	vld [tilespmem:s3+$0xC470];
	[tilespmem:s2+$0xEC70] =	vst v7  }
0x60: {  	v7 =	vld [tilespmem:s3+$0x9C40];
	v6 =	vmax.f32 v6, $0.0e+00;
	v5 =	vadd.f32 v5, v2  }
0x61: {  	v9 =	vld [tilespmem:s3+$0xC440];
	[tilespmem:s2+$0xEC40] =	vst v6  }
.Ltmp4:
0x62: {  	v2 =	vld [tilespmem:s3+$0x9C50];
	v6 =	vmax.f32 v5, $0.0e+00;
	v4 =	vadd.f32 v4, v1;
	(pc) =	sbr.rel @p2 .LBB2_12-.Ltmp4, $4  }
0x63: {  	v5 =	vld [tilespmem:s3+$0xC450];
	[tilespmem:s2+$0xEC50] =	vst v6  }
0x64: {  	v1 =	vld [tilespmem:s3+$0x9C60];
	v8 =	vadd.f32 v8, v3;
	v3 =	vmax.f32 v4, $0.0e+00  }
0x65: {  	v4 =	vld [tilespmem:s3+$0xC460];
	[tilespmem:s2+$0xEC60] =	vst v3;
	s2 =	smov.u32 s3;
	s3 =	sshra.s32 s8, $0x2  }
0x66: {  	s8 =	sadd.s32 $0x100, s8;
	v3 =	vld [tilespmem:s3+$0x9C70];
	v6 =	vadd.f32 v9, v7;
	v7 =	vmax.f32 v8, $0.0e+00  }
0x67: {  	v8 =	vld [tilespmem:s3+$0xC470];
	[tilespmem:s2+$0xEC70] =	vst v7  }
0x68: {  	v7 =	vld [tilespmem:s3+$0x9C40];
	v6 =	vmax.f32 v6, $0.0e+00;
	v2 =	vadd.f32 v5, v2  }
0x69: {  	v9 =	vld [tilespmem:s3+$0xC440];
	[tilespmem:s2+$0xEC40] =	vst v6  }
0x6a: {  	v5 =	vld [tilespmem:s3+$0x9C50];
	v2 =	vmax.f32 v2, $0.0e+00  }
0x6b: {  	v6 =	vld [tilespmem:s3+$0xC450];
	[tilespmem:s2+$0xEC50] =	vst v2  }
0x6c: {  	v2 =	vld [tilespmem:s3+$0x9C60]  }
0x6d: {  	v10 =	vld [tilespmem:s3+$0xC460]  }
0x6e: {  	v1 =	vadd.f32 v4, v1  }
0x6f: {  	v3 =	vadd.f32 v8, v3  }
0x70: {  	v1 =	vmax.f32 v1, $0.0e+00;
	v4 =	vadd.f32 v9, v7  }
0x71: {  	[tilespmem:s2+$0xEC60] =	vst v1;
	v1 =	vmax.f32 v3, $0.0e+00;
	v3 =	vadd.f32 v6, v5  }
0x72: {  	p2 =	seq.s32 s0, $0x7C;
	[tilespmem:s3+$0xEC70] =	vst v1;
	v1 =	vmax.f32 v4, $0.0e+00;
	v2 =	vadd.f32 v10, v2  }
0x73: {  	s18 =	smul.u32 @!p2 $0xA0, s0;
	[tilespmem:s3+$0xEC40] =	vst v1;
	v1 =	vmax.f32 v3, $0.0e+00  }
0x74: {  	[tilespmem:s3+$0xEC50] =	vst v1;
	v1 =	vmax.f32 v2, $0.0e+00  }
0x75: {  	s8 =	simm.s32 @!p2 $0x9C40;
	s2 =	sadd.s32 @!p2 $0xA0, s18;
	[tilespmem:s3+$0xEC60] =	vst v1;
	s3 =	simm.s32 @!p2 $0x50  }
0x76: {  	[tilespmem:s8], [sflag:$0x1] =	stream.indirect.gather @!p2 [hbm4b:s6+s3], $0x40, s2, s3, $0xb8;
	[tilespmem:$0x1D080] =	vst v63  }
0x77: {  	s2 =	sadd.s32 @!p2 s4, s2  }
0x78: {  	s14 =	smul.u32 $0x280, s0;
	s10 =	simm.s32 @!p2 $0xC440;
	s2 =	sshll.u32 @!p2 s2, $0x4  }
0x79: {  	s3 =	simm.s32 @!p2 $0x40;
	s8 =	simm.s32 @!p2 $0x80;
	s2 =	sadd.s32 @!p2 s2, s16  }
0x7a: {  	[tilespmem:s10], [sflag:$0x3] =	stream.strided.gather @!p2 [hbm4b:s2+s3], $0x1400, s8, s3, $0x38;
	[tilespmem:$0x1D080] =	vst v63  }
0x7b: {  	s3 =	sshra.s32 s14, $0x2  }
0x7c: {  	s14 =	sadd.s32 $0x4E20, s3  }
0x7d: {  	[spmem:s1] =	stream.indirect.scatter.add.f32 [tilespmem:s15], [sflag:$0x5], $0x40, s14, s25, $0xb8;
	[tilespmem:$0x1D080] =	vst v63  }
0x7e: {  	_ =	swait.ge [sflag:s22], $0x1400  }
0x7f: {  	[sflag:s22] =	ssyncset.done $0x0  }
0x80: {  	[sflag:s22] =	ssyncadd.s32 $0xFFFFEC00  }
0x81: {  	_ =	swait.ge [sflag:s30], $0x1400  }
0x82: {  	[sflag:s30] =	ssyncset.done $0x0  }
0x83: {  	[sflag:s30] =	ssyncadd.s32 $0xFFFFEC00  }
0x84: {  	_ =	swait.ge [sflag:s31], $0x1400  }
0x85: {  	[sflag:s31] =	ssyncset.done $0x0  }
0x86: {  	s2 =	simm.s32 $0x0;
	[sflag:s31] =	ssyncadd.s32 $0xFFFFEC00  }
0x87: {  	v3 =	vld [tilespmem:s2+$0xB070]  }
0x88: {  	v4 =	vld [tilespmem:s2+$0xD870]  }
0x89: {  	v6 =	vld [tilespmem:s2+$0xB040]  }
0x8a: {  	v7 =	vld [tilespmem:s2+$0xD840]  }
0x8b: {  	v2 =	vld [tilespmem:s2+$0xB050]  }
0x8c: {  	v5 =	vld [tilespmem:s2+$0xD850]  }
0x8d: {  	v1 =	vld [tilespmem:s2+$0xB060];
	v8 =	vadd.f32 v4, v3  }
0x8e: {  	s14 =	simm.s32 $0x40;
	v4 =	vld [tilespmem:s2+$0xD860]  }
0x8f: {  	s8 =	simm.s32 $0x200;
	v3 =	vld [tilespmem:s14+$0xB070];
	v6 =	vadd.f32 v7, v6;
	v7 =	vmax.f32 v8, $0.0e+00  }
.LBB2_14:
0x90: {  	p3 =	sne.s32 s8, $0x4F00;
	v8 =	vld [tilespmem:s14+$0xD870];
	[tilespmem:s2+$0xEC70] =	vst v7  }
0x91: {  	v7 =	vld [tilespmem:s14+$0xB040];
	v6 =	vmax.f32 v6, $0.0e+00;
	v5 =	vadd.f32 v5, v2  }
0x92: {  	v9 =	vld [tilespmem:s14+$0xD840];
	[tilespmem:s2+$0xEC40] =	vst v6  }
.Ltmp5:
0x93: {  	v2 =	vld [tilespmem:s14+$0xB050];
	v6 =	vmax.f32 v5, $0.0e+00;
	v4 =	vadd.f32 v4, v1;
	(pc) =	sbr.rel @p3 .LBB2_14-.Ltmp5, $4  }
0x94: {  	v5 =	vld [tilespmem:s14+$0xD850];
	[tilespmem:s2+$0xEC50] =	vst v6  }
0x95: {  	v1 =	vld [tilespmem:s14+$0xB060];
	v8 =	vadd.f32 v8, v3;
	v3 =	vmax.f32 v4, $0.0e+00  }
0x96: {  	v4 =	vld [tilespmem:s14+$0xD860];
	[tilespmem:s2+$0xEC60] =	vst v3;
	s2 =	smov.u32 s14;
	s14 =	sshra.s32 s8, $0x2  }
0x97: {  	s8 =	sadd.s32 $0x100, s8;
	v3 =	vld [tilespmem:s14+$0xB070];
	v6 =	vadd.f32 v9, v7;
	v7 =	vmax.f32 v8, $0.0e+00  }
0x98: {  	v8 =	vld [tilespmem:s14+$0xD870];
	[tilespmem:s2+$0xEC70] =	vst v7  }
0x99: {  	v7 =	vld [tilespmem:s14+$0xB040];
	v6 =	vmax.f32 v6, $0.0e+00;
	v2 =	vadd.f32 v5, v2  }
0x9a: {  	v9 =	vld [tilespmem:s14+$0xD840];
	[tilespmem:s2+$0xEC40] =	vst v6  }
0x9b: {  	v62 =	vld [tilespmem:s14+$0xB050];
	v2 =	vmax.f32 v2, $0.0e+00  }
0x9c: {  	v6 =	vld [tilespmem:s14+$0xD850];
	[tilespmem:s2+$0xEC50] =	vst v2  }
0x9d: {  	v2 =	vld [tilespmem:s14+$0xB060]  }
0x9e: {  	v10 =	vld [tilespmem:s14+$0xD860]  }
0x9f: {  	v1 =	vadd.f32 v4, v1  }
0xa0: {  	v3 =	vadd.f32 v8, v3  }
0xa1: {  	v1 =	vmax.f32 v1, $0.0e+00;
	v63 =	vadd.f32 v9, v7  }
0xa2: {  	[tilespmem:s2+$0xEC60] =	vst v1;
	v1 =	vmax.f32 v3, $0.0e+00;
	v3 =	vadd.f32 v6, v62  }
0xa3: {  	[tilespmem:s14+$0xEC70] =	vst v1;
	v1 =	vmax.f32 v63, $0.0e+00;
	v2 =	vadd.f32 v10, v2  }
0xa4: {  	[tilespmem:s14+$0xEC40] =	vst v1;
	v1 =	vmax.f32 v3, $0.0e+00  }
0xa5: {  	[tilespmem:s14+$0xEC50] =	vst v1;
	v1 =	vmax.f32 v2, $0.0e+00  }
0xa6: {  	s8 =	simm.s32 @!p2 $0x50;
	s10 =	simm.s32 @!p2 $0xB040;
	s2 =	sadd.s32 @!p2 $0xF0, s18;
	[tilespmem:s14+$0xEC60] =	vst v1  }
0xa7: {  	[tilespmem:s10], [sflag:$0x2] =	stream.indirect.gather @!p2 [hbm4b:s6+s8], $0x40, s2, s8, $0xb8;
	[tilespmem:$0x1D080] =	vst v63  }
0xa8: {  	s2 =	sadd.s32 @!p2 s4, s2  }
0xa9: {  	s0 =	sadd.s32 $0x1, s0;
	s14 =	simm.s32 @!p2 $0xD840;
	s2 =	sshll.u32 @!p2 s2, $0x4  }
0xaa: {  	s8 =	simm.s32 @!p2 $0x40;
	s10 =	simm.s32 @!p2 $0x80;
	s2 =	sadd.s32 @!p2 s2, s16  }
0xab: {  	[tilespmem:s14], [sflag:$0x4] =	stream.strided.gather @!p2 [hbm4b:s2+s8], $0x1400, s10, s8, $0x38;
	[tilespmem:$0x1D080] =	vst v63  }
0xac: {  	s18 =	sadd.s32 $0x4E70, s3;
	p2 =	sne.s32 s0, $0x7D  }
0xad: {  	[spmem:s1] =	stream.indirect.scatter.add.f32 [tilespmem:s15], [sflag:$0x5], $0x40, s18, s25, $0xb8;
	[tilespmem:$0x1D080] =	vst v63  }
.Ltmp6:
0xae: {  	_ = 	snop;
	(pc) =	sbr.rel @p2 .LBB2_11-.Ltmp6, $4  }
.Ltmp7:
0xaf: {  	_ = 	snop;
	(pc) =	sbr.rel @!p2 .LBB2_16-.Ltmp7, $4  }
0xb0: {  	_ =	swait.ge [sflag:s22], $0x1400  }
0xb1: {  	[sflag:s22] =	ssyncset.done $0x0  }
0xb2: {  	[sflag:s22] =	ssyncadd.s32 $0xFFFFEC00  }
0xb3: {  	_ = 	snop  }
.LBB2_4:
0xb4: {  	[tilespmem:s2], [sflag:$0x1] =	stream.indirect.gather [hbm4b:s5+s25], $0x40, s0, s25, $0xb8;
	[tilespmem:$0x1D080] =	vst v63  }
0xb5: {  	s8 =	rddreg [dreg:$0x6];
	s3 =	simm.s32 $0xC440  }
0xb6: {  	[tilespmem:s3], [sflag:$0x3] =	stream.strided.gather [hbm4b:s8+s28], $0x1400, s29, s28, $0x38;
	[tilespmem:$0x1D080] =	vst v63  }
0xb7: {  	s10 =	simm.s32 $0xB040  }
0xb8: {  	[tilespmem:s10], [sflag:$0x2] =	stream.indirect.gather [hbm4b:s5+s25], $0x40, s25, s25, $0xb8;
	[tilespmem:$0x1D080] =	vst v63  }
0xb9: {  	s14 =	rddreg [dreg:$0x7];
	s18 =	simm.s32 $0xD840  }
0xba: {  	[tilespmem:s18], [sflag:$0x4] =	stream.strided.gather [hbm4b:s14+s28], $0x1400, s29, s28, $0x38;
	[tilespmem:$0x1D080] =	vst v63  }
.LBB2_5:
0xbb: {  	_ =	swait.ge [sflag:s23], $0x1400  }
0xbc: {  	[sflag:s23] =	ssyncset.done $0x0  }
0xbd: {  	[sflag:s23] =	ssyncadd.s32 $0xFFFFEC00  }
0xbe: {  	_ =	swait.ge [sflag:s26], $0x1400  }
0xbf: {  	[sflag:s26] =	ssyncset.done $0x0  }
0xc0: {  	s14 =	simm.s32 $0x0;
	[sflag:s26] =	ssyncadd.s32 $0xFFFFEC00  }
0xc1: {  	v3 =	vld [tilespmem:s14+$0x9C70]  }
0xc2: {  	v4 =	vld [tilespmem:s14+$0xC470]  }
0xc3: {  	v6 =	vld [tilespmem:s14+$0x9C40]  }
0xc4: {  	v7 =	vld [tilespmem:s14+$0xC440]  }
0xc5: {  	v2 =	vld [tilespmem:s14+$0x9C50]  }
0xc6: {  	v5 =	vld [tilespmem:s14+$0xC450]  }
0xc7: {  	v1 =	vld [tilespmem:s14+$0x9C60];
	v8 =	vadd.f32 v4, v3  }
0xc8: {  	s3 =	simm.s32 $0x40;
	v4 =	vld [tilespmem:s14+$0xC460]  }
0xc9: {  	s2 =	simm.s32 $0x200;
	v3 =	vld [tilespmem:s3+$0x9C70];
	v6 =	vadd.f32 v7, v6;
	v7 =	vmax.f32 v8, $0.0e+00  }
.LBB2_6:
0xca: {  	p2 =	sne.s32 s2, $0x4F00;
	v8 =	vld [tilespmem:s3+$0xC470];
	[tilespmem:s14+$0xEC70] =	vst v7  }
0xcb: {  	v7 =	vld [tilespmem:s3+$0x9C40];
	v6 =	vmax.f32 v6, $0.0e+00;
	v5 =	vadd.f32 v5, v2  }
0xcc: {  	v9 =	vld [tilespmem:s3+$0xC440];
	[tilespmem:s14+$0xEC40] =	vst v6  }
.Ltmp8:
0xcd: {  	v2 =	vld [tilespmem:s3+$0x9C50];
	v6 =	vmax.f32 v5, $0.0e+00;
	v4 =	vadd.f32 v4, v1;
	(pc) =	sbr.rel @p2 .LBB2_6-.Ltmp8, $4  }
0xce: {  	v5 =	vld [tilespmem:s3+$0xC450];
	[tilespmem:s14+$0xEC50] =	vst v6  }
0xcf: {  	v1 =	vld [tilespmem:s3+$0x9C60];
	v8 =	vadd.f32 v8, v3;
	v3 =	vmax.f32 v4, $0.0e+00  }
0xd0: {  	v4 =	vld [tilespmem:s3+$0xC460];
	[tilespmem:s14+$0xEC60] =	vst v3;
	s14 =	smov.u32 s3;
	s3 =	sshra.s32 s2, $0x2  }
0xd1: {  	s2 =	sadd.s32 $0x100, s2;
	v3 =	vld [tilespmem:s3+$0x9C70];
	v6 =	vadd.f32 v9, v7;
	v7 =	vmax.f32 v8, $0.0e+00  }
0xd2: {  	v8 =	vld [tilespmem:s3+$0xC470];
	[tilespmem:s14+$0xEC70] =	vst v7  }
0xd3: {  	v7 =	vld [tilespmem:s3+$0x9C40];
	v6 =	vmax.f32 v6, $0.0e+00;
	v2 =	vadd.f32 v5, v2  }
0xd4: {  	v9 =	vld [tilespmem:s3+$0xC440];
	[tilespmem:s14+$0xEC40] =	vst v6  }
0xd5: {  	v5 =	vld [tilespmem:s3+$0x9C50];
	v2 =	vmax.f32 v2, $0.0e+00  }
0xd6: {  	v6 =	vld [tilespmem:s3+$0xC450];
	[tilespmem:s14+$0xEC50] =	vst v2  }
0xd7: {  	v2 =	vld [tilespmem:s3+$0x9C60]  }
0xd8: {  	v10 =	vld [tilespmem:s3+$0xC460]  }
0xd9: {  	v1 =	vadd.f32 v4, v1  }
0xda: {  	v3 =	vadd.f32 v8, v3  }
0xdb: {  	v1 =	vmax.f32 v1, $0.0e+00;
	v4 =	vadd.f32 v9, v7  }
0xdc: {  	[tilespmem:s14+$0xEC60] =	vst v1;
	v1 =	vmax.f32 v3, $0.0e+00;
	v3 =	vadd.f32 v6, v5  }
0xdd: {  	p2 =	seq.s32 s0, $0x7C;
	[tilespmem:s3+$0xEC70] =	vst v1;
	v1 =	vmax.f32 v4, $0.0e+00;
	v2 =	vadd.f32 v10, v2  }
0xde: {  	s18 =	smul.u32 @!p2 $0xA0, s0;
	[tilespmem:s3+$0xEC40] =	vst v1;
	v1 =	vmax.f32 v3, $0.0e+00  }
0xdf: {  	[tilespmem:s3+$0xEC50] =	vst v1;
	v1 =	vmax.f32 v2, $0.0e+00  }
0xe0: {  	s8 =	simm.s32 @!p2 $0x9C40;
	s2 =	sadd.s32 @!p2 $0xA0, s18;
	[tilespmem:s3+$0xEC60] =	vst v1;
	s3 =	simm.s32 @!p2 $0x50  }
0xe1: {  	[tilespmem:s8], [sflag:$0x1] =	stream.indirect.gather @!p2 [hbm4b:s5+s3], $0x40, s2, s3, $0xb8;
	[tilespmem:$0x1D080] =	vst v63  }
0xe2: {  	s2 =	sadd.s32 @!p2 s4, s2  }
0xe3: {  	s10 =	smul.u32 $0x280, s0;
	s14 =	simm.s32 @!p2 $0xC440;
	s2 =	sshll.u32 @!p2 s2, $0x4  }
0xe4: {  	s3 =	simm.s32 @!p2 $0x40;
	s8 =	simm.s32 @!p2 $0x80;
	s2 =	sadd.s32 @!p2 s7, s2  }
0xe5: {  	[tilespmem:s14], [sflag:$0x3] =	stream.strided.gather @!p2 [hbm4b:s2+s3], $0x1400, s8, s3, $0x38;
	[tilespmem:$0x1D080] =	vst v63  }
0xe6: {  	s3 =	sshra.s32 s10, $0x2  }
0xe7: {  	s14 =	sadd.s32 $0x4E20, s3  }
0xe8: {  	[spmem:s1] =	stream.indirect.scatter.add.f32 [tilespmem:s15], [sflag:$0x5], $0x40, s14, s25, $0xb8;
	[tilespmem:$0x1D080] =	vst v63  }
0xe9: {  	_ =	swait.ge [sflag:s22], $0x1400  }
0xea: {  	[sflag:s22] =	ssyncset.done $0x0  }
0xeb: {  	[sflag:s22] =	ssyncadd.s32 $0xFFFFEC00  }
0xec: {  	_ =	swait.ge [sflag:s30], $0x1400  }
0xed: {  	[sflag:s30] =	ssyncset.done $0x0  }
0xee: {  	[sflag:s30] =	ssyncadd.s32 $0xFFFFEC00  }
0xef: {  	_ =	swait.ge [sflag:s31], $0x1400  }
0xf0: {  	[sflag:s31] =	ssyncset.done $0x0  }
0xf1: {  	s2 =	simm.s32 $0x0;
	[sflag:s31] =	ssyncadd.s32 $0xFFFFEC00  }
0xf2: {  	v3 =	vld [tilespmem:s2+$0xB070]  }
0xf3: {  	v4 =	vld [tilespmem:s2+$0xD870]  }
0xf4: {  	v6 =	vld [tilespmem:s2+$0xB040]  }
0xf5: {  	v7 =	vld [tilespmem:s2+$0xD840]  }
0xf6: {  	v2 =	vld [tilespmem:s2+$0xB050]  }
0xf7: {  	v5 =	vld [tilespmem:s2+$0xD850]  }
0xf8: {  	v1 =	vld [tilespmem:s2+$0xB060];
	v8 =	vadd.f32 v4, v3  }
0xf9: {  	s14 =	simm.s32 $0x40;
	v4 =	vld [tilespmem:s2+$0xD860]  }
0xfa: {  	s8 =	simm.s32 $0x200;
	v3 =	vld [tilespmem:s14+$0xB070];
	v6 =	vadd.f32 v7, v6;
	v7 =	vmax.f32 v8, $0.0e+00  }
.LBB2_8:
0xfb: {  	p3 =	sne.s32 s8, $0x4F00;
	v8 =	vld [tilespmem:s14+$0xD870];
	[tilespmem:s2+$0xEC70] =	vst v7  }
0xfc: {  	v7 =	vld [tilespmem:s14+$0xB040];
	v6 =	vmax.f32 v6, $0.0e+00;
	v5 =	vadd.f32 v5, v2  }
0xfd: {  	v9 =	vld [tilespmem:s14+$0xD840];
	[tilespmem:s2+$0xEC40] =	vst v6  }
.Ltmp9:
0xfe: {  	v2 =	vld [tilespmem:s14+$0xB050];
	v6 =	vmax.f32 v5, $0.0e+00;
	v4 =	vadd.f32 v4, v1;
	(pc) =	sbr.rel @p3 .LBB2_8-.Ltmp9, $4  }
0xff: {  	v5 =	vld [tilespmem:s14+$0xD850];
	[tilespmem:s2+$0xEC50] =	vst v6  }
0x100: {  	v1 =	vld [tilespmem:s14+$0xB060];
	v8 =	vadd.f32 v8, v3;
	v3 =	vmax.f32 v4, $0.0e+00  }
0x101: {  	v4 =	vld [tilespmem:s14+$0xD860];
	[tilespmem:s2+$0xEC60] =	vst v3;
	s2 =	smov.u32 s14;
	s14 =	sshra.s32 s8, $0x2  }
0x102: {  	s8 =	sadd.s32 $0x100, s8;
	v3 =	vld [tilespmem:s14+$0xB070];
	v6 =	vadd.f32 v9, v7;
	v7 =	vmax.f32 v8, $0.0e+00  }
0x103: {  	v8 =	vld [tilespmem:s14+$0xD870];
	[tilespmem:s2+$0xEC70] =	vst v7  }
0x104: {  	v7 =	vld [tilespmem:s14+$0xB040];
	v6 =	vmax.f32 v6, $0.0e+00;
	v2 =	vadd.f32 v5, v2  }
0x105: {  	v9 =	vld [tilespmem:s14+$0xD840];
	[tilespmem:s2+$0xEC40] =	vst v6  }
0x106: {  	v62 =	vld [tilespmem:s14+$0xB050];
	v2 =	vmax.f32 v2, $0.0e+00  }
0x107: {  	v6 =	vld [tilespmem:s14+$0xD850];
	[tilespmem:s2+$0xEC50] =	vst v2  }
0x108: {  	v2 =	vld [tilespmem:s14+$0xB060]  }
0x109: {  	v10 =	vld [tilespmem:s14+$0xD860]  }
0x10a: {  	v1 =	vadd.f32 v4, v1  }
0x10b: {  	v3 =	vadd.f32 v8, v3  }
0x10c: {  	v1 =	vmax.f32 v1, $0.0e+00;
	v63 =	vadd.f32 v9, v7  }
0x10d: {  	[tilespmem:s2+$0xEC60] =	vst v1;
	v1 =	vmax.f32 v3, $0.0e+00;
	v3 =	vadd.f32 v6, v62  }
0x10e: {  	[tilespmem:s14+$0xEC70] =	vst v1;
	v1 =	vmax.f32 v63, $0.0e+00;
	v2 =	vadd.f32 v10, v2  }
0x10f: {  	[tilespmem:s14+$0xEC40] =	vst v1;
	v1 =	vmax.f32 v3, $0.0e+00  }
0x110: {  	[tilespmem:s14+$0xEC50] =	vst v1;
	v1 =	vmax.f32 v2, $0.0e+00  }
0x111: {  	s8 =	simm.s32 @!p2 $0x50;
	s10 =	simm.s32 @!p2 $0xB040;
	s2 =	sadd.s32 @!p2 $0xF0, s18;
	[tilespmem:s14+$0xEC60] =	vst v1  }
0x112: {  	[tilespmem:s10], [sflag:$0x2] =	stream.indirect.gather @!p2 [hbm4b:s5+s8], $0x40, s2, s8, $0xb8;
	[tilespmem:$0x1D080] =	vst v63  }
0x113: {  	s2 =	sadd.s32 @!p2 s4, s2  }
0x114: {  	s0 =	sadd.s32 $0x1, s0;
	s14 =	simm.s32 @!p2 $0xD840;
	s2 =	sshll.u32 @!p2 s2, $0x4  }
0x115: {  	s8 =	simm.s32 @!p2 $0x40;
	s10 =	simm.s32 @!p2 $0x80;
	s2 =	sadd.s32 @!p2 s7, s2  }
0x116: {  	[tilespmem:s14], [sflag:$0x4] =	stream.strided.gather @!p2 [hbm4b:s2+s8], $0x1400, s10, s8, $0x38;
	[tilespmem:$0x1D080] =	vst v63  }
0x117: {  	s18 =	sadd.s32 $0x4E70, s3;
	p2 =	seq.s32 s0, $0x7D  }
0x118: {  	[spmem:s1] =	stream.indirect.scatter.add.f32 [tilespmem:s15], [sflag:$0x5], $0x40, s18, s25, $0xb8;
	[tilespmem:$0x1D080] =	vst v63  }
.Ltmp10:
0x119: {  	_ = 	snop;
	(pc) =	sbr.rel @!p2 .LBB2_5-.Ltmp10, $4  }
.Ltmp11:
0x11a: {  	_ = 	snop;
	(pc) =	sbr.rel @p2 .LBB2_16-.Ltmp11, $4  }
0x11b: {  	_ =	swait.ge [sflag:s22], $0x1400  }
0x11c: {  	[sflag:s22] =	ssyncset.done $0x0  }
0x11d: {  	[sflag:s22] =	ssyncadd.s32 $0xFFFFEC00  }
0x11e: {  	_ = 	snop  }
.LBB2_17:
0x11f: {  	_ =	sfence.sel $0x180000  }
0x120: {  	[bflag:$0x0] =	sbarrier.arrive $0xFFFF  }
0x121: {  	_ =	strace $0x90000047  }
0x122: {  	[bflag:$0x2] =	sbarrier.arrive $0xFFFF  }
0x123: {  	s0 =	rddreg [dreg:$0x3]  }
0x124: {  	s0 =	sadd.s32 @!p1 $0x100000, s0  }
0x125: {  	[sflag:s0] =	ssyncadd.tile.s32 @!p1 $0x1;
	_ =	shalt  }
.Lfunc_end2:
_tile_overlayer_lowered:
.L_overlay_start_2:
0x126: {  	(tag) =	ssettag $0x2  }
0x127: {  	s0 =	rddreg [dreg:$0x0];
	s2 =	stileid.u32  }
0x128: {  	s1 =	rddreg [dreg:$0x1];
	p0 =	sne.s32 s2, $0x0  }
0x129: {  	s3 =	rddreg [dreg:$0x2];
	[bflag:$0x3] =	sbarrier.arrive $0xFFFF;
	s2 =	simm.s32 @!p0 $0x1C05  }
0x12a: {  	[timem:s3], [sflag:s2] =	dma.local @!p0 [hbm:s0], s1  }
0x12b: {  	s0 =	simm.s32 @!p0 $0x5  }
0x12c: {  	_ =	swait.ge @!p0 [sflag:s0], s1  }
0x12d: {  	s1 =	ssub.s32 @!p0 $0x0, s1;
	[sflag:s0] =	ssyncset.done @!p0 $0x0  }
0x12e: {  	[sflag:s0] =	ssyncadd.s32 @!p0 s1  }
0x12f: {  	[bflag:$0x3] =	sbarrier.arrive $0xFFFF  }
0x130: {  	_ =	shalt  }

</sc_bundles>
